<compile_context>
chip_gen: v7x
topology: tpu7x:2x2x1
jax: 0.10.2.dev20260603
libtpu: 0.0.44.dev20260713+nightly
codegen_flags: <defaults>
</compile_context>

<pallas_src>
import functools

import jax
import jax.numpy as jnp
from jax import lax
from jax.experimental import pallas as pl
from jax.experimental.pallas import tpu as pltpu
from jax.experimental.pallas import tpu_sc as plsc


_BC = 1024
_SC_COLS = 4096
_CPW = 128
_RCH = 200
_C = 1000
_NCH = _C // _RCH
_NG = _CPW // 16

_mesh = plsc.VectorSubcoreMesh(core_axis_name="c", subcore_axis_name="s")


@functools.partial(
    pl.kernel,
    out_type=jax.ShapeDtypeStruct((_SC_COLS,), jnp.float32),
    mesh=_mesh,
    scratch_types=[
        pltpu.VMEM((_RCH, _CPW), jnp.float32),
        pltpu.VMEM((_RCH, _CPW), jnp.float32),
        pltpu.VMEM((_RCH, _CPW), jnp.float32),
        pltpu.VMEM((_RCH, _CPW), jnp.float32),
        pltpu.VMEM((_CPW,), jnp.float32),
        pltpu.SemaphoreType.DMA,
        pltpu.SemaphoreType.DMA,
        pltpu.SemaphoreType.DMA,
        pltpu.SemaphoreType.DMA,
    ],
)
def _sc_max(x_hbm, t_hbm, out_hbm, xb0, xb1, tb0, tb1, acc,
            sx0, sx1, st0, st1):
    wid = lax.axis_index("s") * 2 + lax.axis_index("c")
    base = wid * _CPW
    xbufs, tbufs = (xb0, xb1), (tb0, tb1)
    sxs, sts = (sx0, sx1), (st0, st1)

    def fire(ci, b):
        pltpu.async_copy(
            x_hbm.at[pl.ds(ci * _RCH, _RCH), pl.ds(base, _CPW)],
            xbufs[b], sxs[b])
        pltpu.async_copy(
            t_hbm.at[pl.ds(ci * _RCH, _RCH), pl.ds(base, _CPW)],
            tbufs[b], sts[b])

    fire(0, 0)
    fire(1, 1)

    def process(b, accs):
        xbuf, tbuf = xbufs[b], tbufs[b]

        def row8(r8, a):
            cur = a
            for dr in range(8):
                new = []
                for g in range(_NG):
                    x = xbuf[r8 * 8 + dr, pl.ds(g * 16, 16)]
                    t = tbuf[r8 * 8 + dr, pl.ds(g * 16, 16)]
                    new.append(jnp.maximum(
                        cur[g], jnp.where(t > 0.0, x, -jnp.inf)))
                cur = tuple(new)
            return cur

        return lax.fori_loop(0, _RCH // 8, row8, accs)

    def wait(b):
        pltpu.make_async_copy(
            x_hbm.at[pl.ds(0, _RCH), pl.ds(base, _CPW)], xbufs[b],
            sxs[b]).wait()
        pltpu.make_async_copy(
            t_hbm.at[pl.ds(0, _RCH), pl.ds(base, _CPW)], tbufs[b],
            sts[b]).wait()

    def outer(ci2, accs):
        for b in range(2):
            wait(b)
            accs = process(b, accs)

            @pl.when(2 * ci2 + b + 2 < _NCH)
            def _():
                fire(2 * ci2 + b + 2, b)

        return accs

    init = tuple(jnp.full((16,), -jnp.inf, jnp.float32) for _ in range(_NG))
    accs = lax.fori_loop(0, _NCH // 2, outer, init)
    wait(0)
    accs = process(0, accs)
    for g in range(_NG):
        acc[pl.ds(g * 16, 16)] = accs[g]
    pltpu.sync_copy(acc, out_hbm.at[pl.ds(base, _CPW)])


def _tc_body(x_ref, t_ref, out_ref):
    i = pl.program_id(0)
    x = x_ref[...]
    t = t_ref[...]
    masked = jnp.where(t > 0.0, x, -jnp.inf)
    m = jnp.max(masked, axis=0, keepdims=True)
    hp = jnp.max(t, axis=0, keepdims=True) > 0.0
    sig = jnp.clip(jax.nn.sigmoid(m), 1e-6, 1.0 - 1e-6)
    li = jnp.where(hp, -jnp.log(sig), 0.0)
    part = jnp.sum(li, axis=(0, 1), keepdims=True)

    @pl.when(i == 0)
    def _():
        out_ref[...] = jnp.zeros_like(out_ref)

    out_ref[...] += part


@jax.jit
def kernel(input, target):
    B, C = input.shape
    xT = input.T
    tT = target.T
    off = _SC_COLS // _BC
    nb = (B - _SC_COLS) // _BC

    sc_max = _sc_max(xT, tT)

    tc_part = pl.pallas_call(
        _tc_body,
        grid=(nb,),
        in_specs=[
            pl.BlockSpec((C, _BC), lambda i: (0, i + off)),
            pl.BlockSpec((C, _BC), lambda i: (0, i + off)),
        ],
        out_specs=pl.BlockSpec((1, 1), lambda i: (0, 0)),
        out_shape=jax.ShapeDtypeStruct((1, 1), jnp.float32),
    )(xT, tT)

    sig = jnp.clip(jax.nn.sigmoid(sc_max), 1e-6, 1.0 - 1e-6)
    sc_li = jnp.where(sc_max == -jnp.inf, 0.0, -jnp.log(sig))
    return (tc_part[0, 0] + jnp.sum(sc_li)) / B

# --- scband reference (transcript-rebuilt; emitter-appended) ---
"""Pipeline reference for scband-sigmoid-loss-34230889349773 (READ-ONLY COPY).

The authoritative reference and input builder live on the scoring server;
editing this copy changes nothing except your own understanding.
"""

import jax, jax.numpy as jnp
import numpy as np


def setup_inputs(seed: int = 0) -> dict:
    key = jax.random.key(seed)
    k1, k2 = jax.random.split(key)
    B, C = 16384, 1000
    inp = jax.random.normal(k1, (B, C), dtype=jnp.float32)
    target = jax.random.randint(k2, (B, C), 0, 2).astype(jnp.float32)
    return {"input": inp, "target": target}


def reference(input, target):
    # Faithful translation of sigmoid_with_weights + aggregate='mean'.
    # The original loop computes, for each row with s_power >= 1 positives:
    #   loss_1[i] = | max over positive classes j of (target*log(sigmoid(x)))[i, j] |
    # (for s_power == 1 it is -sum over the row, which equals the same value since
    #  target zeroes all non-positive entries). Rows with no positives stay 0.
    outputs = jax.nn.sigmoid(input)
    outputs = jnp.clip(outputs, 1e-06, 1.0 - 1e-06)
    loss = target * jnp.log(outputs)  # <= 0 at positives, 0 elsewhere
    s_power = target.sum(axis=1)
    masked = jnp.where(target > 0, loss, -1e30)
    mx = jnp.max(masked, axis=1)
    # loss_1 = loss_1 * sign(loss_1) == abs(loss_1)
    loss_1 = jnp.where(s_power > 0, jnp.abs(mx), jnp.zeros_like(mx))
    return loss_1.mean()

if __name__ == "__main__":
    import jax
    _d = setup_inputs()
    print(jax.jit(kernel)(*tuple(_d.values())))

</pallas_src>

<mosaic_0001>
#map = affine_map<(d0, d1) -> (0, 0)>
#map1 = affine_map<(d0, d1) -> (0)>
module attributes {stable_mosaic.version = 14 : i64} {
  func.func @_sc_max(%arg0: i32, %arg1: i32, %arg2: memref<1000x16384xf32, #tpu.memory_space<hbm>>, %arg3: memref<1000x16384xf32, #tpu.memory_space<hbm>>, %arg4: memref<4096xf32, #tpu.memory_space<hbm>>, %arg5: memref<200x128xf32, #tpu.memory_space<vmem>>, %arg6: memref<200x128xf32, #tpu.memory_space<vmem>>, %arg7: memref<200x128xf32, #tpu.memory_space<vmem>>, %arg8: memref<200x128xf32, #tpu.memory_space<vmem>>, %arg9: memref<128xf32, #tpu.memory_space<vmem>>, %arg10: memref<!tpu.dma_semaphore, #tpu.memory_space<semaphore_mem>>, %arg11: memref<!tpu.dma_semaphore, #tpu.memory_space<semaphore_mem>>, %arg12: memref<!tpu.dma_semaphore, #tpu.memory_space<semaphore_mem>>, %arg13: memref<!tpu.dma_semaphore, #tpu.memory_space<semaphore_mem>>) attributes {dimension_semantics = [#tpu.dimension_semantics<core_parallel>, #tpu.dimension_semantics<subcore_parallel>], iteration_bounds = array<i64: 2, 16>, scalar_prefetch = 0 : i64, scratch_operands = 9 : i64, tpu.core_type = #tpu.core_type<sc_vector_subcore>, window_params = [{transform_indices = #map}, {transform_indices = #map}, {transform_indices = #map1}]} {
    %mul3A = arith.constant 2 : i32
    %mul3A_0 = arith.muli %arg1, %mul3A : i32
    %add3A = arith.addi %mul3A_0, %arg0 : i32
    %mul3A_1 = arith.constant 128 : i32
    %mul3A_2 = arith.muli %add3A, %mul3A_1 : i32
    %dma_start3A = arith.constant 0 : i32
    %dma_start3A_3 = tpu.memref_slice %arg2[%dma_start3A, %mul3A_2] : memref<1000x16384xf32, #tpu.memory_space<hbm>> -> memref<200x128xf32, #tpu.memory_space<hbm>>
    %dma_start3A_4 = arith.constant 0 : i32
    %dma_start3A_5 = tpu.memref_slice %arg2[%dma_start3A_4, %mul3A_2] : memref<1000x16384xf32, #tpu.memory_space<hbm>> -> memref<200x128xf32, #tpu.memory_space<hbm>>
    tpu.enqueue_dma source(%dma_start3A_5 : memref<200x128xf32, #tpu.memory_space<hbm>>) target(%arg5 : memref<200x128xf32, #tpu.memory_space<vmem>>) target_semaphore(%arg10 : memref<!tpu.dma_semaphore, #tpu.memory_space<semaphore_mem>>)
    %dma_start3A_6 = arith.constant 0 : i32
    %dma_start3A_7 = tpu.memref_slice %arg3[%dma_start3A_6, %mul3A_2] : memref<1000x16384xf32, #tpu.memory_space<hbm>> -> memref<200x128xf32, #tpu.memory_space<hbm>>
    %dma_start3A_8 = arith.constant 0 : i32
    %dma_start3A_9 = tpu.memref_slice %arg3[%dma_start3A_8, %mul3A_2] : memref<1000x16384xf32, #tpu.memory_space<hbm>> -> memref<200x128xf32, #tpu.memory_space<hbm>>
    tpu.enqueue_dma source(%dma_start3A_9 : memref<200x128xf32, #tpu.memory_space<hbm>>) target(%arg7 : memref<200x128xf32, #tpu.memory_space<vmem>>) target_semaphore(%arg12 : memref<!tpu.dma_semaphore, #tpu.memory_space<semaphore_mem>>)
    %dma_start3A_10 = arith.constant 200 : i32
    %dma_start3A_11 = tpu.memref_slice %arg2[%dma_start3A_10, %mul3A_2] : memref<1000x16384xf32, #tpu.memory_space<hbm>> -> memref<200x128xf32, #tpu.memory_space<hbm>>
    %dma_start3A_12 = arith.constant 200 : i32
    %dma_start3A_13 = tpu.memref_slice %arg2[%dma_start3A_12, %mul3A_2] : memref<1000x16384xf32, #tpu.memory_space<hbm>> -> memref<200x128xf32, #tpu.memory_space<hbm>>
    tpu.enqueue_dma source(%dma_start3A_13 : memref<200x128xf32, #tpu.memory_space<hbm>>) target(%arg6 : memref<200x128xf32, #tpu.memory_space<vmem>>) target_semaphore(%arg11 : memref<!tpu.dma_semaphore, #tpu.memory_space<semaphore_mem>>)
    %dma_start3A_14 = arith.constant 200 : i32
    %dma_start3A_15 = tpu.memref_slice %arg3[%dma_start3A_14, %mul3A_2] : memref<1000x16384xf32, #tpu.memory_space<hbm>> -> memref<200x128xf32, #tpu.memory_space<hbm>>
    %dma_start3A_16 = arith.constant 200 : i32
    %dma_start3A_17 = tpu.memref_slice %arg3[%dma_start3A_16, %mul3A_2] : memref<1000x16384xf32, #tpu.memory_space<hbm>> -> memref<200x128xf32, #tpu.memory_space<hbm>>
    tpu.enqueue_dma source(%dma_start3A_17 : memref<200x128xf32, #tpu.memory_space<hbm>>) target(%arg8 : memref<200x128xf32, #tpu.memory_space<vmem>>) target_semaphore(%arg13 : memref<!tpu.dma_semaphore, #tpu.memory_space<semaphore_mem>>)
    %broadcast_in_dim3A = arith.constant 0xFF800000 : f32
    %broadcast_in_dim3A_18 = vector.broadcast %broadcast_in_dim3A : f32 to vector<16xf32>
    %broadcast_in_dim3A_19 = arith.constant 0xFF800000 : f32
    %broadcast_in_dim3A_20 = vector.broadcast %broadcast_in_dim3A_19 : f32 to vector<16xf32>
    %broadcast_in_dim3A_21 = arith.constant 0xFF800000 : f32
    %broadcast_in_dim3A_22 = vector.broadcast %broadcast_in_dim3A_21 : f32 to vector<16xf32>
    %broadcast_in_dim3A_23 = arith.constant 0xFF800000 : f32
    %broadcast_in_dim3A_24 = vector.broadcast %broadcast_in_dim3A_23 : f32 to vector<16xf32>
    %broadcast_in_dim3A_25 = arith.constant 0xFF800000 : f32
    %broadcast_in_dim3A_26 = vector.broadcast %broadcast_in_dim3A_25 : f32 to vector<16xf32>
    %broadcast_in_dim3A_27 = arith.constant 0xFF800000 : f32
    %broadcast_in_dim3A_28 = vector.broadcast %broadcast_in_dim3A_27 : f32 to vector<16xf32>
    %broadcast_in_dim3A_29 = arith.constant 0xFF800000 : f32
    %broadcast_in_dim3A_30 = vector.broadcast %broadcast_in_dim3A_29 : f32 to vector<16xf32>
    %broadcast_in_dim3A_31 = arith.constant 0xFF800000 : f32
    %broadcast_in_dim3A_32 = vector.broadcast %broadcast_in_dim3A_31 : f32 to vector<16xf32>
    %scan3A = arith.constant 0 : i32
    %scan3A_33 = arith.constant 2 : i32
    %scan3A_34 = arith.addi %scan3A, %scan3A_33 : i32
    %scan3A_35 = arith.constant 1 : i32
    %scan3A_36:8 = scf.for %scan3A_82 = %scan3A to %scan3A_34 step %scan3A_35 iter_args(%scan3A_83 = %broadcast_in_dim3A_18, %scan3A_84 = %broadcast_in_dim3A_20, %scan3A_85 = %broadcast_in_dim3A_22, %scan3A_86 = %broadcast_in_dim3A_24, %scan3A_87 = %broadcast_in_dim3A_26, %scan3A_88 = %broadcast_in_dim3A_28, %scan3A_89 = %broadcast_in_dim3A_30, %scan3A_90 = %broadcast_in_dim3A_32) -> (vector<16xf32>, vector<16xf32>, vector<16xf32>, vector<16xf32>, vector<16xf32>, vector<16xf32>, vector<16xf32>, vector<16xf32>)  : i32 {
      %dma_wait3A_91 = arith.constant 0 : i32
      %dma_wait3A_92 = tpu.memref_slice %arg2[%dma_wait3A_91, %mul3A_2] : memref<1000x16384xf32, #tpu.memory_space<hbm>> -> memref<200x128xf32, #tpu.memory_space<hbm>>
      %dma_wait3A_93 = arith.constant 0 : i32
      %dma_wait3A_94 = tpu.memref_slice %arg2[%dma_wait3A_93, %mul3A_2] : memref<1000x16384xf32, #tpu.memory_space<hbm>> -> memref<200x128xf32, #tpu.memory_space<hbm>>
      tpu.wait_dma2 semaphore(%arg10 : memref<!tpu.dma_semaphore, #tpu.memory_space<semaphore_mem>>) src(%dma_wait3A_94 : memref<200x128xf32, #tpu.memory_space<hbm>>) dst(%arg5 : memref<200x128xf32, #tpu.memory_space<vmem>>)
      %dma_wait3A_95 = arith.constant 0 : i32
      %dma_wait3A_96 = tpu.memref_slice %arg3[%dma_wait3A_95, %mul3A_2] : memref<1000x16384xf32, #tpu.memory_space<hbm>> -> memref<200x128xf32, #tpu.memory_space<hbm>>
      %dma_wait3A_97 = arith.constant 0 : i32
      %dma_wait3A_98 = tpu.memref_slice %arg3[%dma_wait3A_97, %mul3A_2] : memref<1000x16384xf32, #tpu.memory_space<hbm>> -> memref<200x128xf32, #tpu.memory_space<hbm>>
      tpu.wait_dma2 semaphore(%arg12 : memref<!tpu.dma_semaphore, #tpu.memory_space<semaphore_mem>>) src(%dma_wait3A_98 : memref<200x128xf32, #tpu.memory_space<hbm>>) dst(%arg7 : memref<200x128xf32, #tpu.memory_space<vmem>>)
      %scan3A_99 = arith.constant 0 : i32
      %scan3A_100 = arith.constant 25 : i32
      %scan3A_101 = arith.addi %scan3A_99, %scan3A_100 : i32
      %scan3A_102 = arith.constant 1 : i32
      %scan3A_103:8 = scf.for %scan3A_138 = %scan3A_99 to %scan3A_101 step %scan3A_102 iter_args(%scan3A_139 = %scan3A_83, %scan3A_140 = %scan3A_84, %scan3A_141 = %scan3A_85, %scan3A_142 = %scan3A_86, %scan3A_143 = %scan3A_87, %scan3A_144 = %scan3A_88, %scan3A_145 = %scan3A_89, %scan3A_146 = %scan3A_90) -> (vector<16xf32>, vector<16xf32>, vector<16xf32>, vector<16xf32>, vector<16xf32>, vector<16xf32>, vector<16xf32>, vector<16xf32>)  : i32 {
        %mul3A_147 = arith.constant 8 : i32
        %mul3A_148 = arith.muli %scan3A_138, %mul3A_147 : i32
        %add3A_149 = arith.constant 0 : i32
        %add3A_150 = arith.addi %mul3A_148, %add3A_149 : i32
        %get3A = arith.index_cast %add3A_150 : i32 to index
        %get3A_151 = arith.constant 0 : index
        %get3A_152 = tpu.vector_load %arg5[%get3A, %get3A_151] {strides = array<i32>} : memref<200x128xf32, #tpu.memory_space<vmem>>, vector<1x16xf32>,
        %get3A_153 = vector.shape_cast %get3A_152 : vector<1x16xf32> to vector<16xf32>
        %mul3A_154 = arith.constant 8 : i32
        %mul3A_155 = arith.muli %scan3A_138, %mul3A_154 : i32
        %add3A_156 = arith.constant 0 : i32
        %add3A_157 = arith.addi %mul3A_155, %add3A_156 : i32
        %get3A_158 = arith.index_cast %add3A_157 : i32 to index
        %get3A_159 = arith.constant 0 : index
        %get3A_160 = tpu.vector_load %arg7[%get3A_158, %get3A_159] {strides = array<i32>} : memref<200x128xf32, #tpu.memory_space<vmem>>, vector<1x16xf32>,
        %get3A_161 = vector.shape_cast %get3A_160 : vector<1x16xf32> to vector<16xf32>
        %gt3A = arith.constant 0.000000e+00 : f32
        %gt3A_162 = vector.broadcast %gt3A : f32 to vector<16xf32>
        %gt3A_163 = arith.cmpf ogt, %get3A_161, %gt3A_162 : vector<16xf32>
        %jit3A = arith.constant 0xFF800000 : f32
        %broadcast_in_dim3A_164 = vector.broadcast %jit3A : f32 to vector<16xf32>
        %select_n3A = arith.select %gt3A_163, %get3A_153, %broadcast_in_dim3A_164 : vector<16xi1>, vector<16xf32>
        %max3A = arith.maximumf %scan3A_139, %select_n3A : vector<16xf32>
        %mul3A_165 = arith.constant 8 : i32
        %mul3A_166 = arith.muli %scan3A_138, %mul3A_165 : i32
        %add3A_167 = arith.constant 0 : i32
        %add3A_168 = arith.addi %mul3A_166, %add3A_167 : i32
        %get3A_169 = arith.index_cast %add3A_168 : i32 to index
        %get3A_170 = arith.constant 16 : index
        %get3A_171 = tpu.vector_load %arg5[%get3A_169, %get3A_170] {strides = array<i32>} : memref<200x128xf32, #tpu.memory_space<vmem>>, vector<1x16xf32>,
        %get3A_172 = vector.shape_cast %get3A_171 : vector<1x16xf32> to vector<16xf32>
        %mul3A_173 = arith.constant 8 : i32
        %mul3A_174 = arith.muli %scan3A_138, %mul3A_173 : i32
        %add3A_175 = arith.constant 0 : i32
        %add3A_176 = arith.addi %mul3A_174, %add3A_175 : i32
        %get3A_177 = arith.index_cast %add3A_176 : i32 to index
        %get3A_178 = arith.constant 16 : index
        %get3A_179 = tpu.vector_load %arg7[%get3A_177, %get3A_178] {strides = array<i32>} : memref<200x128xf32, #tpu.memory_space<vmem>>, vector<1x16xf32>,
        %get3A_180 = vector.shape_cast %get3A_179 : vector<1x16xf32> to vector<16xf32>
        %gt3A_181 = arith.constant 0.000000e+00 : f32
        %gt3A_182 = vector.broadcast %gt3A_181 : f32 to vector<16xf32>
        %gt3A_183 = arith.cmpf ogt, %get3A_180, %gt3A_182 : vector<16xf32>
        %jit3A_184 = arith.constant 0xFF800000 : f32
        %broadcast_in_dim3A_185 = vector.broadcast %jit3A_184 : f32 to vector<16xf32>
        %select_n3A_186 = arith.select %gt3A_183, %get3A_172, %broadcast_in_dim3A_185 : vector<16xi1>, vector<16xf32>
        %max3A_187 = arith.maximumf %scan3A_140, %select_n3A_186 : vector<16xf32>
        %mul3A_188 = arith.constant 8 : i32
        %mul3A_189 = arith.muli %scan3A_138, %mul3A_188 : i32
        %add3A_190 = arith.constant 0 : i32
        %add3A_191 = arith.addi %mul3A_189, %add3A_190 : i32
        %get3A_192 = arith.index_cast %add3A_191 : i32 to index
        %get3A_193 = arith.constant 32 : index
        %get3A_194 = tpu.vector_load %arg5[%get3A_192, %get3A_193] {strides = array<i32>} : memref<200x128xf32, #tpu.memory_space<vmem>>, vector<1x16xf32>,
        %get3A_195 = vector.shape_cast %get3A_194 : vector<1x16xf32> to vector<16xf32>
        %mul3A_196 = arith.constant 8 : i32
        %mul3A_197 = arith.muli %scan3A_138, %mul3A_196 : i32
        %add3A_198 = arith.constant 0 : i32
        %add3A_199 = arith.addi %mul3A_197, %add3A_198 : i32
        %get3A_200 = arith.index_cast %add3A_199 : i32 to index
        %get3A_201 = arith.constant 32 : index
        %get3A_202 = tpu.vector_load %arg7[%get3A_200, %get3A_201] {strides = array<i32>} : memref<200x128xf32, #tpu.memory_space<vmem>>, vector<1x16xf32>,
        %get3A_203 = vector.shape_cast %get3A_202 : vector<1x16xf32> to vector<16xf32>
        %gt3A_204 = arith.constant 0.000000e+00 : f32
        %gt3A_205 = vector.broadcast %gt3A_204 : f32 to vector<16xf32>
        %gt3A_206 = arith.cmpf ogt, %get3A_203, %gt3A_205 : vector<16xf32>
        %jit3A_207 = arith.constant 0xFF800000 : f32
        %broadcast_in_dim3A_208 = vector.broadcast %jit3A_207 : f32 to vector<16xf32>
        %select_n3A_209 = arith.select %gt3A_206, %get3A_195, %broadcast_in_dim3A_208 : vector<16xi1>, vector<16xf32>
        %max3A_210 = arith.maximumf %scan3A_141, %select_n3A_209 : vector<16xf32>
        %mul3A_211 = arith.constant 8 : i32
        %mul3A_212 = arith.muli %scan3A_138, %mul3A_211 : i32
        %add3A_213 = arith.constant 0 : i32
        %add3A_214 = arith.addi %mul3A_212, %add3A_213 : i32
        %get3A_215 = arith.index_cast %add3A_214 : i32 to index
        %get3A_216 = arith.constant 48 : index
        %get3A_217 = tpu.vector_load %arg5[%get3A_215, %get3A_216] {strides = array<i32>} : memref<200x128xf32, #tpu.memory_space<vmem>>, vector<1x16xf32>,
        %get3A_218 = vector.shape_cast %get3A_217 : vector<1x16xf32> to vector<16xf32>
        %mul3A_219 = arith.constant 8 : i32
        %mul3A_220 = arith.muli %scan3A_138, %mul3A_219 : i32
        %add3A_221 = arith.constant 0 : i32
        %add3A_222 = arith.addi %mul3A_220, %add3A_221 : i32
        %get3A_223 = arith.index_cast %add3A_222 : i32 to index
        %get3A_224 = arith.constant 48 : index
        %get3A_225 = tpu.vector_load %arg7[%get3A_223, %get3A_224] {strides = array<i32>} : memref<200x128xf32, #tpu.memory_space<vmem>>, vector<1x16xf32>,
        %get3A_226 = vector.shape_cast %get3A_225 : vector<1x16xf32> to vector<16xf32>
        %gt3A_227 = arith.constant 0.000000e+00 : f32
        %gt3A_228 = vector.broadcast %gt3A_227 : f32 to vector<16xf32>
        %gt3A_229 = arith.cmpf ogt, %get3A_226, %gt3A_228 : vector<16xf32>
        %jit3A_230 = arith.constant 0xFF800000 : f32
        %broadcast_in_dim3A_231 = vector.broadcast %jit3A_230 : f32 to vector<16xf32>
        %select_n3A_232 = arith.select %gt3A_229, %get3A_218, %broadcast_in_dim3A_231 : vector<16xi1>, vector<16xf32>
        %max3A_233 = arith.maximumf %scan3A_142, %select_n3A_232 : vector<16xf32>
        %mul3A_234 = arith.constant 8 : i32
        %mul3A_235 = arith.muli %scan3A_138, %mul3A_234 : i32
        %add3A_236 = arith.constant 0 : i32
        %add3A_237 = arith.addi %mul3A_235, %add3A_236 : i32
        %get3A_238 = arith.index_cast %add3A_237 : i32 to index
        %get3A_239 = arith.constant 64 : index
        %get3A_240 = tpu.vector_load %arg5[%get3A_238, %get3A_239] {strides = array<i32>} : memref<200x128xf32, #tpu.memory_space<vmem>>, vector<1x16xf32>,
        %get3A_241 = vector.shape_cast %get3A_240 : vector<1x16xf32> to vector<16xf32>
        %mul3A_242 = arith.constant 8 : i32
        %mul3A_243 = arith.muli %scan3A_138, %mul3A_242 : i32
        %add3A_244 = arith.constant 0 : i32
        %add3A_245 = arith.addi %mul3A_243, %add3A_244 : i32
        %get3A_246 = arith.index_cast %add3A_245 : i32 to index
        %get3A_247 = arith.constant 64 : index
        %get3A_248 = tpu.vector_load %arg7[%get3A_246, %get3A_247] {strides = array<i32>} : memref<200x128xf32, #tpu.memory_space<vmem>>, vector<1x16xf32>,
        %get3A_249 = vector.shape_cast %get3A_248 : vector<1x16xf32> to vector<16xf32>
        %gt3A_250 = arith.constant 0.000000e+00 : f32
        %gt3A_251 = vector.broadcast %gt3A_250 : f32 to vector<16xf32>
        %gt3A_252 = arith.cmpf ogt, %get3A_249, %gt3A_251 : vector<16xf32>
        %jit3A_253 = arith.constant 0xFF800000 : f32
        %broadcast_in_dim3A_254 = vector.broadcast %jit3A_253 : f32 to vector<16xf32>
        %select_n3A_255 = arith.select %gt3A_252, %get3A_241, %broadcast_in_dim3A_254 : vector<16xi1>, vector<16xf32>
        %max3A_256 = arith.maximumf %scan3A_143, %select_n3A_255 : vector<16xf32>
        %mul3A_257 = arith.constant 8 : i32
        %mul3A_258 = arith.muli %scan3A_138, %mul3A_257 : i32
        %add3A_259 = arith.constant 0 : i32
        %add3A_260 = arith.addi %mul3A_258, %add3A_259 : i32
        %get3A_261 = arith.index_cast %add3A_260 : i32 to index
        %get3A_262 = arith.constant 80 : index
        %get3A_263 = tpu.vector_load %arg5[%get3A_261, %get3A_262] {strides = array<i32>} : memref<200x128xf32, #tpu.memory_space<vmem>>, vector<1x16xf32>,
        %get3A_264 = vector.shape_cast %get3A_263 : vector<1x16xf32> to vector<16xf32>
        %mul3A_265 = arith.constant 8 : i32
        %mul3A_266 = arith.muli %scan3A_138, %mul3A_265 : i32
        %add3A_267 = arith.constant 0 : i32
        %add3A_268 = arith.addi %mul3A_266, %add3A_267 : i32
        %get3A_269 = arith.index_cast %add3A_268 : i32 to index
        %get3A_270 = arith.constant 80 : index
        %get3A_271 = tpu.vector_load %arg7[%get3A_269, %get3A_270] {strides = array<i32>} : memref<200x128xf32, #tpu.memory_space<vmem>>, vector<1x16xf32>,
        %get3A_272 = vector.shape_cast %get3A_271 : vector<1x16xf32> to vector<16xf32>
        %gt3A_273 = arith.constant 0.000000e+00 : f32
        %gt3A_274 = vector.broadcast %gt3A_273 : f32 to vector<16xf32>
        %gt3A_275 = arith.cmpf ogt, %get3A_272, %gt3A_274 : vector<16xf32>
        %jit3A_276 = arith.constant 0xFF800000 : f32
        %broadcast_in_dim3A_277 = vector.broadcast %jit3A_276 : f32 to vector<16xf32>
        %select_n3A_278 = arith.select %gt3A_275, %get3A_264, %broadcast_in_dim3A_277 : vector<16xi1>, vector<16xf32>
        %max3A_279 = arith.maximumf %scan3A_144, %select_n3A_278 : vector<16xf32>
        %mul3A_280 = arith.constant 8 : i32
        %mul3A_281 = arith.muli %scan3A_138, %mul3A_280 : i32
        %add3A_282 = arith.constant 0 : i32
        %add3A_283 = arith.addi %mul3A_281, %add3A_282 : i32
        %get3A_284 = arith.index_cast %add3A_283 : i32 to index
        %get3A_285 = arith.constant 96 : index
        %get3A_286 = tpu.vector_load %arg5[%get3A_284, %get3A_285] {strides = array<i32>} : memref<200x128xf32, #tpu.memory_space<vmem>>, vector<1x16xf32>,
        %get3A_287 = vector.shape_cast %get3A_286 : vector<1x16xf32> to vector<16xf32>
        %mul3A_288 = arith.constant 8 : i32
        %mul3A_289 = arith.muli %scan3A_138, %mul3A_288 : i32
        %add3A_290 = arith.constant 0 : i32
        %add3A_291 = arith.addi %mul3A_289, %add3A_290 : i32
        %get3A_292 = arith.index_cast %add3A_291 : i32 to index
        %get3A_293 = arith.constant 96 : index
        %get3A_294 = tpu.vector_load %arg7[%get3A_292, %get3A_293] {strides = array<i32>} : memref<200x128xf32, #tpu.memory_space<vmem>>, vector<1x16xf32>,
        %get3A_295 = vector.shape_cast %get3A_294 : vector<1x16xf32> to vector<16xf32>
        %gt3A_296 = arith.constant 0.000000e+00 : f32
        %gt3A_297 = vector.broadcast %gt3A_296 : f32 to vector<16xf32>
        %gt3A_298 = arith.cmpf ogt, %get3A_295, %gt3A_297 : vector<16xf32>
        %jit3A_299 = arith.constant 0xFF800000 : f32
        %broadcast_in_dim3A_300 = vector.broadcast %jit3A_299 : f32 to vector<16xf32>
        %select_n3A_301 = arith.select %gt3A_298, %get3A_287, %broadcast_in_dim3A_300 : vector<16xi1>, vector<16xf32>
        %max3A_302 = arith.maximumf %scan3A_145, %select_n3A_301 : vector<16xf32>
        %mul3A_303 = arith.constant 8 : i32
        %mul3A_304 = arith.muli %scan3A_138, %mul3A_303 : i32
        %add3A_305 = arith.constant 0 : i32
        %add3A_306 = arith.addi %mul3A_304, %add3A_305 : i32
        %get3A_307 = arith.index_cast %add3A_306 : i32 to index
        %get3A_308 = arith.constant 112 : index
        %get3A_309 = tpu.vector_load %arg5[%get3A_307, %get3A_308] {strides = array<i32>} : memref<200x128xf32, #tpu.memory_space<vmem>>, vector<1x16xf32>,
        %get3A_310 = vector.shape_cast %get3A_309 : vector<1x16xf32> to vector<16xf32>
        %mul3A_311 = arith.constant 8 : i32
        %mul3A_312 = arith.muli %scan3A_138, %mul3A_311 : i32
        %add3A_313 = arith.constant 0 : i32
        %add3A_314 = arith.addi %mul3A_312, %add3A_313 : i32
        %get3A_315 = arith.index_cast %add3A_314 : i32 to index
        %get3A_316 = arith.constant 112 : index
        %get3A_317 = tpu.vector_load %arg7[%get3A_315, %get3A_316] {strides = array<i32>} : memref<200x128xf32, #tpu.memory_space<vmem>>, vector<1x16xf32>,
        %get3A_318 = vector.shape_cast %get3A_317 : vector<1x16xf32> to vector<16xf32>
        %gt3A_319 = arith.constant 0.000000e+00 : f32
        %gt3A_320 = vector.broadcast %gt3A_319 : f32 to vector<16xf32>
        %gt3A_321 = arith.cmpf ogt, %get3A_318, %gt3A_320 : vector<16xf32>
        %jit3A_322 = arith.constant 0xFF800000 : f32
        %broadcast_in_dim3A_323 = vector.broadcast %jit3A_322 : f32 to vector<16xf32>
        %select_n3A_324 = arith.select %gt3A_321, %get3A_310, %broadcast_in_dim3A_323 : vector<16xi1>, vector<16xf32>
        %max3A_325 = arith.maximumf %scan3A_146, %select_n3A_324 : vector<16xf32>
        %mul3A_326 = arith.constant 8 : i32
        %mul3A_327 = arith.muli %scan3A_138, %mul3A_326 : i32
        %add3A_328 = arith.constant 1 : i32
        %add3A_329 = arith.addi %mul3A_327, %add3A_328 : i32
        %get3A_330 = arith.index_cast %add3A_329 : i32 to index
        %get3A_331 = arith.constant 0 : index
        %get3A_332 = tpu.vector_load %arg5[%get3A_330, %get3A_331] {strides = array<i32>} : memref<200x128xf32, #tpu.memory_space<vmem>>, vector<1x16xf32>,
        %get3A_333 = vector.shape_cast %get3A_332 : vector<1x16xf32> to vector<16xf32>
        %mul3A_334 = arith.constant 8 : i32
        %mul3A_335 = arith.muli %scan3A_138, %mul3A_334 : i32
        %add3A_336 = arith.constant 1 : i32
        %add3A_337 = arith.addi %mul3A_335, %add3A_336 : i32
        %get3A_338 = arith.index_cast %add3A_337 : i32 to index
        %get3A_339 = arith.constant 0 : index
        %get3A_340 = tpu.vector_load %arg7[%get3A_338, %get3A_339] {strides = array<i32>} : memref<200x128xf32, #tpu.memory_space<vmem>>, vector<1x16xf32>,
        %get3A_341 = vector.shape_cast %get3A_340 : vector<1x16xf32> to vector<16xf32>
        %gt3A_342 = arith.constant 0.000000e+00 : f32
        %gt3A_343 = vector.broadcast %gt3A_342 : f32 to vector<16xf32>
        %gt3A_344 = arith.cmpf ogt, %get3A_341, %gt3A_343 : vector<16xf32>
        %jit3A_345 = arith.constant 0xFF800000 : f32
        %broadcast_in_dim3A_346 = vector.broadcast %jit3A_345 : f32 to vector<16xf32>
        %select_n3A_347 = arith.select %gt3A_344, %get3A_333, %broadcast_in_dim3A_346 : vector<16xi1>, vector<16xf32>
        %max3A_348 = arith.maximumf %max3A, %select_n3A_347 : vector<16xf32>
        %mul3A_349 = arith.constant 8 : i32
        %mul3A_350 = arith.muli %scan3A_138, %mul3A_349 : i32
        %add3A_351 = arith.constant 1 : i32
        %add3A_352 = arith.addi %mul3A_350, %add3A_351 : i32
        %get3A_353 = arith.index_cast %add3A_352 : i32 to index
        %get3A_354 = arith.constant 16 : index
        %get3A_355 = tpu.vector_load %arg5[%get3A_353, %get3A_354] {strides = array<i32>} : memref<200x128xf32, #tpu.memory_space<vmem>>, vector<1x16xf32>,
        %get3A_356 = vector.shape_cast %get3A_355 : vector<1x16xf32> to vector<16xf32>
        %mul3A_357 = arith.constant 8 : i32
        %mul3A_358 = arith.muli %scan3A_138, %mul3A_357 : i32
        %add3A_359 = arith.constant 1 : i32
        %add3A_360 = arith.addi %mul3A_358, %add3A_359 : i32
        %get3A_361 = arith.index_cast %add3A_360 : i32 to index
        %get3A_362 = arith.constant 16 : index
        %get3A_363 = tpu.vector_load %arg7[%get3A_361, %get3A_362] {strides = array<i32>} : memref<200x128xf32, #tpu.memory_space<vmem>>, vector<1x16xf32>,
        %get3A_364 = vector.shape_cast %get3A_363 : vector<1x16xf32> to vector<16xf32>
        %gt3A_365 = arith.constant 0.000000e+00 : f32
        %gt3A_366 = vector.broadcast %gt3A_365 : f32 to vector<16xf32>
        %gt3A_367 = arith.cmpf ogt, %get3A_364, %gt3A_366 : vector<16xf32>
        %jit3A_368 = arith.constant 0xFF800000 : f32
        %broadcast_in_dim3A_369 = vector.broadcast %jit3A_368 : f32 to vector<16xf32>
        %select_n3A_370 = arith.select %gt3A_367, %get3A_356, %broadcast_in_dim3A_369 : vector<16xi1>, vector<16xf32>
        %max3A_371 = arith.maximumf %max3A_187, %select_n3A_370 : vector<16xf32>
        %mul3A_372 = arith.constant 8 : i32
        %mul3A_373 = arith.muli %scan3A_138, %mul3A_372 : i32
        %add3A_374 = arith.constant 1 : i32
        %add3A_375 = arith.addi %mul3A_373, %add3A_374 : i32
        %get3A_376 = arith.index_cast %add3A_375 : i32 to index
        %get3A_377 = arith.constant 32 : index
        %get3A_378 = tpu.vector_load %arg5[%get3A_376, %get3A_377] {strides = array<i32>} : memref<200x128xf32, #tpu.memory_space<vmem>>, vector<1x16xf32>,
        %get3A_379 = vector.shape_cast %get3A_378 : vector<1x16xf32> to vector<16xf32>
        %mul3A_380 = arith.constant 8 : i32
        %mul3A_381 = arith.muli %scan3A_138, %mul3A_380 : i32
        %add3A_382 = arith.constant 1 : i32
        %add3A_383 = arith.addi %mul3A_381, %add3A_382 : i32
        %get3A_384 = arith.index_cast %add3A_383 : i32 to index
        %get3A_385 = arith.constant 32 : index
        %get3A_386 = tpu.vector_load %arg7[%get3A_384, %get3A_385] {strides = array<i32>} : memref<200x128xf32, #tpu.memory_space<vmem>>, vector<1x16xf32>,
        %get3A_387 = vector.shape_cast %get3A_386 : vector<1x16xf32> to vector<16xf32>
        %gt3A_388 = arith.constant 0.000000e+00 : f32
        %gt3A_389 = vector.broadcast %gt3A_388 : f32 to vector<16xf32>
        %gt3A_390 = arith.cmpf ogt, %get3A_387, %gt3A_389 : vector<16xf32>
        %jit3A_391 = arith.constant 0xFF800000 : f32
        %broadcast_in_dim3A_392 = vector.broadcast %jit3A_391 : f32 to vector<16xf32>
        %select_n3A_393 = arith.select %gt3A_390, %get3A_379, %broadcast_in_dim3A_392 : vector<16xi1>, vector<16xf32>
        %max3A_394 = arith.maximumf %max3A_210, %select_n3A_393 : vector<16xf32>
        %mul3A_395 = arith.constant 8 : i32
        %mul3A_396 = arith.muli %scan3A_138, %mul3A_395 : i32
        %add3A_397 = arith.constant 1 : i32
        %add3A_398 = arith.addi %mul3A_396, %add3A_397 : i32
        %get3A_399 = arith.index_cast %add3A_398 : i32 to index
        %get3A_400 = arith.constant 48 : index
        %get3A_401 = tpu.vector_load %arg5[%get3A_399, %get3A_400] {strides = array<i32>} : memref<200x128xf32, #tpu.memory_space<vmem>>, vector<1x16xf32>,
        %get3A_402 = vector.shape_cast %get3A_401 : vector<1x16xf32> to vector<16xf32>
        %mul3A_403 = arith.constant 8 : i32
        %mul3A_404 = arith.muli %scan3A_138, %mul3A_403 : i32
        %add3A_405 = arith.constant 1 : i32
        %add3A_406 = arith.addi %mul3A_404, %add3A_405 : i32
        %get3A_407 = arith.index_cast %add3A_406 : i32 to index
        %get3A_408 = arith.constant 48 : index
        %get3A_409 = tpu.vector_load %arg7[%get3A_407, %get3A_408] {strides = array<i32>} : memref<200x128xf32, #tpu.memory_space<vmem>>, vector<1x16xf32>,
        %get3A_410 = vector.shape_cast %get3A_409 : vector<1x16xf32> to vector<16xf32>
        %gt3A_411 = arith.constant 0.000000e+00 : f32
        %gt3A_412 = vector.broadcast %gt3A_411 : f32 to vector<16xf32>
        %gt3A_413 = arith.cmpf ogt, %get3A_410, %gt3A_412 : vector<16xf32>
        %jit3A_414 = arith.constant 0xFF800000 : f32
        %broadcast_in_dim3A_415 = vector.broadcast %jit3A_414 : f32 to vector<16xf32>
        %select_n3A_416 = arith.select %gt3A_413, %get3A_402, %broadcast_in_dim3A_415 : vector<16xi1>, vector<16xf32>
        %max3A_417 = arith.maximumf %max3A_233, %select_n3A_416 : vector<16xf32>
        %mul3A_418 = arith.constant 8 : i32
        %mul3A_419 = arith.muli %scan3A_138, %mul3A_418 : i32
        %add3A_420 = arith.constant 1 : i32
        %add3A_421 = arith.addi %mul3A_419, %add3A_420 : i32
        %get3A_422 = arith.index_cast %add3A_421 : i32 to index
        %get3A_423 = arith.constant 64 : index
        %get3A_424 = tpu.vector_load %arg5[%get3A_422, %get3A_423] {strides = array<i32>} : memref<200x128xf32, #tpu.memory_space<vmem>>, vector<1x16xf32>,
        %get3A_425 = vector.shape_cast %get3A_424 : vector<1x16xf32> to vector<16xf32>
        %mul3A_426 = arith.constant 8 : i32
        %mul3A_427 = arith.muli %scan3A_138, %mul3A_426 : i32
        %add3A_428 = arith.constant 1 : i32
        %add3A_429 = arith.addi %mul3A_427, %add3A_428 : i32
        %get3A_430 = arith.index_cast %add3A_429 : i32 to index
        %get3A_431 = arith.constant 64 : index
        %get3A_432 = tpu.vector_load %arg7[%get3A_430, %get3A_431] {strides = array<i32>} : memref<200x128xf32, #tpu.memory_space<vmem>>, vector<1x16xf32>,
        %get3A_433 = vector.shape_cast %get3A_432 : vector<1x16xf32> to vector<16xf32>
        %gt3A_434 = arith.constant 0.000000e+00 : f32
        %gt3A_435 = vector.broadcast %gt3A_434 : f32 to vector<16xf32>
        %gt3A_436 = arith.cmpf ogt, %get3A_433, %gt3A_435 : vector<16xf32>
        %jit3A_437 = arith.constant 0xFF800000 : f32
        %broadcast_in_dim3A_438 = vector.broadcast %jit3A_437 : f32 to vector<16xf32>
        %select_n3A_439 = arith.select %gt3A_436, %get3A_425, %broadcast_in_dim3A_438 : vector<16xi1>, vector<16xf32>
        %max3A_440 = arith.maximumf %max3A_256, %select_n3A_439 : vector<16xf32>
        %mul3A_441 = arith.constant 8 : i32
        %mul3A_442 = arith.muli %scan3A_138, %mul3A_441 : i32
        %add3A_443 = arith.constant 1 : i32
        %add3A_444 = arith.addi %mul3A_442, %add3A_443 : i32
        %get3A_445 = arith.index_cast %add3A_444 : i32 to index
        %get3A_446 = arith.constant 80 : index
        %get3A_447 = tpu.vector_load %arg5[%get3A_445, %get3A_446] {strides = array<i32>} : memref<200x128xf32, #tpu.memory_space<vmem>>, vector<1x16xf32>,
        %get3A_448 = vector.shape_cast %get3A_447 : vector<1x16xf32> to vector<16xf32>
        %mul3A_449 = arith.constant 8 : i32
        %mul3A_450 = arith.muli %scan3A_138, %mul3A_449 : i32
        %add3A_451 = arith.constant 1 : i32
        %add3A_452 = arith.addi %mul3A_450, %add3A_451 : i32
        %get3A_453 = arith.index_cast %add3A_452 : i32 to index
        %get3A_454 = arith.constant 80 : index
        %get3A_455 = tpu.vector_load %arg7[%get3A_453, %get3A_454] {strides = array<i32>} : memref<200x128xf32, #tpu.memory_space<vmem>>, vector<1x16xf32>,
        %get3A_456 = vector.shape_cast %get3A_455 : vector<1x16xf32> to vector<16xf32>
        %gt3A_457 = arith.constant 0.000000e+00 : f32
        %gt3A_458 = vector.broadcast %gt3A_457 : f32 to vector<16xf32>
        %gt3A_459 = arith.cmpf ogt, %get3A_456, %gt3A_458 : vector<16xf32>
        %jit3A_460 = arith.constant 0xFF800000 : f32
        %broadcast_in_dim3A_461 = vector.broadcast %jit3A_460 : f32 to vector<16xf32>
        %select_n3A_462 = arith.select %gt3A_459, %get3A_448, %broadcast_in_dim3A_461 : vector<16xi1>, vector<16xf32>
        %max3A_463 = arith.maximumf %max3A_279, %select_n3A_462 : vector<16xf32>
        %mul3A_464 = arith.constant 8 : i32
        %mul3A_465 = arith.muli %scan3A_138, %mul3A_464 : i32
        %add3A_466 = arith.constant 1 : i32
        %add3A_467 = arith.addi %mul3A_465, %add3A_466 : i32
        %get3A_468 = arith.index_cast %add3A_467 : i32 to index
        %get3A_469 = arith.constant 96 : index
        %get3A_470 = tpu.vector_load %arg5[%get3A_468, %get3A_469] {strides = array<i32>} : memref<200x128xf32, #tpu.memory_space<vmem>>, vector<1x16xf32>,
        %get3A_471 = vector.shape_cast %get3A_470 : vector<1x16xf32> to vector<16xf32>
        %mul3A_472 = arith.constant 8 : i32
        %mul3A_473 = arith.muli %scan3A_138, %mul3A_472 : i32
        %add3A_474 = arith.constant 1 : i32
        %add3A_475 = arith.addi %mul3A_473, %add3A_474 : i32
        %get3A_476 = arith.index_cast %add3A_475 : i32 to index
        %get3A_477 = arith.constant 96 : index
        %get3A_478 = tpu.vector_load %arg7[%get3A_476, %get3A_477] {strides = array<i32>} : memref<200x128xf32, #tpu.memory_space<vmem>>, vector<1x16xf32>,
        %get3A_479 = vector.shape_cast %get3A_478 : vector<1x16xf32> to vector<16xf32>
        %gt3A_480 = arith.constant 0.000000e+00 : f32
        %gt3A_481 = vector.broadcast %gt3A_480 : f32 to vector<16xf32>
        %gt3A_482 = arith.cmpf ogt, %get3A_479, %gt3A_481 : vector<16xf32>
        %jit3A_483 = arith.constant 0xFF800000 : f32
        %broadcast_in_dim3A_484 = vector.broadcast %jit3A_483 : f32 to vector<16xf32>
        %select_n3A_485 = arith.select %gt3A_482, %get3A_471, %broadcast_in_dim3A_484 : vector<16xi1>, vector<16xf32>
        %max3A_486 = arith.maximumf %max3A_302, %select_n3A_485 : vector<16xf32>
        %mul3A_487 = arith.constant 8 : i32
        %mul3A_488 = arith.muli %scan3A_138, %mul3A_487 : i32
        %add3A_489 = arith.constant 1 : i32
        %add3A_490 = arith.addi %mul3A_488, %add3A_489 : i32
        %get3A_491 = arith.index_cast %add3A_490 : i32 to index
        %get3A_492 = arith.constant 112 : index
        %get3A_493 = tpu.vector_load %arg5[%get3A_491, %get3A_492] {strides = array<i32>} : memref<200x128xf32, #tpu.memory_space<vmem>>, vector<1x16xf32>,
        %get3A_494 = vector.shape_cast %get3A_493 : vector<1x16xf32> to vector<16xf32>
        %mul3A_495 = arith.constant 8 : i32
        %mul3A_496 = arith.muli %scan3A_138, %mul3A_495 : i32
        %add3A_497 = arith.constant 1 : i32
        %add3A_498 = arith.addi %mul3A_496, %add3A_497 : i32
        %get3A_499 = arith.index_cast %add3A_498 : i32 to index
        %get3A_500 = arith.constant 112 : index
        %get3A_501 = tpu.vector_load %arg7[%get3A_499, %get3A_500] {strides = array<i32>} : memref<200x128xf32, #tpu.memory_space<vmem>>, vector<1x16xf32>,
        %get3A_502 = vector.shape_cast %get3A_501 : vector<1x16xf32> to vector<16xf32>
        %gt3A_503 = arith.constant 0.000000e+00 : f32
        %gt3A_504 = vector.broadcast %gt3A_503 : f32 to vector<16xf32>
        %gt3A_505 = arith.cmpf ogt, %get3A_502, %gt3A_504 : vector<16xf32>
        %jit3A_506 = arith.constant 0xFF800000 : f32
        %broadcast_in_dim3A_507 = vector.broadcast %jit3A_506 : f32 to vector<16xf32>
        %select_n3A_508 = arith.select %gt3A_505, %get3A_494, %broadcast_in_dim3A_507 : vector<16xi1>, vector<16xf32>
        %max3A_509 = arith.maximumf %max3A_325, %select_n3A_508 : vector<16xf32>
        %mul3A_510 = arith.constant 8 : i32
        %mul3A_511 = arith.muli %scan3A_138, %mul3A_510 : i32
        %add3A_512 = arith.constant 2 : i32
        %add3A_513 = arith.addi %mul3A_511, %add3A_512 : i32
        %get3A_514 = arith.index_cast %add3A_513 : i32 to index
        %get3A_515 = arith.constant 0 : index
        %get3A_516 = tpu.vector_load %arg5[%get3A_514, %get3A_515] {strides = array<i32>} : memref<200x128xf32, #tpu.memory_space<vmem>>, vector<1x16xf32>,
        %get3A_517 = vector.shape_cast %get3A_516 : vector<1x16xf32> to vector<16xf32>
        %mul3A_518 = arith.constant 8 : i32
        %mul3A_519 = arith.muli %scan3A_138, %mul3A_518 : i32
        %add3A_520 = arith.constant 2 : i32
        %add3A_521 = arith.addi %mul3A_519, %add3A_520 : i32
        %get3A_522 = arith.index_cast %add3A_521 : i32 to index
        %get3A_523 = arith.constant 0 : index
        %get3A_524 = tpu.vector_load %arg7[%get3A_522, %get3A_523] {strides = array<i32>} : memref<200x128xf32, #tpu.memory_space<vmem>>, vector<1x16xf32>,
        %get3A_525 = vector.shape_cast %get3A_524 : vector<1x16xf32> to vector<16xf32>
        %gt3A_526 = arith.constant 0.000000e+00 : f32
        %gt3A_527 = vector.broadcast %gt3A_526 : f32 to vector<16xf32>
        %gt3A_528 = arith.cmpf ogt, %get3A_525, %gt3A_527 : vector<16xf32>
        %jit3A_529 = arith.constant 0xFF800000 : f32
        %broadcast_in_dim3A_530 = vector.broadcast %jit3A_529 : f32 to vector<16xf32>
        %select_n3A_531 = arith.select %gt3A_528, %get3A_517, %broadcast_in_dim3A_530 : vector<16xi1>, vector<16xf32>
        %max3A_532 = arith.maximumf %max3A_348, %select_n3A_531 : vector<16xf32>
        %mul3A_533 = arith.constant 8 : i32
        %mul3A_534 = arith.muli %scan3A_138, %mul3A_533 : i32
        %add3A_535 = arith.constant 2 : i32
        %add3A_536 = arith.addi %mul3A_534, %add3A_535 : i32
        %get3A_537 = arith.index_cast %add3A_536 : i32 to index
        %get3A_538 = arith.constant 16 : index
        %get3A_539 = tpu.vector_load %arg5[%get3A_537, %get3A_538] {strides = array<i32>} : memref<200x128xf32, #tpu.memory_space<vmem>>, vector<1x16xf32>,
        %get3A_540 = vector.shape_cast %get3A_539 : vector<1x16xf32> to vector<16xf32>
        %mul3A_541 = arith.constant 8 : i32
        %mul3A_542 = arith.muli %scan3A_138, %mul3A_541 : i32
        %add3A_543 = arith.constant 2 : i32
        %add3A_544 = arith.addi %mul3A_542, %add3A_543 : i32
        %get3A_545 = arith.index_cast %add3A_544 : i32 to index
        %get3A_546 = arith.constant 16 : index
        %get3A_547 = tpu.vector_load %arg7[%get3A_545, %get3A_546] {strides = array<i32>} : memref<200x128xf32, #tpu.memory_space<vmem>>, vector<1x16xf32>,
        %get3A_548 = vector.shape_cast %get3A_547 : vector<1x16xf32> to vector<16xf32>
        %gt3A_549 = arith.constant 0.000000e+00 : f32
        %gt3A_550 = vector.broadcast %gt3A_549 : f32 to vector<16xf32>
        %gt3A_551 = arith.cmpf ogt, %get3A_548, %gt3A_550 : vector<16xf32>
        %jit3A_552 = arith.constant 0xFF800000 : f32
        %broadcast_in_dim3A_553 = vector.broadcast %jit3A_552 : f32 to vector<16xf32>
        %select_n3A_554 = arith.select %gt3A_551, %get3A_540, %broadcast_in_dim3A_553 : vector<16xi1>, vector<16xf32>
        %max3A_555 = arith.maximumf %max3A_371, %select_n3A_554 : vector<16xf32>
        %mul3A_556 = arith.constant 8 : i32
        %mul3A_557 = arith.muli %scan3A_138, %mul3A_556 : i32
        %add3A_558 = arith.constant 2 : i32
        %add3A_559 = arith.addi %mul3A_557, %add3A_558 : i32
        %get3A_560 = arith.index_cast %add3A_559 : i32 to index
        %get3A_561 = arith.constant 32 : index
        %get3A_562 = tpu.vector_load %arg5[%get3A_560, %get3A_561] {strides = array<i32>} : memref<200x128xf32, #tpu.memory_space<vmem>>, vector<1x16xf32>,
        %get3A_563 = vector.shape_cast %get3A_562 : vector<1x16xf32> to vector<16xf32>
        %mul3A_564 = arith.constant 8 : i32
        %mul3A_565 = arith.muli %scan3A_138, %mul3A_564 : i32
        %add3A_566 = arith.constant 2 : i32
        %add3A_567 = arith.addi %mul3A_565, %add3A_566 : i32
        %get3A_568 = arith.index_cast %add3A_567 : i32 to index
        %get3A_569 = arith.constant 32 : index
        %get3A_570 = tpu.vector_load %arg7[%get3A_568, %get3A_569] {strides = array<i32>} : memref<200x128xf32, #tpu.memory_space<vmem>>, vector<1x16xf32>,
        %get3A_571 = vector.shape_cast %get3A_570 : vector<1x16xf32> to vector<16xf32>
        %gt3A_572 = arith.constant 0.000000e+00 : f32
        %gt3A_573 = vector.broadcast %gt3A_572 : f32 to vector<16xf32>
        %gt3A_574 = arith.cmpf ogt, %get3A_571, %gt3A_573 : vector<16xf32>
        %jit3A_575 = arith.constant 0xFF800000 : f32
        %broadcast_in_dim3A_576 = vector.broadcast %jit3A_575 : f32 to vector<16xf32>
        %select_n3A_577 = arith.select %gt3A_574, %get3A_563, %broadcast_in_dim3A_576 : vector<16xi1>, vector<16xf32>
        %max3A_578 = arith.maximumf %max3A_394, %select_n3A_577 : vector<16xf32>
        %mul3A_579 = arith.constant 8 : i32
        %mul3A_580 = arith.muli %scan3A_138, %mul3A_579 : i32
        %add3A_581 = arith.constant 2 : i32
        %add3A_582 = arith.addi %mul3A_580, %add3A_581 : i32
        %get3A_583 = arith.index_cast %add3A_582 : i32 to index
        %get3A_584 = arith.constant 48 : index
        %get3A_585 = tpu.vector_load %arg5[%get3A_583, %get3A_584] {strides = array<i32>} : memref<200x128xf32, #tpu.memory_space<vmem>>, vector<1x16xf32>,
        %get3A_586 = vector.shape_cast %get3A_585 : vector<1x16xf32> to vector<16xf32>
        %mul3A_587 = arith.constant 8 : i32
        %mul3A_588 = arith.muli %scan3A_138, %mul3A_587 : i32
        %add3A_589 = arith.constant 2 : i32
        %add3A_590 = arith.addi %mul3A_588, %add3A_589 : i32
        %get3A_591 = arith.index_cast %add3A_590 : i32 to index
        %get3A_592 = arith.constant 48 : index
        %get3A_593 = tpu.vector_load %arg7[%get3A_591, %get3A_592] {strides = array<i32>} : memref<200x128xf32, #tpu.memory_space<vmem>>, vector<1x16xf32>,
        %get3A_594 = vector.shape_cast %get3A_593 : vector<1x16xf32> to vector<16xf32>
        %gt3A_595 = arith.constant 0.000000e+00 : f32
        %gt3A_596 = vector.broadcast %gt3A_595 : f32 to vector<16xf32>
        %gt3A_597 = arith.cmpf ogt, %get3A_594, %gt3A_596 : vector<16xf32>
        %jit3A_598 = arith.constant 0xFF800000 : f32
        %broadcast_in_dim3A_599 = vector.broadcast %jit3A_598 : f32 to vector<16xf32>
        %select_n3A_600 = arith.select %gt3A_597, %get3A_586, %broadcast_in_dim3A_599 : vector<16xi1>, vector<16xf32>
        %max3A_601 = arith.maximumf %max3A_417, %select_n3A_600 : vector<16xf32>
        %mul3A_602 = arith.constant 8 : i32
        %mul3A_603 = arith.muli %scan3A_138, %mul3A_602 : i32
        %add3A_604 = arith.constant 2 : i32
        %add3A_605 = arith.addi %mul3A_603, %add3A_604 : i32
        %get3A_606 = arith.index_cast %add3A_605 : i32 to index
        %get3A_607 = arith.constant 64 : index
        %get3A_608 = tpu.vector_load %arg5[%get3A_606, %get3A_607] {strides = array<i32>} : memref<200x128xf32, #tpu.memory_space<vmem>>, vector<1x16xf32>,
        %get3A_609 = vector.shape_cast %get3A_608 : vector<1x16xf32> to vector<16xf32>
        %mul3A_610 = arith.constant 8 : i32
        %mul3A_611 = arith.muli %scan3A_138, %mul3A_610 : i32
        %add3A_612 = arith.constant 2 : i32
        %add3A_613 = arith.addi %mul3A_611, %add3A_612 : i32
        %get3A_614 = arith.index_cast %add3A_613 : i32 to index
        %get3A_615 = arith.constant 64 : index
        %get3A_616 = tpu.vector_load %arg7[%get3A_614, %get3A_615] {strides = array<i32>} : memref<200x128xf32, #tpu.memory_space<vmem>>, vector<1x16xf32>,
        %get3A_617 = vector.shape_cast %get3A_616 : vector<1x16xf32> to vector<16xf32>
        %gt3A_618 = arith.constant 0.000000e+00 : f32
        %gt3A_619 = vector.broadcast %gt3A_618 : f32 to vector<16xf32>
        %gt3A_620 = arith.cmpf ogt, %get3A_617, %gt3A_619 : vector<16xf32>
        %jit3A_621 = arith.constant 0xFF800000 : f32
        %broadcast_in_dim3A_622 = vector.broadcast %jit3A_621 : f32 to vector<16xf32>
        %select_n3A_623 = arith.select %gt3A_620, %get3A_609, %broadcast_in_dim3A_622 : vector<16xi1>, vector<16xf32>
        %max3A_624 = arith.maximumf %max3A_440, %select_n3A_623 : vector<16xf32>
        %mul3A_625 = arith.constant 8 : i32
        %mul3A_626 = arith.muli %scan3A_138, %mul3A_625 : i32
        %add3A_627 = arith.constant 2 : i32
        %add3A_628 = arith.addi %mul3A_626, %add3A_627 : i32
        %get3A_629 = arith.index_cast %add3A_628 : i32 to index
        %get3A_630 = arith.constant 80 : index
        %get3A_631 = tpu.vector_load %arg5[%get3A_629, %get3A_630] {strides = array<i32>} : memref<200x128xf32, #tpu.memory_space<vmem>>, vector<1x16xf32>,
        %get3A_632 = vector.shape_cast %get3A_631 : vector<1x16xf32> to vector<16xf32>
        %mul3A_633 = arith.constant 8 : i32
        %mul3A_634 = arith.muli %scan3A_138, %mul3A_633 : i32
        %add3A_635 = arith.constant 2 : i32
        %add3A_636 = arith.addi %mul3A_634, %add3A_635 : i32
        %get3A_637 = arith.index_cast %add3A_636 : i32 to index
        %get3A_638 = arith.constant 80 : index
        %get3A_639 = tpu.vector_load %arg7[%get3A_637, %get3A_638] {strides = array<i32>} : memref<200x128xf32, #tpu.memory_space<vmem>>, vector<1x16xf32>,
        %get3A_640 = vector.shape_cast %get3A_639 : vector<1x16xf32> to vector<16xf32>
        %gt3A_641 = arith.constant 0.000000e+00 : f32
        %gt3A_642 = vector.broadcast %gt3A_641 : f32 to vector<16xf32>
        %gt3A_643 = arith.cmpf ogt, %get3A_640, %gt3A_642 : vector<16xf32>
        %jit3A_644 = arith.constant 0xFF800000 : f32
        %broadcast_in_dim3A_645 = vector.broadcast %jit3A_644 : f32 to vector<16xf32>
        %select_n3A_646 = arith.select %gt3A_643, %get3A_632, %broadcast_in_dim3A_645 : vector<16xi1>, vector<16xf32>
        %max3A_647 = arith.maximumf %max3A_463, %select_n3A_646 : vector<16xf32>
        %mul3A_648 = arith.constant 8 : i32
        %mul3A_649 = arith.muli %scan3A_138, %mul3A_648 : i32
        %add3A_650 = arith.constant 2 : i32
        %add3A_651 = arith.addi %mul3A_649, %add3A_650 : i32
        %get3A_652 = arith.index_cast %add3A_651 : i32 to index
        %get3A_653 = arith.constant 96 : index
        %get3A_654 = tpu.vector_load %arg5[%get3A_652, %get3A_653] {strides = array<i32>} : memref<200x128xf32, #tpu.memory_space<vmem>>, vector<1x16xf32>,
        %get3A_655 = vector.shape_cast %get3A_654 : vector<1x16xf32> to vector<16xf32>
        %mul3A_656 = arith.constant 8 : i32
        %mul3A_657 = arith.muli %scan3A_138, %mul3A_656 : i32
        %add3A_658 = arith.constant 2 : i32
        %add3A_659 = arith.addi %mul3A_657, %add3A_658 : i32
        %get3A_660 = arith.index_cast %add3A_659 : i32 to index
        %get3A_661 = arith.constant 96 : index
        %get3A_662 = tpu.vector_load %arg7[%get3A_660, %get3A_661] {strides = array<i32>} : memref<200x128xf32, #tpu.memory_space<vmem>>, vector<1x16xf32>,
        %get3A_663 = vector.shape_cast %get3A_662 : vector<1x16xf32> to vector<16xf32>
        %gt3A_664 = arith.constant 0.000000e+00 : f32
        %gt3A_665 = vector.broadcast %gt3A_664 : f32 to vector<16xf32>
        %gt3A_666 = arith.cmpf ogt, %get3A_663, %gt3A_665 : vector<16xf32>
        %jit3A_667 = arith.constant 0xFF800000 : f32
        %broadcast_in_dim3A_668 = vector.broadcast %jit3A_667 : f32 to vector<16xf32>
        %select_n3A_669 = arith.select %gt3A_666, %get3A_655, %broadcast_in_dim3A_668 : vector<16xi1>, vector<16xf32>
        %max3A_670 = arith.maximumf %max3A_486, %select_n3A_669 : vector<16xf32>
        %mul3A_671 = arith.constant 8 : i32
        %mul3A_672 = arith.muli %scan3A_138, %mul3A_671 : i32
        %add3A_673 = arith.constant 2 : i32
        %add3A_674 = arith.addi %mul3A_672, %add3A_673 : i32
        %get3A_675 = arith.index_cast %add3A_674 : i32 to index
        %get3A_676 = arith.constant 112 : index
        %get3A_677 = tpu.vector_load %arg5[%get3A_675, %get3A_676] {strides = array<i32>} : memref<200x128xf32, #tpu.memory_space<vmem>>, vector<1x16xf32>,
        %get3A_678 = vector.shape_cast %get3A_677 : vector<1x16xf32> to vector<16xf32>
        %mul3A_679 = arith.constant 8 : i32
        %mul3A_680 = arith.muli %scan3A_138, %mul3A_679 : i32
        %add3A_681 = arith.constant 2 : i32
        %add3A_682 = arith.addi %mul3A_680, %add3A_681 : i32
        %get3A_683 = arith.index_cast %add3A_682 : i32 to index
        %get3A_684 = arith.constant 112 : index
        %get3A_685 = tpu.vector_load %arg7[%get3A_683, %get3A_684] {strides = array<i32>} : memref<200x128xf32, #tpu.memory_space<vmem>>, vector<1x16xf32>,
        %get3A_686 = vector.shape_cast %get3A_685 : vector<1x16xf32> to vector<16xf32>
        %gt3A_687 = arith.constant 0.000000e+00 : f32
        %gt3A_688 = vector.broadcast %gt3A_687 : f32 to vector<16xf32>
        %gt3A_689 = arith.cmpf ogt, %get3A_686, %gt3A_688 : vector<16xf32>
        %jit3A_690 = arith.constant 0xFF800000 : f32
        %broadcast_in_dim3A_691 = vector.broadcast %jit3A_690 : f32 to vector<16xf32>
        %select_n3A_692 = arith.select %gt3A_689, %get3A_678, %broadcast_in_dim3A_691 : vector<16xi1>, vector<16xf32>
        %max3A_693 = arith.maximumf %max3A_509, %select_n3A_692 : vector<16xf32>
        %mul3A_694 = arith.constant 8 : i32
        %mul3A_695 = arith.muli %scan3A_138, %mul3A_694 : i32
        %add3A_696 = arith.constant 3 : i32
        %add3A_697 = arith.addi %mul3A_695, %add3A_696 : i32
        %get3A_698 = arith.index_cast %add3A_697 : i32 to index
        %get3A_699 = arith.constant 0 : index
        %get3A_700 = tpu.vector_load %arg5[%get3A_698, %get3A_699] {strides = array<i32>} : memref<200x128xf32, #tpu.memory_space<vmem>>, vector<1x16xf32>,
        %get3A_701 = vector.shape_cast %get3A_700 : vector<1x16xf32> to vector<16xf32>
        %mul3A_702 = arith.constant 8 : i32
        %mul3A_703 = arith.muli %scan3A_138, %mul3A_702 : i32
        %add3A_704 = arith.constant 3 : i32
        %add3A_705 = arith.addi %mul3A_703, %add3A_704 : i32
        %get3A_706 = arith.index_cast %add3A_705 : i32 to index
        %get3A_707 = arith.constant 0 : index
        %get3A_708 = tpu.vector_load %arg7[%get3A_706, %get3A_707] {strides = array<i32>} : memref<200x128xf32, #tpu.memory_space<vmem>>, vector<1x16xf32>,
        %get3A_709 = vector.shape_cast %get3A_708 : vector<1x16xf32> to vector<16xf32>
        %gt3A_710 = arith.constant 0.000000e+00 : f32
        %gt3A_711 = vector.broadcast %gt3A_710 : f32 to vector<16xf32>
        %gt3A_712 = arith.cmpf ogt, %get3A_709, %gt3A_711 : vector<16xf32>
        %jit3A_713 = arith.constant 0xFF800000 : f32
        %broadcast_in_dim3A_714 = vector.broadcast %jit3A_713 : f32 to vector<16xf32>
        %select_n3A_715 = arith.select %gt3A_712, %get3A_701, %broadcast_in_dim3A_714 : vector<16xi1>, vector<16xf32>
        %max3A_716 = arith.maximumf %max3A_532, %select_n3A_715 : vector<16xf32>
        %mul3A_717 = arith.constant 8 : i32
        %mul3A_718 = arith.muli %scan3A_138, %mul3A_717 : i32
        %add3A_719 = arith.constant 3 : i32
        %add3A_720 = arith.addi %mul3A_718, %add3A_719 : i32
        %get3A_721 = arith.index_cast %add3A_720 : i32 to index
        %get3A_722 = arith.constant 16 : index
        %get3A_723 = tpu.vector_load %arg5[%get3A_721, %get3A_722] {strides = array<i32>} : memref<200x128xf32, #tpu.memory_space<vmem>>, vector<1x16xf32>,
        %get3A_724 = vector.shape_cast %get3A_723 : vector<1x16xf32> to vector<16xf32>
        %mul3A_725 = arith.constant 8 : i32
        %mul3A_726 = arith.muli %scan3A_138, %mul3A_725 : i32
        %add3A_727 = arith.constant 3 : i32
        %add3A_728 = arith.addi %mul3A_726, %add3A_727 : i32
        %get3A_729 = arith.index_cast %add3A_728 : i32 to index
        %get3A_730 = arith.constant 16 : index
        %get3A_731 = tpu.vector_load %arg7[%get3A_729, %get3A_730] {strides = array<i32>} : memref<200x128xf32, #tpu.memory_space<vmem>>, vector<1x16xf32>,
        %get3A_732 = vector.shape_cast %get3A_731 : vector<1x16xf32> to vector<16xf32>
        %gt3A_733 = arith.constant 0.000000e+00 : f32
        %gt3A_734 = vector.broadcast %gt3A_733 : f32 to vector<16xf32>
        %gt3A_735 = arith.cmpf ogt, %get3A_732, %gt3A_734 : vector<16xf32>
        %jit3A_736 = arith.constant 0xFF800000 : f32
        %broadcast_in_dim3A_737 = vector.broadcast %jit3A_736 : f32 to vector<16xf32>
        %select_n3A_738 = arith.select %gt3A_735, %get3A_724, %broadcast_in_dim3A_737 : vector<16xi1>, vector<16xf32>
        %max3A_739 = arith.maximumf %max3A_555, %select_n3A_738 : vector<16xf32>
        %mul3A_740 = arith.constant 8 : i32
        %mul3A_741 = arith.muli %scan3A_138, %mul3A_740 : i32
        %add3A_742 = arith.constant 3 : i32
        %add3A_743 = arith.addi %mul3A_741, %add3A_742 : i32
        %get3A_744 = arith.index_cast %add3A_743 : i32 to index
        %get3A_745 = arith.constant 32 : index
        %get3A_746 = tpu.vector_load %arg5[%get3A_744, %get3A_745] {strides = array<i32>} : memref<200x128xf32, #tpu.memory_space<vmem>>, vector<1x16xf32>,
        %get3A_747 = vector.shape_cast %get3A_746 : vector<1x16xf32> to vector<16xf32>
        %mul3A_748 = arith.constant 8 : i32
        %mul3A_749 = arith.muli %scan3A_138, %mul3A_748 : i32
        %add3A_750 = arith.constant 3 : i32
        %add3A_751 = arith.addi %mul3A_749, %add3A_750 : i32
        %get3A_752 = arith.index_cast %add3A_751 : i32 to index
        %get3A_753 = arith.constant 32 : index
        %get3A_754 = tpu.vector_load %arg7[%get3A_752, %get3A_753] {strides = array<i32>} : memref<200x128xf32, #tpu.memory_space<vmem>>, vector<1x16xf32>,
        %get3A_755 = vector.shape_cast %get3A_754 : vector<1x16xf32> to vector<16xf32>
        %gt3A_756 = arith.constant 0.000000e+00 : f32
        %gt3A_757 = vector.broadcast %gt3A_756 : f32 to vector<16xf32>
        %gt3A_758 = arith.cmpf ogt, %get3A_755, %gt3A_757 : vector<16xf32>
        %jit3A_759 = arith.constant 0xFF800000 : f32
        %broadcast_in_dim3A_760 = vector.broadcast %jit3A_759 : f32 to vector<16xf32>
        %select_n3A_761 = arith.select %gt3A_758, %get3A_747, %broadcast_in_dim3A_760 : vector<16xi1>, vector<16xf32>
        %max3A_762 = arith.maximumf %max3A_578, %select_n3A_761 : vector<16xf32>
        %mul3A_763 = arith.constant 8 : i32
        %mul3A_764 = arith.muli %scan3A_138, %mul3A_763 : i32
        %add3A_765 = arith.constant 3 : i32
        %add3A_766 = arith.addi %mul3A_764, %add3A_765 : i32
        %get3A_767 = arith.index_cast %add3A_766 : i32 to index
        %get3A_768 = arith.constant 48 : index
        %get3A_769 = tpu.vector_load %arg5[%get3A_767, %get3A_768] {strides = array<i32>} : memref<200x128xf32, #tpu.memory_space<vmem>>, vector<1x16xf32>,
        %get3A_770 = vector.shape_cast %get3A_769 : vector<1x16xf32> to vector<16xf32>
        %mul3A_771 = arith.constant 8 : i32
        %mul3A_772 = arith.muli %scan3A_138, %mul3A_771 : i32
        %add3A_773 = arith.constant 3 : i32
        %add3A_774 = arith.addi %mul3A_772, %add3A_773 : i32
        %get3A_775 = arith.index_cast %add3A_774 : i32 to index
        %get3A_776 = arith.constant 48 : index
        %get3A_777 = tpu.vector_load %arg7[%get3A_775, %get3A_776] {strides = array<i32>} : memref<200x128xf32, #tpu.memory_space<vmem>>, vector<1x16xf32>,
        %get3A_778 = vector.shape_cast %get3A_777 : vector<1x16xf32> to vector<16xf32>
        %gt3A_779 = arith.constant 0.000000e+00 : f32
        %gt3A_780 = vector.broadcast %gt3A_779 : f32 to vector<16xf32>
        %gt3A_781 = arith.cmpf ogt, %get3A_778, %gt3A_780 : vector<16xf32>
        %jit3A_782 = arith.constant 0xFF800000 : f32
        %broadcast_in_dim3A_783 = vector.broadcast %jit3A_782 : f32 to vector<16xf32>
        %select_n3A_784 = arith.select %gt3A_781, %get3A_770, %broadcast_in_dim3A_783 : vector<16xi1>, vector<16xf32>
        %max3A_785 = arith.maximumf %max3A_601, %select_n3A_784 : vector<16xf32>
        %mul3A_786 = arith.constant 8 : i32
        %mul3A_787 = arith.muli %scan3A_138, %mul3A_786 : i32
        %add3A_788 = arith.constant 3 : i32
        %add3A_789 = arith.addi %mul3A_787, %add3A_788 : i32
        %get3A_790 = arith.index_cast %add3A_789 : i32 to index
        %get3A_791 = arith.constant 64 : index
        %get3A_792 = tpu.vector_load %arg5[%get3A_790, %get3A_791] {strides = array<i32>} : memref<200x128xf32, #tpu.memory_space<vmem>>, vector<1x16xf32>,
        %get3A_793 = vector.shape_cast %get3A_792 : vector<1x16xf32> to vector<16xf32>
        %mul3A_794 = arith.constant 8 : i32
        %mul3A_795 = arith.muli %scan3A_138, %mul3A_794 : i32
        %add3A_796 = arith.constant 3 : i32
        %add3A_797 = arith.addi %mul3A_795, %add3A_796 : i32
        %get3A_798 = arith.index_cast %add3A_797 : i32 to index
        %get3A_799 = arith.constant 64 : index
        %get3A_800 = tpu.vector_load %arg7[%get3A_798, %get3A_799] {strides = array<i32>} : memref<200x128xf32, #tpu.memory_space<vmem>>, vector<1x16xf32>,
        %get3A_801 = vector.shape_cast %get3A_800 : vector<1x16xf32> to vector<16xf32>
        %gt3A_802 = arith.constant 0.000000e+00 : f32
        %gt3A_803 = vector.broadcast %gt3A_802 : f32 to vector<16xf32>
        %gt3A_804 = arith.cmpf ogt, %get3A_801, %gt3A_803 : vector<16xf32>
        %jit3A_805 = arith.constant 0xFF800000 : f32
        %broadcast_in_dim3A_806 = vector.broadcast %jit3A_805 : f32 to vector<16xf32>
        %select_n3A_807 = arith.select %gt3A_804, %get3A_793, %broadcast_in_dim3A_806 : vector<16xi1>, vector<16xf32>
        %max3A_808 = arith.maximumf %max3A_624, %select_n3A_807 : vector<16xf32>
        %mul3A_809 = arith.constant 8 : i32
        %mul3A_810 = arith.muli %scan3A_138, %mul3A_809 : i32
        %add3A_811 = arith.constant 3 : i32
        %add3A_812 = arith.addi %mul3A_810, %add3A_811 : i32
        %get3A_813 = arith.index_cast %add3A_812 : i32 to index
        %get3A_814 = arith.constant 80 : index
        %get3A_815 = tpu.vector_load %arg5[%get3A_813, %get3A_814] {strides = array<i32>} : memref<200x128xf32, #tpu.memory_space<vmem>>, vector<1x16xf32>,
        %get3A_816 = vector.shape_cast %get3A_815 : vector<1x16xf32> to vector<16xf32>
        %mul3A_817 = arith.constant 8 : i32
        %mul3A_818 = arith.muli %scan3A_138, %mul3A_817 : i32
        %add3A_819 = arith.constant 3 : i32
        %add3A_820 = arith.addi %mul3A_818, %add3A_819 : i32
        %get3A_821 = arith.index_cast %add3A_820 : i32 to index
        %get3A_822 = arith.constant 80 : index
        %get3A_823 = tpu.vector_load %arg7[%get3A_821, %get3A_822] {strides = array<i32>} : memref<200x128xf32, #tpu.memory_space<vmem>>, vector<1x16xf32>,
        %get3A_824 = vector.shape_cast %get3A_823 : vector<1x16xf32> to vector<16xf32>
        %gt3A_825 = arith.constant 0.000000e+00 : f32
        %gt3A_826 = vector.broadcast %gt3A_825 : f32 to vector<16xf32>
        %gt3A_827 = arith.cmpf ogt, %get3A_824, %gt3A_826 : vector<16xf32>
        %jit3A_828 = arith.constant 0xFF800000 : f32
        %broadcast_in_dim3A_829 = vector.broadcast %jit3A_828 : f32 to vector<16xf32>
        %select_n3A_830 = arith.select %gt3A_827, %get3A_816, %broadcast_in_dim3A_829 : vector<16xi1>, vector<16xf32>
        %max3A_831 = arith.maximumf %max3A_647, %select_n3A_830 : vector<16xf32>
        %mul3A_832 = arith.constant 8 : i32
        %mul3A_833 = arith.muli %scan3A_138, %mul3A_832 : i32
        %add3A_834 = arith.constant 3 : i32
        %add3A_835 = arith.addi %mul3A_833, %add3A_834 : i32
        %get3A_836 = arith.index_cast %add3A_835 : i32 to index
        %get3A_837 = arith.constant 96 : index
        %get3A_838 = tpu.vector_load %arg5[%get3A_836, %get3A_837] {strides = array<i32>} : memref<200x128xf32, #tpu.memory_space<vmem>>, vector<1x16xf32>,
        %get3A_839 = vector.shape_cast %get3A_838 : vector<1x16xf32> to vector<16xf32>
        %mul3A_840 = arith.constant 8 : i32
        %mul3A_841 = arith.muli %scan3A_138, %mul3A_840 : i32
        %add3A_842 = arith.constant 3 : i32
        %add3A_843 = arith.addi %mul3A_841, %add3A_842 : i32
        %get3A_844 = arith.index_cast %add3A_843 : i32 to index
        %get3A_845 = arith.constant 96 : index
        %get3A_846 = tpu.vector_load %arg7[%get3A_844, %get3A_845] {strides = array<i32>} : memref<200x128xf32, #tpu.memory_space<vmem>>, vector<1x16xf32>,
        %get3A_847 = vector.shape_cast %get3A_846 : vector<1x16xf32> to vector<16xf32>
        %gt3A_848 = arith.constant 0.000000e+00 : f32
        %gt3A_849 = vector.broadcast %gt3A_848 : f32 to vector<16xf32>
        %gt3A_850 = arith.cmpf ogt, %get3A_847, %gt3A_849 : vector<16xf32>
        %jit3A_851 = arith.constant 0xFF800000 : f32
        %broadcast_in_dim3A_852 = vector.broadcast %jit3A_851 : f32 to vector<16xf32>
        %select_n3A_853 = arith.select %gt3A_850, %get3A_839, %broadcast_in_dim3A_852 : vector<16xi1>, vector<16xf32>
        %max3A_854 = arith.maximumf %max3A_670, %select_n3A_853 : vector<16xf32>
        %mul3A_855 = arith.constant 8 : i32
        %mul3A_856 = arith.muli %scan3A_138, %mul3A_855 : i32
        %add3A_857 = arith.constant 3 : i32
        %add3A_858 = arith.addi %mul3A_856, %add3A_857 : i32
        %get3A_859 = arith.index_cast %add3A_858 : i32 to index
        %get3A_860 = arith.constant 112 : index
        %get3A_861 = tpu.vector_load %arg5[%get3A_859, %get3A_860] {strides = array<i32>} : memref<200x128xf32, #tpu.memory_space<vmem>>, vector<1x16xf32>,
        %get3A_862 = vector.shape_cast %get3A_861 : vector<1x16xf32> to vector<16xf32>
        %mul3A_863 = arith.constant 8 : i32
        %mul3A_864 = arith.muli %scan3A_138, %mul3A_863 : i32
        %add3A_865 = arith.constant 3 : i32
        %add3A_866 = arith.addi %mul3A_864, %add3A_865 : i32
        %get3A_867 = arith.index_cast %add3A_866 : i32 to index
        %get3A_868 = arith.constant 112 : index
        %get3A_869 = tpu.vector_load %arg7[%get3A_867, %get3A_868] {strides = array<i32>} : memref<200x128xf32, #tpu.memory_space<vmem>>, vector<1x16xf32>,
        %get3A_870 = vector.shape_cast %get3A_869 : vector<1x16xf32> to vector<16xf32>
        %gt3A_871 = arith.constant 0.000000e+00 : f32
        %gt3A_872 = vector.broadcast %gt3A_871 : f32 to vector<16xf32>
        %gt3A_873 = arith.cmpf ogt, %get3A_870, %gt3A_872 : vector<16xf32>
        %jit3A_874 = arith.constant 0xFF800000 : f32
        %broadcast_in_dim3A_875 = vector.broadcast %jit3A_874 : f32 to vector<16xf32>
        %select_n3A_876 = arith.select %gt3A_873, %get3A_862, %broadcast_in_dim3A_875 : vector<16xi1>, vector<16xf32>
        %max3A_877 = arith.maximumf %max3A_693, %select_n3A_876 : vector<16xf32>
        %mul3A_878 = arith.constant 8 : i32
        %mul3A_879 = arith.muli %scan3A_138, %mul3A_878 : i32
        %add3A_880 = arith.constant 4 : i32
        %add3A_881 = arith.addi %mul3A_879, %add3A_880 : i32
        %get3A_882 = arith.index_cast %add3A_881 : i32 to index
        %get3A_883 = arith.constant 0 : index
        %get3A_884 = tpu.vector_load %arg5[%get3A_882, %get3A_883] {strides = array<i32>} : memref<200x128xf32, #tpu.memory_space<vmem>>, vector<1x16xf32>,
        %get3A_885 = vector.shape_cast %get3A_884 : vector<1x16xf32> to vector<16xf32>
        %mul3A_886 = arith.constant 8 : i32
        %mul3A_887 = arith.muli %scan3A_138, %mul3A_886 : i32
        %add3A_888 = arith.constant 4 : i32
        %add3A_889 = arith.addi %mul3A_887, %add3A_888 : i32
        %get3A_890 = arith.index_cast %add3A_889 : i32 to index
        %get3A_891 = arith.constant 0 : index
        %get3A_892 = tpu.vector_load %arg7[%get3A_890, %get3A_891] {strides = array<i32>} : memref<200x128xf32, #tpu.memory_space<vmem>>, vector<1x16xf32>,
        %get3A_893 = vector.shape_cast %get3A_892 : vector<1x16xf32> to vector<16xf32>
        %gt3A_894 = arith.constant 0.000000e+00 : f32
        %gt3A_895 = vector.broadcast %gt3A_894 : f32 to vector<16xf32>
        %gt3A_896 = arith.cmpf ogt, %get3A_893, %gt3A_895 : vector<16xf32>
        %jit3A_897 = arith.constant 0xFF800000 : f32
        %broadcast_in_dim3A_898 = vector.broadcast %jit3A_897 : f32 to vector<16xf32>
        %select_n3A_899 = arith.select %gt3A_896, %get3A_885, %broadcast_in_dim3A_898 : vector<16xi1>, vector<16xf32>
        %max3A_900 = arith.maximumf %max3A_716, %select_n3A_899 : vector<16xf32>
        %mul3A_901 = arith.constant 8 : i32
        %mul3A_902 = arith.muli %scan3A_138, %mul3A_901 : i32
        %add3A_903 = arith.constant 4 : i32
        %add3A_904 = arith.addi %mul3A_902, %add3A_903 : i32
        %get3A_905 = arith.index_cast %add3A_904 : i32 to index
        %get3A_906 = arith.constant 16 : index
        %get3A_907 = tpu.vector_load %arg5[%get3A_905, %get3A_906] {strides = array<i32>} : memref<200x128xf32, #tpu.memory_space<vmem>>, vector<1x16xf32>,
        %get3A_908 = vector.shape_cast %get3A_907 : vector<1x16xf32> to vector<16xf32>
        %mul3A_909 = arith.constant 8 : i32
        %mul3A_910 = arith.muli %scan3A_138, %mul3A_909 : i32
        %add3A_911 = arith.constant 4 : i32
        %add3A_912 = arith.addi %mul3A_910, %add3A_911 : i32
        %get3A_913 = arith.index_cast %add3A_912 : i32 to index
        %get3A_914 = arith.constant 16 : index
        %get3A_915 = tpu.vector_load %arg7[%get3A_913, %get3A_914] {strides = array<i32>} : memref<200x128xf32, #tpu.memory_space<vmem>>, vector<1x16xf32>,
        %get3A_916 = vector.shape_cast %get3A_915 : vector<1x16xf32> to vector<16xf32>
        %gt3A_917 = arith.constant 0.000000e+00 : f32
        %gt3A_918 = vector.broadcast %gt3A_917 : f32 to vector<16xf32>
        %gt3A_919 = arith.cmpf ogt, %get3A_916, %gt3A_918 : vector<16xf32>
        %jit3A_920 = arith.constant 0xFF800000 : f32
        %broadcast_in_dim3A_921 = vector.broadcast %jit3A_920 : f32 to vector<16xf32>
        %select_n3A_922 = arith.select %gt3A_919, %get3A_908, %broadcast_in_dim3A_921 : vector<16xi1>, vector<16xf32>
        %max3A_923 = arith.maximumf %max3A_739, %select_n3A_922 : vector<16xf32>
        %mul3A_924 = arith.constant 8 : i32
        %mul3A_925 = arith.muli %scan3A_138, %mul3A_924 : i32
        %add3A_926 = arith.constant 4 : i32
        %add3A_927 = arith.addi %mul3A_925, %add3A_926 : i32
        %get3A_928 = arith.index_cast %add3A_927 : i32 to index
        %get3A_929 = arith.constant 32 : index
        %get3A_930 = tpu.vector_load %arg5[%get3A_928, %get3A_929] {strides = array<i32>} : memref<200x128xf32, #tpu.memory_space<vmem>>, vector<1x16xf32>,
        %get3A_931 = vector.shape_cast %get3A_930 : vector<1x16xf32> to vector<16xf32>
        %mul3A_932 = arith.constant 8 : i32
        %mul3A_933 = arith.muli %scan3A_138, %mul3A_932 : i32
        %add3A_934 = arith.constant 4 : i32
        %add3A_935 = arith.addi %mul3A_933, %add3A_934 : i32
        %get3A_936 = arith.index_cast %add3A_935 : i32 to index
        %get3A_937 = arith.constant 32 : index
        %get3A_938 = tpu.vector_load %arg7[%get3A_936, %get3A_937] {strides = array<i32>} : memref<200x128xf32, #tpu.memory_space<vmem>>, vector<1x16xf32>,
        %get3A_939 = vector.shape_cast %get3A_938 : vector<1x16xf32> to vector<16xf32>
        %gt3A_940 = arith.constant 0.000000e+00 : f32
        %gt3A_941 = vector.broadcast %gt3A_940 : f32 to vector<16xf32>
        %gt3A_942 = arith.cmpf ogt, %get3A_939, %gt3A_941 : vector<16xf32>
        %jit3A_943 = arith.constant 0xFF800000 : f32
        %broadcast_in_dim3A_944 = vector.broadcast %jit3A_943 : f32 to vector<16xf32>
        %select_n3A_945 = arith.select %gt3A_942, %get3A_931, %broadcast_in_dim3A_944 : vector<16xi1>, vector<16xf32>
        %max3A_946 = arith.maximumf %max3A_762, %select_n3A_945 : vector<16xf32>
        %mul3A_947 = arith.constant 8 : i32
        %mul3A_948 = arith.muli %scan3A_138, %mul3A_947 : i32
        %add3A_949 = arith.constant 4 : i32
        %add3A_950 = arith.addi %mul3A_948, %add3A_949 : i32
        %get3A_951 = arith.index_cast %add3A_950 : i32 to index
        %get3A_952 = arith.constant 48 : index
        %get3A_953 = tpu.vector_load %arg5[%get3A_951, %get3A_952] {strides = array<i32>} : memref<200x128xf32, #tpu.memory_space<vmem>>, vector<1x16xf32>,
        %get3A_954 = vector.shape_cast %get3A_953 : vector<1x16xf32> to vector<16xf32>
        %mul3A_955 = arith.constant 8 : i32
        %mul3A_956 = arith.muli %scan3A_138, %mul3A_955 : i32
        %add3A_957 = arith.constant 4 : i32
        %add3A_958 = arith.addi %mul3A_956, %add3A_957 : i32
        %get3A_959 = arith.index_cast %add3A_958 : i32 to index
        %get3A_960 = arith.constant 48 : index
        %get3A_961 = tpu.vector_load %arg7[%get3A_959, %get3A_960] {strides = array<i32>} : memref<200x128xf32, #tpu.memory_space<vmem>>, vector<1x16xf32>,
        %get3A_962 = vector.shape_cast %get3A_961 : vector<1x16xf32> to vector<16xf32>
        %gt3A_963 = arith.constant 0.000000e+00 : f32
        %gt3A_964 = vector.broadcast %gt3A_963 : f32 to vector<16xf32>
        %gt3A_965 = arith.cmpf ogt, %get3A_962, %gt3A_964 : vector<16xf32>
        %jit3A_966 = arith.constant 0xFF800000 : f32
        %broadcast_in_dim3A_967 = vector.broadcast %jit3A_966 : f32 to vector<16xf32>
        %select_n3A_968 = arith.select %gt3A_965, %get3A_954, %broadcast_in_dim3A_967 : vector<16xi1>, vector<16xf32>
        %max3A_969 = arith.maximumf %max3A_785, %select_n3A_968 : vector<16xf32>
        %mul3A_970 = arith.constant 8 : i32
        %mul3A_971 = arith.muli %scan3A_138, %mul3A_970 : i32
        %add3A_972 = arith.constant 4 : i32
        %add3A_973 = arith.addi %mul3A_971, %add3A_972 : i32
        %get3A_974 = arith.index_cast %add3A_973 : i32 to index
        %get3A_975 = arith.constant 64 : index
        %get3A_976 = tpu.vector_load %arg5[%get3A_974, %get3A_975] {strides = array<i32>} : memref<200x128xf32, #tpu.memory_space<vmem>>, vector<1x16xf32>,
        %get3A_977 = vector.shape_cast %get3A_976 : vector<1x16xf32> to vector<16xf32>
        %mul3A_978 = arith.constant 8 : i32
        %mul3A_979 = arith.muli %scan3A_138, %mul3A_978 : i32
        %add3A_980 = arith.constant 4 : i32
        %add3A_981 = arith.addi %mul3A_979, %add3A_980 : i32
        %get3A_982 = arith.index_cast %add3A_981 : i32 to index
        %get3A_983 = arith.constant 64 : index
        %get3A_984 = tpu.vector_load %arg7[%get3A_982, %get3A_983] {strides = array<i32>} : memref<200x128xf32, #tpu.memory_space<vmem>>, vector<1x16xf32>,
        %get3A_985 = vector.shape_cast %get3A_984 : vector<1x16xf32> to vector<16xf32>
        %gt3A_986 = arith.constant 0.000000e+00 : f32
        %gt3A_987 = vector.broadcast %gt3A_986 : f32 to vector<16xf32>
        %gt3A_988 = arith.cmpf ogt, %get3A_985, %gt3A_987 : vector<16xf32>
        %jit3A_989 = arith.constant 0xFF800000 : f32
        %broadcast_in_dim3A_990 = vector.broadcast %jit3A_989 : f32 to vector<16xf32>
        %select_n3A_991 = arith.select %gt3A_988, %get3A_977, %broadcast_in_dim3A_990 : vector<16xi1>, vector<16xf32>
        %max3A_992 = arith.maximumf %max3A_808, %select_n3A_991 : vector<16xf32>
        %mul3A_993 = arith.constant 8 : i32
        %mul3A_994 = arith.muli %scan3A_138, %mul3A_993 : i32
        %add3A_995 = arith.constant 4 : i32
        %add3A_996 = arith.addi %mul3A_994, %add3A_995 : i32
        %get3A_997 = arith.index_cast %add3A_996 : i32 to index
        %get3A_998 = arith.constant 80 : index
        %get3A_999 = tpu.vector_load %arg5[%get3A_997, %get3A_998] {strides = array<i32>} : memref<200x128xf32, #tpu.memory_space<vmem>>, vector<1x16xf32>,
        %get3A_1000 = vector.shape_cast %get3A_999 : vector<1x16xf32> to vector<16xf32>
        %mul3A_1001 = arith.constant 8 : i32
        %mul3A_1002 = arith.muli %scan3A_138, %mul3A_1001 : i32
        %add3A_1003 = arith.constant 4 : i32
        %add3A_1004 = arith.addi %mul3A_1002, %add3A_1003 : i32
        %get3A_1005 = arith.index_cast %add3A_1004 : i32 to index
        %get3A_1006 = arith.constant 80 : index
        %get3A_1007 = tpu.vector_load %arg7[%get3A_1005, %get3A_1006] {strides = array<i32>} : memref<200x128xf32, #tpu.memory_space<vmem>>, vector<1x16xf32>,
        %get3A_1008 = vector.shape_cast %get3A_1007 : vector<1x16xf32> to vector<16xf32>
        %gt3A_1009 = arith.constant 0.000000e+00 : f32
        %gt3A_1010 = vector.broadcast %gt3A_1009 : f32 to vector<16xf32>
        %gt3A_1011 = arith.cmpf ogt, %get3A_1008, %gt3A_1010 : vector<16xf32>
        %jit3A_1012 = arith.constant 0xFF800000 : f32
        %broadcast_in_dim3A_1013 = vector.broadcast %jit3A_1012 : f32 to vector<16xf32>
        %select_n3A_1014 = arith.select %gt3A_1011, %get3A_1000, %broadcast_in_dim3A_1013 : vector<16xi1>, vector<16xf32>
        %max3A_1015 = arith.maximumf %max3A_831, %select_n3A_1014 : vector<16xf32>
        %mul3A_1016 = arith.constant 8 : i32
        %mul3A_1017 = arith.muli %scan3A_138, %mul3A_1016 : i32
        %add3A_1018 = arith.constant 4 : i32
        %add3A_1019 = arith.addi %mul3A_1017, %add3A_1018 : i32
        %get3A_1020 = arith.index_cast %add3A_1019 : i32 to index
        %get3A_1021 = arith.constant 96 : index
        %get3A_1022 = tpu.vector_load %arg5[%get3A_1020, %get3A_1021] {strides = array<i32>} : memref<200x128xf32, #tpu.memory_space<vmem>>, vector<1x16xf32>,
        %get3A_1023 = vector.shape_cast %get3A_1022 : vector<1x16xf32> to vector<16xf32>
        %mul3A_1024 = arith.constant 8 : i32
        %mul3A_1025 = arith.muli %scan3A_138, %mul3A_1024 : i32
        %add3A_1026 = arith.constant 4 : i32
        %add3A_1027 = arith.addi %mul3A_1025, %add3A_1026 : i32
        %get3A_1028 = arith.index_cast %add3A_1027 : i32 to index
        %get3A_1029 = arith.constant 96 : index
        %get3A_1030 = tpu.vector_load %arg7[%get3A_1028, %get3A_1029] {strides = array<i32>} : memref<200x128xf32, #tpu.memory_space<vmem>>, vector<1x16xf32>,
        %get3A_1031 = vector.shape_cast %get3A_1030 : vector<1x16xf32> to vector<16xf32>
        %gt3A_1032 = arith.constant 0.000000e+00 : f32
        %gt3A_1033 = vector.broadcast %gt3A_1032 : f32 to vector<16xf32>
        %gt3A_1034 = arith.cmpf ogt, %get3A_1031, %gt3A_1033 : vector<16xf32>
        %jit3A_1035 = arith.constant 0xFF800000 : f32
        %broadcast_in_dim3A_1036 = vector.broadcast %jit3A_1035 : f32 to vector<16xf32>
        %select_n3A_1037 = arith.select %gt3A_1034, %get3A_1023, %broadcast_in_dim3A_1036 : vector<16xi1>, vector<16xf32>
        %max3A_1038 = arith.maximumf %max3A_854, %select_n3A_1037 : vector<16xf32>
        %mul3A_1039 = arith.constant 8 : i32
        %mul3A_1040 = arith.muli %scan3A_138, %mul3A_1039 : i32
        %add3A_1041 = arith.constant 4 : i32
        %add3A_1042 = arith.addi %mul3A_1040, %add3A_1041 : i32
        %get3A_1043 = arith.index_cast %add3A_1042 : i32 to index
        %get3A_1044 = arith.constant 112 : index
        %get3A_1045 = tpu.vector_load %arg5[%get3A_1043, %get3A_1044] {strides = array<i32>} : memref<200x128xf32, #tpu.memory_space<vmem>>, vector<1x16xf32>,
        %get3A_1046 = vector.shape_cast %get3A_1045 : vector<1x16xf32> to vector<16xf32>
        %mul3A_1047 = arith.constant 8 : i32
        %mul3A_1048 = arith.muli %scan3A_138, %mul3A_1047 : i32
        %add3A_1049 = arith.constant 4 : i32
        %add3A_1050 = arith.addi %mul3A_1048, %add3A_1049 : i32
        %get3A_1051 = arith.index_cast %add3A_1050 : i32 to index
        %get3A_1052 = arith.constant 112 : index
        %get3A_1053 = tpu.vector_load %arg7[%get3A_1051, %get3A_1052] {strides = array<i32>} : memref<200x128xf32, #tpu.memory_space<vmem>>, vector<1x16xf32>,
        %get3A_1054 = vector.shape_cast %get3A_1053 : vector<1x16xf32> to vector<16xf32>
        %gt3A_1055 = arith.constant 0.000000e+00 : f32
        %gt3A_1056 = vector.broadcast %gt3A_1055 : f32 to vector<16xf32>
        %gt3A_1057 = arith.cmpf ogt, %get3A_1054, %gt3A_1056 : vector<16xf32>
        %jit3A_1058 = arith.constant 0xFF800000 : f32
        %broadcast_in_dim3A_1059 = vector.broadcast %jit3A_1058 : f32 to vector<16xf32>
        %select_n3A_1060 = arith.select %gt3A_1057, %get3A_1046, %broadcast_in_dim3A_1059 : vector<16xi1>, vector<16xf32>
        %max3A_1061 = arith.maximumf %max3A_877, %select_n3A_1060 : vector<16xf32>
        %mul3A_1062 = arith.constant 8 : i32
        %mul3A_1063 = arith.muli %scan3A_138, %mul3A_1062 : i32
        %add3A_1064 = arith.constant 5 : i32
        %add3A_1065 = arith.addi %mul3A_1063, %add3A_1064 : i32
        %get3A_1066 = arith.index_cast %add3A_1065 : i32 to index
        %get3A_1067 = arith.constant 0 : index
        %get3A_1068 = tpu.vector_load %arg5[%get3A_1066, %get3A_1067] {strides = array<i32>} : memref<200x128xf32, #tpu.memory_space<vmem>>, vector<1x16xf32>,
        %get3A_1069 = vector.shape_cast %get3A_1068 : vector<1x16xf32> to vector<16xf32>
        %mul3A_1070 = arith.constant 8 : i32
        %mul3A_1071 = arith.muli %scan3A_138, %mul3A_1070 : i32
        %add3A_1072 = arith.constant 5 : i32
        %add3A_1073 = arith.addi %mul3A_1071, %add3A_1072 : i32
        %get3A_1074 = arith.index_cast %add3A_1073 : i32 to index
        %get3A_1075 = arith.constant 0 : index
        %get3A_1076 = tpu.vector_load %arg7[%get3A_1074, %get3A_1075] {strides = array<i32>} : memref<200x128xf32, #tpu.memory_space<vmem>>, vector<1x16xf32>,
        %get3A_1077 = vector.shape_cast %get3A_1076 : vector<1x16xf32> to vector<16xf32>
        %gt3A_1078 = arith.constant 0.000000e+00 : f32
        %gt3A_1079 = vector.broadcast %gt3A_1078 : f32 to vector<16xf32>
        %gt3A_1080 = arith.cmpf ogt, %get3A_1077, %gt3A_1079 : vector<16xf32>
        %jit3A_1081 = arith.constant 0xFF800000 : f32
        %broadcast_in_dim3A_1082 = vector.broadcast %jit3A_1081 : f32 to vector<16xf32>
        %select_n3A_1083 = arith.select %gt3A_1080, %get3A_1069, %broadcast_in_dim3A_1082 : vector<16xi1>, vector<16xf32>
        %max3A_1084 = arith.maximumf %max3A_900, %select_n3A_1083 : vector<16xf32>
        %mul3A_1085 = arith.constant 8 : i32
        %mul3A_1086 = arith.muli %scan3A_138, %mul3A_1085 : i32
        %add3A_1087 = arith.constant 5 : i32
        %add3A_1088 = arith.addi %mul3A_1086, %add3A_1087 : i32
        %get3A_1089 = arith.index_cast %add3A_1088 : i32 to index
        %get3A_1090 = arith.constant 16 : index
        %get3A_1091 = tpu.vector_load %arg5[%get3A_1089, %get3A_1090] {strides = array<i32>} : memref<200x128xf32, #tpu.memory_space<vmem>>, vector<1x16xf32>,
        %get3A_1092 = vector.shape_cast %get3A_1091 : vector<1x16xf32> to vector<16xf32>
        %mul3A_1093 = arith.constant 8 : i32
        %mul3A_1094 = arith.muli %scan3A_138, %mul3A_1093 : i32
        %add3A_1095 = arith.constant 5 : i32
        %add3A_1096 = arith.addi %mul3A_1094, %add3A_1095 : i32
        %get3A_1097 = arith.index_cast %add3A_1096 : i32 to index
        %get3A_1098 = arith.constant 16 : index
        %get3A_1099 = tpu.vector_load %arg7[%get3A_1097, %get3A_1098] {strides = array<i32>} : memref<200x128xf32, #tpu.memory_space<vmem>>, vector<1x16xf32>,
        %get3A_1100 = vector.shape_cast %get3A_1099 : vector<1x16xf32> to vector<16xf32>
        %gt3A_1101 = arith.constant 0.000000e+00 : f32
        %gt3A_1102 = vector.broadcast %gt3A_1101 : f32 to vector<16xf32>
        %gt3A_1103 = arith.cmpf ogt, %get3A_1100, %gt3A_1102 : vector<16xf32>
        %jit3A_1104 = arith.constant 0xFF800000 : f32
        %broadcast_in_dim3A_1105 = vector.broadcast %jit3A_1104 : f32 to vector<16xf32>
        %select_n3A_1106 = arith.select %gt3A_1103, %get3A_1092, %broadcast_in_dim3A_1105 : vector<16xi1>, vector<16xf32>
        %max3A_1107 = arith.maximumf %max3A_923, %select_n3A_1106 : vector<16xf32>
        %mul3A_1108 = arith.constant 8 : i32
        %mul3A_1109 = arith.muli %scan3A_138, %mul3A_1108 : i32
        %add3A_1110 = arith.constant 5 : i32
        %add3A_1111 = arith.addi %mul3A_1109, %add3A_1110 : i32
        %get3A_1112 = arith.index_cast %add3A_1111 : i32 to index
        %get3A_1113 = arith.constant 32 : index
        %get3A_1114 = tpu.vector_load %arg5[%get3A_1112, %get3A_1113] {strides = array<i32>} : memref<200x128xf32, #tpu.memory_space<vmem>>, vector<1x16xf32>,
        %get3A_1115 = vector.shape_cast %get3A_1114 : vector<1x16xf32> to vector<16xf32>
        %mul3A_1116 = arith.constant 8 : i32
        %mul3A_1117 = arith.muli %scan3A_138, %mul3A_1116 : i32
        %add3A_1118 = arith.constant 5 : i32
        %add3A_1119 = arith.addi %mul3A_1117, %add3A_1118 : i32
        %get3A_1120 = arith.index_cast %add3A_1119 : i32 to index
        %get3A_1121 = arith.constant 32 : index
        %get3A_1122 = tpu.vector_load %arg7[%get3A_1120, %get3A_1121] {strides = array<i32>} : memref<200x128xf32, #tpu.memory_space<vmem>>, vector<1x16xf32>,
        %get3A_1123 = vector.shape_cast %get3A_1122 : vector<1x16xf32> to vector<16xf32>
        %gt3A_1124 = arith.constant 0.000000e+00 : f32
        %gt3A_1125 = vector.broadcast %gt3A_1124 : f32 to vector<16xf32>
        %gt3A_1126 = arith.cmpf ogt, %get3A_1123, %gt3A_1125 : vector<16xf32>
        %jit3A_1127 = arith.constant 0xFF800000 : f32
        %broadcast_in_dim3A_1128 = vector.broadcast %jit3A_1127 : f32 to vector<16xf32>
        %select_n3A_1129 = arith.select %gt3A_1126, %get3A_1115, %broadcast_in_dim3A_1128 : vector<16xi1>, vector<16xf32>
        %max3A_1130 = arith.maximumf %max3A_946, %select_n3A_1129 : vector<16xf32>
        %mul3A_1131 = arith.constant 8 : i32
        %mul3A_1132 = arith.muli %scan3A_138, %mul3A_1131 : i32
        %add3A_1133 = arith.constant 5 : i32
        %add3A_1134 = arith.addi %mul3A_1132, %add3A_1133 : i32
        %get3A_1135 = arith.index_cast %add3A_1134 : i32 to index
        %get3A_1136 = arith.constant 48 : index
        %get3A_1137 = tpu.vector_load %arg5[%get3A_1135, %get3A_1136] {strides = array<i32>} : memref<200x128xf32, #tpu.memory_space<vmem>>, vector<1x16xf32>,
        %get3A_1138 = vector.shape_cast %get3A_1137 : vector<1x16xf32> to vector<16xf32>
        %mul3A_1139 = arith.constant 8 : i32
        %mul3A_1140 = arith.muli %scan3A_138, %mul3A_1139 : i32
        %add3A_1141 = arith.constant 5 : i32
        %add3A_1142 = arith.addi %mul3A_1140, %add3A_1141 : i32
        %get3A_1143 = arith.index_cast %add3A_1142 : i32 to index
        %get3A_1144 = arith.constant 48 : index
        %get3A_1145 = tpu.vector_load %arg7[%get3A_1143, %get3A_1144] {strides = array<i32>} : memref<200x128xf32, #tpu.memory_space<vmem>>, vector<1x16xf32>,
        %get3A_1146 = vector.shape_cast %get3A_1145 : vector<1x16xf32> to vector<16xf32>
        %gt3A_1147 = arith.constant 0.000000e+00 : f32
        %gt3A_1148 = vector.broadcast %gt3A_1147 : f32 to vector<16xf32>
        %gt3A_1149 = arith.cmpf ogt, %get3A_1146, %gt3A_1148 : vector<16xf32>
        %jit3A_1150 = arith.constant 0xFF800000 : f32
        %broadcast_in_dim3A_1151 = vector.broadcast %jit3A_1150 : f32 to vector<16xf32>
        %select_n3A_1152 = arith.select %gt3A_1149, %get3A_1138, %broadcast_in_dim3A_1151 : vector<16xi1>, vector<16xf32>
        %max3A_1153 = arith.maximumf %max3A_969, %select_n3A_1152 : vector<16xf32>
        %mul3A_1154 = arith.constant 8 : i32
        %mul3A_1155 = arith.muli %scan3A_138, %mul3A_1154 : i32
        %add3A_1156 = arith.constant 5 : i32
        %add3A_1157 = arith.addi %mul3A_1155, %add3A_1156 : i32
        %get3A_1158 = arith.index_cast %add3A_1157 : i32 to index
        %get3A_1159 = arith.constant 64 : index
        %get3A_1160 = tpu.vector_load %arg5[%get3A_1158, %get3A_1159] {strides = array<i32>} : memref<200x128xf32, #tpu.memory_space<vmem>>, vector<1x16xf32>,
        %get3A_1161 = vector.shape_cast %get3A_1160 : vector<1x16xf32> to vector<16xf32>
        %mul3A_1162 = arith.constant 8 : i32
        %mul3A_1163 = arith.muli %scan3A_138, %mul3A_1162 : i32
        %add3A_1164 = arith.constant 5 : i32
        %add3A_1165 = arith.addi %mul3A_1163, %add3A_1164 : i32
        %get3A_1166 = arith.index_cast %add3A_1165 : i32 to index
        %get3A_1167 = arith.constant 64 : index
        %get3A_1168 = tpu.vector_load %arg7[%get3A_1166, %get3A_1167] {strides = array<i32>} : memref<200x128xf32, #tpu.memory_space<vmem>>, vector<1x16xf32>,
        %get3A_1169 = vector.shape_cast %get3A_1168 : vector<1x16xf32> to vector<16xf32>
        %gt3A_1170 = arith.constant 0.000000e+00 : f32
        %gt3A_1171 = vector.broadcast %gt3A_1170 : f32 to vector<16xf32>
        %gt3A_1172 = arith.cmpf ogt, %get3A_1169, %gt3A_1171 : vector<16xf32>
        %jit3A_1173 = arith.constant 0xFF800000 : f32
        %broadcast_in_dim3A_1174 = vector.broadcast %jit3A_1173 : f32 to vector<16xf32>
        %select_n3A_1175 = arith.select %gt3A_1172, %get3A_1161, %broadcast_in_dim3A_1174 : vector<16xi1>, vector<16xf32>
        %max3A_1176 = arith.maximumf %max3A_992, %select_n3A_1175 : vector<16xf32>
        %mul3A_1177 = arith.constant 8 : i32
        %mul3A_1178 = arith.muli %scan3A_138, %mul3A_1177 : i32
        %add3A_1179 = arith.constant 5 : i32
        %add3A_1180 = arith.addi %mul3A_1178, %add3A_1179 : i32
        %get3A_1181 = arith.index_cast %add3A_1180 : i32 to index
        %get3A_1182 = arith.constant 80 : index
        %get3A_1183 = tpu.vector_load %arg5[%get3A_1181, %get3A_1182] {strides = array<i32>} : memref<200x128xf32, #tpu.memory_space<vmem>>, vector<1x16xf32>,
        %get3A_1184 = vector.shape_cast %get3A_1183 : vector<1x16xf32> to vector<16xf32>
        %mul3A_1185 = arith.constant 8 : i32
        %mul3A_1186 = arith.muli %scan3A_138, %mul3A_1185 : i32
        %add3A_1187 = arith.constant 5 : i32
        %add3A_1188 = arith.addi %mul3A_1186, %add3A_1187 : i32
        %get3A_1189 = arith.index_cast %add3A_1188 : i32 to index
        %get3A_1190 = arith.constant 80 : index
        %get3A_1191 = tpu.vector_load %arg7[%get3A_1189, %get3A_1190] {strides = array<i32>} : memref<200x128xf32, #tpu.memory_space<vmem>>, vector<1x16xf32>,
        %get3A_1192 = vector.shape_cast %get3A_1191 : vector<1x16xf32> to vector<16xf32>
        %gt3A_1193 = arith.constant 0.000000e+00 : f32
        %gt3A_1194 = vector.broadcast %gt3A_1193 : f32 to vector<16xf32>
        %gt3A_1195 = arith.cmpf ogt, %get3A_1192, %gt3A_1194 : vector<16xf32>
        %jit3A_1196 = arith.constant 0xFF800000 : f32
        %broadcast_in_dim3A_1197 = vector.broadcast %jit3A_1196 : f32 to vector<16xf32>
        %select_n3A_1198 = arith.select %gt3A_1195, %get3A_1184, %broadcast_in_dim3A_1197 : vector<16xi1>, vector<16xf32>
        %max3A_1199 = arith.maximumf %max3A_1015, %select_n3A_1198 : vector<16xf32>
        %mul3A_1200 = arith.constant 8 : i32
        %mul3A_1201 = arith.muli %scan3A_138, %mul3A_1200 : i32
        %add3A_1202 = arith.constant 5 : i32
        %add3A_1203 = arith.addi %mul3A_1201, %add3A_1202 : i32
        %get3A_1204 = arith.index_cast %add3A_1203 : i32 to index
        %get3A_1205 = arith.constant 96 : index
        %get3A_1206 = tpu.vector_load %arg5[%get3A_1204, %get3A_1205] {strides = array<i32>} : memref<200x128xf32, #tpu.memory_space<vmem>>, vector<1x16xf32>,
        %get3A_1207 = vector.shape_cast %get3A_1206 : vector<1x16xf32> to vector<16xf32>
        %mul3A_1208 = arith.constant 8 : i32
        %mul3A_1209 = arith.muli %scan3A_138, %mul3A_1208 : i32
        %add3A_1210 = arith.constant 5 : i32
        %add3A_1211 = arith.addi %mul3A_1209, %add3A_1210 : i32
        %get3A_1212 = arith.index_cast %add3A_1211 : i32 to index
        %get3A_1213 = arith.constant 96 : index
        %get3A_1214 = tpu.vector_load %arg7[%get3A_1212, %get3A_1213] {strides = array<i32>} : memref<200x128xf32, #tpu.memory_space<vmem>>, vector<1x16xf32>,
        %get3A_1215 = vector.shape_cast %get3A_1214 : vector<1x16xf32> to vector<16xf32>
        %gt3A_1216 = arith.constant 0.000000e+00 : f32
        %gt3A_1217 = vector.broadcast %gt3A_1216 : f32 to vector<16xf32>
        %gt3A_1218 = arith.cmpf ogt, %get3A_1215, %gt3A_1217 : vector<16xf32>
        %jit3A_1219 = arith.constant 0xFF800000 : f32
        %broadcast_in_dim3A_1220 = vector.broadcast %jit3A_1219 : f32 to vector<16xf32>
        %select_n3A_1221 = arith.select %gt3A_1218, %get3A_1207, %broadcast_in_dim3A_1220 : vector<16xi1>, vector<16xf32>
        %max3A_1222 = arith.maximumf %max3A_1038, %select_n3A_1221 : vector<16xf32>
        %mul3A_1223 = arith.constant 8 : i32
        %mul3A_1224 = arith.muli %scan3A_138, %mul3A_1223 : i32
        %add3A_1225 = arith.constant 5 : i32
        %add3A_1226 = arith.addi %mul3A_1224, %add3A_1225 : i32
        %get3A_1227 = arith.index_cast %add3A_1226 : i32 to index
        %get3A_1228 = arith.constant 112 : index
        %get3A_1229 = tpu.vector_load %arg5[%get3A_1227, %get3A_1228] {strides = array<i32>} : memref<200x128xf32, #tpu.memory_space<vmem>>, vector<1x16xf32>,
        %get3A_1230 = vector.shape_cast %get3A_1229 : vector<1x16xf32> to vector<16xf32>
        %mul3A_1231 = arith.constant 8 : i32
        %mul3A_1232 = arith.muli %scan3A_138, %mul3A_1231 : i32
        %add3A_1233 = arith.constant 5 : i32
        %add3A_1234 = arith.addi %mul3A_1232, %add3A_1233 : i32
        %get3A_1235 = arith.index_cast %add3A_1234 : i32 to index
        %get3A_1236 = arith.constant 112 : index
        %get3A_1237 = tpu.vector_load %arg7[%get3A_1235, %get3A_1236] {strides = array<i32>} : memref<200x128xf32, #tpu.memory_space<vmem>>, vector<1x16xf32>,
        %get3A_1238 = vector.shape_cast %get3A_1237 : vector<1x16xf32> to vector<16xf32>
        %gt3A_1239 = arith.constant 0.000000e+00 : f32
        %gt3A_1240 = vector.broadcast %gt3A_1239 : f32 to vector<16xf32>
        %gt3A_1241 = arith.cmpf ogt, %get3A_1238, %gt3A_1240 : vector<16xf32>
        %jit3A_1242 = arith.constant 0xFF800000 : f32
        %broadcast_in_dim3A_1243 = vector.broadcast %jit3A_1242 : f32 to vector<16xf32>
        %select_n3A_1244 = arith.select %gt3A_1241, %get3A_1230, %broadcast_in_dim3A_1243 : vector<16xi1>, vector<16xf32>
        %max3A_1245 = arith.maximumf %max3A_1061, %select_n3A_1244 : vector<16xf32>
        %mul3A_1246 = arith.constant 8 : i32
        %mul3A_1247 = arith.muli %scan3A_138, %mul3A_1246 : i32
        %add3A_1248 = arith.constant 6 : i32
        %add3A_1249 = arith.addi %mul3A_1247, %add3A_1248 : i32
        %get3A_1250 = arith.index_cast %add3A_1249 : i32 to index
        %get3A_1251 = arith.constant 0 : index
        %get3A_1252 = tpu.vector_load %arg5[%get3A_1250, %get3A_1251] {strides = array<i32>} : memref<200x128xf32, #tpu.memory_space<vmem>>, vector<1x16xf32>,
        %get3A_1253 = vector.shape_cast %get3A_1252 : vector<1x16xf32> to vector<16xf32>
        %mul3A_1254 = arith.constant 8 : i32
        %mul3A_1255 = arith.muli %scan3A_138, %mul3A_1254 : i32
        %add3A_1256 = arith.constant 6 : i32
        %add3A_1257 = arith.addi %mul3A_1255, %add3A_1256 : i32
        %get3A_1258 = arith.index_cast %add3A_1257 : i32 to index
        %get3A_1259 = arith.constant 0 : index
        %get3A_1260 = tpu.vector_load %arg7[%get3A_1258, %get3A_1259] {strides = array<i32>} : memref<200x128xf32, #tpu.memory_space<vmem>>, vector<1x16xf32>,
        %get3A_1261 = vector.shape_cast %get3A_1260 : vector<1x16xf32> to vector<16xf32>
        %gt3A_1262 = arith.constant 0.000000e+00 : f32
        %gt3A_1263 = vector.broadcast %gt3A_1262 : f32 to vector<16xf32>
        %gt3A_1264 = arith.cmpf ogt, %get3A_1261, %gt3A_1263 : vector<16xf32>
        %jit3A_1265 = arith.constant 0xFF800000 : f32
        %broadcast_in_dim3A_1266 = vector.broadcast %jit3A_1265 : f32 to vector<16xf32>
        %select_n3A_1267 = arith.select %gt3A_1264, %get3A_1253, %broadcast_in_dim3A_1266 : vector<16xi1>, vector<16xf32>
        %max3A_1268 = arith.maximumf %max3A_1084, %select_n3A_1267 : vector<16xf32>
        %mul3A_1269 = arith.constant 8 : i32
        %mul3A_1270 = arith.muli %scan3A_138, %mul3A_1269 : i32
        %add3A_1271 = arith.constant 6 : i32
        %add3A_1272 = arith.addi %mul3A_1270, %add3A_1271 : i32
        %get3A_1273 = arith.index_cast %add3A_1272 : i32 to index
        %get3A_1274 = arith.constant 16 : index
        %get3A_1275 = tpu.vector_load %arg5[%get3A_1273, %get3A_1274] {strides = array<i32>} : memref<200x128xf32, #tpu.memory_space<vmem>>, vector<1x16xf32>,
        %get3A_1276 = vector.shape_cast %get3A_1275 : vector<1x16xf32> to vector<16xf32>
        %mul3A_1277 = arith.constant 8 : i32
        %mul3A_1278 = arith.muli %scan3A_138, %mul3A_1277 : i32
        %add3A_1279 = arith.constant 6 : i32
        %add3A_1280 = arith.addi %mul3A_1278, %add3A_1279 : i32
        %get3A_1281 = arith.index_cast %add3A_1280 : i32 to index
        %get3A_1282 = arith.constant 16 : index
        %get3A_1283 = tpu.vector_load %arg7[%get3A_1281, %get3A_1282] {strides = array<i32>} : memref<200x128xf32, #tpu.memory_space<vmem>>, vector<1x16xf32>,
        %get3A_1284 = vector.shape_cast %get3A_1283 : vector<1x16xf32> to vector<16xf32>
        %gt3A_1285 = arith.constant 0.000000e+00 : f32
        %gt3A_1286 = vector.broadcast %gt3A_1285 : f32 to vector<16xf32>
        %gt3A_1287 = arith.cmpf ogt, %get3A_1284, %gt3A_1286 : vector<16xf32>
        %jit3A_1288 = arith.constant 0xFF800000 : f32
        %broadcast_in_dim3A_1289 = vector.broadcast %jit3A_1288 : f32 to vector<16xf32>
        %select_n3A_1290 = arith.select %gt3A_1287, %get3A_1276, %broadcast_in_dim3A_1289 : vector<16xi1>, vector<16xf32>
        %max3A_1291 = arith.maximumf %max3A_1107, %select_n3A_1290 : vector<16xf32>
        %mul3A_1292 = arith.constant 8 : i32
        %mul3A_1293 = arith.muli %scan3A_138, %mul3A_1292 : i32
        %add3A_1294 = arith.constant 6 : i32
        %add3A_1295 = arith.addi %mul3A_1293, %add3A_1294 : i32
        %get3A_1296 = arith.index_cast %add3A_1295 : i32 to index
        %get3A_1297 = arith.constant 32 : index
        %get3A_1298 = tpu.vector_load %arg5[%get3A_1296, %get3A_1297] {strides = array<i32>} : memref<200x128xf32, #tpu.memory_space<vmem>>, vector<1x16xf32>,
        %get3A_1299 = vector.shape_cast %get3A_1298 : vector<1x16xf32> to vector<16xf32>
        %mul3A_1300 = arith.constant 8 : i32
        %mul3A_1301 = arith.muli %scan3A_138, %mul3A_1300 : i32
        %add3A_1302 = arith.constant 6 : i32
        %add3A_1303 = arith.addi %mul3A_1301, %add3A_1302 : i32
        %get3A_1304 = arith.index_cast %add3A_1303 : i32 to index
        %get3A_1305 = arith.constant 32 : index
        %get3A_1306 = tpu.vector_load %arg7[%get3A_1304, %get3A_1305] {strides = array<i32>} : memref<200x128xf32, #tpu.memory_space<vmem>>, vector<1x16xf32>,
        %get3A_1307 = vector.shape_cast %get3A_1306 : vector<1x16xf32> to vector<16xf32>
        %gt3A_1308 = arith.constant 0.000000e+00 : f32
        %gt3A_1309 = vector.broadcast %gt3A_1308 : f32 to vector<16xf32>
        %gt3A_1310 = arith.cmpf ogt, %get3A_1307, %gt3A_1309 : vector<16xf32>
        %jit3A_1311 = arith.constant 0xFF800000 : f32
        %broadcast_in_dim3A_1312 = vector.broadcast %jit3A_1311 : f32 to vector<16xf32>
        %select_n3A_1313 = arith.select %gt3A_1310, %get3A_1299, %broadcast_in_dim3A_1312 : vector<16xi1>, vector<16xf32>
        %max3A_1314 = arith.maximumf %max3A_1130, %select_n3A_1313 : vector<16xf32>
        %mul3A_1315 = arith.constant 8 : i32
        %mul3A_1316 = arith.muli %scan3A_138, %mul3A_1315 : i32
        %add3A_1317 = arith.constant 6 : i32
        %add3A_1318 = arith.addi %mul3A_1316, %add3A_1317 : i32
        %get3A_1319 = arith.index_cast %add3A_1318 : i32 to index
        %get3A_1320 = arith.constant 48 : index
        %get3A_1321 = tpu.vector_load %arg5[%get3A_1319, %get3A_1320] {strides = array<i32>} : memref<200x128xf32, #tpu.memory_space<vmem>>, vector<1x16xf32>,
        %get3A_1322 = vector.shape_cast %get3A_1321 : vector<1x16xf32> to vector<16xf32>
        %mul3A_1323 = arith.constant 8 : i32
        %mul3A_1324 = arith.muli %scan3A_138, %mul3A_1323 : i32
        %add3A_1325 = arith.constant 6 : i32
        %add3A_1326 = arith.addi %mul3A_1324, %add3A_1325 : i32
        %get3A_1327 = arith.index_cast %add3A_1326 : i32 to index
        %get3A_1328 = arith.constant 48 : index
        %get3A_1329 = tpu.vector_load %arg7[%get3A_1327, %get3A_1328] {strides = array<i32>} : memref<200x128xf32, #tpu.memory_space<vmem>>, vector<1x16xf32>,
        %get3A_1330 = vector.shape_cast %get3A_1329 : vector<1x16xf32> to vector<16xf32>
        %gt3A_1331 = arith.constant 0.000000e+00 : f32
        %gt3A_1332 = vector.broadcast %gt3A_1331 : f32 to vector<16xf32>
        %gt3A_1333 = arith.cmpf ogt, %get3A_1330, %gt3A_1332 : vector<16xf32>
        %jit3A_1334 = arith.constant 0xFF800000 : f32
        %broadcast_in_dim3A_1335 = vector.broadcast %jit3A_1334 : f32 to vector<16xf32>
        %select_n3A_1336 = arith.select %gt3A_1333, %get3A_1322, %broadcast_in_dim3A_1335 : vector<16xi1>, vector<16xf32>
        %max3A_1337 = arith.maximumf %max3A_1153, %select_n3A_1336 : vector<16xf32>
        %mul3A_1338 = arith.constant 8 : i32
        %mul3A_1339 = arith.muli %scan3A_138, %mul3A_1338 : i32
        %add3A_1340 = arith.constant 6 : i32
        %add3A_1341 = arith.addi %mul3A_1339, %add3A_1340 : i32
        %get3A_1342 = arith.index_cast %add3A_1341 : i32 to index
        %get3A_1343 = arith.constant 64 : index
        %get3A_1344 = tpu.vector_load %arg5[%get3A_1342, %get3A_1343] {strides = array<i32>} : memref<200x128xf32, #tpu.memory_space<vmem>>, vector<1x16xf32>,
        %get3A_1345 = vector.shape_cast %get3A_1344 : vector<1x16xf32> to vector<16xf32>
        %mul3A_1346 = arith.constant 8 : i32
        %mul3A_1347 = arith.muli %scan3A_138, %mul3A_1346 : i32
        %add3A_1348 = arith.constant 6 : i32
        %add3A_1349 = arith.addi %mul3A_1347, %add3A_1348 : i32
        %get3A_1350 = arith.index_cast %add3A_1349 : i32 to index
        %get3A_1351 = arith.constant 64 : index
        %get3A_1352 = tpu.vector_load %arg7[%get3A_1350, %get3A_1351] {strides = array<i32>} : memref<200x128xf32, #tpu.memory_space<vmem>>, vector<1x16xf32>,
        %get3A_1353 = vector.shape_cast %get3A_1352 : vector<1x16xf32> to vector<16xf32>
        %gt3A_1354 = arith.constant 0.000000e+00 : f32
        %gt3A_1355 = vector.broadcast %gt3A_1354 : f32 to vector<16xf32>
        %gt3A_1356 = arith.cmpf ogt, %get3A_1353, %gt3A_1355 : vector<16xf32>
        %jit3A_1357 = arith.constant 0xFF800000 : f32
        %broadcast_in_dim3A_1358 = vector.broadcast %jit3A_1357 : f32 to vector<16xf32>
        %select_n3A_1359 = arith.select %gt3A_1356, %get3A_1345, %broadcast_in_dim3A_1358 : vector<16xi1>, vector<16xf32>
        %max3A_1360 = arith.maximumf %max3A_1176, %select_n3A_1359 : vector<16xf32>
        %mul3A_1361 = arith.constant 8 : i32
        %mul3A_1362 = arith.muli %scan3A_138, %mul3A_1361 : i32
        %add3A_1363 = arith.constant 6 : i32
        %add3A_1364 = arith.addi %mul3A_1362, %add3A_1363 : i32
        %get3A_1365 = arith.index_cast %add3A_1364 : i32 to index
        %get3A_1366 = arith.constant 80 : index
        %get3A_1367 = tpu.vector_load %arg5[%get3A_1365, %get3A_1366] {strides = array<i32>} : memref<200x128xf32, #tpu.memory_space<vmem>>, vector<1x16xf32>,
        %get3A_1368 = vector.shape_cast %get3A_1367 : vector<1x16xf32> to vector<16xf32>
        %mul3A_1369 = arith.constant 8 : i32
        %mul3A_1370 = arith.muli %scan3A_138, %mul3A_1369 : i32
        %add3A_1371 = arith.constant 6 : i32
        %add3A_1372 = arith.addi %mul3A_1370, %add3A_1371 : i32
        %get3A_1373 = arith.index_cast %add3A_1372 : i32 to index
        %get3A_1374 = arith.constant 80 : index
        %get3A_1375 = tpu.vector_load %arg7[%get3A_1373, %get3A_1374] {strides = array<i32>} : memref<200x128xf32, #tpu.memory_space<vmem>>, vector<1x16xf32>,
        %get3A_1376 = vector.shape_cast %get3A_1375 : vector<1x16xf32> to vector<16xf32>
        %gt3A_1377 = arith.constant 0.000000e+00 : f32
        %gt3A_1378 = vector.broadcast %gt3A_1377 : f32 to vector<16xf32>
        %gt3A_1379 = arith.cmpf ogt, %get3A_1376, %gt3A_1378 : vector<16xf32>
        %jit3A_1380 = arith.constant 0xFF800000 : f32
        %broadcast_in_dim3A_1381 = vector.broadcast %jit3A_1380 : f32 to vector<16xf32>
        %select_n3A_1382 = arith.select %gt3A_1379, %get3A_1368, %broadcast_in_dim3A_1381 : vector<16xi1>, vector<16xf32>
        %max3A_1383 = arith.maximumf %max3A_1199, %select_n3A_1382 : vector<16xf32>
        %mul3A_1384 = arith.constant 8 : i32
        %mul3A_1385 = arith.muli %scan3A_138, %mul3A_1384 : i32
        %add3A_1386 = arith.constant 6 : i32
        %add3A_1387 = arith.addi %mul3A_1385, %add3A_1386 : i32
        %get3A_1388 = arith.index_cast %add3A_1387 : i32 to index
        %get3A_1389 = arith.constant 96 : index
        %get3A_1390 = tpu.vector_load %arg5[%get3A_1388, %get3A_1389] {strides = array<i32>} : memref<200x128xf32, #tpu.memory_space<vmem>>, vector<1x16xf32>,
        %get3A_1391 = vector.shape_cast %get3A_1390 : vector<1x16xf32> to vector<16xf32>
        %mul3A_1392 = arith.constant 8 : i32
        %mul3A_1393 = arith.muli %scan3A_138, %mul3A_1392 : i32
        %add3A_1394 = arith.constant 6 : i32
        %add3A_1395 = arith.addi %mul3A_1393, %add3A_1394 : i32
        %get3A_1396 = arith.index_cast %add3A_1395 : i32 to index
        %get3A_1397 = arith.constant 96 : index
        %get3A_1398 = tpu.vector_load %arg7[%get3A_1396, %get3A_1397] {strides = array<i32>} : memref<200x128xf32, #tpu.memory_space<vmem>>, vector<1x16xf32>,
        %get3A_1399 = vector.shape_cast %get3A_1398 : vector<1x16xf32> to vector<16xf32>
        %gt3A_1400 = arith.constant 0.000000e+00 : f32
        %gt3A_1401 = vector.broadcast %gt3A_1400 : f32 to vector<16xf32>
        %gt3A_1402 = arith.cmpf ogt, %get3A_1399, %gt3A_1401 : vector<16xf32>
        %jit3A_1403 = arith.constant 0xFF800000 : f32
        %broadcast_in_dim3A_1404 = vector.broadcast %jit3A_1403 : f32 to vector<16xf32>
        %select_n3A_1405 = arith.select %gt3A_1402, %get3A_1391, %broadcast_in_dim3A_1404 : vector<16xi1>, vector<16xf32>
        %max3A_1406 = arith.maximumf %max3A_1222, %select_n3A_1405 : vector<16xf32>
        %mul3A_1407 = arith.constant 8 : i32
        %mul3A_1408 = arith.muli %scan3A_138, %mul3A_1407 : i32
        %add3A_1409 = arith.constant 6 : i32
        %add3A_1410 = arith.addi %mul3A_1408, %add3A_1409 : i32
        %get3A_1411 = arith.index_cast %add3A_1410 : i32 to index
        %get3A_1412 = arith.constant 112 : index
        %get3A_1413 = tpu.vector_load %arg5[%get3A_1411, %get3A_1412] {strides = array<i32>} : memref<200x128xf32, #tpu.memory_space<vmem>>, vector<1x16xf32>,
        %get3A_1414 = vector.shape_cast %get3A_1413 : vector<1x16xf32> to vector<16xf32>
        %mul3A_1415 = arith.constant 8 : i32
        %mul3A_1416 = arith.muli %scan3A_138, %mul3A_1415 : i32
        %add3A_1417 = arith.constant 6 : i32
        %add3A_1418 = arith.addi %mul3A_1416, %add3A_1417 : i32
        %get3A_1419 = arith.index_cast %add3A_1418 : i32 to index
        %get3A_1420 = arith.constant 112 : index
        %get3A_1421 = tpu.vector_load %arg7[%get3A_1419, %get3A_1420] {strides = array<i32>} : memref<200x128xf32, #tpu.memory_space<vmem>>, vector<1x16xf32>,
        %get3A_1422 = vector.shape_cast %get3A_1421 : vector<1x16xf32> to vector<16xf32>
        %gt3A_1423 = arith.constant 0.000000e+00 : f32
        %gt3A_1424 = vector.broadcast %gt3A_1423 : f32 to vector<16xf32>
        %gt3A_1425 = arith.cmpf ogt, %get3A_1422, %gt3A_1424 : vector<16xf32>
        %jit3A_1426 = arith.constant 0xFF800000 : f32
        %broadcast_in_dim3A_1427 = vector.broadcast %jit3A_1426 : f32 to vector<16xf32>
        %select_n3A_1428 = arith.select %gt3A_1425, %get3A_1414, %broadcast_in_dim3A_1427 : vector<16xi1>, vector<16xf32>
        %max3A_1429 = arith.maximumf %max3A_1245, %select_n3A_1428 : vector<16xf32>
        %mul3A_1430 = arith.constant 8 : i32
        %mul3A_1431 = arith.muli %scan3A_138, %mul3A_1430 : i32
        %add3A_1432 = arith.constant 7 : i32
        %add3A_1433 = arith.addi %mul3A_1431, %add3A_1432 : i32
        %get3A_1434 = arith.index_cast %add3A_1433 : i32 to index
        %get3A_1435 = arith.constant 0 : index
        %get3A_1436 = tpu.vector_load %arg5[%get3A_1434, %get3A_1435] {strides = array<i32>} : memref<200x128xf32, #tpu.memory_space<vmem>>, vector<1x16xf32>,
        %get3A_1437 = vector.shape_cast %get3A_1436 : vector<1x16xf32> to vector<16xf32>
        %mul3A_1438 = arith.constant 8 : i32
        %mul3A_1439 = arith.muli %scan3A_138, %mul3A_1438 : i32
        %add3A_1440 = arith.constant 7 : i32
        %add3A_1441 = arith.addi %mul3A_1439, %add3A_1440 : i32
        %get3A_1442 = arith.index_cast %add3A_1441 : i32 to index
        %get3A_1443 = arith.constant 0 : index
        %get3A_1444 = tpu.vector_load %arg7[%get3A_1442, %get3A_1443] {strides = array<i32>} : memref<200x128xf32, #tpu.memory_space<vmem>>, vector<1x16xf32>,
        %get3A_1445 = vector.shape_cast %get3A_1444 : vector<1x16xf32> to vector<16xf32>
        %gt3A_1446 = arith.constant 0.000000e+00 : f32
        %gt3A_1447 = vector.broadcast %gt3A_1446 : f32 to vector<16xf32>
        %gt3A_1448 = arith.cmpf ogt, %get3A_1445, %gt3A_1447 : vector<16xf32>
        %jit3A_1449 = arith.constant 0xFF800000 : f32
        %broadcast_in_dim3A_1450 = vector.broadcast %jit3A_1449 : f32 to vector<16xf32>
        %select_n3A_1451 = arith.select %gt3A_1448, %get3A_1437, %broadcast_in_dim3A_1450 : vector<16xi1>, vector<16xf32>
        %max3A_1452 = arith.maximumf %max3A_1268, %select_n3A_1451 : vector<16xf32>
        %mul3A_1453 = arith.constant 8 : i32
        %mul3A_1454 = arith.muli %scan3A_138, %mul3A_1453 : i32
        %add3A_1455 = arith.constant 7 : i32
        %add3A_1456 = arith.addi %mul3A_1454, %add3A_1455 : i32
        %get3A_1457 = arith.index_cast %add3A_1456 : i32 to index
        %get3A_1458 = arith.constant 16 : index
        %get3A_1459 = tpu.vector_load %arg5[%get3A_1457, %get3A_1458] {strides = array<i32>} : memref<200x128xf32, #tpu.memory_space<vmem>>, vector<1x16xf32>,
        %get3A_1460 = vector.shape_cast %get3A_1459 : vector<1x16xf32> to vector<16xf32>
        %mul3A_1461 = arith.constant 8 : i32
        %mul3A_1462 = arith.muli %scan3A_138, %mul3A_1461 : i32
        %add3A_1463 = arith.constant 7 : i32
        %add3A_1464 = arith.addi %mul3A_1462, %add3A_1463 : i32
        %get3A_1465 = arith.index_cast %add3A_1464 : i32 to index
        %get3A_1466 = arith.constant 16 : index
        %get3A_1467 = tpu.vector_load %arg7[%get3A_1465, %get3A_1466] {strides = array<i32>} : memref<200x128xf32, #tpu.memory_space<vmem>>, vector<1x16xf32>,
        %get3A_1468 = vector.shape_cast %get3A_1467 : vector<1x16xf32> to vector<16xf32>
        %gt3A_1469 = arith.constant 0.000000e+00 : f32
        %gt3A_1470 = vector.broadcast %gt3A_1469 : f32 to vector<16xf32>
        %gt3A_1471 = arith.cmpf ogt, %get3A_1468, %gt3A_1470 : vector<16xf32>
        %jit3A_1472 = arith.constant 0xFF800000 : f32
        %broadcast_in_dim3A_1473 = vector.broadcast %jit3A_1472 : f32 to vector<16xf32>
        %select_n3A_1474 = arith.select %gt3A_1471, %get3A_1460, %broadcast_in_dim3A_1473 : vector<16xi1>, vector<16xf32>
        %max3A_1475 = arith.maximumf %max3A_1291, %select_n3A_1474 : vector<16xf32>
        %mul3A_1476 = arith.constant 8 : i32
        %mul3A_1477 = arith.muli %scan3A_138, %mul3A_1476 : i32
        %add3A_1478 = arith.constant 7 : i32
        %add3A_1479 = arith.addi %mul3A_1477, %add3A_1478 : i32
        %get3A_1480 = arith.index_cast %add3A_1479 : i32 to index
        %get3A_1481 = arith.constant 32 : index
        %get3A_1482 = tpu.vector_load %arg5[%get3A_1480, %get3A_1481] {strides = array<i32>} : memref<200x128xf32, #tpu.memory_space<vmem>>, vector<1x16xf32>,
        %get3A_1483 = vector.shape_cast %get3A_1482 : vector<1x16xf32> to vector<16xf32>
        %mul3A_1484 = arith.constant 8 : i32
        %mul3A_1485 = arith.muli %scan3A_138, %mul3A_1484 : i32
        %add3A_1486 = arith.constant 7 : i32
        %add3A_1487 = arith.addi %mul3A_1485, %add3A_1486 : i32
        %get3A_1488 = arith.index_cast %add3A_1487 : i32 to index
        %get3A_1489 = arith.constant 32 : index
        %get3A_1490 = tpu.vector_load %arg7[%get3A_1488, %get3A_1489] {strides = array<i32>} : memref<200x128xf32, #tpu.memory_space<vmem>>, vector<1x16xf32>,
        %get3A_1491 = vector.shape_cast %get3A_1490 : vector<1x16xf32> to vector<16xf32>
        %gt3A_1492 = arith.constant 0.000000e+00 : f32
        %gt3A_1493 = vector.broadcast %gt3A_1492 : f32 to vector<16xf32>
        %gt3A_1494 = arith.cmpf ogt, %get3A_1491, %gt3A_1493 : vector<16xf32>
        %jit3A_1495 = arith.constant 0xFF800000 : f32
        %broadcast_in_dim3A_1496 = vector.broadcast %jit3A_1495 : f32 to vector<16xf32>
        %select_n3A_1497 = arith.select %gt3A_1494, %get3A_1483, %broadcast_in_dim3A_1496 : vector<16xi1>, vector<16xf32>
        %max3A_1498 = arith.maximumf %max3A_1314, %select_n3A_1497 : vector<16xf32>
        %mul3A_1499 = arith.constant 8 : i32
        %mul3A_1500 = arith.muli %scan3A_138, %mul3A_1499 : i32
        %add3A_1501 = arith.constant 7 : i32
        %add3A_1502 = arith.addi %mul3A_1500, %add3A_1501 : i32
        %get3A_1503 = arith.index_cast %add3A_1502 : i32 to index
        %get3A_1504 = arith.constant 48 : index
        %get3A_1505 = tpu.vector_load %arg5[%get3A_1503, %get3A_1504] {strides = array<i32>} : memref<200x128xf32, #tpu.memory_space<vmem>>, vector<1x16xf32>,
        %get3A_1506 = vector.shape_cast %get3A_1505 : vector<1x16xf32> to vector<16xf32>
        %mul3A_1507 = arith.constant 8 : i32
        %mul3A_1508 = arith.muli %scan3A_138, %mul3A_1507 : i32
        %add3A_1509 = arith.constant 7 : i32
        %add3A_1510 = arith.addi %mul3A_1508, %add3A_1509 : i32
        %get3A_1511 = arith.index_cast %add3A_1510 : i32 to index
        %get3A_1512 = arith.constant 48 : index
        %get3A_1513 = tpu.vector_load %arg7[%get3A_1511, %get3A_1512] {strides = array<i32>} : memref<200x128xf32, #tpu.memory_space<vmem>>, vector<1x16xf32>,
        %get3A_1514 = vector.shape_cast %get3A_1513 : vector<1x16xf32> to vector<16xf32>
        %gt3A_1515 = arith.constant 0.000000e+00 : f32
        %gt3A_1516 = vector.broadcast %gt3A_1515 : f32 to vector<16xf32>
        %gt3A_1517 = arith.cmpf ogt, %get3A_1514, %gt3A_1516 : vector<16xf32>
        %jit3A_1518 = arith.constant 0xFF800000 : f32
        %broadcast_in_dim3A_1519 = vector.broadcast %jit3A_1518 : f32 to vector<16xf32>
        %select_n3A_1520 = arith.select %gt3A_1517, %get3A_1506, %broadcast_in_dim3A_1519 : vector<16xi1>, vector<16xf32>
        %max3A_1521 = arith.maximumf %max3A_1337, %select_n3A_1520 : vector<16xf32>
        %mul3A_1522 = arith.constant 8 : i32
        %mul3A_1523 = arith.muli %scan3A_138, %mul3A_1522 : i32
        %add3A_1524 = arith.constant 7 : i32
        %add3A_1525 = arith.addi %mul3A_1523, %add3A_1524 : i32
        %get3A_1526 = arith.index_cast %add3A_1525 : i32 to index
        %get3A_1527 = arith.constant 64 : index
        %get3A_1528 = tpu.vector_load %arg5[%get3A_1526, %get3A_1527] {strides = array<i32>} : memref<200x128xf32, #tpu.memory_space<vmem>>, vector<1x16xf32>,
        %get3A_1529 = vector.shape_cast %get3A_1528 : vector<1x16xf32> to vector<16xf32>
        %mul3A_1530 = arith.constant 8 : i32
        %mul3A_1531 = arith.muli %scan3A_138, %mul3A_1530 : i32
        %add3A_1532 = arith.constant 7 : i32
        %add3A_1533 = arith.addi %mul3A_1531, %add3A_1532 : i32
        %get3A_1534 = arith.index_cast %add3A_1533 : i32 to index
        %get3A_1535 = arith.constant 64 : index
        %get3A_1536 = tpu.vector_load %arg7[%get3A_1534, %get3A_1535] {strides = array<i32>} : memref<200x128xf32, #tpu.memory_space<vmem>>, vector<1x16xf32>,
        %get3A_1537 = vector.shape_cast %get3A_1536 : vector<1x16xf32> to vector<16xf32>
        %gt3A_1538 = arith.constant 0.000000e+00 : f32
        %gt3A_1539 = vector.broadcast %gt3A_1538 : f32 to vector<16xf32>
        %gt3A_1540 = arith.cmpf ogt, %get3A_1537, %gt3A_1539 : vector<16xf32>
        %jit3A_1541 = arith.constant 0xFF800000 : f32
        %broadcast_in_dim3A_1542 = vector.broadcast %jit3A_1541 : f32 to vector<16xf32>
        %select_n3A_1543 = arith.select %gt3A_1540, %get3A_1529, %broadcast_in_dim3A_1542 : vector<16xi1>, vector<16xf32>
        %max3A_1544 = arith.maximumf %max3A_1360, %select_n3A_1543 : vector<16xf32>
        %mul3A_1545 = arith.constant 8 : i32
        %mul3A_1546 = arith.muli %scan3A_138, %mul3A_1545 : i32
        %add3A_1547 = arith.constant 7 : i32
        %add3A_1548 = arith.addi %mul3A_1546, %add3A_1547 : i32
        %get3A_1549 = arith.index_cast %add3A_1548 : i32 to index
        %get3A_1550 = arith.constant 80 : index
        %get3A_1551 = tpu.vector_load %arg5[%get3A_1549, %get3A_1550] {strides = array<i32>} : memref<200x128xf32, #tpu.memory_space<vmem>>, vector<1x16xf32>,
        %get3A_1552 = vector.shape_cast %get3A_1551 : vector<1x16xf32> to vector<16xf32>
        %mul3A_1553 = arith.constant 8 : i32
        %mul3A_1554 = arith.muli %scan3A_138, %mul3A_1553 : i32
        %add3A_1555 = arith.constant 7 : i32
        %add3A_1556 = arith.addi %mul3A_1554, %add3A_1555 : i32
        %get3A_1557 = arith.index_cast %add3A_1556 : i32 to index
        %get3A_1558 = arith.constant 80 : index
        %get3A_1559 = tpu.vector_load %arg7[%get3A_1557, %get3A_1558] {strides = array<i32>} : memref<200x128xf32, #tpu.memory_space<vmem>>, vector<1x16xf32>,
        %get3A_1560 = vector.shape_cast %get3A_1559 : vector<1x16xf32> to vector<16xf32>
        %gt3A_1561 = arith.constant 0.000000e+00 : f32
        %gt3A_1562 = vector.broadcast %gt3A_1561 : f32 to vector<16xf32>
        %gt3A_1563 = arith.cmpf ogt, %get3A_1560, %gt3A_1562 : vector<16xf32>
        %jit3A_1564 = arith.constant 0xFF800000 : f32
        %broadcast_in_dim3A_1565 = vector.broadcast %jit3A_1564 : f32 to vector<16xf32>
        %select_n3A_1566 = arith.select %gt3A_1563, %get3A_1552, %broadcast_in_dim3A_1565 : vector<16xi1>, vector<16xf32>
        %max3A_1567 = arith.maximumf %max3A_1383, %select_n3A_1566 : vector<16xf32>
        %mul3A_1568 = arith.constant 8 : i32
        %mul3A_1569 = arith.muli %scan3A_138, %mul3A_1568 : i32
        %add3A_1570 = arith.constant 7 : i32
        %add3A_1571 = arith.addi %mul3A_1569, %add3A_1570 : i32
        %get3A_1572 = arith.index_cast %add3A_1571 : i32 to index
        %get3A_1573 = arith.constant 96 : index
        %get3A_1574 = tpu.vector_load %arg5[%get3A_1572, %get3A_1573] {strides = array<i32>} : memref<200x128xf32, #tpu.memory_space<vmem>>, vector<1x16xf32>,
        %get3A_1575 = vector.shape_cast %get3A_1574 : vector<1x16xf32> to vector<16xf32>
        %mul3A_1576 = arith.constant 8 : i32
        %mul3A_1577 = arith.muli %scan3A_138, %mul3A_1576 : i32
        %add3A_1578 = arith.constant 7 : i32
        %add3A_1579 = arith.addi %mul3A_1577, %add3A_1578 : i32
        %get3A_1580 = arith.index_cast %add3A_1579 : i32 to index
        %get3A_1581 = arith.constant 96 : index
        %get3A_1582 = tpu.vector_load %arg7[%get3A_1580, %get3A_1581] {strides = array<i32>} : memref<200x128xf32, #tpu.memory_space<vmem>>, vector<1x16xf32>,
        %get3A_1583 = vector.shape_cast %get3A_1582 : vector<1x16xf32> to vector<16xf32>
        %gt3A_1584 = arith.constant 0.000000e+00 : f32
        %gt3A_1585 = vector.broadcast %gt3A_1584 : f32 to vector<16xf32>
        %gt3A_1586 = arith.cmpf ogt, %get3A_1583, %gt3A_1585 : vector<16xf32>
        %jit3A_1587 = arith.constant 0xFF800000 : f32
        %broadcast_in_dim3A_1588 = vector.broadcast %jit3A_1587 : f32 to vector<16xf32>
        %select_n3A_1589 = arith.select %gt3A_1586, %get3A_1575, %broadcast_in_dim3A_1588 : vector<16xi1>, vector<16xf32>
        %max3A_1590 = arith.maximumf %max3A_1406, %select_n3A_1589 : vector<16xf32>
        %mul3A_1591 = arith.constant 8 : i32
        %mul3A_1592 = arith.muli %scan3A_138, %mul3A_1591 : i32
        %add3A_1593 = arith.constant 7 : i32
        %add3A_1594 = arith.addi %mul3A_1592, %add3A_1593 : i32
        %get3A_1595 = arith.index_cast %add3A_1594 : i32 to index
        %get3A_1596 = arith.constant 112 : index
        %get3A_1597 = tpu.vector_load %arg5[%get3A_1595, %get3A_1596] {strides = array<i32>} : memref<200x128xf32, #tpu.memory_space<vmem>>, vector<1x16xf32>,
        %get3A_1598 = vector.shape_cast %get3A_1597 : vector<1x16xf32> to vector<16xf32>
        %mul3A_1599 = arith.constant 8 : i32
        %mul3A_1600 = arith.muli %scan3A_138, %mul3A_1599 : i32
        %add3A_1601 = arith.constant 7 : i32
        %add3A_1602 = arith.addi %mul3A_1600, %add3A_1601 : i32
        %get3A_1603 = arith.index_cast %add3A_1602 : i32 to index
        %get3A_1604 = arith.constant 112 : index
        %get3A_1605 = tpu.vector_load %arg7[%get3A_1603, %get3A_1604] {strides = array<i32>} : memref<200x128xf32, #tpu.memory_space<vmem>>, vector<1x16xf32>,
        %get3A_1606 = vector.shape_cast %get3A_1605 : vector<1x16xf32> to vector<16xf32>
        %gt3A_1607 = arith.constant 0.000000e+00 : f32
        %gt3A_1608 = vector.broadcast %gt3A_1607 : f32 to vector<16xf32>
        %gt3A_1609 = arith.cmpf ogt, %get3A_1606, %gt3A_1608 : vector<16xf32>
        %jit3A_1610 = arith.constant 0xFF800000 : f32
        %broadcast_in_dim3A_1611 = vector.broadcast %jit3A_1610 : f32 to vector<16xf32>
        %select_n3A_1612 = arith.select %gt3A_1609, %get3A_1598, %broadcast_in_dim3A_1611 : vector<16xi1>, vector<16xf32>
        %max3A_1613 = arith.maximumf %max3A_1429, %select_n3A_1612 : vector<16xf32>
        scf.yield %max3A_1452, %max3A_1475, %max3A_1498, %max3A_1521, %max3A_1544, %max3A_1567, %max3A_1590, %max3A_1613 : vector<16xf32>, vector<16xf32>, vector<16xf32>, vector<16xf32>, vector<16xf32>, vector<16xf32>, vector<16xf32>, vector<16xf32>
      }
      %scan3A_104 = arith.constant 25 : i32
      %mul3A_105 = arith.constant 2 : i32
      %mul3A_106 = arith.muli %mul3A_105, %scan3A_82 : i32
      %add3A_107 = arith.constant 0 : i32
      %add3A_108 = arith.addi %mul3A_106, %add3A_107 : i32
      %add3A_109 = arith.constant 2 : i32
      %add3A_110 = arith.addi %add3A_108, %add3A_109 : i32
      %lt3A = arith.constant 5 : i32
      %lt3A_111 = arith.cmpi slt, %add3A_110, %lt3A : i32
      %convert_element_type3A = arith.extui %lt3A_111 : i1 to i32
      %cond3A = arith.constant 0 : i32
      %cond3A_112 = arith.cmpi ne, %convert_element_type3A, %cond3A : i32
      scf.if %cond3A_112 {
        %mul3A_138 = arith.constant 2 : i32
        %mul3A_139 = arith.muli %mul3A_138, %scan3A_82 : i32
        %add3A_140 = arith.constant 0 : i32
        %add3A_141 = arith.addi %mul3A_139, %add3A_140 : i32
        %add3A_142 = arith.constant 2 : i32
        %add3A_143 = arith.addi %add3A_141, %add3A_142 : i32
        %mul3A_144 = arith.constant 200 : i32
        %mul3A_145 = arith.muli %add3A_143, %mul3A_144 : i32
        %dma_start3A_146 = tpu.memref_slice %arg2[%mul3A_145, %mul3A_2] : memref<1000x16384xf32, #tpu.memory_space<hbm>> -> memref<200x128xf32, #tpu.memory_space<hbm>>
        %dma_start3A_147 = tpu.memref_slice %arg2[%mul3A_145, %mul3A_2] : memref<1000x16384xf32, #tpu.memory_space<hbm>> -> memref<200x128xf32, #tpu.memory_space<hbm>>
        tpu.enqueue_dma source(%dma_start3A_147 : memref<200x128xf32, #tpu.memory_space<hbm>>) target(%arg5 : memref<200x128xf32, #tpu.memory_space<vmem>>) target_semaphore(%arg10 : memref<!tpu.dma_semaphore, #tpu.memory_space<semaphore_mem>>)
        %mul3A_148 = arith.constant 200 : i32
        %mul3A_149 = arith.muli %add3A_143, %mul3A_148 : i32
        %dma_start3A_150 = tpu.memref_slice %arg3[%mul3A_149, %mul3A_2] : memref<1000x16384xf32, #tpu.memory_space<hbm>> -> memref<200x128xf32, #tpu.memory_space<hbm>>
        %dma_start3A_151 = tpu.memref_slice %arg3[%mul3A_149, %mul3A_2] : memref<1000x16384xf32, #tpu.memory_space<hbm>> -> memref<200x128xf32, #tpu.memory_space<hbm>>
        tpu.enqueue_dma source(%dma_start3A_151 : memref<200x128xf32, #tpu.memory_space<hbm>>) target(%arg7 : memref<200x128xf32, #tpu.memory_space<vmem>>) target_semaphore(%arg12 : memref<!tpu.dma_semaphore, #tpu.memory_space<semaphore_mem>>)
      } else {
      }
      %dma_wait3A_113 = arith.constant 0 : i32
      %dma_wait3A_114 = tpu.memref_slice %arg2[%dma_wait3A_113, %mul3A_2] : memref<1000x16384xf32, #tpu.memory_space<hbm>> -> memref<200x128xf32, #tpu.memory_space<hbm>>
      %dma_wait3A_115 = arith.constant 0 : i32
      %dma_wait3A_116 = tpu.memref_slice %arg2[%dma_wait3A_115, %mul3A_2] : memref<1000x16384xf32, #tpu.memory_space<hbm>> -> memref<200x128xf32, #tpu.memory_space<hbm>>
      tpu.wait_dma2 semaphore(%arg11 : memref<!tpu.dma_semaphore, #tpu.memory_space<semaphore_mem>>) src(%dma_wait3A_116 : memref<200x128xf32, #tpu.memory_space<hbm>>) dst(%arg6 : memref<200x128xf32, #tpu.memory_space<vmem>>)
      %dma_wait3A_117 = arith.constant 0 : i32
      %dma_wait3A_118 = tpu.memref_slice %arg3[%dma_wait3A_117, %mul3A_2] : memref<1000x16384xf32, #tpu.memory_space<hbm>> -> memref<200x128xf32, #tpu.memory_space<hbm>>
      %dma_wait3A_119 = arith.constant 0 : i32
      %dma_wait3A_120 = tpu.memref_slice %arg3[%dma_wait3A_119, %mul3A_2] : memref<1000x16384xf32, #tpu.memory_space<hbm>> -> memref<200x128xf32, #tpu.memory_space<hbm>>
      tpu.wait_dma2 semaphore(%arg13 : memref<!tpu.dma_semaphore, #tpu.memory_space<semaphore_mem>>) src(%dma_wait3A_120 : memref<200x128xf32, #tpu.memory_space<hbm>>) dst(%arg8 : memref<200x128xf32, #tpu.memory_space<vmem>>)
      %scan3A_121 = arith.constant 0 : i32
      %scan3A_122 = arith.constant 25 : i32
      %scan3A_123 = arith.addi %scan3A_121, %scan3A_122 : i32
      %scan3A_124 = arith.constant 1 : i32
      %scan3A_125:8 = scf.for %scan3A_138 = %scan3A_121 to %scan3A_123 step %scan3A_124 iter_args(%scan3A_139 = %scan3A_103#0, %scan3A_140 = %scan3A_103#1, %scan3A_141 = %scan3A_103#2, %scan3A_142 = %scan3A_103#3, %scan3A_143 = %scan3A_103#4, %scan3A_144 = %scan3A_103#5, %scan3A_145 = %scan3A_103#6, %scan3A_146 = %scan3A_103#7) -> (vector<16xf32>, vector<16xf32>, vector<16xf32>, vector<16xf32>, vector<16xf32>, vector<16xf32>, vector<16xf32>, vector<16xf32>)  : i32 {
        %mul3A_147 = arith.constant 8 : i32
        %mul3A_148 = arith.muli %scan3A_138, %mul3A_147 : i32
        %add3A_149 = arith.constant 0 : i32
        %add3A_150 = arith.addi %mul3A_148, %add3A_149 : i32
        %get3A = arith.index_cast %add3A_150 : i32 to index
        %get3A_151 = arith.constant 0 : index
        %get3A_152 = tpu.vector_load %arg6[%get3A, %get3A_151] {strides = array<i32>} : memref<200x128xf32, #tpu.memory_space<vmem>>, vector<1x16xf32>,
        %get3A_153 = vector.shape_cast %get3A_152 : vector<1x16xf32> to vector<16xf32>
        %mul3A_154 = arith.constant 8 : i32
        %mul3A_155 = arith.muli %scan3A_138, %mul3A_154 : i32
        %add3A_156 = arith.constant 0 : i32
        %add3A_157 = arith.addi %mul3A_155, %add3A_156 : i32
        %get3A_158 = arith.index_cast %add3A_157 : i32 to index
        %get3A_159 = arith.constant 0 : index
        %get3A_160 = tpu.vector_load %arg8[%get3A_158, %get3A_159] {strides = array<i32>} : memref<200x128xf32, #tpu.memory_space<vmem>>, vector<1x16xf32>,
        %get3A_161 = vector.shape_cast %get3A_160 : vector<1x16xf32> to vector<16xf32>
        %gt3A = arith.constant 0.000000e+00 : f32
        %gt3A_162 = vector.broadcast %gt3A : f32 to vector<16xf32>
        %gt3A_163 = arith.cmpf ogt, %get3A_161, %gt3A_162 : vector<16xf32>
        %jit3A = arith.constant 0xFF800000 : f32
        %broadcast_in_dim3A_164 = vector.broadcast %jit3A : f32 to vector<16xf32>
        %select_n3A = arith.select %gt3A_163, %get3A_153, %broadcast_in_dim3A_164 : vector<16xi1>, vector<16xf32>
        %max3A = arith.maximumf %scan3A_139, %select_n3A : vector<16xf32>
        %mul3A_165 = arith.constant 8 : i32
        %mul3A_166 = arith.muli %scan3A_138, %mul3A_165 : i32
        %add3A_167 = arith.constant 0 : i32
        %add3A_168 = arith.addi %mul3A_166, %add3A_167 : i32
        %get3A_169 = arith.index_cast %add3A_168 : i32 to index
        %get3A_170 = arith.constant 16 : index
        %get3A_171 = tpu.vector_load %arg6[%get3A_169, %get3A_170] {strides = array<i32>} : memref<200x128xf32, #tpu.memory_space<vmem>>, vector<1x16xf32>,
        %get3A_172 = vector.shape_cast %get3A_171 : vector<1x16xf32> to vector<16xf32>
        %mul3A_173 = arith.constant 8 : i32
        %mul3A_174 = arith.muli %scan3A_138, %mul3A_173 : i32
        %add3A_175 = arith.constant 0 : i32
        %add3A_176 = arith.addi %mul3A_174, %add3A_175 : i32
        %get3A_177 = arith.index_cast %add3A_176 : i32 to index
        %get3A_178 = arith.constant 16 : index
        %get3A_179 = tpu.vector_load %arg8[%get3A_177, %get3A_178] {strides = array<i32>} : memref<200x128xf32, #tpu.memory_space<vmem>>, vector<1x16xf32>,
        %get3A_180 = vector.shape_cast %get3A_179 : vector<1x16xf32> to vector<16xf32>
        %gt3A_181 = arith.constant 0.000000e+00 : f32
        %gt3A_182 = vector.broadcast %gt3A_181 : f32 to vector<16xf32>
        %gt3A_183 = arith.cmpf ogt, %get3A_180, %gt3A_182 : vector<16xf32>
        %jit3A_184 = arith.constant 0xFF800000 : f32
        %broadcast_in_dim3A_185 = vector.broadcast %jit3A_184 : f32 to vector<16xf32>
        %select_n3A_186 = arith.select %gt3A_183, %get3A_172, %broadcast_in_dim3A_185 : vector<16xi1>, vector<16xf32>
        %max3A_187 = arith.maximumf %scan3A_140, %select_n3A_186 : vector<16xf32>
        %mul3A_188 = arith.constant 8 : i32
        %mul3A_189 = arith.muli %scan3A_138, %mul3A_188 : i32
        %add3A_190 = arith.constant 0 : i32
        %add3A_191 = arith.addi %mul3A_189, %add3A_190 : i32
        %get3A_192 = arith.index_cast %add3A_191 : i32 to index
        %get3A_193 = arith.constant 32 : index
        %get3A_194 = tpu.vector_load %arg6[%get3A_192, %get3A_193] {strides = array<i32>} : memref<200x128xf32, #tpu.memory_space<vmem>>, vector<1x16xf32>,
        %get3A_195 = vector.shape_cast %get3A_194 : vector<1x16xf32> to vector<16xf32>
        %mul3A_196 = arith.constant 8 : i32
        %mul3A_197 = arith.muli %scan3A_138, %mul3A_196 : i32
        %add3A_198 = arith.constant 0 : i32
        %add3A_199 = arith.addi %mul3A_197, %add3A_198 : i32
        %get3A_200 = arith.index_cast %add3A_199 : i32 to index
        %get3A_201 = arith.constant 32 : index
        %get3A_202 = tpu.vector_load %arg8[%get3A_200, %get3A_201] {strides = array<i32>} : memref<200x128xf32, #tpu.memory_space<vmem>>, vector<1x16xf32>,
        %get3A_203 = vector.shape_cast %get3A_202 : vector<1x16xf32> to vector<16xf32>
        %gt3A_204 = arith.constant 0.000000e+00 : f32
        %gt3A_205 = vector.broadcast %gt3A_204 : f32 to vector<16xf32>
        %gt3A_206 = arith.cmpf ogt, %get3A_203, %gt3A_205 : vector<16xf32>
        %jit3A_207 = arith.constant 0xFF800000 : f32
        %broadcast_in_dim3A_208 = vector.broadcast %jit3A_207 : f32 to vector<16xf32>
        %select_n3A_209 = arith.select %gt3A_206, %get3A_195, %broadcast_in_dim3A_208 : vector<16xi1>, vector<16xf32>
        %max3A_210 = arith.maximumf %scan3A_141, %select_n3A_209 : vector<16xf32>
        %mul3A_211 = arith.constant 8 : i32
        %mul3A_212 = arith.muli %scan3A_138, %mul3A_211 : i32
        %add3A_213 = arith.constant 0 : i32
        %add3A_214 = arith.addi %mul3A_212, %add3A_213 : i32
        %get3A_215 = arith.index_cast %add3A_214 : i32 to index
        %get3A_216 = arith.constant 48 : index
        %get3A_217 = tpu.vector_load %arg6[%get3A_215, %get3A_216] {strides = array<i32>} : memref<200x128xf32, #tpu.memory_space<vmem>>, vector<1x16xf32>,
        %get3A_218 = vector.shape_cast %get3A_217 : vector<1x16xf32> to vector<16xf32>
        %mul3A_219 = arith.constant 8 : i32
        %mul3A_220 = arith.muli %scan3A_138, %mul3A_219 : i32
        %add3A_221 = arith.constant 0 : i32
        %add3A_222 = arith.addi %mul3A_220, %add3A_221 : i32
        %get3A_223 = arith.index_cast %add3A_222 : i32 to index
        %get3A_224 = arith.constant 48 : index
        %get3A_225 = tpu.vector_load %arg8[%get3A_223, %get3A_224] {strides = array<i32>} : memref<200x128xf32, #tpu.memory_space<vmem>>, vector<1x16xf32>,
        %get3A_226 = vector.shape_cast %get3A_225 : vector<1x16xf32> to vector<16xf32>
        %gt3A_227 = arith.constant 0.000000e+00 : f32
        %gt3A_228 = vector.broadcast %gt3A_227 : f32 to vector<16xf32>
        %gt3A_229 = arith.cmpf ogt, %get3A_226, %gt3A_228 : vector<16xf32>
        %jit3A_230 = arith.constant 0xFF800000 : f32
        %broadcast_in_dim3A_231 = vector.broadcast %jit3A_230 : f32 to vector<16xf32>
        %select_n3A_232 = arith.select %gt3A_229, %get3A_218, %broadcast_in_dim3A_231 : vector<16xi1>, vector<16xf32>
        %max3A_233 = arith.maximumf %scan3A_142, %select_n3A_232 : vector<16xf32>
        %mul3A_234 = arith.constant 8 : i32
        %mul3A_235 = arith.muli %scan3A_138, %mul3A_234 : i32
        %add3A_236 = arith.constant 0 : i32
        %add3A_237 = arith.addi %mul3A_235, %add3A_236 : i32
        %get3A_238 = arith.index_cast %add3A_237 : i32 to index
        %get3A_239 = arith.constant 64 : index
        %get3A_240 = tpu.vector_load %arg6[%get3A_238, %get3A_239] {strides = array<i32>} : memref<200x128xf32, #tpu.memory_space<vmem>>, vector<1x16xf32>,
        %get3A_241 = vector.shape_cast %get3A_240 : vector<1x16xf32> to vector<16xf32>
        %mul3A_242 = arith.constant 8 : i32
        %mul3A_243 = arith.muli %scan3A_138, %mul3A_242 : i32
        %add3A_244 = arith.constant 0 : i32
        %add3A_245 = arith.addi %mul3A_243, %add3A_244 : i32
        %get3A_246 = arith.index_cast %add3A_245 : i32 to index
        %get3A_247 = arith.constant 64 : index
        %get3A_248 = tpu.vector_load %arg8[%get3A_246, %get3A_247] {strides = array<i32>} : memref<200x128xf32, #tpu.memory_space<vmem>>, vector<1x16xf32>,
        %get3A_249 = vector.shape_cast %get3A_248 : vector<1x16xf32> to vector<16xf32>
        %gt3A_250 = arith.constant 0.000000e+00 : f32
        %gt3A_251 = vector.broadcast %gt3A_250 : f32 to vector<16xf32>
        %gt3A_252 = arith.cmpf ogt, %get3A_249, %gt3A_251 : vector<16xf32>
        %jit3A_253 = arith.constant 0xFF800000 : f32
        %broadcast_in_dim3A_254 = vector.broadcast %jit3A_253 : f32 to vector<16xf32>
        %select_n3A_255 = arith.select %gt3A_252, %get3A_241, %broadcast_in_dim3A_254 : vector<16xi1>, vector<16xf32>
        %max3A_256 = arith.maximumf %scan3A_143, %select_n3A_255 : vector<16xf32>
        %mul3A_257 = arith.constant 8 : i32
        %mul3A_258 = arith.muli %scan3A_138, %mul3A_257 : i32
        %add3A_259 = arith.constant 0 : i32
        %add3A_260 = arith.addi %mul3A_258, %add3A_259 : i32
        %get3A_261 = arith.index_cast %add3A_260 : i32 to index
        %get3A_262 = arith.constant 80 : index
        %get3A_263 = tpu.vector_load %arg6[%get3A_261, %get3A_262] {strides = array<i32>} : memref<200x128xf32, #tpu.memory_space<vmem>>, vector<1x16xf32>,
        %get3A_264 = vector.shape_cast %get3A_263 : vector<1x16xf32> to vector<16xf32>
        %mul3A_265 = arith.constant 8 : i32
        %mul3A_266 = arith.muli %scan3A_138, %mul3A_265 : i32
        %add3A_267 = arith.constant 0 : i32
        %add3A_268 = arith.addi %mul3A_266, %add3A_267 : i32
        %get3A_269 = arith.index_cast %add3A_268 : i32 to index
        %get3A_270 = arith.constant 80 : index
        %get3A_271 = tpu.vector_load %arg8[%get3A_269, %get3A_270] {strides = array<i32>} : memref<200x128xf32, #tpu.memory_space<vmem>>, vector<1x16xf32>,
        %get3A_272 = vector.shape_cast %get3A_271 : vector<1x16xf32> to vector<16xf32>
        %gt3A_273 = arith.constant 0.000000e+00 : f32
        %gt3A_274 = vector.broadcast %gt3A_273 : f32 to vector<16xf32>
        %gt3A_275 = arith.cmpf ogt, %get3A_272, %gt3A_274 : vector<16xf32>
        %jit3A_276 = arith.constant 0xFF800000 : f32
        %broadcast_in_dim3A_277 = vector.broadcast %jit3A_276 : f32 to vector<16xf32>
        %select_n3A_278 = arith.select %gt3A_275, %get3A_264, %broadcast_in_dim3A_277 : vector<16xi1>, vector<16xf32>
        %max3A_279 = arith.maximumf %scan3A_144, %select_n3A_278 : vector<16xf32>
        %mul3A_280 = arith.constant 8 : i32
        %mul3A_281 = arith.muli %scan3A_138, %mul3A_280 : i32
        %add3A_282 = arith.constant 0 : i32
        %add3A_283 = arith.addi %mul3A_281, %add3A_282 : i32
        %get3A_284 = arith.index_cast %add3A_283 : i32 to index
        %get3A_285 = arith.constant 96 : index
        %get3A_286 = tpu.vector_load %arg6[%get3A_284, %get3A_285] {strides = array<i32>} : memref<200x128xf32, #tpu.memory_space<vmem>>, vector<1x16xf32>,
        %get3A_287 = vector.shape_cast %get3A_286 : vector<1x16xf32> to vector<16xf32>
        %mul3A_288 = arith.constant 8 : i32
        %mul3A_289 = arith.muli %scan3A_138, %mul3A_288 : i32
        %add3A_290 = arith.constant 0 : i32
        %add3A_291 = arith.addi %mul3A_289, %add3A_290 : i32
        %get3A_292 = arith.index_cast %add3A_291 : i32 to index
        %get3A_293 = arith.constant 96 : index
        %get3A_294 = tpu.vector_load %arg8[%get3A_292, %get3A_293] {strides = array<i32>} : memref<200x128xf32, #tpu.memory_space<vmem>>, vector<1x16xf32>,
        %get3A_295 = vector.shape_cast %get3A_294 : vector<1x16xf32> to vector<16xf32>
        %gt3A_296 = arith.constant 0.000000e+00 : f32
        %gt3A_297 = vector.broadcast %gt3A_296 : f32 to vector<16xf32>
        %gt3A_298 = arith.cmpf ogt, %get3A_295, %gt3A_297 : vector<16xf32>
        %jit3A_299 = arith.constant 0xFF800000 : f32
        %broadcast_in_dim3A_300 = vector.broadcast %jit3A_299 : f32 to vector<16xf32>
        %select_n3A_301 = arith.select %gt3A_298, %get3A_287, %broadcast_in_dim3A_300 : vector<16xi1>, vector<16xf32>
        %max3A_302 = arith.maximumf %scan3A_145, %select_n3A_301 : vector<16xf32>
        %mul3A_303 = arith.constant 8 : i32
        %mul3A_304 = arith.muli %scan3A_138, %mul3A_303 : i32
        %add3A_305 = arith.constant 0 : i32
        %add3A_306 = arith.addi %mul3A_304, %add3A_305 : i32
        %get3A_307 = arith.index_cast %add3A_306 : i32 to index
        %get3A_308 = arith.constant 112 : index
        %get3A_309 = tpu.vector_load %arg6[%get3A_307, %get3A_308] {strides = array<i32>} : memref<200x128xf32, #tpu.memory_space<vmem>>, vector<1x16xf32>,
        %get3A_310 = vector.shape_cast %get3A_309 : vector<1x16xf32> to vector<16xf32>
        %mul3A_311 = arith.constant 8 : i32
        %mul3A_312 = arith.muli %scan3A_138, %mul3A_311 : i32
        %add3A_313 = arith.constant 0 : i32
        %add3A_314 = arith.addi %mul3A_312, %add3A_313 : i32
        %get3A_315 = arith.index_cast %add3A_314 : i32 to index
        %get3A_316 = arith.constant 112 : index
        %get3A_317 = tpu.vector_load %arg8[%get3A_315, %get3A_316] {strides = array<i32>} : memref<200x128xf32, #tpu.memory_space<vmem>>, vector<1x16xf32>,
        %get3A_318 = vector.shape_cast %get3A_317 : vector<1x16xf32> to vector<16xf32>
        %gt3A_319 = arith.constant 0.000000e+00 : f32
        %gt3A_320 = vector.broadcast %gt3A_319 : f32 to vector<16xf32>
        %gt3A_321 = arith.cmpf ogt, %get3A_318, %gt3A_320 : vector<16xf32>
        %jit3A_322 = arith.constant 0xFF800000 : f32
        %broadcast_in_dim3A_323 = vector.broadcast %jit3A_322 : f32 to vector<16xf32>
        %select_n3A_324 = arith.select %gt3A_321, %get3A_310, %broadcast_in_dim3A_323 : vector<16xi1>, vector<16xf32>
        %max3A_325 = arith.maximumf %scan3A_146, %select_n3A_324 : vector<16xf32>
        %mul3A_326 = arith.constant 8 : i32
        %mul3A_327 = arith.muli %scan3A_138, %mul3A_326 : i32
        %add3A_328 = arith.constant 1 : i32
        %add3A_329 = arith.addi %mul3A_327, %add3A_328 : i32
        %get3A_330 = arith.index_cast %add3A_329 : i32 to index
        %get3A_331 = arith.constant 0 : index
        %get3A_332 = tpu.vector_load %arg6[%get3A_330, %get3A_331] {strides = array<i32>} : memref<200x128xf32, #tpu.memory_space<vmem>>, vector<1x16xf32>,
        %get3A_333 = vector.shape_cast %get3A_332 : vector<1x16xf32> to vector<16xf32>
        %mul3A_334 = arith.constant 8 : i32
        %mul3A_335 = arith.muli %scan3A_138, %mul3A_334 : i32
        %add3A_336 = arith.constant 1 : i32
        %add3A_337 = arith.addi %mul3A_335, %add3A_336 : i32
        %get3A_338 = arith.index_cast %add3A_337 : i32 to index
        %get3A_339 = arith.constant 0 : index
        %get3A_340 = tpu.vector_load %arg8[%get3A_338, %get3A_339] {strides = array<i32>} : memref<200x128xf32, #tpu.memory_space<vmem>>, vector<1x16xf32>,
        %get3A_341 = vector.shape_cast %get3A_340 : vector<1x16xf32> to vector<16xf32>
        %gt3A_342 = arith.constant 0.000000e+00 : f32
        %gt3A_343 = vector.broadcast %gt3A_342 : f32 to vector<16xf32>
        %gt3A_344 = arith.cmpf ogt, %get3A_341, %gt3A_343 : vector<16xf32>
        %jit3A_345 = arith.constant 0xFF800000 : f32
        %broadcast_in_dim3A_346 = vector.broadcast %jit3A_345 : f32 to vector<16xf32>
        %select_n3A_347 = arith.select %gt3A_344, %get3A_333, %broadcast_in_dim3A_346 : vector<16xi1>, vector<16xf32>
        %max3A_348 = arith.maximumf %max3A, %select_n3A_347 : vector<16xf32>
        %mul3A_349 = arith.constant 8 : i32
        %mul3A_350 = arith.muli %scan3A_138, %mul3A_349 : i32
        %add3A_351 = arith.constant 1 : i32
        %add3A_352 = arith.addi %mul3A_350, %add3A_351 : i32
        %get3A_353 = arith.index_cast %add3A_352 : i32 to index
        %get3A_354 = arith.constant 16 : index
        %get3A_355 = tpu.vector_load %arg6[%get3A_353, %get3A_354] {strides = array<i32>} : memref<200x128xf32, #tpu.memory_space<vmem>>, vector<1x16xf32>,
        %get3A_356 = vector.shape_cast %get3A_355 : vector<1x16xf32> to vector<16xf32>
        %mul3A_357 = arith.constant 8 : i32
        %mul3A_358 = arith.muli %scan3A_138, %mul3A_357 : i32
        %add3A_359 = arith.constant 1 : i32
        %add3A_360 = arith.addi %mul3A_358, %add3A_359 : i32
        %get3A_361 = arith.index_cast %add3A_360 : i32 to index
        %get3A_362 = arith.constant 16 : index
        %get3A_363 = tpu.vector_load %arg8[%get3A_361, %get3A_362] {strides = array<i32>} : memref<200x128xf32, #tpu.memory_space<vmem>>, vector<1x16xf32>,
        %get3A_364 = vector.shape_cast %get3A_363 : vector<1x16xf32> to vector<16xf32>
        %gt3A_365 = arith.constant 0.000000e+00 : f32
        %gt3A_366 = vector.broadcast %gt3A_365 : f32 to vector<16xf32>
        %gt3A_367 = arith.cmpf ogt, %get3A_364, %gt3A_366 : vector<16xf32>
        %jit3A_368 = arith.constant 0xFF800000 : f32
        %broadcast_in_dim3A_369 = vector.broadcast %jit3A_368 : f32 to vector<16xf32>
        %select_n3A_370 = arith.select %gt3A_367, %get3A_356, %broadcast_in_dim3A_369 : vector<16xi1>, vector<16xf32>
        %max3A_371 = arith.maximumf %max3A_187, %select_n3A_370 : vector<16xf32>
        %mul3A_372 = arith.constant 8 : i32
        %mul3A_373 = arith.muli %scan3A_138, %mul3A_372 : i32
        %add3A_374 = arith.constant 1 : i32
        %add3A_375 = arith.addi %mul3A_373, %add3A_374 : i32
        %get3A_376 = arith.index_cast %add3A_375 : i32 to index
        %get3A_377 = arith.constant 32 : index
        %get3A_378 = tpu.vector_load %arg6[%get3A_376, %get3A_377] {strides = array<i32>} : memref<200x128xf32, #tpu.memory_space<vmem>>, vector<1x16xf32>,
        %get3A_379 = vector.shape_cast %get3A_378 : vector<1x16xf32> to vector<16xf32>
        %mul3A_380 = arith.constant 8 : i32
        %mul3A_381 = arith.muli %scan3A_138, %mul3A_380 : i32
        %add3A_382 = arith.constant 1 : i32
        %add3A_383 = arith.addi %mul3A_381, %add3A_382 : i32
        %get3A_384 = arith.index_cast %add3A_383 : i32 to index
        %get3A_385 = arith.constant 32 : index
        %get3A_386 = tpu.vector_load %arg8[%get3A_384, %get3A_385] {strides = array<i32>} : memref<200x128xf32, #tpu.memory_space<vmem>>, vector<1x16xf32>,
        %get3A_387 = vector.shape_cast %get3A_386 : vector<1x16xf32> to vector<16xf32>
        %gt3A_388 = arith.constant 0.000000e+00 : f32
        %gt3A_389 = vector.broadcast %gt3A_388 : f32 to vector<16xf32>
        %gt3A_390 = arith.cmpf ogt, %get3A_387, %gt3A_389 : vector<16xf32>
        %jit3A_391 = arith.constant 0xFF800000 : f32
        %broadcast_in_dim3A_392 = vector.broadcast %jit3A_391 : f32 to vector<16xf32>
        %select_n3A_393 = arith.select %gt3A_390, %get3A_379, %broadcast_in_dim3A_392 : vector<16xi1>, vector<16xf32>
        %max3A_394 = arith.maximumf %max3A_210, %select_n3A_393 : vector<16xf32>
        %mul3A_395 = arith.constant 8 : i32
        %mul3A_396 = arith.muli %scan3A_138, %mul3A_395 : i32
        %add3A_397 = arith.constant 1 : i32
        %add3A_398 = arith.addi %mul3A_396, %add3A_397 : i32
        %get3A_399 = arith.index_cast %add3A_398 : i32 to index
        %get3A_400 = arith.constant 48 : index
        %get3A_401 = tpu.vector_load %arg6[%get3A_399, %get3A_400] {strides = array<i32>} : memref<200x128xf32, #tpu.memory_space<vmem>>, vector<1x16xf32>,
        %get3A_402 = vector.shape_cast %get3A_401 : vector<1x16xf32> to vector<16xf32>
        %mul3A_403 = arith.constant 8 : i32
        %mul3A_404 = arith.muli %scan3A_138, %mul3A_403 : i32
        %add3A_405 = arith.constant 1 : i32
        %add3A_406 = arith.addi %mul3A_404, %add3A_405 : i32
        %get3A_407 = arith.index_cast %add3A_406 : i32 to index
        %get3A_408 = arith.constant 48 : index
        %get3A_409 = tpu.vector_load %arg8[%get3A_407, %get3A_408] {strides = array<i32>} : memref<200x128xf32, #tpu.memory_space<vmem>>, vector<1x16xf32>,
        %get3A_410 = vector.shape_cast %get3A_409 : vector<1x16xf32> to vector<16xf32>
        %gt3A_411 = arith.constant 0.000000e+00 : f32
        %gt3A_412 = vector.broadcast %gt3A_411 : f32 to vector<16xf32>
        %gt3A_413 = arith.cmpf ogt, %get3A_410, %gt3A_412 : vector<16xf32>
        %jit3A_414 = arith.constant 0xFF800000 : f32
        %broadcast_in_dim3A_415 = vector.broadcast %jit3A_414 : f32 to vector<16xf32>
        %select_n3A_416 = arith.select %gt3A_413, %get3A_402, %broadcast_in_dim3A_415 : vector<16xi1>, vector<16xf32>
        %max3A_417 = arith.maximumf %max3A_233, %select_n3A_416 : vector<16xf32>
        %mul3A_418 = arith.constant 8 : i32
        %mul3A_419 = arith.muli %scan3A_138, %mul3A_418 : i32
        %add3A_420 = arith.constant 1 : i32
        %add3A_421 = arith.addi %mul3A_419, %add3A_420 : i32
        %get3A_422 = arith.index_cast %add3A_421 : i32 to index
        %get3A_423 = arith.constant 64 : index
        %get3A_424 = tpu.vector_load %arg6[%get3A_422, %get3A_423] {strides = array<i32>} : memref<200x128xf32, #tpu.memory_space<vmem>>, vector<1x16xf32>,
        %get3A_425 = vector.shape_cast %get3A_424 : vector<1x16xf32> to vector<16xf32>
        %mul3A_426 = arith.constant 8 : i32
        %mul3A_427 = arith.muli %scan3A_138, %mul3A_426 : i32
        %add3A_428 = arith.constant 1 : i32
        %add3A_429 = arith.addi %mul3A_427, %add3A_428 : i32
        %get3A_430 = arith.index_cast %add3A_429 : i32 to index
        %get3A_431 = arith.constant 64 : index
        %get3A_432 = tpu.vector_load %arg8[%get3A_430, %get3A_431] {strides = array<i32>} : memref<200x128xf32, #tpu.memory_space<vmem>>, vector<1x16xf32>,
        %get3A_433 = vector.shape_cast %get3A_432 : vector<1x16xf32> to vector<16xf32>
        %gt3A_434 = arith.constant 0.000000e+00 : f32
        %gt3A_435 = vector.broadcast %gt3A_434 : f32 to vector<16xf32>
        %gt3A_436 = arith.cmpf ogt, %get3A_433, %gt3A_435 : vector<16xf32>
        %jit3A_437 = arith.constant 0xFF800000 : f32
        %broadcast_in_dim3A_438 = vector.broadcast %jit3A_437 : f32 to vector<16xf32>
        %select_n3A_439 = arith.select %gt3A_436, %get3A_425, %broadcast_in_dim3A_438 : vector<16xi1>, vector<16xf32>
        %max3A_440 = arith.maximumf %max3A_256, %select_n3A_439 : vector<16xf32>
        %mul3A_441 = arith.constant 8 : i32
        %mul3A_442 = arith.muli %scan3A_138, %mul3A_441 : i32
        %add3A_443 = arith.constant 1 : i32
        %add3A_444 = arith.addi %mul3A_442, %add3A_443 : i32
        %get3A_445 = arith.index_cast %add3A_444 : i32 to index
        %get3A_446 = arith.constant 80 : index
        %get3A_447 = tpu.vector_load %arg6[%get3A_445, %get3A_446] {strides = array<i32>} : memref<200x128xf32, #tpu.memory_space<vmem>>, vector<1x16xf32>,
        %get3A_448 = vector.shape_cast %get3A_447 : vector<1x16xf32> to vector<16xf32>
        %mul3A_449 = arith.constant 8 : i32
        %mul3A_450 = arith.muli %scan3A_138, %mul3A_449 : i32
        %add3A_451 = arith.constant 1 : i32
        %add3A_452 = arith.addi %mul3A_450, %add3A_451 : i32
        %get3A_453 = arith.index_cast %add3A_452 : i32 to index
        %get3A_454 = arith.constant 80 : index
        %get3A_455 = tpu.vector_load %arg8[%get3A_453, %get3A_454] {strides = array<i32>} : memref<200x128xf32, #tpu.memory_space<vmem>>, vector<1x16xf32>,
        %get3A_456 = vector.shape_cast %get3A_455 : vector<1x16xf32> to vector<16xf32>
        %gt3A_457 = arith.constant 0.000000e+00 : f32
        %gt3A_458 = vector.broadcast %gt3A_457 : f32 to vector<16xf32>
        %gt3A_459 = arith.cmpf ogt, %get3A_456, %gt3A_458 : vector<16xf32>
        %jit3A_460 = arith.constant 0xFF800000 : f32
        %broadcast_in_dim3A_461 = vector.broadcast %jit3A_460 : f32 to vector<16xf32>
        %select_n3A_462 = arith.select %gt3A_459, %get3A_448, %broadcast_in_dim3A_461 : vector<16xi1>, vector<16xf32>
        %max3A_463 = arith.maximumf %max3A_279, %select_n3A_462 : vector<16xf32>
        %mul3A_464 = arith.constant 8 : i32
        %mul3A_465 = arith.muli %scan3A_138, %mul3A_464 : i32
        %add3A_466 = arith.constant 1 : i32
        %add3A_467 = arith.addi %mul3A_465, %add3A_466 : i32
        %get3A_468 = arith.index_cast %add3A_467 : i32 to index
        %get3A_469 = arith.constant 96 : index
        %get3A_470 = tpu.vector_load %arg6[%get3A_468, %get3A_469] {strides = array<i32>} : memref<200x128xf32, #tpu.memory_space<vmem>>, vector<1x16xf32>,
        %get3A_471 = vector.shape_cast %get3A_470 : vector<1x16xf32> to vector<16xf32>
        %mul3A_472 = arith.constant 8 : i32
        %mul3A_473 = arith.muli %scan3A_138, %mul3A_472 : i32
        %add3A_474 = arith.constant 1 : i32
        %add3A_475 = arith.addi %mul3A_473, %add3A_474 : i32
        %get3A_476 = arith.index_cast %add3A_475 : i32 to index
        %get3A_477 = arith.constant 96 : index
        %get3A_478 = tpu.vector_load %arg8[%get3A_476, %get3A_477] {strides = array<i32>} : memref<200x128xf32, #tpu.memory_space<vmem>>, vector<1x16xf32>,
        %get3A_479 = vector.shape_cast %get3A_478 : vector<1x16xf32> to vector<16xf32>
        %gt3A_480 = arith.constant 0.000000e+00 : f32
        %gt3A_481 = vector.broadcast %gt3A_480 : f32 to vector<16xf32>
        %gt3A_482 = arith.cmpf ogt, %get3A_479, %gt3A_481 : vector<16xf32>
        %jit3A_483 = arith.constant 0xFF800000 : f32
        %broadcast_in_dim3A_484 = vector.broadcast %jit3A_483 : f32 to vector<16xf32>
        %select_n3A_485 = arith.select %gt3A_482, %get3A_471, %broadcast_in_dim3A_484 : vector<16xi1>, vector<16xf32>
        %max3A_486 = arith.maximumf %max3A_302, %select_n3A_485 : vector<16xf32>
        %mul3A_487 = arith.constant 8 : i32
        %mul3A_488 = arith.muli %scan3A_138, %mul3A_487 : i32
        %add3A_489 = arith.constant 1 : i32
        %add3A_490 = arith.addi %mul3A_488, %add3A_489 : i32
        %get3A_491 = arith.index_cast %add3A_490 : i32 to index
        %get3A_492 = arith.constant 112 : index
        %get3A_493 = tpu.vector_load %arg6[%get3A_491, %get3A_492] {strides = array<i32>} : memref<200x128xf32, #tpu.memory_space<vmem>>, vector<1x16xf32>,
        %get3A_494 = vector.shape_cast %get3A_493 : vector<1x16xf32> to vector<16xf32>
        %mul3A_495 = arith.constant 8 : i32
        %mul3A_496 = arith.muli %scan3A_138, %mul3A_495 : i32
        %add3A_497 = arith.constant 1 : i32
        %add3A_498 = arith.addi %mul3A_496, %add3A_497 : i32
        %get3A_499 = arith.index_cast %add3A_498 : i32 to index
        %get3A_500 = arith.constant 112 : index
        %get3A_501 = tpu.vector_load %arg8[%get3A_499, %get3A_500] {strides = array<i32>} : memref<200x128xf32, #tpu.memory_space<vmem>>, vector<1x16xf32>,
        %get3A_502 = vector.shape_cast %get3A_501 : vector<1x16xf32> to vector<16xf32>
        %gt3A_503 = arith.constant 0.000000e+00 : f32
        %gt3A_504 = vector.broadcast %gt3A_503 : f32 to vector<16xf32>
        %gt3A_505 = arith.cmpf ogt, %get3A_502, %gt3A_504 : vector<16xf32>
        %jit3A_506 = arith.constant 0xFF800000 : f32
        %broadcast_in_dim3A_507 = vector.broadcast %jit3A_506 : f32 to vector<16xf32>
        %select_n3A_508 = arith.select %gt3A_505, %get3A_494, %broadcast_in_dim3A_507 : vector<16xi1>, vector<16xf32>
        %max3A_509 = arith.maximumf %max3A_325, %select_n3A_508 : vector<16xf32>
        %mul3A_510 = arith.constant 8 : i32
        %mul3A_511 = arith.muli %scan3A_138, %mul3A_510 : i32
        %add3A_512 = arith.constant 2 : i32
        %add3A_513 = arith.addi %mul3A_511, %add3A_512 : i32
        %get3A_514 = arith.index_cast %add3A_513 : i32 to index
        %get3A_515 = arith.constant 0 : index
        %get3A_516 = tpu.vector_load %arg6[%get3A_514, %get3A_515] {strides = array<i32>} : memref<200x128xf32, #tpu.memory_space<vmem>>, vector<1x16xf32>,
        %get3A_517 = vector.shape_cast %get3A_516 : vector<1x16xf32> to vector<16xf32>
        %mul3A_518 = arith.constant 8 : i32
        %mul3A_519 = arith.muli %scan3A_138, %mul3A_518 : i32
        %add3A_520 = arith.constant 2 : i32
        %add3A_521 = arith.addi %mul3A_519, %add3A_520 : i32
        %get3A_522 = arith.index_cast %add3A_521 : i32 to index
        %get3A_523 = arith.constant 0 : index
        %get3A_524 = tpu.vector_load %arg8[%get3A_522, %get3A_523] {strides = array<i32>} : memref<200x128xf32, #tpu.memory_space<vmem>>, vector<1x16xf32>,
        %get3A_525 = vector.shape_cast %get3A_524 : vector<1x16xf32> to vector<16xf32>
        %gt3A_526 = arith.constant 0.000000e+00 : f32
        %gt3A_527 = vector.broadcast %gt3A_526 : f32 to vector<16xf32>
        %gt3A_528 = arith.cmpf ogt, %get3A_525, %gt3A_527 : vector<16xf32>
        %jit3A_529 = arith.constant 0xFF800000 : f32
        %broadcast_in_dim3A_530 = vector.broadcast %jit3A_529 : f32 to vector<16xf32>
        %select_n3A_531 = arith.select %gt3A_528, %get3A_517, %broadcast_in_dim3A_530 : vector<16xi1>, vector<16xf32>
        %max3A_532 = arith.maximumf %max3A_348, %select_n3A_531 : vector<16xf32>
        %mul3A_533 = arith.constant 8 : i32
        %mul3A_534 = arith.muli %scan3A_138, %mul3A_533 : i32
        %add3A_535 = arith.constant 2 : i32
        %add3A_536 = arith.addi %mul3A_534, %add3A_535 : i32
        %get3A_537 = arith.index_cast %add3A_536 : i32 to index
        %get3A_538 = arith.constant 16 : index
        %get3A_539 = tpu.vector_load %arg6[%get3A_537, %get3A_538] {strides = array<i32>} : memref<200x128xf32, #tpu.memory_space<vmem>>, vector<1x16xf32>,
        %get3A_540 = vector.shape_cast %get3A_539 : vector<1x16xf32> to vector<16xf32>
        %mul3A_541 = arith.constant 8 : i32
        %mul3A_542 = arith.muli %scan3A_138, %mul3A_541 : i32
        %add3A_543 = arith.constant 2 : i32
        %add3A_544 = arith.addi %mul3A_542, %add3A_543 : i32
        %get3A_545 = arith.index_cast %add3A_544 : i32 to index
        %get3A_546 = arith.constant 16 : index
        %get3A_547 = tpu.vector_load %arg8[%get3A_545, %get3A_546] {strides = array<i32>} : memref<200x128xf32, #tpu.memory_space<vmem>>, vector<1x16xf32>,
        %get3A_548 = vector.shape_cast %get3A_547 : vector<1x16xf32> to vector<16xf32>
        %gt3A_549 = arith.constant 0.000000e+00 : f32
        %gt3A_550 = vector.broadcast %gt3A_549 : f32 to vector<16xf32>
        %gt3A_551 = arith.cmpf ogt, %get3A_548, %gt3A_550 : vector<16xf32>
        %jit3A_552 = arith.constant 0xFF800000 : f32
        %broadcast_in_dim3A_553 = vector.broadcast %jit3A_552 : f32 to vector<16xf32>
        %select_n3A_554 = arith.select %gt3A_551, %get3A_540, %broadcast_in_dim3A_553 : vector<16xi1>, vector<16xf32>
        %max3A_555 = arith.maximumf %max3A_371, %select_n3A_554 : vector<16xf32>
        %mul3A_556 = arith.constant 8 : i32
        %mul3A_557 = arith.muli %scan3A_138, %mul3A_556 : i32
        %add3A_558 = arith.constant 2 : i32
        %add3A_559 = arith.addi %mul3A_557, %add3A_558 : i32
        %get3A_560 = arith.index_cast %add3A_559 : i32 to index
        %get3A_561 = arith.constant 32 : index
        %get3A_562 = tpu.vector_load %arg6[%get3A_560, %get3A_561] {strides = array<i32>} : memref<200x128xf32, #tpu.memory_space<vmem>>, vector<1x16xf32>,
        %get3A_563 = vector.shape_cast %get3A_562 : vector<1x16xf32> to vector<16xf32>
        %mul3A_564 = arith.constant 8 : i32
        %mul3A_565 = arith.muli %scan3A_138, %mul3A_564 : i32
        %add3A_566 = arith.constant 2 : i32
        %add3A_567 = arith.addi %mul3A_565, %add3A_566 : i32
        %get3A_568 = arith.index_cast %add3A_567 : i32 to index
        %get3A_569 = arith.constant 32 : index
        %get3A_570 = tpu.vector_load %arg8[%get3A_568, %get3A_569] {strides = array<i32>} : memref<200x128xf32, #tpu.memory_space<vmem>>, vector<1x16xf32>,
        %get3A_571 = vector.shape_cast %get3A_570 : vector<1x16xf32> to vector<16xf32>
        %gt3A_572 = arith.constant 0.000000e+00 : f32
        %gt3A_573 = vector.broadcast %gt3A_572 : f32 to vector<16xf32>
        %gt3A_574 = arith.cmpf ogt, %get3A_571, %gt3A_573 : vector<16xf32>
        %jit3A_575 = arith.constant 0xFF800000 : f32
        %broadcast_in_dim3A_576 = vector.broadcast %jit3A_575 : f32 to vector<16xf32>
        %select_n3A_577 = arith.select %gt3A_574, %get3A_563, %broadcast_in_dim3A_576 : vector<16xi1>, vector<16xf32>
        %max3A_578 = arith.maximumf %max3A_394, %select_n3A_577 : vector<16xf32>
        %mul3A_579 = arith.constant 8 : i32
        %mul3A_580 = arith.muli %scan3A_138, %mul3A_579 : i32
        %add3A_581 = arith.constant 2 : i32
        %add3A_582 = arith.addi %mul3A_580, %add3A_581 : i32
        %get3A_583 = arith.index_cast %add3A_582 : i32 to index
        %get3A_584 = arith.constant 48 : index
        %get3A_585 = tpu.vector_load %arg6[%get3A_583, %get3A_584] {strides = array<i32>} : memref<200x128xf32, #tpu.memory_space<vmem>>, vector<1x16xf32>,
        %get3A_586 = vector.shape_cast %get3A_585 : vector<1x16xf32> to vector<16xf32>
        %mul3A_587 = arith.constant 8 : i32
        %mul3A_588 = arith.muli %scan3A_138, %mul3A_587 : i32
        %add3A_589 = arith.constant 2 : i32
        %add3A_590 = arith.addi %mul3A_588, %add3A_589 : i32
        %get3A_591 = arith.index_cast %add3A_590 : i32 to index
        %get3A_592 = arith.constant 48 : index
        %get3A_593 = tpu.vector_load %arg8[%get3A_591, %get3A_592] {strides = array<i32>} : memref<200x128xf32, #tpu.memory_space<vmem>>, vector<1x16xf32>,
        %get3A_594 = vector.shape_cast %get3A_593 : vector<1x16xf32> to vector<16xf32>
        %gt3A_595 = arith.constant 0.000000e+00 : f32
        %gt3A_596 = vector.broadcast %gt3A_595 : f32 to vector<16xf32>
        %gt3A_597 = arith.cmpf ogt, %get3A_594, %gt3A_596 : vector<16xf32>
        %jit3A_598 = arith.constant 0xFF800000 : f32
        %broadcast_in_dim3A_599 = vector.broadcast %jit3A_598 : f32 to vector<16xf32>
        %select_n3A_600 = arith.select %gt3A_597, %get3A_586, %broadcast_in_dim3A_599 : vector<16xi1>, vector<16xf32>
        %max3A_601 = arith.maximumf %max3A_417, %select_n3A_600 : vector<16xf32>
        %mul3A_602 = arith.constant 8 : i32
        %mul3A_603 = arith.muli %scan3A_138, %mul3A_602 : i32
        %add3A_604 = arith.constant 2 : i32
        %add3A_605 = arith.addi %mul3A_603, %add3A_604 : i32
        %get3A_606 = arith.index_cast %add3A_605 : i32 to index
        %get3A_607 = arith.constant 64 : index
        %get3A_608 = tpu.vector_load %arg6[%get3A_606, %get3A_607] {strides = array<i32>} : memref<200x128xf32, #tpu.memory_space<vmem>>, vector<1x16xf32>,
        %get3A_609 = vector.shape_cast %get3A_608 : vector<1x16xf32> to vector<16xf32>
        %mul3A_610 = arith.constant 8 : i32
        %mul3A_611 = arith.muli %scan3A_138, %mul3A_610 : i32
        %add3A_612 = arith.constant 2 : i32
        %add3A_613 = arith.addi %mul3A_611, %add3A_612 : i32
        %get3A_614 = arith.index_cast %add3A_613 : i32 to index
        %get3A_615 = arith.constant 64 : index
        %get3A_616 = tpu.vector_load %arg8[%get3A_614, %get3A_615] {strides = array<i32>} : memref<200x128xf32, #tpu.memory_space<vmem>>, vector<1x16xf32>,
        %get3A_617 = vector.shape_cast %get3A_616 : vector<1x16xf32> to vector<16xf32>
        %gt3A_618 = arith.constant 0.000000e+00 : f32
        %gt3A_619 = vector.broadcast %gt3A_618 : f32 to vector<16xf32>
        %gt3A_620 = arith.cmpf ogt, %get3A_617, %gt3A_619 : vector<16xf32>
        %jit3A_621 = arith.constant 0xFF800000 : f32
        %broadcast_in_dim3A_622 = vector.broadcast %jit3A_621 : f32 to vector<16xf32>
        %select_n3A_623 = arith.select %gt3A_620, %get3A_609, %broadcast_in_dim3A_622 : vector<16xi1>, vector<16xf32>
        %max3A_624 = arith.maximumf %max3A_440, %select_n3A_623 : vector<16xf32>
        %mul3A_625 = arith.constant 8 : i32
        %mul3A_626 = arith.muli %scan3A_138, %mul3A_625 : i32
        %add3A_627 = arith.constant 2 : i32
        %add3A_628 = arith.addi %mul3A_626, %add3A_627 : i32
        %get3A_629 = arith.index_cast %add3A_628 : i32 to index
        %get3A_630 = arith.constant 80 : index
        %get3A_631 = tpu.vector_load %arg6[%get3A_629, %get3A_630] {strides = array<i32>} : memref<200x128xf32, #tpu.memory_space<vmem>>, vector<1x16xf32>,
        %get3A_632 = vector.shape_cast %get3A_631 : vector<1x16xf32> to vector<16xf32>
        %mul3A_633 = arith.constant 8 : i32
        %mul3A_634 = arith.muli %scan3A_138, %mul3A_633 : i32
        %add3A_635 = arith.constant 2 : i32
        %add3A_636 = arith.addi %mul3A_634, %add3A_635 : i32
        %get3A_637 = arith.index_cast %add3A_636 : i32 to index
        %get3A_638 = arith.constant 80 : index
        %get3A_639 = tpu.vector_load %arg8[%get3A_637, %get3A_638] {strides = array<i32>} : memref<200x128xf32, #tpu.memory_space<vmem>>, vector<1x16xf32>,
        %get3A_640 = vector.shape_cast %get3A_639 : vector<1x16xf32> to vector<16xf32>
        %gt3A_641 = arith.constant 0.000000e+00 : f32
        %gt3A_642 = vector.broadcast %gt3A_641 : f32 to vector<16xf32>
        %gt3A_643 = arith.cmpf ogt, %get3A_640, %gt3A_642 : vector<16xf32>
        %jit3A_644 = arith.constant 0xFF800000 : f32
        %broadcast_in_dim3A_645 = vector.broadcast %jit3A_644 : f32 to vector<16xf32>
        %select_n3A_646 = arith.select %gt3A_643, %get3A_632, %broadcast_in_dim3A_645 : vector<16xi1>, vector<16xf32>
        %max3A_647 = arith.maximumf %max3A_463, %select_n3A_646 : vector<16xf32>
        %mul3A_648 = arith.constant 8 : i32
        %mul3A_649 = arith.muli %scan3A_138, %mul3A_648 : i32
        %add3A_650 = arith.constant 2 : i32
        %add3A_651 = arith.addi %mul3A_649, %add3A_650 : i32
        %get3A_652 = arith.index_cast %add3A_651 : i32 to index
        %get3A_653 = arith.constant 96 : index
        %get3A_654 = tpu.vector_load %arg6[%get3A_652, %get3A_653] {strides = array<i32>} : memref<200x128xf32, #tpu.memory_space<vmem>>, vector<1x16xf32>,
        %get3A_655 = vector.shape_cast %get3A_654 : vector<1x16xf32> to vector<16xf32>
        %mul3A_656 = arith.constant 8 : i32
        %mul3A_657 = arith.muli %scan3A_138, %mul3A_656 : i32
        %add3A_658 = arith.constant 2 : i32
        %add3A_659 = arith.addi %mul3A_657, %add3A_658 : i32
        %get3A_660 = arith.index_cast %add3A_659 : i32 to index
        %get3A_661 = arith.constant 96 : index
        %get3A_662 = tpu.vector_load %arg8[%get3A_660, %get3A_661] {strides = array<i32>} : memref<200x128xf32, #tpu.memory_space<vmem>>, vector<1x16xf32>,
        %get3A_663 = vector.shape_cast %get3A_662 : vector<1x16xf32> to vector<16xf32>
        %gt3A_664 = arith.constant 0.000000e+00 : f32
        %gt3A_665 = vector.broadcast %gt3A_664 : f32 to vector<16xf32>
        %gt3A_666 = arith.cmpf ogt, %get3A_663, %gt3A_665 : vector<16xf32>
        %jit3A_667 = arith.constant 0xFF800000 : f32
        %broadcast_in_dim3A_668 = vector.broadcast %jit3A_667 : f32 to vector<16xf32>
        %select_n3A_669 = arith.select %gt3A_666, %get3A_655, %broadcast_in_dim3A_668 : vector<16xi1>, vector<16xf32>
        %max3A_670 = arith.maximumf %max3A_486, %select_n3A_669 : vector<16xf32>
        %mul3A_671 = arith.constant 8 : i32
        %mul3A_672 = arith.muli %scan3A_138, %mul3A_671 : i32
        %add3A_673 = arith.constant 2 : i32
        %add3A_674 = arith.addi %mul3A_672, %add3A_673 : i32
        %get3A_675 = arith.index_cast %add3A_674 : i32 to index
        %get3A_676 = arith.constant 112 : index
        %get3A_677 = tpu.vector_load %arg6[%get3A_675, %get3A_676] {strides = array<i32>} : memref<200x128xf32, #tpu.memory_space<vmem>>, vector<1x16xf32>,
        %get3A_678 = vector.shape_cast %get3A_677 : vector<1x16xf32> to vector<16xf32>
        %mul3A_679 = arith.constant 8 : i32
        %mul3A_680 = arith.muli %scan3A_138, %mul3A_679 : i32
        %add3A_681 = arith.constant 2 : i32
        %add3A_682 = arith.addi %mul3A_680, %add3A_681 : i32
        %get3A_683 = arith.index_cast %add3A_682 : i32 to index
        %get3A_684 = arith.constant 112 : index
        %get3A_685 = tpu.vector_load %arg8[%get3A_683, %get3A_684] {strides = array<i32>} : memref<200x128xf32, #tpu.memory_space<vmem>>, vector<1x16xf32>,
        %get3A_686 = vector.shape_cast %get3A_685 : vector<1x16xf32> to vector<16xf32>
        %gt3A_687 = arith.constant 0.000000e+00 : f32
        %gt3A_688 = vector.broadcast %gt3A_687 : f32 to vector<16xf32>
        %gt3A_689 = arith.cmpf ogt, %get3A_686, %gt3A_688 : vector<16xf32>
        %jit3A_690 = arith.constant 0xFF800000 : f32
        %broadcast_in_dim3A_691 = vector.broadcast %jit3A_690 : f32 to vector<16xf32>
        %select_n3A_692 = arith.select %gt3A_689, %get3A_678, %broadcast_in_dim3A_691 : vector<16xi1>, vector<16xf32>
        %max3A_693 = arith.maximumf %max3A_509, %select_n3A_692 : vector<16xf32>
        %mul3A_694 = arith.constant 8 : i32
        %mul3A_695 = arith.muli %scan3A_138, %mul3A_694 : i32
        %add3A_696 = arith.constant 3 : i32
        %add3A_697 = arith.addi %mul3A_695, %add3A_696 : i32
        %get3A_698 = arith.index_cast %add3A_697 : i32 to index
        %get3A_699 = arith.constant 0 : index
        %get3A_700 = tpu.vector_load %arg6[%get3A_698, %get3A_699] {strides = array<i32>} : memref<200x128xf32, #tpu.memory_space<vmem>>, vector<1x16xf32>,
        %get3A_701 = vector.shape_cast %get3A_700 : vector<1x16xf32> to vector<16xf32>
        %mul3A_702 = arith.constant 8 : i32
        %mul3A_703 = arith.muli %scan3A_138, %mul3A_702 : i32
        %add3A_704 = arith.constant 3 : i32
        %add3A_705 = arith.addi %mul3A_703, %add3A_704 : i32
        %get3A_706 = arith.index_cast %add3A_705 : i32 to index
        %get3A_707 = arith.constant 0 : index
        %get3A_708 = tpu.vector_load %arg8[%get3A_706, %get3A_707] {strides = array<i32>} : memref<200x128xf32, #tpu.memory_space<vmem>>, vector<1x16xf32>,
        %get3A_709 = vector.shape_cast %get3A_708 : vector<1x16xf32> to vector<16xf32>
        %gt3A_710 = arith.constant 0.000000e+00 : f32
        %gt3A_711 = vector.broadcast %gt3A_710 : f32 to vector<16xf32>
        %gt3A_712 = arith.cmpf ogt, %get3A_709, %gt3A_711 : vector<16xf32>
        %jit3A_713 = arith.constant 0xFF800000 : f32
        %broadcast_in_dim3A_714 = vector.broadcast %jit3A_713 : f32 to vector<16xf32>
        %select_n3A_715 = arith.select %gt3A_712, %get3A_701, %broadcast_in_dim3A_714 : vector<16xi1>, vector<16xf32>
        %max3A_716 = arith.maximumf %max3A_532, %select_n3A_715 : vector<16xf32>
        %mul3A_717 = arith.constant 8 : i32
        %mul3A_718 = arith.muli %scan3A_138, %mul3A_717 : i32
        %add3A_719 = arith.constant 3 : i32
        %add3A_720 = arith.addi %mul3A_718, %add3A_719 : i32
        %get3A_721 = arith.index_cast %add3A_720 : i32 to index
        %get3A_722 = arith.constant 16 : index
        %get3A_723 = tpu.vector_load %arg6[%get3A_721, %get3A_722] {strides = array<i32>} : memref<200x128xf32, #tpu.memory_space<vmem>>, vector<1x16xf32>,
        %get3A_724 = vector.shape_cast %get3A_723 : vector<1x16xf32> to vector<16xf32>
        %mul3A_725 = arith.constant 8 : i32
        %mul3A_726 = arith.muli %scan3A_138, %mul3A_725 : i32
        %add3A_727 = arith.constant 3 : i32
        %add3A_728 = arith.addi %mul3A_726, %add3A_727 : i32
        %get3A_729 = arith.index_cast %add3A_728 : i32 to index
        %get3A_730 = arith.constant 16 : index
        %get3A_731 = tpu.vector_load %arg8[%get3A_729, %get3A_730] {strides = array<i32>} : memref<200x128xf32, #tpu.memory_space<vmem>>, vector<1x16xf32>,
        %get3A_732 = vector.shape_cast %get3A_731 : vector<1x16xf32> to vector<16xf32>
        %gt3A_733 = arith.constant 0.000000e+00 : f32
        %gt3A_734 = vector.broadcast %gt3A_733 : f32 to vector<16xf32>
        %gt3A_735 = arith.cmpf ogt, %get3A_732, %gt3A_734 : vector<16xf32>
        %jit3A_736 = arith.constant 0xFF800000 : f32
        %broadcast_in_dim3A_737 = vector.broadcast %jit3A_736 : f32 to vector<16xf32>
        %select_n3A_738 = arith.select %gt3A_735, %get3A_724, %broadcast_in_dim3A_737 : vector<16xi1>, vector<16xf32>
        %max3A_739 = arith.maximumf %max3A_555, %select_n3A_738 : vector<16xf32>
        %mul3A_740 = arith.constant 8 : i32
        %mul3A_741 = arith.muli %scan3A_138, %mul3A_740 : i32
        %add3A_742 = arith.constant 3 : i32
        %add3A_743 = arith.addi %mul3A_741, %add3A_742 : i32
        %get3A_744 = arith.index_cast %add3A_743 : i32 to index
        %get3A_745 = arith.constant 32 : index
        %get3A_746 = tpu.vector_load %arg6[%get3A_744, %get3A_745] {strides = array<i32>} : memref<200x128xf32, #tpu.memory_space<vmem>>, vector<1x16xf32>,
        %get3A_747 = vector.shape_cast %get3A_746 : vector<1x16xf32> to vector<16xf32>
        %mul3A_748 = arith.constant 8 : i32
        %mul3A_749 = arith.muli %scan3A_138, %mul3A_748 : i32
        %add3A_750 = arith.constant 3 : i32
        %add3A_751 = arith.addi %mul3A_749, %add3A_750 : i32
        %get3A_752 = arith.index_cast %add3A_751 : i32 to index
        %get3A_753 = arith.constant 32 : index
        %get3A_754 = tpu.vector_load %arg8[%get3A_752, %get3A_753] {strides = array<i32>} : memref<200x128xf32, #tpu.memory_space<vmem>>, vector<1x16xf32>,
        %get3A_755 = vector.shape_cast %get3A_754 : vector<1x16xf32> to vector<16xf32>
        %gt3A_756 = arith.constant 0.000000e+00 : f32
        %gt3A_757 = vector.broadcast %gt3A_756 : f32 to vector<16xf32>
        %gt3A_758 = arith.cmpf ogt, %get3A_755, %gt3A_757 : vector<16xf32>
        %jit3A_759 = arith.constant 0xFF800000 : f32
        %broadcast_in_dim3A_760 = vector.broadcast %jit3A_759 : f32 to vector<16xf32>
        %select_n3A_761 = arith.select %gt3A_758, %get3A_747, %broadcast_in_dim3A_760 : vector<16xi1>, vector<16xf32>
        %max3A_762 = arith.maximumf %max3A_578, %select_n3A_761 : vector<16xf32>
        %mul3A_763 = arith.constant 8 : i32
        %mul3A_764 = arith.muli %scan3A_138, %mul3A_763 : i32
        %add3A_765 = arith.constant 3 : i32
        %add3A_766 = arith.addi %mul3A_764, %add3A_765 : i32
        %get3A_767 = arith.index_cast %add3A_766 : i32 to index
        %get3A_768 = arith.constant 48 : index
        %get3A_769 = tpu.vector_load %arg6[%get3A_767, %get3A_768] {strides = array<i32>} : memref<200x128xf32, #tpu.memory_space<vmem>>, vector<1x16xf32>,
        %get3A_770 = vector.shape_cast %get3A_769 : vector<1x16xf32> to vector<16xf32>
        %mul3A_771 = arith.constant 8 : i32
        %mul3A_772 = arith.muli %scan3A_138, %mul3A_771 : i32
        %add3A_773 = arith.constant 3 : i32
        %add3A_774 = arith.addi %mul3A_772, %add3A_773 : i32
        %get3A_775 = arith.index_cast %add3A_774 : i32 to index
        %get3A_776 = arith.constant 48 : index
        %get3A_777 = tpu.vector_load %arg8[%get3A_775, %get3A_776] {strides = array<i32>} : memref<200x128xf32, #tpu.memory_space<vmem>>, vector<1x16xf32>,
        %get3A_778 = vector.shape_cast %get3A_777 : vector<1x16xf32> to vector<16xf32>
        %gt3A_779 = arith.constant 0.000000e+00 : f32
        %gt3A_780 = vector.broadcast %gt3A_779 : f32 to vector<16xf32>
        %gt3A_781 = arith.cmpf ogt, %get3A_778, %gt3A_780 : vector<16xf32>
        %jit3A_782 = arith.constant 0xFF800000 : f32
        %broadcast_in_dim3A_783 = vector.broadcast %jit3A_782 : f32 to vector<16xf32>
        %select_n3A_784 = arith.select %gt3A_781, %get3A_770, %broadcast_in_dim3A_783 : vector<16xi1>, vector<16xf32>
        %max3A_785 = arith.maximumf %max3A_601, %select_n3A_784 : vector<16xf32>
        %mul3A_786 = arith.constant 8 : i32
        %mul3A_787 = arith.muli %scan3A_138, %mul3A_786 : i32
        %add3A_788 = arith.constant 3 : i32
        %add3A_789 = arith.addi %mul3A_787, %add3A_788 : i32
        %get3A_790 = arith.index_cast %add3A_789 : i32 to index
        %get3A_791 = arith.constant 64 : index
        %get3A_792 = tpu.vector_load %arg6[%get3A_790, %get3A_791] {strides = array<i32>} : memref<200x128xf32, #tpu.memory_space<vmem>>, vector<1x16xf32>,
        %get3A_793 = vector.shape_cast %get3A_792 : vector<1x16xf32> to vector<16xf32>
        %mul3A_794 = arith.constant 8 : i32
        %mul3A_795 = arith.muli %scan3A_138, %mul3A_794 : i32
        %add3A_796 = arith.constant 3 : i32
        %add3A_797 = arith.addi %mul3A_795, %add3A_796 : i32
        %get3A_798 = arith.index_cast %add3A_797 : i32 to index
        %get3A_799 = arith.constant 64 : index
        %get3A_800 = tpu.vector_load %arg8[%get3A_798, %get3A_799] {strides = array<i32>} : memref<200x128xf32, #tpu.memory_space<vmem>>, vector<1x16xf32>,
        %get3A_801 = vector.shape_cast %get3A_800 : vector<1x16xf32> to vector<16xf32>
        %gt3A_802 = arith.constant 0.000000e+00 : f32
        %gt3A_803 = vector.broadcast %gt3A_802 : f32 to vector<16xf32>
        %gt3A_804 = arith.cmpf ogt, %get3A_801, %gt3A_803 : vector<16xf32>
        %jit3A_805 = arith.constant 0xFF800000 : f32
        %broadcast_in_dim3A_806 = vector.broadcast %jit3A_805 : f32 to vector<16xf32>
        %select_n3A_807 = arith.select %gt3A_804, %get3A_793, %broadcast_in_dim3A_806 : vector<16xi1>, vector<16xf32>
        %max3A_808 = arith.maximumf %max3A_624, %select_n3A_807 : vector<16xf32>
        %mul3A_809 = arith.constant 8 : i32
        %mul3A_810 = arith.muli %scan3A_138, %mul3A_809 : i32
        %add3A_811 = arith.constant 3 : i32
        %add3A_812 = arith.addi %mul3A_810, %add3A_811 : i32
        %get3A_813 = arith.index_cast %add3A_812 : i32 to index
        %get3A_814 = arith.constant 80 : index
        %get3A_815 = tpu.vector_load %arg6[%get3A_813, %get3A_814] {strides = array<i32>} : memref<200x128xf32, #tpu.memory_space<vmem>>, vector<1x16xf32>,
        %get3A_816 = vector.shape_cast %get3A_815 : vector<1x16xf32> to vector<16xf32>
        %mul3A_817 = arith.constant 8 : i32
        %mul3A_818 = arith.muli %scan3A_138, %mul3A_817 : i32
        %add3A_819 = arith.constant 3 : i32
        %add3A_820 = arith.addi %mul3A_818, %add3A_819 : i32
        %get3A_821 = arith.index_cast %add3A_820 : i32 to index
        %get3A_822 = arith.constant 80 : index
        %get3A_823 = tpu.vector_load %arg8[%get3A_821, %get3A_822] {strides = array<i32>} : memref<200x128xf32, #tpu.memory_space<vmem>>, vector<1x16xf32>,
        %get3A_824 = vector.shape_cast %get3A_823 : vector<1x16xf32> to vector<16xf32>
        %gt3A_825 = arith.constant 0.000000e+00 : f32
        %gt3A_826 = vector.broadcast %gt3A_825 : f32 to vector<16xf32>
        %gt3A_827 = arith.cmpf ogt, %get3A_824, %gt3A_826 : vector<16xf32>
        %jit3A_828 = arith.constant 0xFF800000 : f32
        %broadcast_in_dim3A_829 = vector.broadcast %jit3A_828 : f32 to vector<16xf32>
        %select_n3A_830 = arith.select %gt3A_827, %get3A_816, %broadcast_in_dim3A_829 : vector<16xi1>, vector<16xf32>
        %max3A_831 = arith.maximumf %max3A_647, %select_n3A_830 : vector<16xf32>
        %mul3A_832 = arith.constant 8 : i32
        %mul3A_833 = arith.muli %scan3A_138, %mul3A_832 : i32
        %add3A_834 = arith.constant 3 : i32
        %add3A_835 = arith.addi %mul3A_833, %add3A_834 : i32
        %get3A_836 = arith.index_cast %add3A_835 : i32 to index
        %get3A_837 = arith.constant 96 : index
        %get3A_838 = tpu.vector_load %arg6[%get3A_836, %get3A_837] {strides = array<i32>} : memref<200x128xf32, #tpu.memory_space<vmem>>, vector<1x16xf32>,
        %get3A_839 = vector.shape_cast %get3A_838 : vector<1x16xf32> to vector<16xf32>
        %mul3A_840 = arith.constant 8 : i32
        %mul3A_841 = arith.muli %scan3A_138, %mul3A_840 : i32
        %add3A_842 = arith.constant 3 : i32
        %add3A_843 = arith.addi %mul3A_841, %add3A_842 : i32
        %get3A_844 = arith.index_cast %add3A_843 : i32 to index
        %get3A_845 = arith.constant 96 : index
        %get3A_846 = tpu.vector_load %arg8[%get3A_844, %get3A_845] {strides = array<i32>} : memref<200x128xf32, #tpu.memory_space<vmem>>, vector<1x16xf32>,
        %get3A_847 = vector.shape_cast %get3A_846 : vector<1x16xf32> to vector<16xf32>
        %gt3A_848 = arith.constant 0.000000e+00 : f32
        %gt3A_849 = vector.broadcast %gt3A_848 : f32 to vector<16xf32>
        %gt3A_850 = arith.cmpf ogt, %get3A_847, %gt3A_849 : vector<16xf32>
        %jit3A_851 = arith.constant 0xFF800000 : f32
        %broadcast_in_dim3A_852 = vector.broadcast %jit3A_851 : f32 to vector<16xf32>
        %select_n3A_853 = arith.select %gt3A_850, %get3A_839, %broadcast_in_dim3A_852 : vector<16xi1>, vector<16xf32>
        %max3A_854 = arith.maximumf %max3A_670, %select_n3A_853 : vector<16xf32>
        %mul3A_855 = arith.constant 8 : i32
        %mul3A_856 = arith.muli %scan3A_138, %mul3A_855 : i32
        %add3A_857 = arith.constant 3 : i32
        %add3A_858 = arith.addi %mul3A_856, %add3A_857 : i32
        %get3A_859 = arith.index_cast %add3A_858 : i32 to index
        %get3A_860 = arith.constant 112 : index
        %get3A_861 = tpu.vector_load %arg6[%get3A_859, %get3A_860] {strides = array<i32>} : memref<200x128xf32, #tpu.memory_space<vmem>>, vector<1x16xf32>,
        %get3A_862 = vector.shape_cast %get3A_861 : vector<1x16xf32> to vector<16xf32>
        %mul3A_863 = arith.constant 8 : i32
        %mul3A_864 = arith.muli %scan3A_138, %mul3A_863 : i32
        %add3A_865 = arith.constant 3 : i32
        %add3A_866 = arith.addi %mul3A_864, %add3A_865 : i32
        %get3A_867 = arith.index_cast %add3A_866 : i32 to index
        %get3A_868 = arith.constant 112 : index
        %get3A_869 = tpu.vector_load %arg8[%get3A_867, %get3A_868] {strides = array<i32>} : memref<200x128xf32, #tpu.memory_space<vmem>>, vector<1x16xf32>,
        %get3A_870 = vector.shape_cast %get3A_869 : vector<1x16xf32> to vector<16xf32>
        %gt3A_871 = arith.constant 0.000000e+00 : f32
        %gt3A_872 = vector.broadcast %gt3A_871 : f32 to vector<16xf32>
        %gt3A_873 = arith.cmpf ogt, %get3A_870, %gt3A_872 : vector<16xf32>
        %jit3A_874 = arith.constant 0xFF800000 : f32
        %broadcast_in_dim3A_875 = vector.broadcast %jit3A_874 : f32 to vector<16xf32>
        %select_n3A_876 = arith.select %gt3A_873, %get3A_862, %broadcast_in_dim3A_875 : vector<16xi1>, vector<16xf32>
        %max3A_877 = arith.maximumf %max3A_693, %select_n3A_876 : vector<16xf32>
        %mul3A_878 = arith.constant 8 : i32
        %mul3A_879 = arith.muli %scan3A_138, %mul3A_878 : i32
        %add3A_880 = arith.constant 4 : i32
        %add3A_881 = arith.addi %mul3A_879, %add3A_880 : i32
        %get3A_882 = arith.index_cast %add3A_881 : i32 to index
        %get3A_883 = arith.constant 0 : index
        %get3A_884 = tpu.vector_load %arg6[%get3A_882, %get3A_883] {strides = array<i32>} : memref<200x128xf32, #tpu.memory_space<vmem>>, vector<1x16xf32>,
        %get3A_885 = vector.shape_cast %get3A_884 : vector<1x16xf32> to vector<16xf32>
        %mul3A_886 = arith.constant 8 : i32
        %mul3A_887 = arith.muli %scan3A_138, %mul3A_886 : i32
        %add3A_888 = arith.constant 4 : i32
        %add3A_889 = arith.addi %mul3A_887, %add3A_888 : i32
        %get3A_890 = arith.index_cast %add3A_889 : i32 to index
        %get3A_891 = arith.constant 0 : index
        %get3A_892 = tpu.vector_load %arg8[%get3A_890, %get3A_891] {strides = array<i32>} : memref<200x128xf32, #tpu.memory_space<vmem>>, vector<1x16xf32>,
        %get3A_893 = vector.shape_cast %get3A_892 : vector<1x16xf32> to vector<16xf32>
        %gt3A_894 = arith.constant 0.000000e+00 : f32
        %gt3A_895 = vector.broadcast %gt3A_894 : f32 to vector<16xf32>
        %gt3A_896 = arith.cmpf ogt, %get3A_893, %gt3A_895 : vector<16xf32>
        %jit3A_897 = arith.constant 0xFF800000 : f32
        %broadcast_in_dim3A_898 = vector.broadcast %jit3A_897 : f32 to vector<16xf32>
        %select_n3A_899 = arith.select %gt3A_896, %get3A_885, %broadcast_in_dim3A_898 : vector<16xi1>, vector<16xf32>
        %max3A_900 = arith.maximumf %max3A_716, %select_n3A_899 : vector<16xf32>
        %mul3A_901 = arith.constant 8 : i32
        %mul3A_902 = arith.muli %scan3A_138, %mul3A_901 : i32
        %add3A_903 = arith.constant 4 : i32
        %add3A_904 = arith.addi %mul3A_902, %add3A_903 : i32
        %get3A_905 = arith.index_cast %add3A_904 : i32 to index
        %get3A_906 = arith.constant 16 : index
        %get3A_907 = tpu.vector_load %arg6[%get3A_905, %get3A_906] {strides = array<i32>} : memref<200x128xf32, #tpu.memory_space<vmem>>, vector<1x16xf32>,
        %get3A_908 = vector.shape_cast %get3A_907 : vector<1x16xf32> to vector<16xf32>
        %mul3A_909 = arith.constant 8 : i32
        %mul3A_910 = arith.muli %scan3A_138, %mul3A_909 : i32
        %add3A_911 = arith.constant 4 : i32
        %add3A_912 = arith.addi %mul3A_910, %add3A_911 : i32
        %get3A_913 = arith.index_cast %add3A_912 : i32 to index
        %get3A_914 = arith.constant 16 : index
        %get3A_915 = tpu.vector_load %arg8[%get3A_913, %get3A_914] {strides = array<i32>} : memref<200x128xf32, #tpu.memory_space<vmem>>, vector<1x16xf32>,
        %get3A_916 = vector.shape_cast %get3A_915 : vector<1x16xf32> to vector<16xf32>
        %gt3A_917 = arith.constant 0.000000e+00 : f32
        %gt3A_918 = vector.broadcast %gt3A_917 : f32 to vector<16xf32>
        %gt3A_919 = arith.cmpf ogt, %get3A_916, %gt3A_918 : vector<16xf32>
        %jit3A_920 = arith.constant 0xFF800000 : f32
        %broadcast_in_dim3A_921 = vector.broadcast %jit3A_920 : f32 to vector<16xf32>
        %select_n3A_922 = arith.select %gt3A_919, %get3A_908, %broadcast_in_dim3A_921 : vector<16xi1>, vector<16xf32>
        %max3A_923 = arith.maximumf %max3A_739, %select_n3A_922 : vector<16xf32>
        %mul3A_924 = arith.constant 8 : i32
        %mul3A_925 = arith.muli %scan3A_138, %mul3A_924 : i32
        %add3A_926 = arith.constant 4 : i32
        %add3A_927 = arith.addi %mul3A_925, %add3A_926 : i32
        %get3A_928 = arith.index_cast %add3A_927 : i32 to index
        %get3A_929 = arith.constant 32 : index
        %get3A_930 = tpu.vector_load %arg6[%get3A_928, %get3A_929] {strides = array<i32>} : memref<200x128xf32, #tpu.memory_space<vmem>>, vector<1x16xf32>,
        %get3A_931 = vector.shape_cast %get3A_930 : vector<1x16xf32> to vector<16xf32>
        %mul3A_932 = arith.constant 8 : i32
        %mul3A_933 = arith.muli %scan3A_138, %mul3A_932 : i32
        %add3A_934 = arith.constant 4 : i32
        %add3A_935 = arith.addi %mul3A_933, %add3A_934 : i32
        %get3A_936 = arith.index_cast %add3A_935 : i32 to index
        %get3A_937 = arith.constant 32 : index
        %get3A_938 = tpu.vector_load %arg8[%get3A_936, %get3A_937] {strides = array<i32>} : memref<200x128xf32, #tpu.memory_space<vmem>>, vector<1x16xf32>,
        %get3A_939 = vector.shape_cast %get3A_938 : vector<1x16xf32> to vector<16xf32>
        %gt3A_940 = arith.constant 0.000000e+00 : f32
        %gt3A_941 = vector.broadcast %gt3A_940 : f32 to vector<16xf32>
        %gt3A_942 = arith.cmpf ogt, %get3A_939, %gt3A_941 : vector<16xf32>
        %jit3A_943 = arith.constant 0xFF800000 : f32
        %broadcast_in_dim3A_944 = vector.broadcast %jit3A_943 : f32 to vector<16xf32>
        %select_n3A_945 = arith.select %gt3A_942, %get3A_931, %broadcast_in_dim3A_944 : vector<16xi1>, vector<16xf32>
        %max3A_946 = arith.maximumf %max3A_762, %select_n3A_945 : vector<16xf32>
        %mul3A_947 = arith.constant 8 : i32
        %mul3A_948 = arith.muli %scan3A_138, %mul3A_947 : i32
        %add3A_949 = arith.constant 4 : i32
        %add3A_950 = arith.addi %mul3A_948, %add3A_949 : i32
        %get3A_951 = arith.index_cast %add3A_950 : i32 to index
        %get3A_952 = arith.constant 48 : index
        %get3A_953 = tpu.vector_load %arg6[%get3A_951, %get3A_952] {strides = array<i32>} : memref<200x128xf32, #tpu.memory_space<vmem>>, vector<1x16xf32>,
        %get3A_954 = vector.shape_cast %get3A_953 : vector<1x16xf32> to vector<16xf32>
        %mul3A_955 = arith.constant 8 : i32
        %mul3A_956 = arith.muli %scan3A_138, %mul3A_955 : i32
        %add3A_957 = arith.constant 4 : i32
        %add3A_958 = arith.addi %mul3A_956, %add3A_957 : i32
        %get3A_959 = arith.index_cast %add3A_958 : i32 to index
        %get3A_960 = arith.constant 48 : index
        %get3A_961 = tpu.vector_load %arg8[%get3A_959, %get3A_960] {strides = array<i32>} : memref<200x128xf32, #tpu.memory_space<vmem>>, vector<1x16xf32>,
        %get3A_962 = vector.shape_cast %get3A_961 : vector<1x16xf32> to vector<16xf32>
        %gt3A_963 = arith.constant 0.000000e+00 : f32
        %gt3A_964 = vector.broadcast %gt3A_963 : f32 to vector<16xf32>
        %gt3A_965 = arith.cmpf ogt, %get3A_962, %gt3A_964 : vector<16xf32>
        %jit3A_966 = arith.constant 0xFF800000 : f32
        %broadcast_in_dim3A_967 = vector.broadcast %jit3A_966 : f32 to vector<16xf32>
        %select_n3A_968 = arith.select %gt3A_965, %get3A_954, %broadcast_in_dim3A_967 : vector<16xi1>, vector<16xf32>
        %max3A_969 = arith.maximumf %max3A_785, %select_n3A_968 : vector<16xf32>
        %mul3A_970 = arith.constant 8 : i32
        %mul3A_971 = arith.muli %scan3A_138, %mul3A_970 : i32
        %add3A_972 = arith.constant 4 : i32
        %add3A_973 = arith.addi %mul3A_971, %add3A_972 : i32
        %get3A_974 = arith.index_cast %add3A_973 : i32 to index
        %get3A_975 = arith.constant 64 : index
        %get3A_976 = tpu.vector_load %arg6[%get3A_974, %get3A_975] {strides = array<i32>} : memref<200x128xf32, #tpu.memory_space<vmem>>, vector<1x16xf32>,
        %get3A_977 = vector.shape_cast %get3A_976 : vector<1x16xf32> to vector<16xf32>
        %mul3A_978 = arith.constant 8 : i32
        %mul3A_979 = arith.muli %scan3A_138, %mul3A_978 : i32
        %add3A_980 = arith.constant 4 : i32
        %add3A_981 = arith.addi %mul3A_979, %add3A_980 : i32
        %get3A_982 = arith.index_cast %add3A_981 : i32 to index
        %get3A_983 = arith.constant 64 : index
        %get3A_984 = tpu.vector_load %arg8[%get3A_982, %get3A_983] {strides = array<i32>} : memref<200x128xf32, #tpu.memory_space<vmem>>, vector<1x16xf32>,
        %get3A_985 = vector.shape_cast %get3A_984 : vector<1x16xf32> to vector<16xf32>
        %gt3A_986 = arith.constant 0.000000e+00 : f32
        %gt3A_987 = vector.broadcast %gt3A_986 : f32 to vector<16xf32>
        %gt3A_988 = arith.cmpf ogt, %get3A_985, %gt3A_987 : vector<16xf32>
        %jit3A_989 = arith.constant 0xFF800000 : f32
        %broadcast_in_dim3A_990 = vector.broadcast %jit3A_989 : f32 to vector<16xf32>
        %select_n3A_991 = arith.select %gt3A_988, %get3A_977, %broadcast_in_dim3A_990 : vector<16xi1>, vector<16xf32>
        %max3A_992 = arith.maximumf %max3A_808, %select_n3A_991 : vector<16xf32>
        %mul3A_993 = arith.constant 8 : i32
        %mul3A_994 = arith.muli %scan3A_138, %mul3A_993 : i32
        %add3A_995 = arith.constant 4 : i32
        %add3A_996 = arith.addi %mul3A_994, %add3A_995 : i32
        %get3A_997 = arith.index_cast %add3A_996 : i32 to index
        %get3A_998 = arith.constant 80 : index
        %get3A_999 = tpu.vector_load %arg6[%get3A_997, %get3A_998] {strides = array<i32>} : memref<200x128xf32, #tpu.memory_space<vmem>>, vector<1x16xf32>,
        %get3A_1000 = vector.shape_cast %get3A_999 : vector<1x16xf32> to vector<16xf32>
        %mul3A_1001 = arith.constant 8 : i32
        %mul3A_1002 = arith.muli %scan3A_138, %mul3A_1001 : i32
        %add3A_1003 = arith.constant 4 : i32
        %add3A_1004 = arith.addi %mul3A_1002, %add3A_1003 : i32
        %get3A_1005 = arith.index_cast %add3A_1004 : i32 to index
        %get3A_1006 = arith.constant 80 : index
        %get3A_1007 = tpu.vector_load %arg8[%get3A_1005, %get3A_1006] {strides = array<i32>} : memref<200x128xf32, #tpu.memory_space<vmem>>, vector<1x16xf32>,
        %get3A_1008 = vector.shape_cast %get3A_1007 : vector<1x16xf32> to vector<16xf32>
        %gt3A_1009 = arith.constant 0.000000e+00 : f32
        %gt3A_1010 = vector.broadcast %gt3A_1009 : f32 to vector<16xf32>
        %gt3A_1011 = arith.cmpf ogt, %get3A_1008, %gt3A_1010 : vector<16xf32>
        %jit3A_1012 = arith.constant 0xFF800000 : f32
        %broadcast_in_dim3A_1013 = vector.broadcast %jit3A_1012 : f32 to vector<16xf32>
        %select_n3A_1014 = arith.select %gt3A_1011, %get3A_1000, %broadcast_in_dim3A_1013 : vector<16xi1>, vector<16xf32>
        %max3A_1015 = arith.maximumf %max3A_831, %select_n3A_1014 : vector<16xf32>
        %mul3A_1016 = arith.constant 8 : i32
        %mul3A_1017 = arith.muli %scan3A_138, %mul3A_1016 : i32
        %add3A_1018 = arith.constant 4 : i32
        %add3A_1019 = arith.addi %mul3A_1017, %add3A_1018 : i32
        %get3A_1020 = arith.index_cast %add3A_1019 : i32 to index
        %get3A_1021 = arith.constant 96 : index
        %get3A_1022 = tpu.vector_load %arg6[%get3A_1020, %get3A_1021] {strides = array<i32>} : memref<200x128xf32, #tpu.memory_space<vmem>>, vector<1x16xf32>,
        %get3A_1023 = vector.shape_cast %get3A_1022 : vector<1x16xf32> to vector<16xf32>
        %mul3A_1024 = arith.constant 8 : i32
        %mul3A_1025 = arith.muli %scan3A_138, %mul3A_1024 : i32
        %add3A_1026 = arith.constant 4 : i32
        %add3A_1027 = arith.addi %mul3A_1025, %add3A_1026 : i32
        %get3A_1028 = arith.index_cast %add3A_1027 : i32 to index
        %get3A_1029 = arith.constant 96 : index
        %get3A_1030 = tpu.vector_load %arg8[%get3A_1028, %get3A_1029] {strides = array<i32>} : memref<200x128xf32, #tpu.memory_space<vmem>>, vector<1x16xf32>,
        %get3A_1031 = vector.shape_cast %get3A_1030 : vector<1x16xf32> to vector<16xf32>
        %gt3A_1032 = arith.constant 0.000000e+00 : f32
        %gt3A_1033 = vector.broadcast %gt3A_1032 : f32 to vector<16xf32>
        %gt3A_1034 = arith.cmpf ogt, %get3A_1031, %gt3A_1033 : vector<16xf32>
        %jit3A_1035 = arith.constant 0xFF800000 : f32
        %broadcast_in_dim3A_1036 = vector.broadcast %jit3A_1035 : f32 to vector<16xf32>
        %select_n3A_1037 = arith.select %gt3A_1034, %get3A_1023, %broadcast_in_dim3A_1036 : vector<16xi1>, vector<16xf32>
        %max3A_1038 = arith.maximumf %max3A_854, %select_n3A_1037 : vector<16xf32>
        %mul3A_1039 = arith.constant 8 : i32
        %mul3A_1040 = arith.muli %scan3A_138, %mul3A_1039 : i32
        %add3A_1041 = arith.constant 4 : i32
        %add3A_1042 = arith.addi %mul3A_1040, %add3A_1041 : i32
        %get3A_1043 = arith.index_cast %add3A_1042 : i32 to index
        %get3A_1044 = arith.constant 112 : index
        %get3A_1045 = tpu.vector_load %arg6[%get3A_1043, %get3A_1044] {strides = array<i32>} : memref<200x128xf32, #tpu.memory_space<vmem>>, vector<1x16xf32>,
        %get3A_1046 = vector.shape_cast %get3A_1045 : vector<1x16xf32> to vector<16xf32>
        %mul3A_1047 = arith.constant 8 : i32
        %mul3A_1048 = arith.muli %scan3A_138, %mul3A_1047 : i32
        %add3A_1049 = arith.constant 4 : i32
        %add3A_1050 = arith.addi %mul3A_1048, %add3A_1049 : i32
        %get3A_1051 = arith.index_cast %add3A_1050 : i32 to index
        %get3A_1052 = arith.constant 112 : index
        %get3A_1053 = tpu.vector_load %arg8[%get3A_1051, %get3A_1052] {strides = array<i32>} : memref<200x128xf32, #tpu.memory_space<vmem>>, vector<1x16xf32>,
        %get3A_1054 = vector.shape_cast %get3A_1053 : vector<1x16xf32> to vector<16xf32>
        %gt3A_1055 = arith.constant 0.000000e+00 : f32
        %gt3A_1056 = vector.broadcast %gt3A_1055 : f32 to vector<16xf32>
        %gt3A_1057 = arith.cmpf ogt, %get3A_1054, %gt3A_1056 : vector<16xf32>
        %jit3A_1058 = arith.constant 0xFF800000 : f32
        %broadcast_in_dim3A_1059 = vector.broadcast %jit3A_1058 : f32 to vector<16xf32>
        %select_n3A_1060 = arith.select %gt3A_1057, %get3A_1046, %broadcast_in_dim3A_1059 : vector<16xi1>, vector<16xf32>
        %max3A_1061 = arith.maximumf %max3A_877, %select_n3A_1060 : vector<16xf32>
        %mul3A_1062 = arith.constant 8 : i32
        %mul3A_1063 = arith.muli %scan3A_138, %mul3A_1062 : i32
        %add3A_1064 = arith.constant 5 : i32
        %add3A_1065 = arith.addi %mul3A_1063, %add3A_1064 : i32
        %get3A_1066 = arith.index_cast %add3A_1065 : i32 to index
        %get3A_1067 = arith.constant 0 : index
        %get3A_1068 = tpu.vector_load %arg6[%get3A_1066, %get3A_1067] {strides = array<i32>} : memref<200x128xf32, #tpu.memory_space<vmem>>, vector<1x16xf32>,
        %get3A_1069 = vector.shape_cast %get3A_1068 : vector<1x16xf32> to vector<16xf32>
        %mul3A_1070 = arith.constant 8 : i32
        %mul3A_1071 = arith.muli %scan3A_138, %mul3A_1070 : i32
        %add3A_1072 = arith.constant 5 : i32
        %add3A_1073 = arith.addi %mul3A_1071, %add3A_1072 : i32
        %get3A_1074 = arith.index_cast %add3A_1073 : i32 to index
        %get3A_1075 = arith.constant 0 : index
        %get3A_1076 = tpu.vector_load %arg8[%get3A_1074, %get3A_1075] {strides = array<i32>} : memref<200x128xf32, #tpu.memory_space<vmem>>, vector<1x16xf32>,
        %get3A_1077 = vector.shape_cast %get3A_1076 : vector<1x16xf32> to vector<16xf32>
        %gt3A_1078 = arith.constant 0.000000e+00 : f32
        %gt3A_1079 = vector.broadcast %gt3A_1078 : f32 to vector<16xf32>
        %gt3A_1080 = arith.cmpf ogt, %get3A_1077, %gt3A_1079 : vector<16xf32>
        %jit3A_1081 = arith.constant 0xFF800000 : f32
        %broadcast_in_dim3A_1082 = vector.broadcast %jit3A_1081 : f32 to vector<16xf32>
        %select_n3A_1083 = arith.select %gt3A_1080, %get3A_1069, %broadcast_in_dim3A_1082 : vector<16xi1>, vector<16xf32>
        %max3A_1084 = arith.maximumf %max3A_900, %select_n3A_1083 : vector<16xf32>
        %mul3A_1085 = arith.constant 8 : i32
        %mul3A_1086 = arith.muli %scan3A_138, %mul3A_1085 : i32
        %add3A_1087 = arith.constant 5 : i32
        %add3A_1088 = arith.addi %mul3A_1086, %add3A_1087 : i32
        %get3A_1089 = arith.index_cast %add3A_1088 : i32 to index
        %get3A_1090 = arith.constant 16 : index
        %get3A_1091 = tpu.vector_load %arg6[%get3A_1089, %get3A_1090] {strides = array<i32>} : memref<200x128xf32, #tpu.memory_space<vmem>>, vector<1x16xf32>,
        %get3A_1092 = vector.shape_cast %get3A_1091 : vector<1x16xf32> to vector<16xf32>
        %mul3A_1093 = arith.constant 8 : i32
        %mul3A_1094 = arith.muli %scan3A_138, %mul3A_1093 : i32
        %add3A_1095 = arith.constant 5 : i32
        %add3A_1096 = arith.addi %mul3A_1094, %add3A_1095 : i32
        %get3A_1097 = arith.index_cast %add3A_1096 : i32 to index
        %get3A_1098 = arith.constant 16 : index
        %get3A_1099 = tpu.vector_load %arg8[%get3A_1097, %get3A_1098] {strides = array<i32>} : memref<200x128xf32, #tpu.memory_space<vmem>>, vector<1x16xf32>,
        %get3A_1100 = vector.shape_cast %get3A_1099 : vector<1x16xf32> to vector<16xf32>
        %gt3A_1101 = arith.constant 0.000000e+00 : f32
        %gt3A_1102 = vector.broadcast %gt3A_1101 : f32 to vector<16xf32>
        %gt3A_1103 = arith.cmpf ogt, %get3A_1100, %gt3A_1102 : vector<16xf32>
        %jit3A_1104 = arith.constant 0xFF800000 : f32
        %broadcast_in_dim3A_1105 = vector.broadcast %jit3A_1104 : f32 to vector<16xf32>
        %select_n3A_1106 = arith.select %gt3A_1103, %get3A_1092, %broadcast_in_dim3A_1105 : vector<16xi1>, vector<16xf32>
        %max3A_1107 = arith.maximumf %max3A_923, %select_n3A_1106 : vector<16xf32>
        %mul3A_1108 = arith.constant 8 : i32
        %mul3A_1109 = arith.muli %scan3A_138, %mul3A_1108 : i32
        %add3A_1110 = arith.constant 5 : i32
        %add3A_1111 = arith.addi %mul3A_1109, %add3A_1110 : i32
        %get3A_1112 = arith.index_cast %add3A_1111 : i32 to index
        %get3A_1113 = arith.constant 32 : index
        %get3A_1114 = tpu.vector_load %arg6[%get3A_1112, %get3A_1113] {strides = array<i32>} : memref<200x128xf32, #tpu.memory_space<vmem>>, vector<1x16xf32>,
        %get3A_1115 = vector.shape_cast %get3A_1114 : vector<1x16xf32> to vector<16xf32>
        %mul3A_1116 = arith.constant 8 : i32
        %mul3A_1117 = arith.muli %scan3A_138, %mul3A_1116 : i32
        %add3A_1118 = arith.constant 5 : i32
        %add3A_1119 = arith.addi %mul3A_1117, %add3A_1118 : i32
        %get3A_1120 = arith.index_cast %add3A_1119 : i32 to index
        %get3A_1121 = arith.constant 32 : index
        %get3A_1122 = tpu.vector_load %arg8[%get3A_1120, %get3A_1121] {strides = array<i32>} : memref<200x128xf32, #tpu.memory_space<vmem>>, vector<1x16xf32>,
        %get3A_1123 = vector.shape_cast %get3A_1122 : vector<1x16xf32> to vector<16xf32>
        %gt3A_1124 = arith.constant 0.000000e+00 : f32
        %gt3A_1125 = vector.broadcast %gt3A_1124 : f32 to vector<16xf32>
        %gt3A_1126 = arith.cmpf ogt, %get3A_1123, %gt3A_1125 : vector<16xf32>
        %jit3A_1127 = arith.constant 0xFF800000 : f32
        %broadcast_in_dim3A_1128 = vector.broadcast %jit3A_1127 : f32 to vector<16xf32>
        %select_n3A_1129 = arith.select %gt3A_1126, %get3A_1115, %broadcast_in_dim3A_1128 : vector<16xi1>, vector<16xf32>
        %max3A_1130 = arith.maximumf %max3A_946, %select_n3A_1129 : vector<16xf32>
        %mul3A_1131 = arith.constant 8 : i32
        %mul3A_1132 = arith.muli %scan3A_138, %mul3A_1131 : i32
        %add3A_1133 = arith.constant 5 : i32
        %add3A_1134 = arith.addi %mul3A_1132, %add3A_1133 : i32
        %get3A_1135 = arith.index_cast %add3A_1134 : i32 to index
        %get3A_1136 = arith.constant 48 : index
        %get3A_1137 = tpu.vector_load %arg6[%get3A_1135, %get3A_1136] {strides = array<i32>} : memref<200x128xf32, #tpu.memory_space<vmem>>, vector<1x16xf32>,
        %get3A_1138 = vector.shape_cast %get3A_1137 : vector<1x16xf32> to vector<16xf32>
        %mul3A_1139 = arith.constant 8 : i32
        %mul3A_1140 = arith.muli %scan3A_138, %mul3A_1139 : i32
        %add3A_1141 = arith.constant 5 : i32
        %add3A_1142 = arith.addi %mul3A_1140, %add3A_1141 : i32
        %get3A_1143 = arith.index_cast %add3A_1142 : i32 to index
        %get3A_1144 = arith.constant 48 : index
        %get3A_1145 = tpu.vector_load %arg8[%get3A_1143, %get3A_1144] {strides = array<i32>} : memref<200x128xf32, #tpu.memory_space<vmem>>, vector<1x16xf32>,
        %get3A_1146 = vector.shape_cast %get3A_1145 : vector<1x16xf32> to vector<16xf32>
        %gt3A_1147 = arith.constant 0.000000e+00 : f32
        %gt3A_1148 = vector.broadcast %gt3A_1147 : f32 to vector<16xf32>
        %gt3A_1149 = arith.cmpf ogt, %get3A_1146, %gt3A_1148 : vector<16xf32>
        %jit3A_1150 = arith.constant 0xFF800000 : f32
        %broadcast_in_dim3A_1151 = vector.broadcast %jit3A_1150 : f32 to vector<16xf32>
        %select_n3A_1152 = arith.select %gt3A_1149, %get3A_1138, %broadcast_in_dim3A_1151 : vector<16xi1>, vector<16xf32>
        %max3A_1153 = arith.maximumf %max3A_969, %select_n3A_1152 : vector<16xf32>
        %mul3A_1154 = arith.constant 8 : i32
        %mul3A_1155 = arith.muli %scan3A_138, %mul3A_1154 : i32
        %add3A_1156 = arith.constant 5 : i32
        %add3A_1157 = arith.addi %mul3A_1155, %add3A_1156 : i32
        %get3A_1158 = arith.index_cast %add3A_1157 : i32 to index
        %get3A_1159 = arith.constant 64 : index
        %get3A_1160 = tpu.vector_load %arg6[%get3A_1158, %get3A_1159] {strides = array<i32>} : memref<200x128xf32, #tpu.memory_space<vmem>>, vector<1x16xf32>,
        %get3A_1161 = vector.shape_cast %get3A_1160 : vector<1x16xf32> to vector<16xf32>
        %mul3A_1162 = arith.constant 8 : i32
        %mul3A_1163 = arith.muli %scan3A_138, %mul3A_1162 : i32
        %add3A_1164 = arith.constant 5 : i32
        %add3A_1165 = arith.addi %mul3A_1163, %add3A_1164 : i32
        %get3A_1166 = arith.index_cast %add3A_1165 : i32 to index
        %get3A_1167 = arith.constant 64 : index
        %get3A_1168 = tpu.vector_load %arg8[%get3A_1166, %get3A_1167] {strides = array<i32>} : memref<200x128xf32, #tpu.memory_space<vmem>>, vector<1x16xf32>,
        %get3A_1169 = vector.shape_cast %get3A_1168 : vector<1x16xf32> to vector<16xf32>
        %gt3A_1170 = arith.constant 0.000000e+00 : f32
        %gt3A_1171 = vector.broadcast %gt3A_1170 : f32 to vector<16xf32>
        %gt3A_1172 = arith.cmpf ogt, %get3A_1169, %gt3A_1171 : vector<16xf32>
        %jit3A_1173 = arith.constant 0xFF800000 : f32
        %broadcast_in_dim3A_1174 = vector.broadcast %jit3A_1173 : f32 to vector<16xf32>
        %select_n3A_1175 = arith.select %gt3A_1172, %get3A_1161, %broadcast_in_dim3A_1174 : vector<16xi1>, vector<16xf32>
        %max3A_1176 = arith.maximumf %max3A_992, %select_n3A_1175 : vector<16xf32>
        %mul3A_1177 = arith.constant 8 : i32
        %mul3A_1178 = arith.muli %scan3A_138, %mul3A_1177 : i32
        %add3A_1179 = arith.constant 5 : i32
        %add3A_1180 = arith.addi %mul3A_1178, %add3A_1179 : i32
        %get3A_1181 = arith.index_cast %add3A_1180 : i32 to index
        %get3A_1182 = arith.constant 80 : index
        %get3A_1183 = tpu.vector_load %arg6[%get3A_1181, %get3A_1182] {strides = array<i32>} : memref<200x128xf32, #tpu.memory_space<vmem>>, vector<1x16xf32>,
        %get3A_1184 = vector.shape_cast %get3A_1183 : vector<1x16xf32> to vector<16xf32>
        %mul3A_1185 = arith.constant 8 : i32
        %mul3A_1186 = arith.muli %scan3A_138, %mul3A_1185 : i32
        %add3A_1187 = arith.constant 5 : i32
        %add3A_1188 = arith.addi %mul3A_1186, %add3A_1187 : i32
        %get3A_1189 = arith.index_cast %add3A_1188 : i32 to index
        %get3A_1190 = arith.constant 80 : index
        %get3A_1191 = tpu.vector_load %arg8[%get3A_1189, %get3A_1190] {strides = array<i32>} : memref<200x128xf32, #tpu.memory_space<vmem>>, vector<1x16xf32>,
        %get3A_1192 = vector.shape_cast %get3A_1191 : vector<1x16xf32> to vector<16xf32>
        %gt3A_1193 = arith.constant 0.000000e+00 : f32
        %gt3A_1194 = vector.broadcast %gt3A_1193 : f32 to vector<16xf32>
        %gt3A_1195 = arith.cmpf ogt, %get3A_1192, %gt3A_1194 : vector<16xf32>
        %jit3A_1196 = arith.constant 0xFF800000 : f32
        %broadcast_in_dim3A_1197 = vector.broadcast %jit3A_1196 : f32 to vector<16xf32>
        %select_n3A_1198 = arith.select %gt3A_1195, %get3A_1184, %broadcast_in_dim3A_1197 : vector<16xi1>, vector<16xf32>
        %max3A_1199 = arith.maximumf %max3A_1015, %select_n3A_1198 : vector<16xf32>
        %mul3A_1200 = arith.constant 8 : i32
        %mul3A_1201 = arith.muli %scan3A_138, %mul3A_1200 : i32
        %add3A_1202 = arith.constant 5 : i32
        %add3A_1203 = arith.addi %mul3A_1201, %add3A_1202 : i32
        %get3A_1204 = arith.index_cast %add3A_1203 : i32 to index
        %get3A_1205 = arith.constant 96 : index
        %get3A_1206 = tpu.vector_load %arg6[%get3A_1204, %get3A_1205] {strides = array<i32>} : memref<200x128xf32, #tpu.memory_space<vmem>>, vector<1x16xf32>,
        %get3A_1207 = vector.shape_cast %get3A_1206 : vector<1x16xf32> to vector<16xf32>
        %mul3A_1208 = arith.constant 8 : i32
        %mul3A_1209 = arith.muli %scan3A_138, %mul3A_1208 : i32
        %add3A_1210 = arith.constant 5 : i32
        %add3A_1211 = arith.addi %mul3A_1209, %add3A_1210 : i32
        %get3A_1212 = arith.index_cast %add3A_1211 : i32 to index
        %get3A_1213 = arith.constant 96 : index
        %get3A_1214 = tpu.vector_load %arg8[%get3A_1212, %get3A_1213] {strides = array<i32>} : memref<200x128xf32, #tpu.memory_space<vmem>>, vector<1x16xf32>,
        %get3A_1215 = vector.shape_cast %get3A_1214 : vector<1x16xf32> to vector<16xf32>
        %gt3A_1216 = arith.constant 0.000000e+00 : f32
        %gt3A_1217 = vector.broadcast %gt3A_1216 : f32 to vector<16xf32>
        %gt3A_1218 = arith.cmpf ogt, %get3A_1215, %gt3A_1217 : vector<16xf32>
        %jit3A_1219 = arith.constant 0xFF800000 : f32
        %broadcast_in_dim3A_1220 = vector.broadcast %jit3A_1219 : f32 to vector<16xf32>
        %select_n3A_1221 = arith.select %gt3A_1218, %get3A_1207, %broadcast_in_dim3A_1220 : vector<16xi1>, vector<16xf32>
        %max3A_1222 = arith.maximumf %max3A_1038, %select_n3A_1221 : vector<16xf32>
        %mul3A_1223 = arith.constant 8 : i32
        %mul3A_1224 = arith.muli %scan3A_138, %mul3A_1223 : i32
        %add3A_1225 = arith.constant 5 : i32
        %add3A_1226 = arith.addi %mul3A_1224, %add3A_1225 : i32
        %get3A_1227 = arith.index_cast %add3A_1226 : i32 to index
        %get3A_1228 = arith.constant 112 : index
        %get3A_1229 = tpu.vector_load %arg6[%get3A_1227, %get3A_1228] {strides = array<i32>} : memref<200x128xf32, #tpu.memory_space<vmem>>, vector<1x16xf32>,
        %get3A_1230 = vector.shape_cast %get3A_1229 : vector<1x16xf32> to vector<16xf32>
        %mul3A_1231 = arith.constant 8 : i32
        %mul3A_1232 = arith.muli %scan3A_138, %mul3A_1231 : i32
        %add3A_1233 = arith.constant 5 : i32
        %add3A_1234 = arith.addi %mul3A_1232, %add3A_1233 : i32
        %get3A_1235 = arith.index_cast %add3A_1234 : i32 to index
        %get3A_1236 = arith.constant 112 : index
        %get3A_1237 = tpu.vector_load %arg8[%get3A_1235, %get3A_1236] {strides = array<i32>} : memref<200x128xf32, #tpu.memory_space<vmem>>, vector<1x16xf32>,
        %get3A_1238 = vector.shape_cast %get3A_1237 : vector<1x16xf32> to vector<16xf32>
        %gt3A_1239 = arith.constant 0.000000e+00 : f32
        %gt3A_1240 = vector.broadcast %gt3A_1239 : f32 to vector<16xf32>
        %gt3A_1241 = arith.cmpf ogt, %get3A_1238, %gt3A_1240 : vector<16xf32>
        %jit3A_1242 = arith.constant 0xFF800000 : f32
        %broadcast_in_dim3A_1243 = vector.broadcast %jit3A_1242 : f32 to vector<16xf32>
        %select_n3A_1244 = arith.select %gt3A_1241, %get3A_1230, %broadcast_in_dim3A_1243 : vector<16xi1>, vector<16xf32>
        %max3A_1245 = arith.maximumf %max3A_1061, %select_n3A_1244 : vector<16xf32>
        %mul3A_1246 = arith.constant 8 : i32
        %mul3A_1247 = arith.muli %scan3A_138, %mul3A_1246 : i32
        %add3A_1248 = arith.constant 6 : i32
        %add3A_1249 = arith.addi %mul3A_1247, %add3A_1248 : i32
        %get3A_1250 = arith.index_cast %add3A_1249 : i32 to index
        %get3A_1251 = arith.constant 0 : index
        %get3A_1252 = tpu.vector_load %arg6[%get3A_1250, %get3A_1251] {strides = array<i32>} : memref<200x128xf32, #tpu.memory_space<vmem>>, vector<1x16xf32>,
        %get3A_1253 = vector.shape_cast %get3A_1252 : vector<1x16xf32> to vector<16xf32>
        %mul3A_1254 = arith.constant 8 : i32
        %mul3A_1255 = arith.muli %scan3A_138, %mul3A_1254 : i32
        %add3A_1256 = arith.constant 6 : i32
        %add3A_1257 = arith.addi %mul3A_1255, %add3A_1256 : i32
        %get3A_1258 = arith.index_cast %add3A_1257 : i32 to index
        %get3A_1259 = arith.constant 0 : index
        %get3A_1260 = tpu.vector_load %arg8[%get3A_1258, %get3A_1259] {strides = array<i32>} : memref<200x128xf32, #tpu.memory_space<vmem>>, vector<1x16xf32>,
        %get3A_1261 = vector.shape_cast %get3A_1260 : vector<1x16xf32> to vector<16xf32>
        %gt3A_1262 = arith.constant 0.000000e+00 : f32
        %gt3A_1263 = vector.broadcast %gt3A_1262 : f32 to vector<16xf32>
        %gt3A_1264 = arith.cmpf ogt, %get3A_1261, %gt3A_1263 : vector<16xf32>
        %jit3A_1265 = arith.constant 0xFF800000 : f32
        %broadcast_in_dim3A_1266 = vector.broadcast %jit3A_1265 : f32 to vector<16xf32>
        %select_n3A_1267 = arith.select %gt3A_1264, %get3A_1253, %broadcast_in_dim3A_1266 : vector<16xi1>, vector<16xf32>
        %max3A_1268 = arith.maximumf %max3A_1084, %select_n3A_1267 : vector<16xf32>
        %mul3A_1269 = arith.constant 8 : i32
        %mul3A_1270 = arith.muli %scan3A_138, %mul3A_1269 : i32
        %add3A_1271 = arith.constant 6 : i32
        %add3A_1272 = arith.addi %mul3A_1270, %add3A_1271 : i32
        %get3A_1273 = arith.index_cast %add3A_1272 : i32 to index
        %get3A_1274 = arith.constant 16 : index
        %get3A_1275 = tpu.vector_load %arg6[%get3A_1273, %get3A_1274] {strides = array<i32>} : memref<200x128xf32, #tpu.memory_space<vmem>>, vector<1x16xf32>,
        %get3A_1276 = vector.shape_cast %get3A_1275 : vector<1x16xf32> to vector<16xf32>
        %mul3A_1277 = arith.constant 8 : i32
        %mul3A_1278 = arith.muli %scan3A_138, %mul3A_1277 : i32
        %add3A_1279 = arith.constant 6 : i32
        %add3A_1280 = arith.addi %mul3A_1278, %add3A_1279 : i32
        %get3A_1281 = arith.index_cast %add3A_1280 : i32 to index
        %get3A_1282 = arith.constant 16 : index
        %get3A_1283 = tpu.vector_load %arg8[%get3A_1281, %get3A_1282] {strides = array<i32>} : memref<200x128xf32, #tpu.memory_space<vmem>>, vector<1x16xf32>,
        %get3A_1284 = vector.shape_cast %get3A_1283 : vector<1x16xf32> to vector<16xf32>
        %gt3A_1285 = arith.constant 0.000000e+00 : f32
        %gt3A_1286 = vector.broadcast %gt3A_1285 : f32 to vector<16xf32>
        %gt3A_1287 = arith.cmpf ogt, %get3A_1284, %gt3A_1286 : vector<16xf32>
        %jit3A_1288 = arith.constant 0xFF800000 : f32
        %broadcast_in_dim3A_1289 = vector.broadcast %jit3A_1288 : f32 to vector<16xf32>
        %select_n3A_1290 = arith.select %gt3A_1287, %get3A_1276, %broadcast_in_dim3A_1289 : vector<16xi1>, vector<16xf32>
        %max3A_1291 = arith.maximumf %max3A_1107, %select_n3A_1290 : vector<16xf32>
        %mul3A_1292 = arith.constant 8 : i32
        %mul3A_1293 = arith.muli %scan3A_138, %mul3A_1292 : i32
        %add3A_1294 = arith.constant 6 : i32
        %add3A_1295 = arith.addi %mul3A_1293, %add3A_1294 : i32
        %get3A_1296 = arith.index_cast %add3A_1295 : i32 to index
        %get3A_1297 = arith.constant 32 : index
        %get3A_1298 = tpu.vector_load %arg6[%get3A_1296, %get3A_1297] {strides = array<i32>} : memref<200x128xf32, #tpu.memory_space<vmem>>, vector<1x16xf32>,
        %get3A_1299 = vector.shape_cast %get3A_1298 : vector<1x16xf32> to vector<16xf32>
        %mul3A_1300 = arith.constant 8 : i32
        %mul3A_1301 = arith.muli %scan3A_138, %mul3A_1300 : i32
        %add3A_1302 = arith.constant 6 : i32
        %add3A_1303 = arith.addi %mul3A_1301, %add3A_1302 : i32
        %get3A_1304 = arith.index_cast %add3A_1303 : i32 to index
        %get3A_1305 = arith.constant 32 : index
        %get3A_1306 = tpu.vector_load %arg8[%get3A_1304, %get3A_1305] {strides = array<i32>} : memref<200x128xf32, #tpu.memory_space<vmem>>, vector<1x16xf32>,
        %get3A_1307 = vector.shape_cast %get3A_1306 : vector<1x16xf32> to vector<16xf32>
        %gt3A_1308 = arith.constant 0.000000e+00 : f32
        %gt3A_1309 = vector.broadcast %gt3A_1308 : f32 to vector<16xf32>
        %gt3A_1310 = arith.cmpf ogt, %get3A_1307, %gt3A_1309 : vector<16xf32>
        %jit3A_1311 = arith.constant 0xFF800000 : f32
        %broadcast_in_dim3A_1312 = vector.broadcast %jit3A_1311 : f32 to vector<16xf32>
        %select_n3A_1313 = arith.select %gt3A_1310, %get3A_1299, %broadcast_in_dim3A_1312 : vector<16xi1>, vector<16xf32>
        %max3A_1314 = arith.maximumf %max3A_1130, %select_n3A_1313 : vector<16xf32>
        %mul3A_1315 = arith.constant 8 : i32
        %mul3A_1316 = arith.muli %scan3A_138, %mul3A_1315 : i32
        %add3A_1317 = arith.constant 6 : i32
        %add3A_1318 = arith.addi %mul3A_1316, %add3A_1317 : i32
        %get3A_1319 = arith.index_cast %add3A_1318 : i32 to index
        %get3A_1320 = arith.constant 48 : index
        %get3A_1321 = tpu.vector_load %arg6[%get3A_1319, %get3A_1320] {strides = array<i32>} : memref<200x128xf32, #tpu.memory_space<vmem>>, vector<1x16xf32>,
        %get3A_1322 = vector.shape_cast %get3A_1321 : vector<1x16xf32> to vector<16xf32>
        %mul3A_1323 = arith.constant 8 : i32
        %mul3A_1324 = arith.muli %scan3A_138, %mul3A_1323 : i32
        %add3A_1325 = arith.constant 6 : i32
        %add3A_1326 = arith.addi %mul3A_1324, %add3A_1325 : i32
        %get3A_1327 = arith.index_cast %add3A_1326 : i32 to index
        %get3A_1328 = arith.constant 48 : index
        %get3A_1329 = tpu.vector_load %arg8[%get3A_1327, %get3A_1328] {strides = array<i32>} : memref<200x128xf32, #tpu.memory_space<vmem>>, vector<1x16xf32>,
        %get3A_1330 = vector.shape_cast %get3A_1329 : vector<1x16xf32> to vector<16xf32>
        %gt3A_1331 = arith.constant 0.000000e+00 : f32
        %gt3A_1332 = vector.broadcast %gt3A_1331 : f32 to vector<16xf32>
        %gt3A_1333 = arith.cmpf ogt, %get3A_1330, %gt3A_1332 : vector<16xf32>
        %jit3A_1334 = arith.constant 0xFF800000 : f32
        %broadcast_in_dim3A_1335 = vector.broadcast %jit3A_1334 : f32 to vector<16xf32>
        %select_n3A_1336 = arith.select %gt3A_1333, %get3A_1322, %broadcast_in_dim3A_1335 : vector<16xi1>, vector<16xf32>
        %max3A_1337 = arith.maximumf %max3A_1153, %select_n3A_1336 : vector<16xf32>
        %mul3A_1338 = arith.constant 8 : i32
        %mul3A_1339 = arith.muli %scan3A_138, %mul3A_1338 : i32
        %add3A_1340 = arith.constant 6 : i32
        %add3A_1341 = arith.addi %mul3A_1339, %add3A_1340 : i32
        %get3A_1342 = arith.index_cast %add3A_1341 : i32 to index
        %get3A_1343 = arith.constant 64 : index
        %get3A_1344 = tpu.vector_load %arg6[%get3A_1342, %get3A_1343] {strides = array<i32>} : memref<200x128xf32, #tpu.memory_space<vmem>>, vector<1x16xf32>,
        %get3A_1345 = vector.shape_cast %get3A_1344 : vector<1x16xf32> to vector<16xf32>
        %mul3A_1346 = arith.constant 8 : i32
        %mul3A_1347 = arith.muli %scan3A_138, %mul3A_1346 : i32
        %add3A_1348 = arith.constant 6 : i32
        %add3A_1349 = arith.addi %mul3A_1347, %add3A_1348 : i32
        %get3A_1350 = arith.index_cast %add3A_1349 : i32 to index
        %get3A_1351 = arith.constant 64 : index
        %get3A_1352 = tpu.vector_load %arg8[%get3A_1350, %get3A_1351] {strides = array<i32>} : memref<200x128xf32, #tpu.memory_space<vmem>>, vector<1x16xf32>,
        %get3A_1353 = vector.shape_cast %get3A_1352 : vector<1x16xf32> to vector<16xf32>
        %gt3A_1354 = arith.constant 0.000000e+00 : f32
        %gt3A_1355 = vector.broadcast %gt3A_1354 : f32 to vector<16xf32>
        %gt3A_1356 = arith.cmpf ogt, %get3A_1353, %gt3A_1355 : vector<16xf32>
        %jit3A_1357 = arith.constant 0xFF800000 : f32
        %broadcast_in_dim3A_1358 = vector.broadcast %jit3A_1357 : f32 to vector<16xf32>
        %select_n3A_1359 = arith.select %gt3A_1356, %get3A_1345, %broadcast_in_dim3A_1358 : vector<16xi1>, vector<16xf32>
        %max3A_1360 = arith.maximumf %max3A_1176, %select_n3A_1359 : vector<16xf32>
        %mul3A_1361 = arith.constant 8 : i32
        %mul3A_1362 = arith.muli %scan3A_138, %mul3A_1361 : i32
        %add3A_1363 = arith.constant 6 : i32
        %add3A_1364 = arith.addi %mul3A_1362, %add3A_1363 : i32
        %get3A_1365 = arith.index_cast %add3A_1364 : i32 to index
        %get3A_1366 = arith.constant 80 : index
        %get3A_1367 = tpu.vector_load %arg6[%get3A_1365, %get3A_1366] {strides = array<i32>} : memref<200x128xf32, #tpu.memory_space<vmem>>, vector<1x16xf32>,
        %get3A_1368 = vector.shape_cast %get3A_1367 : vector<1x16xf32> to vector<16xf32>
        %mul3A_1369 = arith.constant 8 : i32
        %mul3A_1370 = arith.muli %scan3A_138, %mul3A_1369 : i32
        %add3A_1371 = arith.constant 6 : i32
        %add3A_1372 = arith.addi %mul3A_1370, %add3A_1371 : i32
        %get3A_1373 = arith.index_cast %add3A_1372 : i32 to index
        %get3A_1374 = arith.constant 80 : index
        %get3A_1375 = tpu.vector_load %arg8[%get3A_1373, %get3A_1374] {strides = array<i32>} : memref<200x128xf32, #tpu.memory_space<vmem>>, vector<1x16xf32>,
        %get3A_1376 = vector.shape_cast %get3A_1375 : vector<1x16xf32> to vector<16xf32>
        %gt3A_1377 = arith.constant 0.000000e+00 : f32
        %gt3A_1378 = vector.broadcast %gt3A_1377 : f32 to vector<16xf32>
        %gt3A_1379 = arith.cmpf ogt, %get3A_1376, %gt3A_1378 : vector<16xf32>
        %jit3A_1380 = arith.constant 0xFF800000 : f32
        %broadcast_in_dim3A_1381 = vector.broadcast %jit3A_1380 : f32 to vector<16xf32>
        %select_n3A_1382 = arith.select %gt3A_1379, %get3A_1368, %broadcast_in_dim3A_1381 : vector<16xi1>, vector<16xf32>
        %max3A_1383 = arith.maximumf %max3A_1199, %select_n3A_1382 : vector<16xf32>
        %mul3A_1384 = arith.constant 8 : i32
        %mul3A_1385 = arith.muli %scan3A_138, %mul3A_1384 : i32
        %add3A_1386 = arith.constant 6 : i32
        %add3A_1387 = arith.addi %mul3A_1385, %add3A_1386 : i32
        %get3A_1388 = arith.index_cast %add3A_1387 : i32 to index
        %get3A_1389 = arith.constant 96 : index
        %get3A_1390 = tpu.vector_load %arg6[%get3A_1388, %get3A_1389] {strides = array<i32>} : memref<200x128xf32, #tpu.memory_space<vmem>>, vector<1x16xf32>,
        %get3A_1391 = vector.shape_cast %get3A_1390 : vector<1x16xf32> to vector<16xf32>
        %mul3A_1392 = arith.constant 8 : i32
        %mul3A_1393 = arith.muli %scan3A_138, %mul3A_1392 : i32
        %add3A_1394 = arith.constant 6 : i32
        %add3A_1395 = arith.addi %mul3A_1393, %add3A_1394 : i32
        %get3A_1396 = arith.index_cast %add3A_1395 : i32 to index
        %get3A_1397 = arith.constant 96 : index
        %get3A_1398 = tpu.vector_load %arg8[%get3A_1396, %get3A_1397] {strides = array<i32>} : memref<200x128xf32, #tpu.memory_space<vmem>>, vector<1x16xf32>,
        %get3A_1399 = vector.shape_cast %get3A_1398 : vector<1x16xf32> to vector<16xf32>
        %gt3A_1400 = arith.constant 0.000000e+00 : f32
        %gt3A_1401 = vector.broadcast %gt3A_1400 : f32 to vector<16xf32>
        %gt3A_1402 = arith.cmpf ogt, %get3A_1399, %gt3A_1401 : vector<16xf32>
        %jit3A_1403 = arith.constant 0xFF800000 : f32
        %broadcast_in_dim3A_1404 = vector.broadcast %jit3A_1403 : f32 to vector<16xf32>
        %select_n3A_1405 = arith.select %gt3A_1402, %get3A_1391, %broadcast_in_dim3A_1404 : vector<16xi1>, vector<16xf32>
        %max3A_1406 = arith.maximumf %max3A_1222, %select_n3A_1405 : vector<16xf32>
        %mul3A_1407 = arith.constant 8 : i32
        %mul3A_1408 = arith.muli %scan3A_138, %mul3A_1407 : i32
        %add3A_1409 = arith.constant 6 : i32
        %add3A_1410 = arith.addi %mul3A_1408, %add3A_1409 : i32
        %get3A_1411 = arith.index_cast %add3A_1410 : i32 to index
        %get3A_1412 = arith.constant 112 : index
        %get3A_1413 = tpu.vector_load %arg6[%get3A_1411, %get3A_1412] {strides = array<i32>} : memref<200x128xf32, #tpu.memory_space<vmem>>, vector<1x16xf32>,
        %get3A_1414 = vector.shape_cast %get3A_1413 : vector<1x16xf32> to vector<16xf32>
        %mul3A_1415 = arith.constant 8 : i32
        %mul3A_1416 = arith.muli %scan3A_138, %mul3A_1415 : i32
        %add3A_1417 = arith.constant 6 : i32
        %add3A_1418 = arith.addi %mul3A_1416, %add3A_1417 : i32
        %get3A_1419 = arith.index_cast %add3A_1418 : i32 to index
        %get3A_1420 = arith.constant 112 : index
        %get3A_1421 = tpu.vector_load %arg8[%get3A_1419, %get3A_1420] {strides = array<i32>} : memref<200x128xf32, #tpu.memory_space<vmem>>, vector<1x16xf32>,
        %get3A_1422 = vector.shape_cast %get3A_1421 : vector<1x16xf32> to vector<16xf32>
        %gt3A_1423 = arith.constant 0.000000e+00 : f32
        %gt3A_1424 = vector.broadcast %gt3A_1423 : f32 to vector<16xf32>
        %gt3A_1425 = arith.cmpf ogt, %get3A_1422, %gt3A_1424 : vector<16xf32>
        %jit3A_1426 = arith.constant 0xFF800000 : f32
        %broadcast_in_dim3A_1427 = vector.broadcast %jit3A_1426 : f32 to vector<16xf32>
        %select_n3A_1428 = arith.select %gt3A_1425, %get3A_1414, %broadcast_in_dim3A_1427 : vector<16xi1>, vector<16xf32>
        %max3A_1429 = arith.maximumf %max3A_1245, %select_n3A_1428 : vector<16xf32>
        %mul3A_1430 = arith.constant 8 : i32
        %mul3A_1431 = arith.muli %scan3A_138, %mul3A_1430 : i32
        %add3A_1432 = arith.constant 7 : i32
        %add3A_1433 = arith.addi %mul3A_1431, %add3A_1432 : i32
        %get3A_1434 = arith.index_cast %add3A_1433 : i32 to index
        %get3A_1435 = arith.constant 0 : index
        %get3A_1436 = tpu.vector_load %arg6[%get3A_1434, %get3A_1435] {strides = array<i32>} : memref<200x128xf32, #tpu.memory_space<vmem>>, vector<1x16xf32>,
        %get3A_1437 = vector.shape_cast %get3A_1436 : vector<1x16xf32> to vector<16xf32>
        %mul3A_1438 = arith.constant 8 : i32
        %mul3A_1439 = arith.muli %scan3A_138, %mul3A_1438 : i32
        %add3A_1440 = arith.constant 7 : i32
        %add3A_1441 = arith.addi %mul3A_1439, %add3A_1440 : i32
        %get3A_1442 = arith.index_cast %add3A_1441 : i32 to index
        %get3A_1443 = arith.constant 0 : index
        %get3A_1444 = tpu.vector_load %arg8[%get3A_1442, %get3A_1443] {strides = array<i32>} : memref<200x128xf32, #tpu.memory_space<vmem>>, vector<1x16xf32>,
        %get3A_1445 = vector.shape_cast %get3A_1444 : vector<1x16xf32> to vector<16xf32>
        %gt3A_1446 = arith.constant 0.000000e+00 : f32
        %gt3A_1447 = vector.broadcast %gt3A_1446 : f32 to vector<16xf32>
        %gt3A_1448 = arith.cmpf ogt, %get3A_1445, %gt3A_1447 : vector<16xf32>
        %jit3A_1449 = arith.constant 0xFF800000 : f32
        %broadcast_in_dim3A_1450 = vector.broadcast %jit3A_1449 : f32 to vector<16xf32>
        %select_n3A_1451 = arith.select %gt3A_1448, %get3A_1437, %broadcast_in_dim3A_1450 : vector<16xi1>, vector<16xf32>
        %max3A_1452 = arith.maximumf %max3A_1268, %select_n3A_1451 : vector<16xf32>
        %mul3A_1453 = arith.constant 8 : i32
        %mul3A_1454 = arith.muli %scan3A_138, %mul3A_1453 : i32
        %add3A_1455 = arith.constant 7 : i32
        %add3A_1456 = arith.addi %mul3A_1454, %add3A_1455 : i32
        %get3A_1457 = arith.index_cast %add3A_1456 : i32 to index
        %get3A_1458 = arith.constant 16 : index
        %get3A_1459 = tpu.vector_load %arg6[%get3A_1457, %get3A_1458] {strides = array<i32>} : memref<200x128xf32, #tpu.memory_space<vmem>>, vector<1x16xf32>,
        %get3A_1460 = vector.shape_cast %get3A_1459 : vector<1x16xf32> to vector<16xf32>
        %mul3A_1461 = arith.constant 8 : i32
        %mul3A_1462 = arith.muli %scan3A_138, %mul3A_1461 : i32
        %add3A_1463 = arith.constant 7 : i32
        %add3A_1464 = arith.addi %mul3A_1462, %add3A_1463 : i32
        %get3A_1465 = arith.index_cast %add3A_1464 : i32 to index
        %get3A_1466 = arith.constant 16 : index
        %get3A_1467 = tpu.vector_load %arg8[%get3A_1465, %get3A_1466] {strides = array<i32>} : memref<200x128xf32, #tpu.memory_space<vmem>>, vector<1x16xf32>,
        %get3A_1468 = vector.shape_cast %get3A_1467 : vector<1x16xf32> to vector<16xf32>
        %gt3A_1469 = arith.constant 0.000000e+00 : f32
        %gt3A_1470 = vector.broadcast %gt3A_1469 : f32 to vector<16xf32>
        %gt3A_1471 = arith.cmpf ogt, %get3A_1468, %gt3A_1470 : vector<16xf32>
        %jit3A_1472 = arith.constant 0xFF800000 : f32
        %broadcast_in_dim3A_1473 = vector.broadcast %jit3A_1472 : f32 to vector<16xf32>
        %select_n3A_1474 = arith.select %gt3A_1471, %get3A_1460, %broadcast_in_dim3A_1473 : vector<16xi1>, vector<16xf32>
        %max3A_1475 = arith.maximumf %max3A_1291, %select_n3A_1474 : vector<16xf32>
        %mul3A_1476 = arith.constant 8 : i32
        %mul3A_1477 = arith.muli %scan3A_138, %mul3A_1476 : i32
        %add3A_1478 = arith.constant 7 : i32
        %add3A_1479 = arith.addi %mul3A_1477, %add3A_1478 : i32
        %get3A_1480 = arith.index_cast %add3A_1479 : i32 to index
        %get3A_1481 = arith.constant 32 : index
        %get3A_1482 = tpu.vector_load %arg6[%get3A_1480, %get3A_1481] {strides = array<i32>} : memref<200x128xf32, #tpu.memory_space<vmem>>, vector<1x16xf32>,
        %get3A_1483 = vector.shape_cast %get3A_1482 : vector<1x16xf32> to vector<16xf32>
        %mul3A_1484 = arith.constant 8 : i32
        %mul3A_1485 = arith.muli %scan3A_138, %mul3A_1484 : i32
        %add3A_1486 = arith.constant 7 : i32
        %add3A_1487 = arith.addi %mul3A_1485, %add3A_1486 : i32
        %get3A_1488 = arith.index_cast %add3A_1487 : i32 to index
        %get3A_1489 = arith.constant 32 : index
        %get3A_1490 = tpu.vector_load %arg8[%get3A_1488, %get3A_1489] {strides = array<i32>} : memref<200x128xf32, #tpu.memory_space<vmem>>, vector<1x16xf32>,
        %get3A_1491 = vector.shape_cast %get3A_1490 : vector<1x16xf32> to vector<16xf32>
        %gt3A_1492 = arith.constant 0.000000e+00 : f32
        %gt3A_1493 = vector.broadcast %gt3A_1492 : f32 to vector<16xf32>
        %gt3A_1494 = arith.cmpf ogt, %get3A_1491, %gt3A_1493 : vector<16xf32>
        %jit3A_1495 = arith.constant 0xFF800000 : f32
        %broadcast_in_dim3A_1496 = vector.broadcast %jit3A_1495 : f32 to vector<16xf32>
        %select_n3A_1497 = arith.select %gt3A_1494, %get3A_1483, %broadcast_in_dim3A_1496 : vector<16xi1>, vector<16xf32>
        %max3A_1498 = arith.maximumf %max3A_1314, %select_n3A_1497 : vector<16xf32>
        %mul3A_1499 = arith.constant 8 : i32
        %mul3A_1500 = arith.muli %scan3A_138, %mul3A_1499 : i32
        %add3A_1501 = arith.constant 7 : i32
        %add3A_1502 = arith.addi %mul3A_1500, %add3A_1501 : i32
        %get3A_1503 = arith.index_cast %add3A_1502 : i32 to index
        %get3A_1504 = arith.constant 48 : index
        %get3A_1505 = tpu.vector_load %arg6[%get3A_1503, %get3A_1504] {strides = array<i32>} : memref<200x128xf32, #tpu.memory_space<vmem>>, vector<1x16xf32>,
        %get3A_1506 = vector.shape_cast %get3A_1505 : vector<1x16xf32> to vector<16xf32>
        %mul3A_1507 = arith.constant 8 : i32
        %mul3A_1508 = arith.muli %scan3A_138, %mul3A_1507 : i32
        %add3A_1509 = arith.constant 7 : i32
        %add3A_1510 = arith.addi %mul3A_1508, %add3A_1509 : i32
        %get3A_1511 = arith.index_cast %add3A_1510 : i32 to index
        %get3A_1512 = arith.constant 48 : index
        %get3A_1513 = tpu.vector_load %arg8[%get3A_1511, %get3A_1512] {strides = array<i32>} : memref<200x128xf32, #tpu.memory_space<vmem>>, vector<1x16xf32>,
        %get3A_1514 = vector.shape_cast %get3A_1513 : vector<1x16xf32> to vector<16xf32>
        %gt3A_1515 = arith.constant 0.000000e+00 : f32
        %gt3A_1516 = vector.broadcast %gt3A_1515 : f32 to vector<16xf32>
        %gt3A_1517 = arith.cmpf ogt, %get3A_1514, %gt3A_1516 : vector<16xf32>
        %jit3A_1518 = arith.constant 0xFF800000 : f32
        %broadcast_in_dim3A_1519 = vector.broadcast %jit3A_1518 : f32 to vector<16xf32>
        %select_n3A_1520 = arith.select %gt3A_1517, %get3A_1506, %broadcast_in_dim3A_1519 : vector<16xi1>, vector<16xf32>
        %max3A_1521 = arith.maximumf %max3A_1337, %select_n3A_1520 : vector<16xf32>
        %mul3A_1522 = arith.constant 8 : i32
        %mul3A_1523 = arith.muli %scan3A_138, %mul3A_1522 : i32
        %add3A_1524 = arith.constant 7 : i32
        %add3A_1525 = arith.addi %mul3A_1523, %add3A_1524 : i32
        %get3A_1526 = arith.index_cast %add3A_1525 : i32 to index
        %get3A_1527 = arith.constant 64 : index
        %get3A_1528 = tpu.vector_load %arg6[%get3A_1526, %get3A_1527] {strides = array<i32>} : memref<200x128xf32, #tpu.memory_space<vmem>>, vector<1x16xf32>,
        %get3A_1529 = vector.shape_cast %get3A_1528 : vector<1x16xf32> to vector<16xf32>
        %mul3A_1530 = arith.constant 8 : i32
        %mul3A_1531 = arith.muli %scan3A_138, %mul3A_1530 : i32
        %add3A_1532 = arith.constant 7 : i32
        %add3A_1533 = arith.addi %mul3A_1531, %add3A_1532 : i32
        %get3A_1534 = arith.index_cast %add3A_1533 : i32 to index
        %get3A_1535 = arith.constant 64 : index
        %get3A_1536 = tpu.vector_load %arg8[%get3A_1534, %get3A_1535] {strides = array<i32>} : memref<200x128xf32, #tpu.memory_space<vmem>>, vector<1x16xf32>,
        %get3A_1537 = vector.shape_cast %get3A_1536 : vector<1x16xf32> to vector<16xf32>
        %gt3A_1538 = arith.constant 0.000000e+00 : f32
        %gt3A_1539 = vector.broadcast %gt3A_1538 : f32 to vector<16xf32>
        %gt3A_1540 = arith.cmpf ogt, %get3A_1537, %gt3A_1539 : vector<16xf32>
        %jit3A_1541 = arith.constant 0xFF800000 : f32
        %broadcast_in_dim3A_1542 = vector.broadcast %jit3A_1541 : f32 to vector<16xf32>
        %select_n3A_1543 = arith.select %gt3A_1540, %get3A_1529, %broadcast_in_dim3A_1542 : vector<16xi1>, vector<16xf32>
        %max3A_1544 = arith.maximumf %max3A_1360, %select_n3A_1543 : vector<16xf32>
        %mul3A_1545 = arith.constant 8 : i32
        %mul3A_1546 = arith.muli %scan3A_138, %mul3A_1545 : i32
        %add3A_1547 = arith.constant 7 : i32
        %add3A_1548 = arith.addi %mul3A_1546, %add3A_1547 : i32
        %get3A_1549 = arith.index_cast %add3A_1548 : i32 to index
        %get3A_1550 = arith.constant 80 : index
        %get3A_1551 = tpu.vector_load %arg6[%get3A_1549, %get3A_1550] {strides = array<i32>} : memref<200x128xf32, #tpu.memory_space<vmem>>, vector<1x16xf32>,
        %get3A_1552 = vector.shape_cast %get3A_1551 : vector<1x16xf32> to vector<16xf32>
        %mul3A_1553 = arith.constant 8 : i32
        %mul3A_1554 = arith.muli %scan3A_138, %mul3A_1553 : i32
        %add3A_1555 = arith.constant 7 : i32
        %add3A_1556 = arith.addi %mul3A_1554, %add3A_1555 : i32
        %get3A_1557 = arith.index_cast %add3A_1556 : i32 to index
        %get3A_1558 = arith.constant 80 : index
        %get3A_1559 = tpu.vector_load %arg8[%get3A_1557, %get3A_1558] {strides = array<i32>} : memref<200x128xf32, #tpu.memory_space<vmem>>, vector<1x16xf32>,
        %get3A_1560 = vector.shape_cast %get3A_1559 : vector<1x16xf32> to vector<16xf32>
        %gt3A_1561 = arith.constant 0.000000e+00 : f32
        %gt3A_1562 = vector.broadcast %gt3A_1561 : f32 to vector<16xf32>
        %gt3A_1563 = arith.cmpf ogt, %get3A_1560, %gt3A_1562 : vector<16xf32>
        %jit3A_1564 = arith.constant 0xFF800000 : f32
        %broadcast_in_dim3A_1565 = vector.broadcast %jit3A_1564 : f32 to vector<16xf32>
        %select_n3A_1566 = arith.select %gt3A_1563, %get3A_1552, %broadcast_in_dim3A_1565 : vector<16xi1>, vector<16xf32>
        %max3A_1567 = arith.maximumf %max3A_1383, %select_n3A_1566 : vector<16xf32>
        %mul3A_1568 = arith.constant 8 : i32
        %mul3A_1569 = arith.muli %scan3A_138, %mul3A_1568 : i32
        %add3A_1570 = arith.constant 7 : i32
        %add3A_1571 = arith.addi %mul3A_1569, %add3A_1570 : i32
        %get3A_1572 = arith.index_cast %add3A_1571 : i32 to index
        %get3A_1573 = arith.constant 96 : index
        %get3A_1574 = tpu.vector_load %arg6[%get3A_1572, %get3A_1573] {strides = array<i32>} : memref<200x128xf32, #tpu.memory_space<vmem>>, vector<1x16xf32>,
        %get3A_1575 = vector.shape_cast %get3A_1574 : vector<1x16xf32> to vector<16xf32>
        %mul3A_1576 = arith.constant 8 : i32
        %mul3A_1577 = arith.muli %scan3A_138, %mul3A_1576 : i32
        %add3A_1578 = arith.constant 7 : i32
        %add3A_1579 = arith.addi %mul3A_1577, %add3A_1578 : i32
        %get3A_1580 = arith.index_cast %add3A_1579 : i32 to index
        %get3A_1581 = arith.constant 96 : index
        %get3A_1582 = tpu.vector_load %arg8[%get3A_1580, %get3A_1581] {strides = array<i32>} : memref<200x128xf32, #tpu.memory_space<vmem>>, vector<1x16xf32>,
        %get3A_1583 = vector.shape_cast %get3A_1582 : vector<1x16xf32> to vector<16xf32>
        %gt3A_1584 = arith.constant 0.000000e+00 : f32
        %gt3A_1585 = vector.broadcast %gt3A_1584 : f32 to vector<16xf32>
        %gt3A_1586 = arith.cmpf ogt, %get3A_1583, %gt3A_1585 : vector<16xf32>
        %jit3A_1587 = arith.constant 0xFF800000 : f32
        %broadcast_in_dim3A_1588 = vector.broadcast %jit3A_1587 : f32 to vector<16xf32>
        %select_n3A_1589 = arith.select %gt3A_1586, %get3A_1575, %broadcast_in_dim3A_1588 : vector<16xi1>, vector<16xf32>
        %max3A_1590 = arith.maximumf %max3A_1406, %select_n3A_1589 : vector<16xf32>
        %mul3A_1591 = arith.constant 8 : i32
        %mul3A_1592 = arith.muli %scan3A_138, %mul3A_1591 : i32
        %add3A_1593 = arith.constant 7 : i32
        %add3A_1594 = arith.addi %mul3A_1592, %add3A_1593 : i32
        %get3A_1595 = arith.index_cast %add3A_1594 : i32 to index
        %get3A_1596 = arith.constant 112 : index
        %get3A_1597 = tpu.vector_load %arg6[%get3A_1595, %get3A_1596] {strides = array<i32>} : memref<200x128xf32, #tpu.memory_space<vmem>>, vector<1x16xf32>,
        %get3A_1598 = vector.shape_cast %get3A_1597 : vector<1x16xf32> to vector<16xf32>
        %mul3A_1599 = arith.constant 8 : i32
        %mul3A_1600 = arith.muli %scan3A_138, %mul3A_1599 : i32
        %add3A_1601 = arith.constant 7 : i32
        %add3A_1602 = arith.addi %mul3A_1600, %add3A_1601 : i32
        %get3A_1603 = arith.index_cast %add3A_1602 : i32 to index
        %get3A_1604 = arith.constant 112 : index
        %get3A_1605 = tpu.vector_load %arg8[%get3A_1603, %get3A_1604] {strides = array<i32>} : memref<200x128xf32, #tpu.memory_space<vmem>>, vector<1x16xf32>,
        %get3A_1606 = vector.shape_cast %get3A_1605 : vector<1x16xf32> to vector<16xf32>
        %gt3A_1607 = arith.constant 0.000000e+00 : f32
        %gt3A_1608 = vector.broadcast %gt3A_1607 : f32 to vector<16xf32>
        %gt3A_1609 = arith.cmpf ogt, %get3A_1606, %gt3A_1608 : vector<16xf32>
        %jit3A_1610 = arith.constant 0xFF800000 : f32
        %broadcast_in_dim3A_1611 = vector.broadcast %jit3A_1610 : f32 to vector<16xf32>
        %select_n3A_1612 = arith.select %gt3A_1609, %get3A_1598, %broadcast_in_dim3A_1611 : vector<16xi1>, vector<16xf32>
        %max3A_1613 = arith.maximumf %max3A_1429, %select_n3A_1612 : vector<16xf32>
        scf.yield %max3A_1452, %max3A_1475, %max3A_1498, %max3A_1521, %max3A_1544, %max3A_1567, %max3A_1590, %max3A_1613 : vector<16xf32>, vector<16xf32>, vector<16xf32>, vector<16xf32>, vector<16xf32>, vector<16xf32>, vector<16xf32>, vector<16xf32>
      }
      %scan3A_126 = arith.constant 25 : i32
      %mul3A_127 = arith.constant 2 : i32
      %mul3A_128 = arith.muli %mul3A_127, %scan3A_82 : i32
      %add3A_129 = arith.constant 1 : i32
      %add3A_130 = arith.addi %mul3A_128, %add3A_129 : i32
      %add3A_131 = arith.constant 2 : i32
      %add3A_132 = arith.addi %add3A_130, %add3A_131 : i32
      %lt3A_133 = arith.constant 5 : i32
      %lt3A_134 = arith.cmpi slt, %add3A_132, %lt3A_133 : i32
      %convert_element_type3A_135 = arith.extui %lt3A_134 : i1 to i32
      %cond3A_136 = arith.constant 0 : i32
      %cond3A_137 = arith.cmpi ne, %convert_element_type3A_135, %cond3A_136 : i32
      scf.if %cond3A_137 {
        %mul3A_138 = arith.constant 2 : i32
        %mul3A_139 = arith.muli %mul3A_138, %scan3A_82 : i32
        %add3A_140 = arith.constant 1 : i32
        %add3A_141 = arith.addi %mul3A_139, %add3A_140 : i32
        %add3A_142 = arith.constant 2 : i32
        %add3A_143 = arith.addi %add3A_141, %add3A_142 : i32
        %mul3A_144 = arith.constant 200 : i32
        %mul3A_145 = arith.muli %add3A_143, %mul3A_144 : i32
        %dma_start3A_146 = tpu.memref_slice %arg2[%mul3A_145, %mul3A_2] : memref<1000x16384xf32, #tpu.memory_space<hbm>> -> memref<200x128xf32, #tpu.memory_space<hbm>>
        %dma_start3A_147 = tpu.memref_slice %arg2[%mul3A_145, %mul3A_2] : memref<1000x16384xf32, #tpu.memory_space<hbm>> -> memref<200x128xf32, #tpu.memory_space<hbm>>
        tpu.enqueue_dma source(%dma_start3A_147 : memref<200x128xf32, #tpu.memory_space<hbm>>) target(%arg6 : memref<200x128xf32, #tpu.memory_space<vmem>>) target_semaphore(%arg11 : memref<!tpu.dma_semaphore, #tpu.memory_space<semaphore_mem>>)
        %mul3A_148 = arith.constant 200 : i32
        %mul3A_149 = arith.muli %add3A_143, %mul3A_148 : i32
        %dma_start3A_150 = tpu.memref_slice %arg3[%mul3A_149, %mul3A_2] : memref<1000x16384xf32, #tpu.memory_space<hbm>> -> memref<200x128xf32, #tpu.memory_space<hbm>>
        %dma_start3A_151 = tpu.memref_slice %arg3[%mul3A_149, %mul3A_2] : memref<1000x16384xf32, #tpu.memory_space<hbm>> -> memref<200x128xf32, #tpu.memory_space<hbm>>
        tpu.enqueue_dma source(%dma_start3A_151 : memref<200x128xf32, #tpu.memory_space<hbm>>) target(%arg8 : memref<200x128xf32, #tpu.memory_space<vmem>>) target_semaphore(%arg13 : memref<!tpu.dma_semaphore, #tpu.memory_space<semaphore_mem>>)
      } else {
      }
      scf.yield %scan3A_125#0, %scan3A_125#1, %scan3A_125#2, %scan3A_125#3, %scan3A_125#4, %scan3A_125#5, %scan3A_125#6, %scan3A_125#7 : vector<16xf32>, vector<16xf32>, vector<16xf32>, vector<16xf32>, vector<16xf32>, vector<16xf32>, vector<16xf32>, vector<16xf32>
    }
    %scan3A_37 = arith.constant 2 : i32
    %dma_wait3A = arith.constant 0 : i32
    %dma_wait3A_38 = tpu.memref_slice %arg2[%dma_wait3A, %mul3A_2] : memref<1000x16384xf32, #tpu.memory_space<hbm>> -> memref<200x128xf32, #tpu.memory_space<hbm>>
    %dma_wait3A_39 = arith.constant 0 : i32
    %dma_wait3A_40 = tpu.memref_slice %arg2[%dma_wait3A_39, %mul3A_2] : memref<1000x16384xf32, #tpu.memory_space<hbm>> -> memref<200x128xf32, #tpu.memory_space<hbm>>
    tpu.wait_dma2 semaphore(%arg10 : memref<!tpu.dma_semaphore, #tpu.memory_space<semaphore_mem>>) src(%dma_wait3A_40 : memref<200x128xf32, #tpu.memory_space<hbm>>) dst(%arg5 : memref<200x128xf32, #tpu.memory_space<vmem>>)
    %dma_wait3A_41 = arith.constant 0 : i32
    %dma_wait3A_42 = tpu.memref_slice %arg3[%dma_wait3A_41, %mul3A_2] : memref<1000x16384xf32, #tpu.memory_space<hbm>> -> memref<200x128xf32, #tpu.memory_space<hbm>>
    %dma_wait3A_43 = arith.constant 0 : i32
    %dma_wait3A_44 = tpu.memref_slice %arg3[%dma_wait3A_43, %mul3A_2] : memref<1000x16384xf32, #tpu.memory_space<hbm>> -> memref<200x128xf32, #tpu.memory_space<hbm>>
    tpu.wait_dma2 semaphore(%arg12 : memref<!tpu.dma_semaphore, #tpu.memory_space<semaphore_mem>>) src(%dma_wait3A_44 : memref<200x128xf32, #tpu.memory_space<hbm>>) dst(%arg7 : memref<200x128xf32, #tpu.memory_space<vmem>>)
    %scan3A_45 = arith.constant 0 : i32
    %scan3A_46 = arith.constant 25 : i32
    %scan3A_47 = arith.addi %scan3A_45, %scan3A_46 : i32
    %scan3A_48 = arith.constant 1 : i32
    %scan3A_49:8 = scf.for %scan3A_82 = %scan3A_45 to %scan3A_47 step %scan3A_48 iter_args(%scan3A_83 = %scan3A_36#0, %scan3A_84 = %scan3A_36#1, %scan3A_85 = %scan3A_36#2, %scan3A_86 = %scan3A_36#3, %scan3A_87 = %scan3A_36#4, %scan3A_88 = %scan3A_36#5, %scan3A_89 = %scan3A_36#6, %scan3A_90 = %scan3A_36#7) -> (vector<16xf32>, vector<16xf32>, vector<16xf32>, vector<16xf32>, vector<16xf32>, vector<16xf32>, vector<16xf32>, vector<16xf32>)  : i32 {
      %mul3A_91 = arith.constant 8 : i32
      %mul3A_92 = arith.muli %scan3A_82, %mul3A_91 : i32
      %add3A_93 = arith.constant 0 : i32
      %add3A_94 = arith.addi %mul3A_92, %add3A_93 : i32
      %get3A = arith.index_cast %add3A_94 : i32 to index
      %get3A_95 = arith.constant 0 : index
      %get3A_96 = tpu.vector_load %arg5[%get3A, %get3A_95] {strides = array<i32>} : memref<200x128xf32, #tpu.memory_space<vmem>>, vector<1x16xf32>,
      %get3A_97 = vector.shape_cast %get3A_96 : vector<1x16xf32> to vector<16xf32>
      %mul3A_98 = arith.constant 8 : i32
      %mul3A_99 = arith.muli %scan3A_82, %mul3A_98 : i32
      %add3A_100 = arith.constant 0 : i32
      %add3A_101 = arith.addi %mul3A_99, %add3A_100 : i32
      %get3A_102 = arith.index_cast %add3A_101 : i32 to index
      %get3A_103 = arith.constant 0 : index
      %get3A_104 = tpu.vector_load %arg7[%get3A_102, %get3A_103] {strides = array<i32>} : memref<200x128xf32, #tpu.memory_space<vmem>>, vector<1x16xf32>,
      %get3A_105 = vector.shape_cast %get3A_104 : vector<1x16xf32> to vector<16xf32>
      %gt3A = arith.constant 0.000000e+00 : f32
      %gt3A_106 = vector.broadcast %gt3A : f32 to vector<16xf32>
      %gt3A_107 = arith.cmpf ogt, %get3A_105, %gt3A_106 : vector<16xf32>
      %jit3A = arith.constant 0xFF800000 : f32
      %broadcast_in_dim3A_108 = vector.broadcast %jit3A : f32 to vector<16xf32>
      %select_n3A = arith.select %gt3A_107, %get3A_97, %broadcast_in_dim3A_108 : vector<16xi1>, vector<16xf32>
      %max3A = arith.maximumf %scan3A_83, %select_n3A : vector<16xf32>
      %mul3A_109 = arith.constant 8 : i32
      %mul3A_110 = arith.muli %scan3A_82, %mul3A_109 : i32
      %add3A_111 = arith.constant 0 : i32
      %add3A_112 = arith.addi %mul3A_110, %add3A_111 : i32
      %get3A_113 = arith.index_cast %add3A_112 : i32 to index
      %get3A_114 = arith.constant 16 : index
      %get3A_115 = tpu.vector_load %arg5[%get3A_113, %get3A_114] {strides = array<i32>} : memref<200x128xf32, #tpu.memory_space<vmem>>, vector<1x16xf32>,
      %get3A_116 = vector.shape_cast %get3A_115 : vector<1x16xf32> to vector<16xf32>
      %mul3A_117 = arith.constant 8 : i32
      %mul3A_118 = arith.muli %scan3A_82, %mul3A_117 : i32
      %add3A_119 = arith.constant 0 : i32
      %add3A_120 = arith.addi %mul3A_118, %add3A_119 : i32
      %get3A_121 = arith.index_cast %add3A_120 : i32 to index
      %get3A_122 = arith.constant 16 : index
      %get3A_123 = tpu.vector_load %arg7[%get3A_121, %get3A_122] {strides = array<i32>} : memref<200x128xf32, #tpu.memory_space<vmem>>, vector<1x16xf32>,
      %get3A_124 = vector.shape_cast %get3A_123 : vector<1x16xf32> to vector<16xf32>
      %gt3A_125 = arith.constant 0.000000e+00 : f32
      %gt3A_126 = vector.broadcast %gt3A_125 : f32 to vector<16xf32>
      %gt3A_127 = arith.cmpf ogt, %get3A_124, %gt3A_126 : vector<16xf32>
      %jit3A_128 = arith.constant 0xFF800000 : f32
      %broadcast_in_dim3A_129 = vector.broadcast %jit3A_128 : f32 to vector<16xf32>
      %select_n3A_130 = arith.select %gt3A_127, %get3A_116, %broadcast_in_dim3A_129 : vector<16xi1>, vector<16xf32>
      %max3A_131 = arith.maximumf %scan3A_84, %select_n3A_130 : vector<16xf32>
      %mul3A_132 = arith.constant 8 : i32
      %mul3A_133 = arith.muli %scan3A_82, %mul3A_132 : i32
      %add3A_134 = arith.constant 0 : i32
      %add3A_135 = arith.addi %mul3A_133, %add3A_134 : i32
      %get3A_136 = arith.index_cast %add3A_135 : i32 to index
      %get3A_137 = arith.constant 32 : index
      %get3A_138 = tpu.vector_load %arg5[%get3A_136, %get3A_137] {strides = array<i32>} : memref<200x128xf32, #tpu.memory_space<vmem>>, vector<1x16xf32>,
      %get3A_139 = vector.shape_cast %get3A_138 : vector<1x16xf32> to vector<16xf32>
      %mul3A_140 = arith.constant 8 : i32
      %mul3A_141 = arith.muli %scan3A_82, %mul3A_140 : i32
      %add3A_142 = arith.constant 0 : i32
      %add3A_143 = arith.addi %mul3A_141, %add3A_142 : i32
      %get3A_144 = arith.index_cast %add3A_143 : i32 to index
      %get3A_145 = arith.constant 32 : index
      %get3A_146 = tpu.vector_load %arg7[%get3A_144, %get3A_145] {strides = array<i32>} : memref<200x128xf32, #tpu.memory_space<vmem>>, vector<1x16xf32>,
      %get3A_147 = vector.shape_cast %get3A_146 : vector<1x16xf32> to vector<16xf32>
      %gt3A_148 = arith.constant 0.000000e+00 : f32
      %gt3A_149 = vector.broadcast %gt3A_148 : f32 to vector<16xf32>
      %gt3A_150 = arith.cmpf ogt, %get3A_147, %gt3A_149 : vector<16xf32>
      %jit3A_151 = arith.constant 0xFF800000 : f32
      %broadcast_in_dim3A_152 = vector.broadcast %jit3A_151 : f32 to vector<16xf32>
      %select_n3A_153 = arith.select %gt3A_150, %get3A_139, %broadcast_in_dim3A_152 : vector<16xi1>, vector<16xf32>
      %max3A_154 = arith.maximumf %scan3A_85, %select_n3A_153 : vector<16xf32>
      %mul3A_155 = arith.constant 8 : i32
      %mul3A_156 = arith.muli %scan3A_82, %mul3A_155 : i32
      %add3A_157 = arith.constant 0 : i32
      %add3A_158 = arith.addi %mul3A_156, %add3A_157 : i32
      %get3A_159 = arith.index_cast %add3A_158 : i32 to index
      %get3A_160 = arith.constant 48 : index
      %get3A_161 = tpu.vector_load %arg5[%get3A_159, %get3A_160] {strides = array<i32>} : memref<200x128xf32, #tpu.memory_space<vmem>>, vector<1x16xf32>,
      %get3A_162 = vector.shape_cast %get3A_161 : vector<1x16xf32> to vector<16xf32>
      %mul3A_163 = arith.constant 8 : i32
      %mul3A_164 = arith.muli %scan3A_82, %mul3A_163 : i32
      %add3A_165 = arith.constant 0 : i32
      %add3A_166 = arith.addi %mul3A_164, %add3A_165 : i32
      %get3A_167 = arith.index_cast %add3A_166 : i32 to index
      %get3A_168 = arith.constant 48 : index
      %get3A_169 = tpu.vector_load %arg7[%get3A_167, %get3A_168] {strides = array<i32>} : memref<200x128xf32, #tpu.memory_space<vmem>>, vector<1x16xf32>,
      %get3A_170 = vector.shape_cast %get3A_169 : vector<1x16xf32> to vector<16xf32>
      %gt3A_171 = arith.constant 0.000000e+00 : f32
      %gt3A_172 = vector.broadcast %gt3A_171 : f32 to vector<16xf32>
      %gt3A_173 = arith.cmpf ogt, %get3A_170, %gt3A_172 : vector<16xf32>
      %jit3A_174 = arith.constant 0xFF800000 : f32
      %broadcast_in_dim3A_175 = vector.broadcast %jit3A_174 : f32 to vector<16xf32>
      %select_n3A_176 = arith.select %gt3A_173, %get3A_162, %broadcast_in_dim3A_175 : vector<16xi1>, vector<16xf32>
      %max3A_177 = arith.maximumf %scan3A_86, %select_n3A_176 : vector<16xf32>
      %mul3A_178 = arith.constant 8 : i32
      %mul3A_179 = arith.muli %scan3A_82, %mul3A_178 : i32
      %add3A_180 = arith.constant 0 : i32
      %add3A_181 = arith.addi %mul3A_179, %add3A_180 : i32
      %get3A_182 = arith.index_cast %add3A_181 : i32 to index
      %get3A_183 = arith.constant 64 : index
      %get3A_184 = tpu.vector_load %arg5[%get3A_182, %get3A_183] {strides = array<i32>} : memref<200x128xf32, #tpu.memory_space<vmem>>, vector<1x16xf32>,
      %get3A_185 = vector.shape_cast %get3A_184 : vector<1x16xf32> to vector<16xf32>
      %mul3A_186 = arith.constant 8 : i32
      %mul3A_187 = arith.muli %scan3A_82, %mul3A_186 : i32
      %add3A_188 = arith.constant 0 : i32
      %add3A_189 = arith.addi %mul3A_187, %add3A_188 : i32
      %get3A_190 = arith.index_cast %add3A_189 : i32 to index
      %get3A_191 = arith.constant 64 : index
      %get3A_192 = tpu.vector_load %arg7[%get3A_190, %get3A_191] {strides = array<i32>} : memref<200x128xf32, #tpu.memory_space<vmem>>, vector<1x16xf32>,
      %get3A_193 = vector.shape_cast %get3A_192 : vector<1x16xf32> to vector<16xf32>
      %gt3A_194 = arith.constant 0.000000e+00 : f32
      %gt3A_195 = vector.broadcast %gt3A_194 : f32 to vector<16xf32>
      %gt3A_196 = arith.cmpf ogt, %get3A_193, %gt3A_195 : vector<16xf32>
      %jit3A_197 = arith.constant 0xFF800000 : f32
      %broadcast_in_dim3A_198 = vector.broadcast %jit3A_197 : f32 to vector<16xf32>
      %select_n3A_199 = arith.select %gt3A_196, %get3A_185, %broadcast_in_dim3A_198 : vector<16xi1>, vector<16xf32>
      %max3A_200 = arith.maximumf %scan3A_87, %select_n3A_199 : vector<16xf32>
      %mul3A_201 = arith.constant 8 : i32
      %mul3A_202 = arith.muli %scan3A_82, %mul3A_201 : i32
      %add3A_203 = arith.constant 0 : i32
      %add3A_204 = arith.addi %mul3A_202, %add3A_203 : i32
      %get3A_205 = arith.index_cast %add3A_204 : i32 to index
      %get3A_206 = arith.constant 80 : index
      %get3A_207 = tpu.vector_load %arg5[%get3A_205, %get3A_206] {strides = array<i32>} : memref<200x128xf32, #tpu.memory_space<vmem>>, vector<1x16xf32>,
      %get3A_208 = vector.shape_cast %get3A_207 : vector<1x16xf32> to vector<16xf32>
      %mul3A_209 = arith.constant 8 : i32
      %mul3A_210 = arith.muli %scan3A_82, %mul3A_209 : i32
      %add3A_211 = arith.constant 0 : i32
      %add3A_212 = arith.addi %mul3A_210, %add3A_211 : i32
      %get3A_213 = arith.index_cast %add3A_212 : i32 to index
      %get3A_214 = arith.constant 80 : index
      %get3A_215 = tpu.vector_load %arg7[%get3A_213, %get3A_214] {strides = array<i32>} : memref<200x128xf32, #tpu.memory_space<vmem>>, vector<1x16xf32>,
      %get3A_216 = vector.shape_cast %get3A_215 : vector<1x16xf32> to vector<16xf32>
      %gt3A_217 = arith.constant 0.000000e+00 : f32
      %gt3A_218 = vector.broadcast %gt3A_217 : f32 to vector<16xf32>
      %gt3A_219 = arith.cmpf ogt, %get3A_216, %gt3A_218 : vector<16xf32>
      %jit3A_220 = arith.constant 0xFF800000 : f32
      %broadcast_in_dim3A_221 = vector.broadcast %jit3A_220 : f32 to vector<16xf32>
      %select_n3A_222 = arith.select %gt3A_219, %get3A_208, %broadcast_in_dim3A_221 : vector<16xi1>, vector<16xf32>
      %max3A_223 = arith.maximumf %scan3A_88, %select_n3A_222 : vector<16xf32>
      %mul3A_224 = arith.constant 8 : i32
      %mul3A_225 = arith.muli %scan3A_82, %mul3A_224 : i32
      %add3A_226 = arith.constant 0 : i32
      %add3A_227 = arith.addi %mul3A_225, %add3A_226 : i32
      %get3A_228 = arith.index_cast %add3A_227 : i32 to index
      %get3A_229 = arith.constant 96 : index
      %get3A_230 = tpu.vector_load %arg5[%get3A_228, %get3A_229] {strides = array<i32>} : memref<200x128xf32, #tpu.memory_space<vmem>>, vector<1x16xf32>,
      %get3A_231 = vector.shape_cast %get3A_230 : vector<1x16xf32> to vector<16xf32>
      %mul3A_232 = arith.constant 8 : i32
      %mul3A_233 = arith.muli %scan3A_82, %mul3A_232 : i32
      %add3A_234 = arith.constant 0 : i32
      %add3A_235 = arith.addi %mul3A_233, %add3A_234 : i32
      %get3A_236 = arith.index_cast %add3A_235 : i32 to index
      %get3A_237 = arith.constant 96 : index
      %get3A_238 = tpu.vector_load %arg7[%get3A_236, %get3A_237] {strides = array<i32>} : memref<200x128xf32, #tpu.memory_space<vmem>>, vector<1x16xf32>,
      %get3A_239 = vector.shape_cast %get3A_238 : vector<1x16xf32> to vector<16xf32>
      %gt3A_240 = arith.constant 0.000000e+00 : f32
      %gt3A_241 = vector.broadcast %gt3A_240 : f32 to vector<16xf32>
      %gt3A_242 = arith.cmpf ogt, %get3A_239, %gt3A_241 : vector<16xf32>
      %jit3A_243 = arith.constant 0xFF800000 : f32
      %broadcast_in_dim3A_244 = vector.broadcast %jit3A_243 : f32 to vector<16xf32>
      %select_n3A_245 = arith.select %gt3A_242, %get3A_231, %broadcast_in_dim3A_244 : vector<16xi1>, vector<16xf32>
      %max3A_246 = arith.maximumf %scan3A_89, %select_n3A_245 : vector<16xf32>
      %mul3A_247 = arith.constant 8 : i32
      %mul3A_248 = arith.muli %scan3A_82, %mul3A_247 : i32
      %add3A_249 = arith.constant 0 : i32
      %add3A_250 = arith.addi %mul3A_248, %add3A_249 : i32
      %get3A_251 = arith.index_cast %add3A_250 : i32 to index
      %get3A_252 = arith.constant 112 : index
      %get3A_253 = tpu.vector_load %arg5[%get3A_251, %get3A_252] {strides = array<i32>} : memref<200x128xf32, #tpu.memory_space<vmem>>, vector<1x16xf32>,
      %get3A_254 = vector.shape_cast %get3A_253 : vector<1x16xf32> to vector<16xf32>
      %mul3A_255 = arith.constant 8 : i32
      %mul3A_256 = arith.muli %scan3A_82, %mul3A_255 : i32
      %add3A_257 = arith.constant 0 : i32
      %add3A_258 = arith.addi %mul3A_256, %add3A_257 : i32
      %get3A_259 = arith.index_cast %add3A_258 : i32 to index
      %get3A_260 = arith.constant 112 : index
      %get3A_261 = tpu.vector_load %arg7[%get3A_259, %get3A_260] {strides = array<i32>} : memref<200x128xf32, #tpu.memory_space<vmem>>, vector<1x16xf32>,
      %get3A_262 = vector.shape_cast %get3A_261 : vector<1x16xf32> to vector<16xf32>
      %gt3A_263 = arith.constant 0.000000e+00 : f32
      %gt3A_264 = vector.broadcast %gt3A_263 : f32 to vector<16xf32>
      %gt3A_265 = arith.cmpf ogt, %get3A_262, %gt3A_264 : vector<16xf32>
      %jit3A_266 = arith.constant 0xFF800000 : f32
      %broadcast_in_dim3A_267 = vector.broadcast %jit3A_266 : f32 to vector<16xf32>
      %select_n3A_268 = arith.select %gt3A_265, %get3A_254, %broadcast_in_dim3A_267 : vector<16xi1>, vector<16xf32>
      %max3A_269 = arith.maximumf %scan3A_90, %select_n3A_268 : vector<16xf32>
      %mul3A_270 = arith.constant 8 : i32
      %mul3A_271 = arith.muli %scan3A_82, %mul3A_270 : i32
      %add3A_272 = arith.constant 1 : i32
      %add3A_273 = arith.addi %mul3A_271, %add3A_272 : i32
      %get3A_274 = arith.index_cast %add3A_273 : i32 to index
      %get3A_275 = arith.constant 0 : index
      %get3A_276 = tpu.vector_load %arg5[%get3A_274, %get3A_275] {strides = array<i32>} : memref<200x128xf32, #tpu.memory_space<vmem>>, vector<1x16xf32>,
      %get3A_277 = vector.shape_cast %get3A_276 : vector<1x16xf32> to vector<16xf32>
      %mul3A_278 = arith.constant 8 : i32
      %mul3A_279 = arith.muli %scan3A_82, %mul3A_278 : i32
      %add3A_280 = arith.constant 1 : i32
      %add3A_281 = arith.addi %mul3A_279, %add3A_280 : i32
      %get3A_282 = arith.index_cast %add3A_281 : i32 to index
      %get3A_283 = arith.constant 0 : index
      %get3A_284 = tpu.vector_load %arg7[%get3A_282, %get3A_283] {strides = array<i32>} : memref<200x128xf32, #tpu.memory_space<vmem>>, vector<1x16xf32>,
      %get3A_285 = vector.shape_cast %get3A_284 : vector<1x16xf32> to vector<16xf32>
      %gt3A_286 = arith.constant 0.000000e+00 : f32
      %gt3A_287 = vector.broadcast %gt3A_286 : f32 to vector<16xf32>
      %gt3A_288 = arith.cmpf ogt, %get3A_285, %gt3A_287 : vector<16xf32>
      %jit3A_289 = arith.constant 0xFF800000 : f32
      %broadcast_in_dim3A_290 = vector.broadcast %jit3A_289 : f32 to vector<16xf32>
      %select_n3A_291 = arith.select %gt3A_288, %get3A_277, %broadcast_in_dim3A_290 : vector<16xi1>, vector<16xf32>
      %max3A_292 = arith.maximumf %max3A, %select_n3A_291 : vector<16xf32>
      %mul3A_293 = arith.constant 8 : i32
      %mul3A_294 = arith.muli %scan3A_82, %mul3A_293 : i32
      %add3A_295 = arith.constant 1 : i32
      %add3A_296 = arith.addi %mul3A_294, %add3A_295 : i32
      %get3A_297 = arith.index_cast %add3A_296 : i32 to index
      %get3A_298 = arith.constant 16 : index
      %get3A_299 = tpu.vector_load %arg5[%get3A_297, %get3A_298] {strides = array<i32>} : memref<200x128xf32, #tpu.memory_space<vmem>>, vector<1x16xf32>,
      %get3A_300 = vector.shape_cast %get3A_299 : vector<1x16xf32> to vector<16xf32>
      %mul3A_301 = arith.constant 8 : i32
      %mul3A_302 = arith.muli %scan3A_82, %mul3A_301 : i32
      %add3A_303 = arith.constant 1 : i32
      %add3A_304 = arith.addi %mul3A_302, %add3A_303 : i32
      %get3A_305 = arith.index_cast %add3A_304 : i32 to index
      %get3A_306 = arith.constant 16 : index
      %get3A_307 = tpu.vector_load %arg7[%get3A_305, %get3A_306] {strides = array<i32>} : memref<200x128xf32, #tpu.memory_space<vmem>>, vector<1x16xf32>,
      %get3A_308 = vector.shape_cast %get3A_307 : vector<1x16xf32> to vector<16xf32>
      %gt3A_309 = arith.constant 0.000000e+00 : f32
      %gt3A_310 = vector.broadcast %gt3A_309 : f32 to vector<16xf32>
      %gt3A_311 = arith.cmpf ogt, %get3A_308, %gt3A_310 : vector<16xf32>
      %jit3A_312 = arith.constant 0xFF800000 : f32
      %broadcast_in_dim3A_313 = vector.broadcast %jit3A_312 : f32 to vector<16xf32>
      %select_n3A_314 = arith.select %gt3A_311, %get3A_300, %broadcast_in_dim3A_313 : vector<16xi1>, vector<16xf32>
      %max3A_315 = arith.maximumf %max3A_131, %select_n3A_314 : vector<16xf32>
      %mul3A_316 = arith.constant 8 : i32
      %mul3A_317 = arith.muli %scan3A_82, %mul3A_316 : i32
      %add3A_318 = arith.constant 1 : i32
      %add3A_319 = arith.addi %mul3A_317, %add3A_318 : i32
      %get3A_320 = arith.index_cast %add3A_319 : i32 to index
      %get3A_321 = arith.constant 32 : index
      %get3A_322 = tpu.vector_load %arg5[%get3A_320, %get3A_321] {strides = array<i32>} : memref<200x128xf32, #tpu.memory_space<vmem>>, vector<1x16xf32>,
      %get3A_323 = vector.shape_cast %get3A_322 : vector<1x16xf32> to vector<16xf32>
      %mul3A_324 = arith.constant 8 : i32
      %mul3A_325 = arith.muli %scan3A_82, %mul3A_324 : i32
      %add3A_326 = arith.constant 1 : i32
      %add3A_327 = arith.addi %mul3A_325, %add3A_326 : i32
      %get3A_328 = arith.index_cast %add3A_327 : i32 to index
      %get3A_329 = arith.constant 32 : index
      %get3A_330 = tpu.vector_load %arg7[%get3A_328, %get3A_329] {strides = array<i32>} : memref<200x128xf32, #tpu.memory_space<vmem>>, vector<1x16xf32>,
      %get3A_331 = vector.shape_cast %get3A_330 : vector<1x16xf32> to vector<16xf32>
      %gt3A_332 = arith.constant 0.000000e+00 : f32
      %gt3A_333 = vector.broadcast %gt3A_332 : f32 to vector<16xf32>
      %gt3A_334 = arith.cmpf ogt, %get3A_331, %gt3A_333 : vector<16xf32>
      %jit3A_335 = arith.constant 0xFF800000 : f32
      %broadcast_in_dim3A_336 = vector.broadcast %jit3A_335 : f32 to vector<16xf32>
      %select_n3A_337 = arith.select %gt3A_334, %get3A_323, %broadcast_in_dim3A_336 : vector<16xi1>, vector<16xf32>
      %max3A_338 = arith.maximumf %max3A_154, %select_n3A_337 : vector<16xf32>
      %mul3A_339 = arith.constant 8 : i32
      %mul3A_340 = arith.muli %scan3A_82, %mul3A_339 : i32
      %add3A_341 = arith.constant 1 : i32
      %add3A_342 = arith.addi %mul3A_340, %add3A_341 : i32
      %get3A_343 = arith.index_cast %add3A_342 : i32 to index
      %get3A_344 = arith.constant 48 : index
      %get3A_345 = tpu.vector_load %arg5[%get3A_343, %get3A_344] {strides = array<i32>} : memref<200x128xf32, #tpu.memory_space<vmem>>, vector<1x16xf32>,
      %get3A_346 = vector.shape_cast %get3A_345 : vector<1x16xf32> to vector<16xf32>
      %mul3A_347 = arith.constant 8 : i32
      %mul3A_348 = arith.muli %scan3A_82, %mul3A_347 : i32
      %add3A_349 = arith.constant 1 : i32
      %add3A_350 = arith.addi %mul3A_348, %add3A_349 : i32
      %get3A_351 = arith.index_cast %add3A_350 : i32 to index
      %get3A_352 = arith.constant 48 : index
      %get3A_353 = tpu.vector_load %arg7[%get3A_351, %get3A_352] {strides = array<i32>} : memref<200x128xf32, #tpu.memory_space<vmem>>, vector<1x16xf32>,
      %get3A_354 = vector.shape_cast %get3A_353 : vector<1x16xf32> to vector<16xf32>
      %gt3A_355 = arith.constant 0.000000e+00 : f32
      %gt3A_356 = vector.broadcast %gt3A_355 : f32 to vector<16xf32>
      %gt3A_357 = arith.cmpf ogt, %get3A_354, %gt3A_356 : vector<16xf32>
      %jit3A_358 = arith.constant 0xFF800000 : f32
      %broadcast_in_dim3A_359 = vector.broadcast %jit3A_358 : f32 to vector<16xf32>
      %select_n3A_360 = arith.select %gt3A_357, %get3A_346, %broadcast_in_dim3A_359 : vector<16xi1>, vector<16xf32>
      %max3A_361 = arith.maximumf %max3A_177, %select_n3A_360 : vector<16xf32>
      %mul3A_362 = arith.constant 8 : i32
      %mul3A_363 = arith.muli %scan3A_82, %mul3A_362 : i32
      %add3A_364 = arith.constant 1 : i32
      %add3A_365 = arith.addi %mul3A_363, %add3A_364 : i32
      %get3A_366 = arith.index_cast %add3A_365 : i32 to index
      %get3A_367 = arith.constant 64 : index
      %get3A_368 = tpu.vector_load %arg5[%get3A_366, %get3A_367] {strides = array<i32>} : memref<200x128xf32, #tpu.memory_space<vmem>>, vector<1x16xf32>,
      %get3A_369 = vector.shape_cast %get3A_368 : vector<1x16xf32> to vector<16xf32>
      %mul3A_370 = arith.constant 8 : i32
      %mul3A_371 = arith.muli %scan3A_82, %mul3A_370 : i32
      %add3A_372 = arith.constant 1 : i32
      %add3A_373 = arith.addi %mul3A_371, %add3A_372 : i32
      %get3A_374 = arith.index_cast %add3A_373 : i32 to index
      %get3A_375 = arith.constant 64 : index
      %get3A_376 = tpu.vector_load %arg7[%get3A_374, %get3A_375] {strides = array<i32>} : memref<200x128xf32, #tpu.memory_space<vmem>>, vector<1x16xf32>,
      %get3A_377 = vector.shape_cast %get3A_376 : vector<1x16xf32> to vector<16xf32>
      %gt3A_378 = arith.constant 0.000000e+00 : f32
      %gt3A_379 = vector.broadcast %gt3A_378 : f32 to vector<16xf32>
      %gt3A_380 = arith.cmpf ogt, %get3A_377, %gt3A_379 : vector<16xf32>
      %jit3A_381 = arith.constant 0xFF800000 : f32
      %broadcast_in_dim3A_382 = vector.broadcast %jit3A_381 : f32 to vector<16xf32>
      %select_n3A_383 = arith.select %gt3A_380, %get3A_369, %broadcast_in_dim3A_382 : vector<16xi1>, vector<16xf32>
      %max3A_384 = arith.maximumf %max3A_200, %select_n3A_383 : vector<16xf32>
      %mul3A_385 = arith.constant 8 : i32
      %mul3A_386 = arith.muli %scan3A_82, %mul3A_385 : i32
      %add3A_387 = arith.constant 1 : i32
      %add3A_388 = arith.addi %mul3A_386, %add3A_387 : i32
      %get3A_389 = arith.index_cast %add3A_388 : i32 to index
      %get3A_390 = arith.constant 80 : index
      %get3A_391 = tpu.vector_load %arg5[%get3A_389, %get3A_390] {strides = array<i32>} : memref<200x128xf32, #tpu.memory_space<vmem>>, vector<1x16xf32>,
      %get3A_392 = vector.shape_cast %get3A_391 : vector<1x16xf32> to vector<16xf32>
      %mul3A_393 = arith.constant 8 : i32
      %mul3A_394 = arith.muli %scan3A_82, %mul3A_393 : i32
      %add3A_395 = arith.constant 1 : i32
      %add3A_396 = arith.addi %mul3A_394, %add3A_395 : i32
      %get3A_397 = arith.index_cast %add3A_396 : i32 to index
      %get3A_398 = arith.constant 80 : index
      %get3A_399 = tpu.vector_load %arg7[%get3A_397, %get3A_398] {strides = array<i32>} : memref<200x128xf32, #tpu.memory_space<vmem>>, vector<1x16xf32>,
      %get3A_400 = vector.shape_cast %get3A_399 : vector<1x16xf32> to vector<16xf32>
      %gt3A_401 = arith.constant 0.000000e+00 : f32
      %gt3A_402 = vector.broadcast %gt3A_401 : f32 to vector<16xf32>
      %gt3A_403 = arith.cmpf ogt, %get3A_400, %gt3A_402 : vector<16xf32>
      %jit3A_404 = arith.constant 0xFF800000 : f32
      %broadcast_in_dim3A_405 = vector.broadcast %jit3A_404 : f32 to vector<16xf32>
      %select_n3A_406 = arith.select %gt3A_403, %get3A_392, %broadcast_in_dim3A_405 : vector<16xi1>, vector<16xf32>
      %max3A_407 = arith.maximumf %max3A_223, %select_n3A_406 : vector<16xf32>
      %mul3A_408 = arith.constant 8 : i32
      %mul3A_409 = arith.muli %scan3A_82, %mul3A_408 : i32
      %add3A_410 = arith.constant 1 : i32
      %add3A_411 = arith.addi %mul3A_409, %add3A_410 : i32
      %get3A_412 = arith.index_cast %add3A_411 : i32 to index
      %get3A_413 = arith.constant 96 : index
      %get3A_414 = tpu.vector_load %arg5[%get3A_412, %get3A_413] {strides = array<i32>} : memref<200x128xf32, #tpu.memory_space<vmem>>, vector<1x16xf32>,
      %get3A_415 = vector.shape_cast %get3A_414 : vector<1x16xf32> to vector<16xf32>
      %mul3A_416 = arith.constant 8 : i32
      %mul3A_417 = arith.muli %scan3A_82, %mul3A_416 : i32
      %add3A_418 = arith.constant 1 : i32
      %add3A_419 = arith.addi %mul3A_417, %add3A_418 : i32
      %get3A_420 = arith.index_cast %add3A_419 : i32 to index
      %get3A_421 = arith.constant 96 : index
      %get3A_422 = tpu.vector_load %arg7[%get3A_420, %get3A_421] {strides = array<i32>} : memref<200x128xf32, #tpu.memory_space<vmem>>, vector<1x16xf32>,
      %get3A_423 = vector.shape_cast %get3A_422 : vector<1x16xf32> to vector<16xf32>
      %gt3A_424 = arith.constant 0.000000e+00 : f32
      %gt3A_425 = vector.broadcast %gt3A_424 : f32 to vector<16xf32>
      %gt3A_426 = arith.cmpf ogt, %get3A_423, %gt3A_425 : vector<16xf32>
      %jit3A_427 = arith.constant 0xFF800000 : f32
      %broadcast_in_dim3A_428 = vector.broadcast %jit3A_427 : f32 to vector<16xf32>
      %select_n3A_429 = arith.select %gt3A_426, %get3A_415, %broadcast_in_dim3A_428 : vector<16xi1>, vector<16xf32>
      %max3A_430 = arith.maximumf %max3A_246, %select_n3A_429 : vector<16xf32>
      %mul3A_431 = arith.constant 8 : i32
      %mul3A_432 = arith.muli %scan3A_82, %mul3A_431 : i32
      %add3A_433 = arith.constant 1 : i32
      %add3A_434 = arith.addi %mul3A_432, %add3A_433 : i32
      %get3A_435 = arith.index_cast %add3A_434 : i32 to index
      %get3A_436 = arith.constant 112 : index
      %get3A_437 = tpu.vector_load %arg5[%get3A_435, %get3A_436] {strides = array<i32>} : memref<200x128xf32, #tpu.memory_space<vmem>>, vector<1x16xf32>,
      %get3A_438 = vector.shape_cast %get3A_437 : vector<1x16xf32> to vector<16xf32>
      %mul3A_439 = arith.constant 8 : i32
      %mul3A_440 = arith.muli %scan3A_82, %mul3A_439 : i32
      %add3A_441 = arith.constant 1 : i32
      %add3A_442 = arith.addi %mul3A_440, %add3A_441 : i32
      %get3A_443 = arith.index_cast %add3A_442 : i32 to index
      %get3A_444 = arith.constant 112 : index
      %get3A_445 = tpu.vector_load %arg7[%get3A_443, %get3A_444] {strides = array<i32>} : memref<200x128xf32, #tpu.memory_space<vmem>>, vector<1x16xf32>,
      %get3A_446 = vector.shape_cast %get3A_445 : vector<1x16xf32> to vector<16xf32>
      %gt3A_447 = arith.constant 0.000000e+00 : f32
      %gt3A_448 = vector.broadcast %gt3A_447 : f32 to vector<16xf32>
      %gt3A_449 = arith.cmpf ogt, %get3A_446, %gt3A_448 : vector<16xf32>
      %jit3A_450 = arith.constant 0xFF800000 : f32
      %broadcast_in_dim3A_451 = vector.broadcast %jit3A_450 : f32 to vector<16xf32>
      %select_n3A_452 = arith.select %gt3A_449, %get3A_438, %broadcast_in_dim3A_451 : vector<16xi1>, vector<16xf32>
      %max3A_453 = arith.maximumf %max3A_269, %select_n3A_452 : vector<16xf32>
      %mul3A_454 = arith.constant 8 : i32
      %mul3A_455 = arith.muli %scan3A_82, %mul3A_454 : i32
      %add3A_456 = arith.constant 2 : i32
      %add3A_457 = arith.addi %mul3A_455, %add3A_456 : i32
      %get3A_458 = arith.index_cast %add3A_457 : i32 to index
      %get3A_459 = arith.constant 0 : index
      %get3A_460 = tpu.vector_load %arg5[%get3A_458, %get3A_459] {strides = array<i32>} : memref<200x128xf32, #tpu.memory_space<vmem>>, vector<1x16xf32>,
      %get3A_461 = vector.shape_cast %get3A_460 : vector<1x16xf32> to vector<16xf32>
      %mul3A_462 = arith.constant 8 : i32
      %mul3A_463 = arith.muli %scan3A_82, %mul3A_462 : i32
      %add3A_464 = arith.constant 2 : i32
      %add3A_465 = arith.addi %mul3A_463, %add3A_464 : i32
      %get3A_466 = arith.index_cast %add3A_465 : i32 to index
      %get3A_467 = arith.constant 0 : index
      %get3A_468 = tpu.vector_load %arg7[%get3A_466, %get3A_467] {strides = array<i32>} : memref<200x128xf32, #tpu.memory_space<vmem>>, vector<1x16xf32>,
      %get3A_469 = vector.shape_cast %get3A_468 : vector<1x16xf32> to vector<16xf32>
      %gt3A_470 = arith.constant 0.000000e+00 : f32
      %gt3A_471 = vector.broadcast %gt3A_470 : f32 to vector<16xf32>
      %gt3A_472 = arith.cmpf ogt, %get3A_469, %gt3A_471 : vector<16xf32>
      %jit3A_473 = arith.constant 0xFF800000 : f32
      %broadcast_in_dim3A_474 = vector.broadcast %jit3A_473 : f32 to vector<16xf32>
      %select_n3A_475 = arith.select %gt3A_472, %get3A_461, %broadcast_in_dim3A_474 : vector<16xi1>, vector<16xf32>
      %max3A_476 = arith.maximumf %max3A_292, %select_n3A_475 : vector<16xf32>
      %mul3A_477 = arith.constant 8 : i32
      %mul3A_478 = arith.muli %scan3A_82, %mul3A_477 : i32
      %add3A_479 = arith.constant 2 : i32
      %add3A_480 = arith.addi %mul3A_478, %add3A_479 : i32
      %get3A_481 = arith.index_cast %add3A_480 : i32 to index
      %get3A_482 = arith.constant 16 : index
      %get3A_483 = tpu.vector_load %arg5[%get3A_481, %get3A_482] {strides = array<i32>} : memref<200x128xf32, #tpu.memory_space<vmem>>, vector<1x16xf32>,
      %get3A_484 = vector.shape_cast %get3A_483 : vector<1x16xf32> to vector<16xf32>
      %mul3A_485 = arith.constant 8 : i32
      %mul3A_486 = arith.muli %scan3A_82, %mul3A_485 : i32
      %add3A_487 = arith.constant 2 : i32
      %add3A_488 = arith.addi %mul3A_486, %add3A_487 : i32
      %get3A_489 = arith.index_cast %add3A_488 : i32 to index
      %get3A_490 = arith.constant 16 : index
      %get3A_491 = tpu.vector_load %arg7[%get3A_489, %get3A_490] {strides = array<i32>} : memref<200x128xf32, #tpu.memory_space<vmem>>, vector<1x16xf32>,
      %get3A_492 = vector.shape_cast %get3A_491 : vector<1x16xf32> to vector<16xf32>
      %gt3A_493 = arith.constant 0.000000e+00 : f32
      %gt3A_494 = vector.broadcast %gt3A_493 : f32 to vector<16xf32>
      %gt3A_495 = arith.cmpf ogt, %get3A_492, %gt3A_494 : vector<16xf32>
      %jit3A_496 = arith.constant 0xFF800000 : f32
      %broadcast_in_dim3A_497 = vector.broadcast %jit3A_496 : f32 to vector<16xf32>
      %select_n3A_498 = arith.select %gt3A_495, %get3A_484, %broadcast_in_dim3A_497 : vector<16xi1>, vector<16xf32>
      %max3A_499 = arith.maximumf %max3A_315, %select_n3A_498 : vector<16xf32>
      %mul3A_500 = arith.constant 8 : i32
      %mul3A_501 = arith.muli %scan3A_82, %mul3A_500 : i32
      %add3A_502 = arith.constant 2 : i32
      %add3A_503 = arith.addi %mul3A_501, %add3A_502 : i32
      %get3A_504 = arith.index_cast %add3A_503 : i32 to index
      %get3A_505 = arith.constant 32 : index
      %get3A_506 = tpu.vector_load %arg5[%get3A_504, %get3A_505] {strides = array<i32>} : memref<200x128xf32, #tpu.memory_space<vmem>>, vector<1x16xf32>,
      %get3A_507 = vector.shape_cast %get3A_506 : vector<1x16xf32> to vector<16xf32>
      %mul3A_508 = arith.constant 8 : i32
      %mul3A_509 = arith.muli %scan3A_82, %mul3A_508 : i32
      %add3A_510 = arith.constant 2 : i32
      %add3A_511 = arith.addi %mul3A_509, %add3A_510 : i32
      %get3A_512 = arith.index_cast %add3A_511 : i32 to index
      %get3A_513 = arith.constant 32 : index
      %get3A_514 = tpu.vector_load %arg7[%get3A_512, %get3A_513] {strides = array<i32>} : memref<200x128xf32, #tpu.memory_space<vmem>>, vector<1x16xf32>,
      %get3A_515 = vector.shape_cast %get3A_514 : vector<1x16xf32> to vector<16xf32>
      %gt3A_516 = arith.constant 0.000000e+00 : f32
      %gt3A_517 = vector.broadcast %gt3A_516 : f32 to vector<16xf32>
      %gt3A_518 = arith.cmpf ogt, %get3A_515, %gt3A_517 : vector<16xf32>
      %jit3A_519 = arith.constant 0xFF800000 : f32
      %broadcast_in_dim3A_520 = vector.broadcast %jit3A_519 : f32 to vector<16xf32>
      %select_n3A_521 = arith.select %gt3A_518, %get3A_507, %broadcast_in_dim3A_520 : vector<16xi1>, vector<16xf32>
      %max3A_522 = arith.maximumf %max3A_338, %select_n3A_521 : vector<16xf32>
      %mul3A_523 = arith.constant 8 : i32
      %mul3A_524 = arith.muli %scan3A_82, %mul3A_523 : i32
      %add3A_525 = arith.constant 2 : i32
      %add3A_526 = arith.addi %mul3A_524, %add3A_525 : i32
      %get3A_527 = arith.index_cast %add3A_526 : i32 to index
      %get3A_528 = arith.constant 48 : index
      %get3A_529 = tpu.vector_load %arg5[%get3A_527, %get3A_528] {strides = array<i32>} : memref<200x128xf32, #tpu.memory_space<vmem>>, vector<1x16xf32>,
      %get3A_530 = vector.shape_cast %get3A_529 : vector<1x16xf32> to vector<16xf32>
      %mul3A_531 = arith.constant 8 : i32
      %mul3A_532 = arith.muli %scan3A_82, %mul3A_531 : i32
      %add3A_533 = arith.constant 2 : i32
      %add3A_534 = arith.addi %mul3A_532, %add3A_533 : i32
      %get3A_535 = arith.index_cast %add3A_534 : i32 to index
      %get3A_536 = arith.constant 48 : index
      %get3A_537 = tpu.vector_load %arg7[%get3A_535, %get3A_536] {strides = array<i32>} : memref<200x128xf32, #tpu.memory_space<vmem>>, vector<1x16xf32>,
      %get3A_538 = vector.shape_cast %get3A_537 : vector<1x16xf32> to vector<16xf32>
      %gt3A_539 = arith.constant 0.000000e+00 : f32
      %gt3A_540 = vector.broadcast %gt3A_539 : f32 to vector<16xf32>
      %gt3A_541 = arith.cmpf ogt, %get3A_538, %gt3A_540 : vector<16xf32>
      %jit3A_542 = arith.constant 0xFF800000 : f32
      %broadcast_in_dim3A_543 = vector.broadcast %jit3A_542 : f32 to vector<16xf32>
      %select_n3A_544 = arith.select %gt3A_541, %get3A_530, %broadcast_in_dim3A_543 : vector<16xi1>, vector<16xf32>
      %max3A_545 = arith.maximumf %max3A_361, %select_n3A_544 : vector<16xf32>
      %mul3A_546 = arith.constant 8 : i32
      %mul3A_547 = arith.muli %scan3A_82, %mul3A_546 : i32
      %add3A_548 = arith.constant 2 : i32
      %add3A_549 = arith.addi %mul3A_547, %add3A_548 : i32
      %get3A_550 = arith.index_cast %add3A_549 : i32 to index
      %get3A_551 = arith.constant 64 : index
      %get3A_552 = tpu.vector_load %arg5[%get3A_550, %get3A_551] {strides = array<i32>} : memref<200x128xf32, #tpu.memory_space<vmem>>, vector<1x16xf32>,
      %get3A_553 = vector.shape_cast %get3A_552 : vector<1x16xf32> to vector<16xf32>
      %mul3A_554 = arith.constant 8 : i32
      %mul3A_555 = arith.muli %scan3A_82, %mul3A_554 : i32
      %add3A_556 = arith.constant 2 : i32
      %add3A_557 = arith.addi %mul3A_555, %add3A_556 : i32
      %get3A_558 = arith.index_cast %add3A_557 : i32 to index
      %get3A_559 = arith.constant 64 : index
      %get3A_560 = tpu.vector_load %arg7[%get3A_558, %get3A_559] {strides = array<i32>} : memref<200x128xf32, #tpu.memory_space<vmem>>, vector<1x16xf32>,
      %get3A_561 = vector.shape_cast %get3A_560 : vector<1x16xf32> to vector<16xf32>
      %gt3A_562 = arith.constant 0.000000e+00 : f32
      %gt3A_563 = vector.broadcast %gt3A_562 : f32 to vector<16xf32>
      %gt3A_564 = arith.cmpf ogt, %get3A_561, %gt3A_563 : vector<16xf32>
      %jit3A_565 = arith.constant 0xFF800000 : f32
      %broadcast_in_dim3A_566 = vector.broadcast %jit3A_565 : f32 to vector<16xf32>
      %select_n3A_567 = arith.select %gt3A_564, %get3A_553, %broadcast_in_dim3A_566 : vector<16xi1>, vector<16xf32>
      %max3A_568 = arith.maximumf %max3A_384, %select_n3A_567 : vector<16xf32>
      %mul3A_569 = arith.constant 8 : i32
      %mul3A_570 = arith.muli %scan3A_82, %mul3A_569 : i32
      %add3A_571 = arith.constant 2 : i32
      %add3A_572 = arith.addi %mul3A_570, %add3A_571 : i32
      %get3A_573 = arith.index_cast %add3A_572 : i32 to index
      %get3A_574 = arith.constant 80 : index
      %get3A_575 = tpu.vector_load %arg5[%get3A_573, %get3A_574] {strides = array<i32>} : memref<200x128xf32, #tpu.memory_space<vmem>>, vector<1x16xf32>,
      %get3A_576 = vector.shape_cast %get3A_575 : vector<1x16xf32> to vector<16xf32>
      %mul3A_577 = arith.constant 8 : i32
      %mul3A_578 = arith.muli %scan3A_82, %mul3A_577 : i32
      %add3A_579 = arith.constant 2 : i32
      %add3A_580 = arith.addi %mul3A_578, %add3A_579 : i32
      %get3A_581 = arith.index_cast %add3A_580 : i32 to index
      %get3A_582 = arith.constant 80 : index
      %get3A_583 = tpu.vector_load %arg7[%get3A_581, %get3A_582] {strides = array<i32>} : memref<200x128xf32, #tpu.memory_space<vmem>>, vector<1x16xf32>,
      %get3A_584 = vector.shape_cast %get3A_583 : vector<1x16xf32> to vector<16xf32>
      %gt3A_585 = arith.constant 0.000000e+00 : f32
      %gt3A_586 = vector.broadcast %gt3A_585 : f32 to vector<16xf32>
      %gt3A_587 = arith.cmpf ogt, %get3A_584, %gt3A_586 : vector<16xf32>
      %jit3A_588 = arith.constant 0xFF800000 : f32
      %broadcast_in_dim3A_589 = vector.broadcast %jit3A_588 : f32 to vector<16xf32>
      %select_n3A_590 = arith.select %gt3A_587, %get3A_576, %broadcast_in_dim3A_589 : vector<16xi1>, vector<16xf32>
      %max3A_591 = arith.maximumf %max3A_407, %select_n3A_590 : vector<16xf32>
      %mul3A_592 = arith.constant 8 : i32
      %mul3A_593 = arith.muli %scan3A_82, %mul3A_592 : i32
      %add3A_594 = arith.constant 2 : i32
      %add3A_595 = arith.addi %mul3A_593, %add3A_594 : i32
      %get3A_596 = arith.index_cast %add3A_595 : i32 to index
      %get3A_597 = arith.constant 96 : index
      %get3A_598 = tpu.vector_load %arg5[%get3A_596, %get3A_597] {strides = array<i32>} : memref<200x128xf32, #tpu.memory_space<vmem>>, vector<1x16xf32>,
      %get3A_599 = vector.shape_cast %get3A_598 : vector<1x16xf32> to vector<16xf32>
      %mul3A_600 = arith.constant 8 : i32
      %mul3A_601 = arith.muli %scan3A_82, %mul3A_600 : i32
      %add3A_602 = arith.constant 2 : i32
      %add3A_603 = arith.addi %mul3A_601, %add3A_602 : i32
      %get3A_604 = arith.index_cast %add3A_603 : i32 to index
      %get3A_605 = arith.constant 96 : index
      %get3A_606 = tpu.vector_load %arg7[%get3A_604, %get3A_605] {strides = array<i32>} : memref<200x128xf32, #tpu.memory_space<vmem>>, vector<1x16xf32>,
      %get3A_607 = vector.shape_cast %get3A_606 : vector<1x16xf32> to vector<16xf32>
      %gt3A_608 = arith.constant 0.000000e+00 : f32
      %gt3A_609 = vector.broadcast %gt3A_608 : f32 to vector<16xf32>
      %gt3A_610 = arith.cmpf ogt, %get3A_607, %gt3A_609 : vector<16xf32>
      %jit3A_611 = arith.constant 0xFF800000 : f32
      %broadcast_in_dim3A_612 = vector.broadcast %jit3A_611 : f32 to vector<16xf32>
      %select_n3A_613 = arith.select %gt3A_610, %get3A_599, %broadcast_in_dim3A_612 : vector<16xi1>, vector<16xf32>
      %max3A_614 = arith.maximumf %max3A_430, %select_n3A_613 : vector<16xf32>
      %mul3A_615 = arith.constant 8 : i32
      %mul3A_616 = arith.muli %scan3A_82, %mul3A_615 : i32
      %add3A_617 = arith.constant 2 : i32
      %add3A_618 = arith.addi %mul3A_616, %add3A_617 : i32
      %get3A_619 = arith.index_cast %add3A_618 : i32 to index
      %get3A_620 = arith.constant 112 : index
      %get3A_621 = tpu.vector_load %arg5[%get3A_619, %get3A_620] {strides = array<i32>} : memref<200x128xf32, #tpu.memory_space<vmem>>, vector<1x16xf32>,
      %get3A_622 = vector.shape_cast %get3A_621 : vector<1x16xf32> to vector<16xf32>
      %mul3A_623 = arith.constant 8 : i32
      %mul3A_624 = arith.muli %scan3A_82, %mul3A_623 : i32
      %add3A_625 = arith.constant 2 : i32
      %add3A_626 = arith.addi %mul3A_624, %add3A_625 : i32
      %get3A_627 = arith.index_cast %add3A_626 : i32 to index
      %get3A_628 = arith.constant 112 : index
      %get3A_629 = tpu.vector_load %arg7[%get3A_627, %get3A_628] {strides = array<i32>} : memref<200x128xf32, #tpu.memory_space<vmem>>, vector<1x16xf32>,
      %get3A_630 = vector.shape_cast %get3A_629 : vector<1x16xf32> to vector<16xf32>
      %gt3A_631 = arith.constant 0.000000e+00 : f32
      %gt3A_632 = vector.broadcast %gt3A_631 : f32 to vector<16xf32>
      %gt3A_633 = arith.cmpf ogt, %get3A_630, %gt3A_632 : vector<16xf32>
      %jit3A_634 = arith.constant 0xFF800000 : f32
      %broadcast_in_dim3A_635 = vector.broadcast %jit3A_634 : f32 to vector<16xf32>
      %select_n3A_636 = arith.select %gt3A_633, %get3A_622, %broadcast_in_dim3A_635 : vector<16xi1>, vector<16xf32>
      %max3A_637 = arith.maximumf %max3A_453, %select_n3A_636 : vector<16xf32>
      %mul3A_638 = arith.constant 8 : i32
      %mul3A_639 = arith.muli %scan3A_82, %mul3A_638 : i32
      %add3A_640 = arith.constant 3 : i32
      %add3A_641 = arith.addi %mul3A_639, %add3A_640 : i32
      %get3A_642 = arith.index_cast %add3A_641 : i32 to index
      %get3A_643 = arith.constant 0 : index
      %get3A_644 = tpu.vector_load %arg5[%get3A_642, %get3A_643] {strides = array<i32>} : memref<200x128xf32, #tpu.memory_space<vmem>>, vector<1x16xf32>,
      %get3A_645 = vector.shape_cast %get3A_644 : vector<1x16xf32> to vector<16xf32>
      %mul3A_646 = arith.constant 8 : i32
      %mul3A_647 = arith.muli %scan3A_82, %mul3A_646 : i32
      %add3A_648 = arith.constant 3 : i32
      %add3A_649 = arith.addi %mul3A_647, %add3A_648 : i32
      %get3A_650 = arith.index_cast %add3A_649 : i32 to index
      %get3A_651 = arith.constant 0 : index
      %get3A_652 = tpu.vector_load %arg7[%get3A_650, %get3A_651] {strides = array<i32>} : memref<200x128xf32, #tpu.memory_space<vmem>>, vector<1x16xf32>,
      %get3A_653 = vector.shape_cast %get3A_652 : vector<1x16xf32> to vector<16xf32>
      %gt3A_654 = arith.constant 0.000000e+00 : f32
      %gt3A_655 = vector.broadcast %gt3A_654 : f32 to vector<16xf32>
      %gt3A_656 = arith.cmpf ogt, %get3A_653, %gt3A_655 : vector<16xf32>
      %jit3A_657 = arith.constant 0xFF800000 : f32
      %broadcast_in_dim3A_658 = vector.broadcast %jit3A_657 : f32 to vector<16xf32>
      %select_n3A_659 = arith.select %gt3A_656, %get3A_645, %broadcast_in_dim3A_658 : vector<16xi1>, vector<16xf32>
      %max3A_660 = arith.maximumf %max3A_476, %select_n3A_659 : vector<16xf32>
      %mul3A_661 = arith.constant 8 : i32
      %mul3A_662 = arith.muli %scan3A_82, %mul3A_661 : i32
      %add3A_663 = arith.constant 3 : i32
      %add3A_664 = arith.addi %mul3A_662, %add3A_663 : i32
      %get3A_665 = arith.index_cast %add3A_664 : i32 to index
      %get3A_666 = arith.constant 16 : index
      %get3A_667 = tpu.vector_load %arg5[%get3A_665, %get3A_666] {strides = array<i32>} : memref<200x128xf32, #tpu.memory_space<vmem>>, vector<1x16xf32>,
      %get3A_668 = vector.shape_cast %get3A_667 : vector<1x16xf32> to vector<16xf32>
      %mul3A_669 = arith.constant 8 : i32
      %mul3A_670 = arith.muli %scan3A_82, %mul3A_669 : i32
      %add3A_671 = arith.constant 3 : i32
      %add3A_672 = arith.addi %mul3A_670, %add3A_671 : i32
      %get3A_673 = arith.index_cast %add3A_672 : i32 to index
      %get3A_674 = arith.constant 16 : index
      %get3A_675 = tpu.vector_load %arg7[%get3A_673, %get3A_674] {strides = array<i32>} : memref<200x128xf32, #tpu.memory_space<vmem>>, vector<1x16xf32>,
      %get3A_676 = vector.shape_cast %get3A_675 : vector<1x16xf32> to vector<16xf32>
      %gt3A_677 = arith.constant 0.000000e+00 : f32
      %gt3A_678 = vector.broadcast %gt3A_677 : f32 to vector<16xf32>
      %gt3A_679 = arith.cmpf ogt, %get3A_676, %gt3A_678 : vector<16xf32>
      %jit3A_680 = arith.constant 0xFF800000 : f32
      %broadcast_in_dim3A_681 = vector.broadcast %jit3A_680 : f32 to vector<16xf32>
      %select_n3A_682 = arith.select %gt3A_679, %get3A_668, %broadcast_in_dim3A_681 : vector<16xi1>, vector<16xf32>
      %max3A_683 = arith.maximumf %max3A_499, %select_n3A_682 : vector<16xf32>
      %mul3A_684 = arith.constant 8 : i32
      %mul3A_685 = arith.muli %scan3A_82, %mul3A_684 : i32
      %add3A_686 = arith.constant 3 : i32
      %add3A_687 = arith.addi %mul3A_685, %add3A_686 : i32
      %get3A_688 = arith.index_cast %add3A_687 : i32 to index
      %get3A_689 = arith.constant 32 : index
      %get3A_690 = tpu.vector_load %arg5[%get3A_688, %get3A_689] {strides = array<i32>} : memref<200x128xf32, #tpu.memory_space<vmem>>, vector<1x16xf32>,
      %get3A_691 = vector.shape_cast %get3A_690 : vector<1x16xf32> to vector<16xf32>
      %mul3A_692 = arith.constant 8 : i32
      %mul3A_693 = arith.muli %scan3A_82, %mul3A_692 : i32
      %add3A_694 = arith.constant 3 : i32
      %add3A_695 = arith.addi %mul3A_693, %add3A_694 : i32
      %get3A_696 = arith.index_cast %add3A_695 : i32 to index
      %get3A_697 = arith.constant 32 : index
      %get3A_698 = tpu.vector_load %arg7[%get3A_696, %get3A_697] {strides = array<i32>} : memref<200x128xf32, #tpu.memory_space<vmem>>, vector<1x16xf32>,
      %get3A_699 = vector.shape_cast %get3A_698 : vector<1x16xf32> to vector<16xf32>
      %gt3A_700 = arith.constant 0.000000e+00 : f32
      %gt3A_701 = vector.broadcast %gt3A_700 : f32 to vector<16xf32>
      %gt3A_702 = arith.cmpf ogt, %get3A_699, %gt3A_701 : vector<16xf32>
      %jit3A_703 = arith.constant 0xFF800000 : f32
      %broadcast_in_dim3A_704 = vector.broadcast %jit3A_703 : f32 to vector<16xf32>
      %select_n3A_705 = arith.select %gt3A_702, %get3A_691, %broadcast_in_dim3A_704 : vector<16xi1>, vector<16xf32>
      %max3A_706 = arith.maximumf %max3A_522, %select_n3A_705 : vector<16xf32>
      %mul3A_707 = arith.constant 8 : i32
      %mul3A_708 = arith.muli %scan3A_82, %mul3A_707 : i32
      %add3A_709 = arith.constant 3 : i32
      %add3A_710 = arith.addi %mul3A_708, %add3A_709 : i32
      %get3A_711 = arith.index_cast %add3A_710 : i32 to index
      %get3A_712 = arith.constant 48 : index
      %get3A_713 = tpu.vector_load %arg5[%get3A_711, %get3A_712] {strides = array<i32>} : memref<200x128xf32, #tpu.memory_space<vmem>>, vector<1x16xf32>,
      %get3A_714 = vector.shape_cast %get3A_713 : vector<1x16xf32> to vector<16xf32>
      %mul3A_715 = arith.constant 8 : i32
      %mul3A_716 = arith.muli %scan3A_82, %mul3A_715 : i32
      %add3A_717 = arith.constant 3 : i32
      %add3A_718 = arith.addi %mul3A_716, %add3A_717 : i32
      %get3A_719 = arith.index_cast %add3A_718 : i32 to index
      %get3A_720 = arith.constant 48 : index
      %get3A_721 = tpu.vector_load %arg7[%get3A_719, %get3A_720] {strides = array<i32>} : memref<200x128xf32, #tpu.memory_space<vmem>>, vector<1x16xf32>,
      %get3A_722 = vector.shape_cast %get3A_721 : vector<1x16xf32> to vector<16xf32>
      %gt3A_723 = arith.constant 0.000000e+00 : f32
      %gt3A_724 = vector.broadcast %gt3A_723 : f32 to vector<16xf32>
      %gt3A_725 = arith.cmpf ogt, %get3A_722, %gt3A_724 : vector<16xf32>
      %jit3A_726 = arith.constant 0xFF800000 : f32
      %broadcast_in_dim3A_727 = vector.broadcast %jit3A_726 : f32 to vector<16xf32>
      %select_n3A_728 = arith.select %gt3A_725, %get3A_714, %broadcast_in_dim3A_727 : vector<16xi1>, vector<16xf32>
      %max3A_729 = arith.maximumf %max3A_545, %select_n3A_728 : vector<16xf32>
      %mul3A_730 = arith.constant 8 : i32
      %mul3A_731 = arith.muli %scan3A_82, %mul3A_730 : i32
      %add3A_732 = arith.constant 3 : i32
      %add3A_733 = arith.addi %mul3A_731, %add3A_732 : i32
      %get3A_734 = arith.index_cast %add3A_733 : i32 to index
      %get3A_735 = arith.constant 64 : index
      %get3A_736 = tpu.vector_load %arg5[%get3A_734, %get3A_735] {strides = array<i32>} : memref<200x128xf32, #tpu.memory_space<vmem>>, vector<1x16xf32>,
      %get3A_737 = vector.shape_cast %get3A_736 : vector<1x16xf32> to vector<16xf32>
      %mul3A_738 = arith.constant 8 : i32
      %mul3A_739 = arith.muli %scan3A_82, %mul3A_738 : i32
      %add3A_740 = arith.constant 3 : i32
      %add3A_741 = arith.addi %mul3A_739, %add3A_740 : i32
      %get3A_742 = arith.index_cast %add3A_741 : i32 to index
      %get3A_743 = arith.constant 64 : index
      %get3A_744 = tpu.vector_load %arg7[%get3A_742, %get3A_743] {strides = array<i32>} : memref<200x128xf32, #tpu.memory_space<vmem>>, vector<1x16xf32>,
      %get3A_745 = vector.shape_cast %get3A_744 : vector<1x16xf32> to vector<16xf32>
      %gt3A_746 = arith.constant 0.000000e+00 : f32
      %gt3A_747 = vector.broadcast %gt3A_746 : f32 to vector<16xf32>
      %gt3A_748 = arith.cmpf ogt, %get3A_745, %gt3A_747 : vector<16xf32>
      %jit3A_749 = arith.constant 0xFF800000 : f32
      %broadcast_in_dim3A_750 = vector.broadcast %jit3A_749 : f32 to vector<16xf32>
      %select_n3A_751 = arith.select %gt3A_748, %get3A_737, %broadcast_in_dim3A_750 : vector<16xi1>, vector<16xf32>
      %max3A_752 = arith.maximumf %max3A_568, %select_n3A_751 : vector<16xf32>
      %mul3A_753 = arith.constant 8 : i32
      %mul3A_754 = arith.muli %scan3A_82, %mul3A_753 : i32
      %add3A_755 = arith.constant 3 : i32
      %add3A_756 = arith.addi %mul3A_754, %add3A_755 : i32
      %get3A_757 = arith.index_cast %add3A_756 : i32 to index
      %get3A_758 = arith.constant 80 : index
      %get3A_759 = tpu.vector_load %arg5[%get3A_757, %get3A_758] {strides = array<i32>} : memref<200x128xf32, #tpu.memory_space<vmem>>, vector<1x16xf32>,
      %get3A_760 = vector.shape_cast %get3A_759 : vector<1x16xf32> to vector<16xf32>
      %mul3A_761 = arith.constant 8 : i32
      %mul3A_762 = arith.muli %scan3A_82, %mul3A_761 : i32
      %add3A_763 = arith.constant 3 : i32
      %add3A_764 = arith.addi %mul3A_762, %add3A_763 : i32
      %get3A_765 = arith.index_cast %add3A_764 : i32 to index
      %get3A_766 = arith.constant 80 : index
      %get3A_767 = tpu.vector_load %arg7[%get3A_765, %get3A_766] {strides = array<i32>} : memref<200x128xf32, #tpu.memory_space<vmem>>, vector<1x16xf32>,
      %get3A_768 = vector.shape_cast %get3A_767 : vector<1x16xf32> to vector<16xf32>
      %gt3A_769 = arith.constant 0.000000e+00 : f32
      %gt3A_770 = vector.broadcast %gt3A_769 : f32 to vector<16xf32>
      %gt3A_771 = arith.cmpf ogt, %get3A_768, %gt3A_770 : vector<16xf32>
      %jit3A_772 = arith.constant 0xFF800000 : f32
      %broadcast_in_dim3A_773 = vector.broadcast %jit3A_772 : f32 to vector<16xf32>
      %select_n3A_774 = arith.select %gt3A_771, %get3A_760, %broadcast_in_dim3A_773 : vector<16xi1>, vector<16xf32>
      %max3A_775 = arith.maximumf %max3A_591, %select_n3A_774 : vector<16xf32>
      %mul3A_776 = arith.constant 8 : i32
      %mul3A_777 = arith.muli %scan3A_82, %mul3A_776 : i32
      %add3A_778 = arith.constant 3 : i32
      %add3A_779 = arith.addi %mul3A_777, %add3A_778 : i32
      %get3A_780 = arith.index_cast %add3A_779 : i32 to index
      %get3A_781 = arith.constant 96 : index
      %get3A_782 = tpu.vector_load %arg5[%get3A_780, %get3A_781] {strides = array<i32>} : memref<200x128xf32, #tpu.memory_space<vmem>>, vector<1x16xf32>,
      %get3A_783 = vector.shape_cast %get3A_782 : vector<1x16xf32> to vector<16xf32>
      %mul3A_784 = arith.constant 8 : i32
      %mul3A_785 = arith.muli %scan3A_82, %mul3A_784 : i32
      %add3A_786 = arith.constant 3 : i32
      %add3A_787 = arith.addi %mul3A_785, %add3A_786 : i32
      %get3A_788 = arith.index_cast %add3A_787 : i32 to index
      %get3A_789 = arith.constant 96 : index
      %get3A_790 = tpu.vector_load %arg7[%get3A_788, %get3A_789] {strides = array<i32>} : memref<200x128xf32, #tpu.memory_space<vmem>>, vector<1x16xf32>,
      %get3A_791 = vector.shape_cast %get3A_790 : vector<1x16xf32> to vector<16xf32>
      %gt3A_792 = arith.constant 0.000000e+00 : f32
      %gt3A_793 = vector.broadcast %gt3A_792 : f32 to vector<16xf32>
      %gt3A_794 = arith.cmpf ogt, %get3A_791, %gt3A_793 : vector<16xf32>
      %jit3A_795 = arith.constant 0xFF800000 : f32
      %broadcast_in_dim3A_796 = vector.broadcast %jit3A_795 : f32 to vector<16xf32>
      %select_n3A_797 = arith.select %gt3A_794, %get3A_783, %broadcast_in_dim3A_796 : vector<16xi1>, vector<16xf32>
      %max3A_798 = arith.maximumf %max3A_614, %select_n3A_797 : vector<16xf32>
      %mul3A_799 = arith.constant 8 : i32
      %mul3A_800 = arith.muli %scan3A_82, %mul3A_799 : i32
      %add3A_801 = arith.constant 3 : i32
      %add3A_802 = arith.addi %mul3A_800, %add3A_801 : i32
      %get3A_803 = arith.index_cast %add3A_802 : i32 to index
      %get3A_804 = arith.constant 112 : index
      %get3A_805 = tpu.vector_load %arg5[%get3A_803, %get3A_804] {strides = array<i32>} : memref<200x128xf32, #tpu.memory_space<vmem>>, vector<1x16xf32>,
      %get3A_806 = vector.shape_cast %get3A_805 : vector<1x16xf32> to vector<16xf32>
      %mul3A_807 = arith.constant 8 : i32
      %mul3A_808 = arith.muli %scan3A_82, %mul3A_807 : i32
      %add3A_809 = arith.constant 3 : i32
      %add3A_810 = arith.addi %mul3A_808, %add3A_809 : i32
      %get3A_811 = arith.index_cast %add3A_810 : i32 to index
      %get3A_812 = arith.constant 112 : index
      %get3A_813 = tpu.vector_load %arg7[%get3A_811, %get3A_812] {strides = array<i32>} : memref<200x128xf32, #tpu.memory_space<vmem>>, vector<1x16xf32>,
      %get3A_814 = vector.shape_cast %get3A_813 : vector<1x16xf32> to vector<16xf32>
      %gt3A_815 = arith.constant 0.000000e+00 : f32
      %gt3A_816 = vector.broadcast %gt3A_815 : f32 to vector<16xf32>
      %gt3A_817 = arith.cmpf ogt, %get3A_814, %gt3A_816 : vector<16xf32>
      %jit3A_818 = arith.constant 0xFF800000 : f32
      %broadcast_in_dim3A_819 = vector.broadcast %jit3A_818 : f32 to vector<16xf32>
      %select_n3A_820 = arith.select %gt3A_817, %get3A_806, %broadcast_in_dim3A_819 : vector<16xi1>, vector<16xf32>
      %max3A_821 = arith.maximumf %max3A_637, %select_n3A_820 : vector<16xf32>
      %mul3A_822 = arith.constant 8 : i32
      %mul3A_823 = arith.muli %scan3A_82, %mul3A_822 : i32
      %add3A_824 = arith.constant 4 : i32
      %add3A_825 = arith.addi %mul3A_823, %add3A_824 : i32
      %get3A_826 = arith.index_cast %add3A_825 : i32 to index
      %get3A_827 = arith.constant 0 : index
      %get3A_828 = tpu.vector_load %arg5[%get3A_826, %get3A_827] {strides = array<i32>} : memref<200x128xf32, #tpu.memory_space<vmem>>, vector<1x16xf32>,
      %get3A_829 = vector.shape_cast %get3A_828 : vector<1x16xf32> to vector<16xf32>
      %mul3A_830 = arith.constant 8 : i32
      %mul3A_831 = arith.muli %scan3A_82, %mul3A_830 : i32
      %add3A_832 = arith.constant 4 : i32
      %add3A_833 = arith.addi %mul3A_831, %add3A_832 : i32
      %get3A_834 = arith.index_cast %add3A_833 : i32 to index
      %get3A_835 = arith.constant 0 : index
      %get3A_836 = tpu.vector_load %arg7[%get3A_834, %get3A_835] {strides = array<i32>} : memref<200x128xf32, #tpu.memory_space<vmem>>, vector<1x16xf32>,
      %get3A_837 = vector.shape_cast %get3A_836 : vector<1x16xf32> to vector<16xf32>
      %gt3A_838 = arith.constant 0.000000e+00 : f32
      %gt3A_839 = vector.broadcast %gt3A_838 : f32 to vector<16xf32>
      %gt3A_840 = arith.cmpf ogt, %get3A_837, %gt3A_839 : vector<16xf32>
      %jit3A_841 = arith.constant 0xFF800000 : f32
      %broadcast_in_dim3A_842 = vector.broadcast %jit3A_841 : f32 to vector<16xf32>
      %select_n3A_843 = arith.select %gt3A_840, %get3A_829, %broadcast_in_dim3A_842 : vector<16xi1>, vector<16xf32>
      %max3A_844 = arith.maximumf %max3A_660, %select_n3A_843 : vector<16xf32>
      %mul3A_845 = arith.constant 8 : i32
      %mul3A_846 = arith.muli %scan3A_82, %mul3A_845 : i32
      %add3A_847 = arith.constant 4 : i32
      %add3A_848 = arith.addi %mul3A_846, %add3A_847 : i32
      %get3A_849 = arith.index_cast %add3A_848 : i32 to index
      %get3A_850 = arith.constant 16 : index
      %get3A_851 = tpu.vector_load %arg5[%get3A_849, %get3A_850] {strides = array<i32>} : memref<200x128xf32, #tpu.memory_space<vmem>>, vector<1x16xf32>,
      %get3A_852 = vector.shape_cast %get3A_851 : vector<1x16xf32> to vector<16xf32>
      %mul3A_853 = arith.constant 8 : i32
      %mul3A_854 = arith.muli %scan3A_82, %mul3A_853 : i32
      %add3A_855 = arith.constant 4 : i32
      %add3A_856 = arith.addi %mul3A_854, %add3A_855 : i32
      %get3A_857 = arith.index_cast %add3A_856 : i32 to index
      %get3A_858 = arith.constant 16 : index
      %get3A_859 = tpu.vector_load %arg7[%get3A_857, %get3A_858] {strides = array<i32>} : memref<200x128xf32, #tpu.memory_space<vmem>>, vector<1x16xf32>,
      %get3A_860 = vector.shape_cast %get3A_859 : vector<1x16xf32> to vector<16xf32>
      %gt3A_861 = arith.constant 0.000000e+00 : f32
      %gt3A_862 = vector.broadcast %gt3A_861 : f32 to vector<16xf32>
      %gt3A_863 = arith.cmpf ogt, %get3A_860, %gt3A_862 : vector<16xf32>
      %jit3A_864 = arith.constant 0xFF800000 : f32
      %broadcast_in_dim3A_865 = vector.broadcast %jit3A_864 : f32 to vector<16xf32>
      %select_n3A_866 = arith.select %gt3A_863, %get3A_852, %broadcast_in_dim3A_865 : vector<16xi1>, vector<16xf32>
      %max3A_867 = arith.maximumf %max3A_683, %select_n3A_866 : vector<16xf32>
      %mul3A_868 = arith.constant 8 : i32
      %mul3A_869 = arith.muli %scan3A_82, %mul3A_868 : i32
      %add3A_870 = arith.constant 4 : i32
      %add3A_871 = arith.addi %mul3A_869, %add3A_870 : i32
      %get3A_872 = arith.index_cast %add3A_871 : i32 to index
      %get3A_873 = arith.constant 32 : index
      %get3A_874 = tpu.vector_load %arg5[%get3A_872, %get3A_873] {strides = array<i32>} : memref<200x128xf32, #tpu.memory_space<vmem>>, vector<1x16xf32>,
      %get3A_875 = vector.shape_cast %get3A_874 : vector<1x16xf32> to vector<16xf32>
      %mul3A_876 = arith.constant 8 : i32
      %mul3A_877 = arith.muli %scan3A_82, %mul3A_876 : i32
      %add3A_878 = arith.constant 4 : i32
      %add3A_879 = arith.addi %mul3A_877, %add3A_878 : i32
      %get3A_880 = arith.index_cast %add3A_879 : i32 to index
      %get3A_881 = arith.constant 32 : index
      %get3A_882 = tpu.vector_load %arg7[%get3A_880, %get3A_881] {strides = array<i32>} : memref<200x128xf32, #tpu.memory_space<vmem>>, vector<1x16xf32>,
      %get3A_883 = vector.shape_cast %get3A_882 : vector<1x16xf32> to vector<16xf32>
      %gt3A_884 = arith.constant 0.000000e+00 : f32
      %gt3A_885 = vector.broadcast %gt3A_884 : f32 to vector<16xf32>
      %gt3A_886 = arith.cmpf ogt, %get3A_883, %gt3A_885 : vector<16xf32>
      %jit3A_887 = arith.constant 0xFF800000 : f32
      %broadcast_in_dim3A_888 = vector.broadcast %jit3A_887 : f32 to vector<16xf32>
      %select_n3A_889 = arith.select %gt3A_886, %get3A_875, %broadcast_in_dim3A_888 : vector<16xi1>, vector<16xf32>
      %max3A_890 = arith.maximumf %max3A_706, %select_n3A_889 : vector<16xf32>
      %mul3A_891 = arith.constant 8 : i32
      %mul3A_892 = arith.muli %scan3A_82, %mul3A_891 : i32
      %add3A_893 = arith.constant 4 : i32
      %add3A_894 = arith.addi %mul3A_892, %add3A_893 : i32
      %get3A_895 = arith.index_cast %add3A_894 : i32 to index
      %get3A_896 = arith.constant 48 : index
      %get3A_897 = tpu.vector_load %arg5[%get3A_895, %get3A_896] {strides = array<i32>} : memref<200x128xf32, #tpu.memory_space<vmem>>, vector<1x16xf32>,
      %get3A_898 = vector.shape_cast %get3A_897 : vector<1x16xf32> to vector<16xf32>
      %mul3A_899 = arith.constant 8 : i32
      %mul3A_900 = arith.muli %scan3A_82, %mul3A_899 : i32
      %add3A_901 = arith.constant 4 : i32
      %add3A_902 = arith.addi %mul3A_900, %add3A_901 : i32
      %get3A_903 = arith.index_cast %add3A_902 : i32 to index
      %get3A_904 = arith.constant 48 : index
      %get3A_905 = tpu.vector_load %arg7[%get3A_903, %get3A_904] {strides = array<i32>} : memref<200x128xf32, #tpu.memory_space<vmem>>, vector<1x16xf32>,
      %get3A_906 = vector.shape_cast %get3A_905 : vector<1x16xf32> to vector<16xf32>
      %gt3A_907 = arith.constant 0.000000e+00 : f32
      %gt3A_908 = vector.broadcast %gt3A_907 : f32 to vector<16xf32>
      %gt3A_909 = arith.cmpf ogt, %get3A_906, %gt3A_908 : vector<16xf32>
      %jit3A_910 = arith.constant 0xFF800000 : f32
      %broadcast_in_dim3A_911 = vector.broadcast %jit3A_910 : f32 to vector<16xf32>
      %select_n3A_912 = arith.select %gt3A_909, %get3A_898, %broadcast_in_dim3A_911 : vector<16xi1>, vector<16xf32>
      %max3A_913 = arith.maximumf %max3A_729, %select_n3A_912 : vector<16xf32>
      %mul3A_914 = arith.constant 8 : i32
      %mul3A_915 = arith.muli %scan3A_82, %mul3A_914 : i32
      %add3A_916 = arith.constant 4 : i32
      %add3A_917 = arith.addi %mul3A_915, %add3A_916 : i32
      %get3A_918 = arith.index_cast %add3A_917 : i32 to index
      %get3A_919 = arith.constant 64 : index
      %get3A_920 = tpu.vector_load %arg5[%get3A_918, %get3A_919] {strides = array<i32>} : memref<200x128xf32, #tpu.memory_space<vmem>>, vector<1x16xf32>,
      %get3A_921 = vector.shape_cast %get3A_920 : vector<1x16xf32> to vector<16xf32>
      %mul3A_922 = arith.constant 8 : i32
      %mul3A_923 = arith.muli %scan3A_82, %mul3A_922 : i32
      %add3A_924 = arith.constant 4 : i32
      %add3A_925 = arith.addi %mul3A_923, %add3A_924 : i32
      %get3A_926 = arith.index_cast %add3A_925 : i32 to index
      %get3A_927 = arith.constant 64 : index
      %get3A_928 = tpu.vector_load %arg7[%get3A_926, %get3A_927] {strides = array<i32>} : memref<200x128xf32, #tpu.memory_space<vmem>>, vector<1x16xf32>,
      %get3A_929 = vector.shape_cast %get3A_928 : vector<1x16xf32> to vector<16xf32>
      %gt3A_930 = arith.constant 0.000000e+00 : f32
      %gt3A_931 = vector.broadcast %gt3A_930 : f32 to vector<16xf32>
      %gt3A_932 = arith.cmpf ogt, %get3A_929, %gt3A_931 : vector<16xf32>
      %jit3A_933 = arith.constant 0xFF800000 : f32
      %broadcast_in_dim3A_934 = vector.broadcast %jit3A_933 : f32 to vector<16xf32>
      %select_n3A_935 = arith.select %gt3A_932, %get3A_921, %broadcast_in_dim3A_934 : vector<16xi1>, vector<16xf32>
      %max3A_936 = arith.maximumf %max3A_752, %select_n3A_935 : vector<16xf32>
      %mul3A_937 = arith.constant 8 : i32
      %mul3A_938 = arith.muli %scan3A_82, %mul3A_937 : i32
      %add3A_939 = arith.constant 4 : i32
      %add3A_940 = arith.addi %mul3A_938, %add3A_939 : i32
      %get3A_941 = arith.index_cast %add3A_940 : i32 to index
      %get3A_942 = arith.constant 80 : index
      %get3A_943 = tpu.vector_load %arg5[%get3A_941, %get3A_942] {strides = array<i32>} : memref<200x128xf32, #tpu.memory_space<vmem>>, vector<1x16xf32>,
      %get3A_944 = vector.shape_cast %get3A_943 : vector<1x16xf32> to vector<16xf32>
      %mul3A_945 = arith.constant 8 : i32
      %mul3A_946 = arith.muli %scan3A_82, %mul3A_945 : i32
      %add3A_947 = arith.constant 4 : i32
      %add3A_948 = arith.addi %mul3A_946, %add3A_947 : i32
      %get3A_949 = arith.index_cast %add3A_948 : i32 to index
      %get3A_950 = arith.constant 80 : index
      %get3A_951 = tpu.vector_load %arg7[%get3A_949, %get3A_950] {strides = array<i32>} : memref<200x128xf32, #tpu.memory_space<vmem>>, vector<1x16xf32>,
      %get3A_952 = vector.shape_cast %get3A_951 : vector<1x16xf32> to vector<16xf32>
      %gt3A_953 = arith.constant 0.000000e+00 : f32
      %gt3A_954 = vector.broadcast %gt3A_953 : f32 to vector<16xf32>
      %gt3A_955 = arith.cmpf ogt, %get3A_952, %gt3A_954 : vector<16xf32>
      %jit3A_956 = arith.constant 0xFF800000 : f32
      %broadcast_in_dim3A_957 = vector.broadcast %jit3A_956 : f32 to vector<16xf32>
      %select_n3A_958 = arith.select %gt3A_955, %get3A_944, %broadcast_in_dim3A_957 : vector<16xi1>, vector<16xf32>
      %max3A_959 = arith.maximumf %max3A_775, %select_n3A_958 : vector<16xf32>
      %mul3A_960 = arith.constant 8 : i32
      %mul3A_961 = arith.muli %scan3A_82, %mul3A_960 : i32
      %add3A_962 = arith.constant 4 : i32
      %add3A_963 = arith.addi %mul3A_961, %add3A_962 : i32
      %get3A_964 = arith.index_cast %add3A_963 : i32 to index
      %get3A_965 = arith.constant 96 : index
      %get3A_966 = tpu.vector_load %arg5[%get3A_964, %get3A_965] {strides = array<i32>} : memref<200x128xf32, #tpu.memory_space<vmem>>, vector<1x16xf32>,
      %get3A_967 = vector.shape_cast %get3A_966 : vector<1x16xf32> to vector<16xf32>
      %mul3A_968 = arith.constant 8 : i32
      %mul3A_969 = arith.muli %scan3A_82, %mul3A_968 : i32
      %add3A_970 = arith.constant 4 : i32
      %add3A_971 = arith.addi %mul3A_969, %add3A_970 : i32
      %get3A_972 = arith.index_cast %add3A_971 : i32 to index
      %get3A_973 = arith.constant 96 : index
      %get3A_974 = tpu.vector_load %arg7[%get3A_972, %get3A_973] {strides = array<i32>} : memref<200x128xf32, #tpu.memory_space<vmem>>, vector<1x16xf32>,
      %get3A_975 = vector.shape_cast %get3A_974 : vector<1x16xf32> to vector<16xf32>
      %gt3A_976 = arith.constant 0.000000e+00 : f32
      %gt3A_977 = vector.broadcast %gt3A_976 : f32 to vector<16xf32>
      %gt3A_978 = arith.cmpf ogt, %get3A_975, %gt3A_977 : vector<16xf32>
      %jit3A_979 = arith.constant 0xFF800000 : f32
      %broadcast_in_dim3A_980 = vector.broadcast %jit3A_979 : f32 to vector<16xf32>
      %select_n3A_981 = arith.select %gt3A_978, %get3A_967, %broadcast_in_dim3A_980 : vector<16xi1>, vector<16xf32>
      %max3A_982 = arith.maximumf %max3A_798, %select_n3A_981 : vector<16xf32>
      %mul3A_983 = arith.constant 8 : i32
      %mul3A_984 = arith.muli %scan3A_82, %mul3A_983 : i32
      %add3A_985 = arith.constant 4 : i32
      %add3A_986 = arith.addi %mul3A_984, %add3A_985 : i32
      %get3A_987 = arith.index_cast %add3A_986 : i32 to index
      %get3A_988 = arith.constant 112 : index
      %get3A_989 = tpu.vector_load %arg5[%get3A_987, %get3A_988] {strides = array<i32>} : memref<200x128xf32, #tpu.memory_space<vmem>>, vector<1x16xf32>,
      %get3A_990 = vector.shape_cast %get3A_989 : vector<1x16xf32> to vector<16xf32>
      %mul3A_991 = arith.constant 8 : i32
      %mul3A_992 = arith.muli %scan3A_82, %mul3A_991 : i32
      %add3A_993 = arith.constant 4 : i32
      %add3A_994 = arith.addi %mul3A_992, %add3A_993 : i32
      %get3A_995 = arith.index_cast %add3A_994 : i32 to index
      %get3A_996 = arith.constant 112 : index
      %get3A_997 = tpu.vector_load %arg7[%get3A_995, %get3A_996] {strides = array<i32>} : memref<200x128xf32, #tpu.memory_space<vmem>>, vector<1x16xf32>,
      %get3A_998 = vector.shape_cast %get3A_997 : vector<1x16xf32> to vector<16xf32>
      %gt3A_999 = arith.constant 0.000000e+00 : f32
      %gt3A_1000 = vector.broadcast %gt3A_999 : f32 to vector<16xf32>
      %gt3A_1001 = arith.cmpf ogt, %get3A_998, %gt3A_1000 : vector<16xf32>
      %jit3A_1002 = arith.constant 0xFF800000 : f32
      %broadcast_in_dim3A_1003 = vector.broadcast %jit3A_1002 : f32 to vector<16xf32>
      %select_n3A_1004 = arith.select %gt3A_1001, %get3A_990, %broadcast_in_dim3A_1003 : vector<16xi1>, vector<16xf32>
      %max3A_1005 = arith.maximumf %max3A_821, %select_n3A_1004 : vector<16xf32>
      %mul3A_1006 = arith.constant 8 : i32
      %mul3A_1007 = arith.muli %scan3A_82, %mul3A_1006 : i32
      %add3A_1008 = arith.constant 5 : i32
      %add3A_1009 = arith.addi %mul3A_1007, %add3A_1008 : i32
      %get3A_1010 = arith.index_cast %add3A_1009 : i32 to index
      %get3A_1011 = arith.constant 0 : index
      %get3A_1012 = tpu.vector_load %arg5[%get3A_1010, %get3A_1011] {strides = array<i32>} : memref<200x128xf32, #tpu.memory_space<vmem>>, vector<1x16xf32>,
      %get3A_1013 = vector.shape_cast %get3A_1012 : vector<1x16xf32> to vector<16xf32>
      %mul3A_1014 = arith.constant 8 : i32
      %mul3A_1015 = arith.muli %scan3A_82, %mul3A_1014 : i32
      %add3A_1016 = arith.constant 5 : i32
      %add3A_1017 = arith.addi %mul3A_1015, %add3A_1016 : i32
      %get3A_1018 = arith.index_cast %add3A_1017 : i32 to index
      %get3A_1019 = arith.constant 0 : index
      %get3A_1020 = tpu.vector_load %arg7[%get3A_1018, %get3A_1019] {strides = array<i32>} : memref<200x128xf32, #tpu.memory_space<vmem>>, vector<1x16xf32>,
      %get3A_1021 = vector.shape_cast %get3A_1020 : vector<1x16xf32> to vector<16xf32>
      %gt3A_1022 = arith.constant 0.000000e+00 : f32
      %gt3A_1023 = vector.broadcast %gt3A_1022 : f32 to vector<16xf32>
      %gt3A_1024 = arith.cmpf ogt, %get3A_1021, %gt3A_1023 : vector<16xf32>
      %jit3A_1025 = arith.constant 0xFF800000 : f32
      %broadcast_in_dim3A_1026 = vector.broadcast %jit3A_1025 : f32 to vector<16xf32>
      %select_n3A_1027 = arith.select %gt3A_1024, %get3A_1013, %broadcast_in_dim3A_1026 : vector<16xi1>, vector<16xf32>
      %max3A_1028 = arith.maximumf %max3A_844, %select_n3A_1027 : vector<16xf32>
      %mul3A_1029 = arith.constant 8 : i32
      %mul3A_1030 = arith.muli %scan3A_82, %mul3A_1029 : i32
      %add3A_1031 = arith.constant 5 : i32
      %add3A_1032 = arith.addi %mul3A_1030, %add3A_1031 : i32
      %get3A_1033 = arith.index_cast %add3A_1032 : i32 to index
      %get3A_1034 = arith.constant 16 : index
      %get3A_1035 = tpu.vector_load %arg5[%get3A_1033, %get3A_1034] {strides = array<i32>} : memref<200x128xf32, #tpu.memory_space<vmem>>, vector<1x16xf32>,
      %get3A_1036 = vector.shape_cast %get3A_1035 : vector<1x16xf32> to vector<16xf32>
      %mul3A_1037 = arith.constant 8 : i32
      %mul3A_1038 = arith.muli %scan3A_82, %mul3A_1037 : i32
      %add3A_1039 = arith.constant 5 : i32
      %add3A_1040 = arith.addi %mul3A_1038, %add3A_1039 : i32
      %get3A_1041 = arith.index_cast %add3A_1040 : i32 to index
      %get3A_1042 = arith.constant 16 : index
      %get3A_1043 = tpu.vector_load %arg7[%get3A_1041, %get3A_1042] {strides = array<i32>} : memref<200x128xf32, #tpu.memory_space<vmem>>, vector<1x16xf32>,
      %get3A_1044 = vector.shape_cast %get3A_1043 : vector<1x16xf32> to vector<16xf32>
      %gt3A_1045 = arith.constant 0.000000e+00 : f32
      %gt3A_1046 = vector.broadcast %gt3A_1045 : f32 to vector<16xf32>
      %gt3A_1047 = arith.cmpf ogt, %get3A_1044, %gt3A_1046 : vector<16xf32>
      %jit3A_1048 = arith.constant 0xFF800000 : f32
      %broadcast_in_dim3A_1049 = vector.broadcast %jit3A_1048 : f32 to vector<16xf32>
      %select_n3A_1050 = arith.select %gt3A_1047, %get3A_1036, %broadcast_in_dim3A_1049 : vector<16xi1>, vector<16xf32>
      %max3A_1051 = arith.maximumf %max3A_867, %select_n3A_1050 : vector<16xf32>
      %mul3A_1052 = arith.constant 8 : i32
      %mul3A_1053 = arith.muli %scan3A_82, %mul3A_1052 : i32
      %add3A_1054 = arith.constant 5 : i32
      %add3A_1055 = arith.addi %mul3A_1053, %add3A_1054 : i32
      %get3A_1056 = arith.index_cast %add3A_1055 : i32 to index
      %get3A_1057 = arith.constant 32 : index
      %get3A_1058 = tpu.vector_load %arg5[%get3A_1056, %get3A_1057] {strides = array<i32>} : memref<200x128xf32, #tpu.memory_space<vmem>>, vector<1x16xf32>,
      %get3A_1059 = vector.shape_cast %get3A_1058 : vector<1x16xf32> to vector<16xf32>
      %mul3A_1060 = arith.constant 8 : i32
      %mul3A_1061 = arith.muli %scan3A_82, %mul3A_1060 : i32
      %add3A_1062 = arith.constant 5 : i32
      %add3A_1063 = arith.addi %mul3A_1061, %add3A_1062 : i32
      %get3A_1064 = arith.index_cast %add3A_1063 : i32 to index
      %get3A_1065 = arith.constant 32 : index
      %get3A_1066 = tpu.vector_load %arg7[%get3A_1064, %get3A_1065] {strides = array<i32>} : memref<200x128xf32, #tpu.memory_space<vmem>>, vector<1x16xf32>,
      %get3A_1067 = vector.shape_cast %get3A_1066 : vector<1x16xf32> to vector<16xf32>
      %gt3A_1068 = arith.constant 0.000000e+00 : f32
      %gt3A_1069 = vector.broadcast %gt3A_1068 : f32 to vector<16xf32>
      %gt3A_1070 = arith.cmpf ogt, %get3A_1067, %gt3A_1069 : vector<16xf32>
      %jit3A_1071 = arith.constant 0xFF800000 : f32
      %broadcast_in_dim3A_1072 = vector.broadcast %jit3A_1071 : f32 to vector<16xf32>
      %select_n3A_1073 = arith.select %gt3A_1070, %get3A_1059, %broadcast_in_dim3A_1072 : vector<16xi1>, vector<16xf32>
      %max3A_1074 = arith.maximumf %max3A_890, %select_n3A_1073 : vector<16xf32>
      %mul3A_1075 = arith.constant 8 : i32
      %mul3A_1076 = arith.muli %scan3A_82, %mul3A_1075 : i32
      %add3A_1077 = arith.constant 5 : i32
      %add3A_1078 = arith.addi %mul3A_1076, %add3A_1077 : i32
      %get3A_1079 = arith.index_cast %add3A_1078 : i32 to index
      %get3A_1080 = arith.constant 48 : index
      %get3A_1081 = tpu.vector_load %arg5[%get3A_1079, %get3A_1080] {strides = array<i32>} : memref<200x128xf32, #tpu.memory_space<vmem>>, vector<1x16xf32>,
      %get3A_1082 = vector.shape_cast %get3A_1081 : vector<1x16xf32> to vector<16xf32>
      %mul3A_1083 = arith.constant 8 : i32
      %mul3A_1084 = arith.muli %scan3A_82, %mul3A_1083 : i32
      %add3A_1085 = arith.constant 5 : i32
      %add3A_1086 = arith.addi %mul3A_1084, %add3A_1085 : i32
      %get3A_1087 = arith.index_cast %add3A_1086 : i32 to index
      %get3A_1088 = arith.constant 48 : index
      %get3A_1089 = tpu.vector_load %arg7[%get3A_1087, %get3A_1088] {strides = array<i32>} : memref<200x128xf32, #tpu.memory_space<vmem>>, vector<1x16xf32>,
      %get3A_1090 = vector.shape_cast %get3A_1089 : vector<1x16xf32> to vector<16xf32>
      %gt3A_1091 = arith.constant 0.000000e+00 : f32
      %gt3A_1092 = vector.broadcast %gt3A_1091 : f32 to vector<16xf32>
      %gt3A_1093 = arith.cmpf ogt, %get3A_1090, %gt3A_1092 : vector<16xf32>
      %jit3A_1094 = arith.constant 0xFF800000 : f32
      %broadcast_in_dim3A_1095 = vector.broadcast %jit3A_1094 : f32 to vector<16xf32>
      %select_n3A_1096 = arith.select %gt3A_1093, %get3A_1082, %broadcast_in_dim3A_1095 : vector<16xi1>, vector<16xf32>
      %max3A_1097 = arith.maximumf %max3A_913, %select_n3A_1096 : vector<16xf32>
      %mul3A_1098 = arith.constant 8 : i32
      %mul3A_1099 = arith.muli %scan3A_82, %mul3A_1098 : i32
      %add3A_1100 = arith.constant 5 : i32
      %add3A_1101 = arith.addi %mul3A_1099, %add3A_1100 : i32
      %get3A_1102 = arith.index_cast %add3A_1101 : i32 to index
      %get3A_1103 = arith.constant 64 : index
      %get3A_1104 = tpu.vector_load %arg5[%get3A_1102, %get3A_1103] {strides = array<i32>} : memref<200x128xf32, #tpu.memory_space<vmem>>, vector<1x16xf32>,
      %get3A_1105 = vector.shape_cast %get3A_1104 : vector<1x16xf32> to vector<16xf32>
      %mul3A_1106 = arith.constant 8 : i32
      %mul3A_1107 = arith.muli %scan3A_82, %mul3A_1106 : i32
      %add3A_1108 = arith.constant 5 : i32
      %add3A_1109 = arith.addi %mul3A_1107, %add3A_1108 : i32
      %get3A_1110 = arith.index_cast %add3A_1109 : i32 to index
      %get3A_1111 = arith.constant 64 : index
      %get3A_1112 = tpu.vector_load %arg7[%get3A_1110, %get3A_1111] {strides = array<i32>} : memref<200x128xf32, #tpu.memory_space<vmem>>, vector<1x16xf32>,
      %get3A_1113 = vector.shape_cast %get3A_1112 : vector<1x16xf32> to vector<16xf32>
      %gt3A_1114 = arith.constant 0.000000e+00 : f32
      %gt3A_1115 = vector.broadcast %gt3A_1114 : f32 to vector<16xf32>
      %gt3A_1116 = arith.cmpf ogt, %get3A_1113, %gt3A_1115 : vector<16xf32>
      %jit3A_1117 = arith.constant 0xFF800000 : f32
      %broadcast_in_dim3A_1118 = vector.broadcast %jit3A_1117 : f32 to vector<16xf32>
      %select_n3A_1119 = arith.select %gt3A_1116, %get3A_1105, %broadcast_in_dim3A_1118 : vector<16xi1>, vector<16xf32>
      %max3A_1120 = arith.maximumf %max3A_936, %select_n3A_1119 : vector<16xf32>
      %mul3A_1121 = arith.constant 8 : i32
      %mul3A_1122 = arith.muli %scan3A_82, %mul3A_1121 : i32
      %add3A_1123 = arith.constant 5 : i32
      %add3A_1124 = arith.addi %mul3A_1122, %add3A_1123 : i32
      %get3A_1125 = arith.index_cast %add3A_1124 : i32 to index
      %get3A_1126 = arith.constant 80 : index
      %get3A_1127 = tpu.vector_load %arg5[%get3A_1125, %get3A_1126] {strides = array<i32>} : memref<200x128xf32, #tpu.memory_space<vmem>>, vector<1x16xf32>,
      %get3A_1128 = vector.shape_cast %get3A_1127 : vector<1x16xf32> to vector<16xf32>
      %mul3A_1129 = arith.constant 8 : i32
      %mul3A_1130 = arith.muli %scan3A_82, %mul3A_1129 : i32
      %add3A_1131 = arith.constant 5 : i32
      %add3A_1132 = arith.addi %mul3A_1130, %add3A_1131 : i32
      %get3A_1133 = arith.index_cast %add3A_1132 : i32 to index
      %get3A_1134 = arith.constant 80 : index
      %get3A_1135 = tpu.vector_load %arg7[%get3A_1133, %get3A_1134] {strides = array<i32>} : memref<200x128xf32, #tpu.memory_space<vmem>>, vector<1x16xf32>,
      %get3A_1136 = vector.shape_cast %get3A_1135 : vector<1x16xf32> to vector<16xf32>
      %gt3A_1137 = arith.constant 0.000000e+00 : f32
      %gt3A_1138 = vector.broadcast %gt3A_1137 : f32 to vector<16xf32>
      %gt3A_1139 = arith.cmpf ogt, %get3A_1136, %gt3A_1138 : vector<16xf32>
      %jit3A_1140 = arith.constant 0xFF800000 : f32
      %broadcast_in_dim3A_1141 = vector.broadcast %jit3A_1140 : f32 to vector<16xf32>
      %select_n3A_1142 = arith.select %gt3A_1139, %get3A_1128, %broadcast_in_dim3A_1141 : vector<16xi1>, vector<16xf32>
      %max3A_1143 = arith.maximumf %max3A_959, %select_n3A_1142 : vector<16xf32>
      %mul3A_1144 = arith.constant 8 : i32
      %mul3A_1145 = arith.muli %scan3A_82, %mul3A_1144 : i32
      %add3A_1146 = arith.constant 5 : i32
      %add3A_1147 = arith.addi %mul3A_1145, %add3A_1146 : i32
      %get3A_1148 = arith.index_cast %add3A_1147 : i32 to index
      %get3A_1149 = arith.constant 96 : index
      %get3A_1150 = tpu.vector_load %arg5[%get3A_1148, %get3A_1149] {strides = array<i32>} : memref<200x128xf32, #tpu.memory_space<vmem>>, vector<1x16xf32>,
      %get3A_1151 = vector.shape_cast %get3A_1150 : vector<1x16xf32> to vector<16xf32>
      %mul3A_1152 = arith.constant 8 : i32
      %mul3A_1153 = arith.muli %scan3A_82, %mul3A_1152 : i32
      %add3A_1154 = arith.constant 5 : i32
      %add3A_1155 = arith.addi %mul3A_1153, %add3A_1154 : i32
      %get3A_1156 = arith.index_cast %add3A_1155 : i32 to index
      %get3A_1157 = arith.constant 96 : index
      %get3A_1158 = tpu.vector_load %arg7[%get3A_1156, %get3A_1157] {strides = array<i32>} : memref<200x128xf32, #tpu.memory_space<vmem>>, vector<1x16xf32>,
      %get3A_1159 = vector.shape_cast %get3A_1158 : vector<1x16xf32> to vector<16xf32>
      %gt3A_1160 = arith.constant 0.000000e+00 : f32
      %gt3A_1161 = vector.broadcast %gt3A_1160 : f32 to vector<16xf32>
      %gt3A_1162 = arith.cmpf ogt, %get3A_1159, %gt3A_1161 : vector<16xf32>
      %jit3A_1163 = arith.constant 0xFF800000 : f32
      %broadcast_in_dim3A_1164 = vector.broadcast %jit3A_1163 : f32 to vector<16xf32>
      %select_n3A_1165 = arith.select %gt3A_1162, %get3A_1151, %broadcast_in_dim3A_1164 : vector<16xi1>, vector<16xf32>
      %max3A_1166 = arith.maximumf %max3A_982, %select_n3A_1165 : vector<16xf32>
      %mul3A_1167 = arith.constant 8 : i32
      %mul3A_1168 = arith.muli %scan3A_82, %mul3A_1167 : i32
      %add3A_1169 = arith.constant 5 : i32
      %add3A_1170 = arith.addi %mul3A_1168, %add3A_1169 : i32
      %get3A_1171 = arith.index_cast %add3A_1170 : i32 to index
      %get3A_1172 = arith.constant 112 : index
      %get3A_1173 = tpu.vector_load %arg5[%get3A_1171, %get3A_1172] {strides = array<i32>} : memref<200x128xf32, #tpu.memory_space<vmem>>, vector<1x16xf32>,
      %get3A_1174 = vector.shape_cast %get3A_1173 : vector<1x16xf32> to vector<16xf32>
      %mul3A_1175 = arith.constant 8 : i32
      %mul3A_1176 = arith.muli %scan3A_82, %mul3A_1175 : i32
      %add3A_1177 = arith.constant 5 : i32
      %add3A_1178 = arith.addi %mul3A_1176, %add3A_1177 : i32
      %get3A_1179 = arith.index_cast %add3A_1178 : i32 to index
      %get3A_1180 = arith.constant 112 : index
      %get3A_1181 = tpu.vector_load %arg7[%get3A_1179, %get3A_1180] {strides = array<i32>} : memref<200x128xf32, #tpu.memory_space<vmem>>, vector<1x16xf32>,
      %get3A_1182 = vector.shape_cast %get3A_1181 : vector<1x16xf32> to vector<16xf32>
      %gt3A_1183 = arith.constant 0.000000e+00 : f32
      %gt3A_1184 = vector.broadcast %gt3A_1183 : f32 to vector<16xf32>
      %gt3A_1185 = arith.cmpf ogt, %get3A_1182, %gt3A_1184 : vector<16xf32>
      %jit3A_1186 = arith.constant 0xFF800000 : f32
      %broadcast_in_dim3A_1187 = vector.broadcast %jit3A_1186 : f32 to vector<16xf32>
      %select_n3A_1188 = arith.select %gt3A_1185, %get3A_1174, %broadcast_in_dim3A_1187 : vector<16xi1>, vector<16xf32>
      %max3A_1189 = arith.maximumf %max3A_1005, %select_n3A_1188 : vector<16xf32>
      %mul3A_1190 = arith.constant 8 : i32
      %mul3A_1191 = arith.muli %scan3A_82, %mul3A_1190 : i32
      %add3A_1192 = arith.constant 6 : i32
      %add3A_1193 = arith.addi %mul3A_1191, %add3A_1192 : i32
      %get3A_1194 = arith.index_cast %add3A_1193 : i32 to index
      %get3A_1195 = arith.constant 0 : index
      %get3A_1196 = tpu.vector_load %arg5[%get3A_1194, %get3A_1195] {strides = array<i32>} : memref<200x128xf32, #tpu.memory_space<vmem>>, vector<1x16xf32>,
      %get3A_1197 = vector.shape_cast %get3A_1196 : vector<1x16xf32> to vector<16xf32>
      %mul3A_1198 = arith.constant 8 : i32
      %mul3A_1199 = arith.muli %scan3A_82, %mul3A_1198 : i32
      %add3A_1200 = arith.constant 6 : i32
      %add3A_1201 = arith.addi %mul3A_1199, %add3A_1200 : i32
      %get3A_1202 = arith.index_cast %add3A_1201 : i32 to index
      %get3A_1203 = arith.constant 0 : index
      %get3A_1204 = tpu.vector_load %arg7[%get3A_1202, %get3A_1203] {strides = array<i32>} : memref<200x128xf32, #tpu.memory_space<vmem>>, vector<1x16xf32>,
      %get3A_1205 = vector.shape_cast %get3A_1204 : vector<1x16xf32> to vector<16xf32>
      %gt3A_1206 = arith.constant 0.000000e+00 : f32
      %gt3A_1207 = vector.broadcast %gt3A_1206 : f32 to vector<16xf32>
      %gt3A_1208 = arith.cmpf ogt, %get3A_1205, %gt3A_1207 : vector<16xf32>
      %jit3A_1209 = arith.constant 0xFF800000 : f32
      %broadcast_in_dim3A_1210 = vector.broadcast %jit3A_1209 : f32 to vector<16xf32>
      %select_n3A_1211 = arith.select %gt3A_1208, %get3A_1197, %broadcast_in_dim3A_1210 : vector<16xi1>, vector<16xf32>
      %max3A_1212 = arith.maximumf %max3A_1028, %select_n3A_1211 : vector<16xf32>
      %mul3A_1213 = arith.constant 8 : i32
      %mul3A_1214 = arith.muli %scan3A_82, %mul3A_1213 : i32
      %add3A_1215 = arith.constant 6 : i32
      %add3A_1216 = arith.addi %mul3A_1214, %add3A_1215 : i32
      %get3A_1217 = arith.index_cast %add3A_1216 : i32 to index
      %get3A_1218 = arith.constant 16 : index
      %get3A_1219 = tpu.vector_load %arg5[%get3A_1217, %get3A_1218] {strides = array<i32>} : memref<200x128xf32, #tpu.memory_space<vmem>>, vector<1x16xf32>,
      %get3A_1220 = vector.shape_cast %get3A_1219 : vector<1x16xf32> to vector<16xf32>
      %mul3A_1221 = arith.constant 8 : i32
      %mul3A_1222 = arith.muli %scan3A_82, %mul3A_1221 : i32
      %add3A_1223 = arith.constant 6 : i32
      %add3A_1224 = arith.addi %mul3A_1222, %add3A_1223 : i32
      %get3A_1225 = arith.index_cast %add3A_1224 : i32 to index
      %get3A_1226 = arith.constant 16 : index
      %get3A_1227 = tpu.vector_load %arg7[%get3A_1225, %get3A_1226] {strides = array<i32>} : memref<200x128xf32, #tpu.memory_space<vmem>>, vector<1x16xf32>,
      %get3A_1228 = vector.shape_cast %get3A_1227 : vector<1x16xf32> to vector<16xf32>
      %gt3A_1229 = arith.constant 0.000000e+00 : f32
      %gt3A_1230 = vector.broadcast %gt3A_1229 : f32 to vector<16xf32>
      %gt3A_1231 = arith.cmpf ogt, %get3A_1228, %gt3A_1230 : vector<16xf32>
      %jit3A_1232 = arith.constant 0xFF800000 : f32
      %broadcast_in_dim3A_1233 = vector.broadcast %jit3A_1232 : f32 to vector<16xf32>
      %select_n3A_1234 = arith.select %gt3A_1231, %get3A_1220, %broadcast_in_dim3A_1233 : vector<16xi1>, vector<16xf32>
      %max3A_1235 = arith.maximumf %max3A_1051, %select_n3A_1234 : vector<16xf32>
      %mul3A_1236 = arith.constant 8 : i32
      %mul3A_1237 = arith.muli %scan3A_82, %mul3A_1236 : i32
      %add3A_1238 = arith.constant 6 : i32
      %add3A_1239 = arith.addi %mul3A_1237, %add3A_1238 : i32
      %get3A_1240 = arith.index_cast %add3A_1239 : i32 to index
      %get3A_1241 = arith.constant 32 : index
      %get3A_1242 = tpu.vector_load %arg5[%get3A_1240, %get3A_1241] {strides = array<i32>} : memref<200x128xf32, #tpu.memory_space<vmem>>, vector<1x16xf32>,
      %get3A_1243 = vector.shape_cast %get3A_1242 : vector<1x16xf32> to vector<16xf32>
      %mul3A_1244 = arith.constant 8 : i32
      %mul3A_1245 = arith.muli %scan3A_82, %mul3A_1244 : i32
      %add3A_1246 = arith.constant 6 : i32
      %add3A_1247 = arith.addi %mul3A_1245, %add3A_1246 : i32
      %get3A_1248 = arith.index_cast %add3A_1247 : i32 to index
      %get3A_1249 = arith.constant 32 : index
      %get3A_1250 = tpu.vector_load %arg7[%get3A_1248, %get3A_1249] {strides = array<i32>} : memref<200x128xf32, #tpu.memory_space<vmem>>, vector<1x16xf32>,
      %get3A_1251 = vector.shape_cast %get3A_1250 : vector<1x16xf32> to vector<16xf32>
      %gt3A_1252 = arith.constant 0.000000e+00 : f32
      %gt3A_1253 = vector.broadcast %gt3A_1252 : f32 to vector<16xf32>
      %gt3A_1254 = arith.cmpf ogt, %get3A_1251, %gt3A_1253 : vector<16xf32>
      %jit3A_1255 = arith.constant 0xFF800000 : f32
      %broadcast_in_dim3A_1256 = vector.broadcast %jit3A_1255 : f32 to vector<16xf32>
      %select_n3A_1257 = arith.select %gt3A_1254, %get3A_1243, %broadcast_in_dim3A_1256 : vector<16xi1>, vector<16xf32>
      %max3A_1258 = arith.maximumf %max3A_1074, %select_n3A_1257 : vector<16xf32>
      %mul3A_1259 = arith.constant 8 : i32
      %mul3A_1260 = arith.muli %scan3A_82, %mul3A_1259 : i32
      %add3A_1261 = arith.constant 6 : i32
      %add3A_1262 = arith.addi %mul3A_1260, %add3A_1261 : i32
      %get3A_1263 = arith.index_cast %add3A_1262 : i32 to index
      %get3A_1264 = arith.constant 48 : index
      %get3A_1265 = tpu.vector_load %arg5[%get3A_1263, %get3A_1264] {strides = array<i32>} : memref<200x128xf32, #tpu.memory_space<vmem>>, vector<1x16xf32>,
      %get3A_1266 = vector.shape_cast %get3A_1265 : vector<1x16xf32> to vector<16xf32>
      %mul3A_1267 = arith.constant 8 : i32
      %mul3A_1268 = arith.muli %scan3A_82, %mul3A_1267 : i32
      %add3A_1269 = arith.constant 6 : i32
      %add3A_1270 = arith.addi %mul3A_1268, %add3A_1269 : i32
      %get3A_1271 = arith.index_cast %add3A_1270 : i32 to index
      %get3A_1272 = arith.constant 48 : index
      %get3A_1273 = tpu.vector_load %arg7[%get3A_1271, %get3A_1272] {strides = array<i32>} : memref<200x128xf32, #tpu.memory_space<vmem>>, vector<1x16xf32>,
      %get3A_1274 = vector.shape_cast %get3A_1273 : vector<1x16xf32> to vector<16xf32>
      %gt3A_1275 = arith.constant 0.000000e+00 : f32
      %gt3A_1276 = vector.broadcast %gt3A_1275 : f32 to vector<16xf32>
      %gt3A_1277 = arith.cmpf ogt, %get3A_1274, %gt3A_1276 : vector<16xf32>
      %jit3A_1278 = arith.constant 0xFF800000 : f32
      %broadcast_in_dim3A_1279 = vector.broadcast %jit3A_1278 : f32 to vector<16xf32>
      %select_n3A_1280 = arith.select %gt3A_1277, %get3A_1266, %broadcast_in_dim3A_1279 : vector<16xi1>, vector<16xf32>
      %max3A_1281 = arith.maximumf %max3A_1097, %select_n3A_1280 : vector<16xf32>
      %mul3A_1282 = arith.constant 8 : i32
      %mul3A_1283 = arith.muli %scan3A_82, %mul3A_1282 : i32
      %add3A_1284 = arith.constant 6 : i32
      %add3A_1285 = arith.addi %mul3A_1283, %add3A_1284 : i32
      %get3A_1286 = arith.index_cast %add3A_1285 : i32 to index
      %get3A_1287 = arith.constant 64 : index
      %get3A_1288 = tpu.vector_load %arg5[%get3A_1286, %get3A_1287] {strides = array<i32>} : memref<200x128xf32, #tpu.memory_space<vmem>>, vector<1x16xf32>,
      %get3A_1289 = vector.shape_cast %get3A_1288 : vector<1x16xf32> to vector<16xf32>
      %mul3A_1290 = arith.constant 8 : i32
      %mul3A_1291 = arith.muli %scan3A_82, %mul3A_1290 : i32
      %add3A_1292 = arith.constant 6 : i32
      %add3A_1293 = arith.addi %mul3A_1291, %add3A_1292 : i32
      %get3A_1294 = arith.index_cast %add3A_1293 : i32 to index
      %get3A_1295 = arith.constant 64 : index
      %get3A_1296 = tpu.vector_load %arg7[%get3A_1294, %get3A_1295] {strides = array<i32>} : memref<200x128xf32, #tpu.memory_space<vmem>>, vector<1x16xf32>,
      %get3A_1297 = vector.shape_cast %get3A_1296 : vector<1x16xf32> to vector<16xf32>
      %gt3A_1298 = arith.constant 0.000000e+00 : f32
      %gt3A_1299 = vector.broadcast %gt3A_1298 : f32 to vector<16xf32>
      %gt3A_1300 = arith.cmpf ogt, %get3A_1297, %gt3A_1299 : vector<16xf32>
      %jit3A_1301 = arith.constant 0xFF800000 : f32
      %broadcast_in_dim3A_1302 = vector.broadcast %jit3A_1301 : f32 to vector<16xf32>
      %select_n3A_1303 = arith.select %gt3A_1300, %get3A_1289, %broadcast_in_dim3A_1302 : vector<16xi1>, vector<16xf32>
      %max3A_1304 = arith.maximumf %max3A_1120, %select_n3A_1303 : vector<16xf32>
      %mul3A_1305 = arith.constant 8 : i32
      %mul3A_1306 = arith.muli %scan3A_82, %mul3A_1305 : i32
      %add3A_1307 = arith.constant 6 : i32
      %add3A_1308 = arith.addi %mul3A_1306, %add3A_1307 : i32
      %get3A_1309 = arith.index_cast %add3A_1308 : i32 to index
      %get3A_1310 = arith.constant 80 : index
      %get3A_1311 = tpu.vector_load %arg5[%get3A_1309, %get3A_1310] {strides = array<i32>} : memref<200x128xf32, #tpu.memory_space<vmem>>, vector<1x16xf32>,
      %get3A_1312 = vector.shape_cast %get3A_1311 : vector<1x16xf32> to vector<16xf32>
      %mul3A_1313 = arith.constant 8 : i32
      %mul3A_1314 = arith.muli %scan3A_82, %mul3A_1313 : i32
      %add3A_1315 = arith.constant 6 : i32
      %add3A_1316 = arith.addi %mul3A_1314, %add3A_1315 : i32
      %get3A_1317 = arith.index_cast %add3A_1316 : i32 to index
      %get3A_1318 = arith.constant 80 : index
      %get3A_1319 = tpu.vector_load %arg7[%get3A_1317, %get3A_1318] {strides = array<i32>} : memref<200x128xf32, #tpu.memory_space<vmem>>, vector<1x16xf32>,
      %get3A_1320 = vector.shape_cast %get3A_1319 : vector<1x16xf32> to vector<16xf32>
      %gt3A_1321 = arith.constant 0.000000e+00 : f32
      %gt3A_1322 = vector.broadcast %gt3A_1321 : f32 to vector<16xf32>
      %gt3A_1323 = arith.cmpf ogt, %get3A_1320, %gt3A_1322 : vector<16xf32>
      %jit3A_1324 = arith.constant 0xFF800000 : f32
      %broadcast_in_dim3A_1325 = vector.broadcast %jit3A_1324 : f32 to vector<16xf32>
      %select_n3A_1326 = arith.select %gt3A_1323, %get3A_1312, %broadcast_in_dim3A_1325 : vector<16xi1>, vector<16xf32>
      %max3A_1327 = arith.maximumf %max3A_1143, %select_n3A_1326 : vector<16xf32>
      %mul3A_1328 = arith.constant 8 : i32
      %mul3A_1329 = arith.muli %scan3A_82, %mul3A_1328 : i32
      %add3A_1330 = arith.constant 6 : i32
      %add3A_1331 = arith.addi %mul3A_1329, %add3A_1330 : i32
      %get3A_1332 = arith.index_cast %add3A_1331 : i32 to index
      %get3A_1333 = arith.constant 96 : index
      %get3A_1334 = tpu.vector_load %arg5[%get3A_1332, %get3A_1333] {strides = array<i32>} : memref<200x128xf32, #tpu.memory_space<vmem>>, vector<1x16xf32>,
      %get3A_1335 = vector.shape_cast %get3A_1334 : vector<1x16xf32> to vector<16xf32>
      %mul3A_1336 = arith.constant 8 : i32
      %mul3A_1337 = arith.muli %scan3A_82, %mul3A_1336 : i32
      %add3A_1338 = arith.constant 6 : i32
      %add3A_1339 = arith.addi %mul3A_1337, %add3A_1338 : i32
      %get3A_1340 = arith.index_cast %add3A_1339 : i32 to index
      %get3A_1341 = arith.constant 96 : index
      %get3A_1342 = tpu.vector_load %arg7[%get3A_1340, %get3A_1341] {strides = array<i32>} : memref<200x128xf32, #tpu.memory_space<vmem>>, vector<1x16xf32>,
      %get3A_1343 = vector.shape_cast %get3A_1342 : vector<1x16xf32> to vector<16xf32>
      %gt3A_1344 = arith.constant 0.000000e+00 : f32
      %gt3A_1345 = vector.broadcast %gt3A_1344 : f32 to vector<16xf32>
      %gt3A_1346 = arith.cmpf ogt, %get3A_1343, %gt3A_1345 : vector<16xf32>
      %jit3A_1347 = arith.constant 0xFF800000 : f32
      %broadcast_in_dim3A_1348 = vector.broadcast %jit3A_1347 : f32 to vector<16xf32>
      %select_n3A_1349 = arith.select %gt3A_1346, %get3A_1335, %broadcast_in_dim3A_1348 : vector<16xi1>, vector<16xf32>
      %max3A_1350 = arith.maximumf %max3A_1166, %select_n3A_1349 : vector<16xf32>
      %mul3A_1351 = arith.constant 8 : i32
      %mul3A_1352 = arith.muli %scan3A_82, %mul3A_1351 : i32
      %add3A_1353 = arith.constant 6 : i32
      %add3A_1354 = arith.addi %mul3A_1352, %add3A_1353 : i32
      %get3A_1355 = arith.index_cast %add3A_1354 : i32 to index
      %get3A_1356 = arith.constant 112 : index
      %get3A_1357 = tpu.vector_load %arg5[%get3A_1355, %get3A_1356] {strides = array<i32>} : memref<200x128xf32, #tpu.memory_space<vmem>>, vector<1x16xf32>,
      %get3A_1358 = vector.shape_cast %get3A_1357 : vector<1x16xf32> to vector<16xf32>
      %mul3A_1359 = arith.constant 8 : i32
      %mul3A_1360 = arith.muli %scan3A_82, %mul3A_1359 : i32
      %add3A_1361 = arith.constant 6 : i32
      %add3A_1362 = arith.addi %mul3A_1360, %add3A_1361 : i32
      %get3A_1363 = arith.index_cast %add3A_1362 : i32 to index
      %get3A_1364 = arith.constant 112 : index
      %get3A_1365 = tpu.vector_load %arg7[%get3A_1363, %get3A_1364] {strides = array<i32>} : memref<200x128xf32, #tpu.memory_space<vmem>>, vector<1x16xf32>,
      %get3A_1366 = vector.shape_cast %get3A_1365 : vector<1x16xf32> to vector<16xf32>
      %gt3A_1367 = arith.constant 0.000000e+00 : f32
      %gt3A_1368 = vector.broadcast %gt3A_1367 : f32 to vector<16xf32>
      %gt3A_1369 = arith.cmpf ogt, %get3A_1366, %gt3A_1368 : vector<16xf32>
      %jit3A_1370 = arith.constant 0xFF800000 : f32
      %broadcast_in_dim3A_1371 = vector.broadcast %jit3A_1370 : f32 to vector<16xf32>
      %select_n3A_1372 = arith.select %gt3A_1369, %get3A_1358, %broadcast_in_dim3A_1371 : vector<16xi1>, vector<16xf32>
      %max3A_1373 = arith.maximumf %max3A_1189, %select_n3A_1372 : vector<16xf32>
      %mul3A_1374 = arith.constant 8 : i32
      %mul3A_1375 = arith.muli %scan3A_82, %mul3A_1374 : i32
      %add3A_1376 = arith.constant 7 : i32
      %add3A_1377 = arith.addi %mul3A_1375, %add3A_1376 : i32
      %get3A_1378 = arith.index_cast %add3A_1377 : i32 to index
      %get3A_1379 = arith.constant 0 : index
      %get3A_1380 = tpu.vector_load %arg5[%get3A_1378, %get3A_1379] {strides = array<i32>} : memref<200x128xf32, #tpu.memory_space<vmem>>, vector<1x16xf32>,
      %get3A_1381 = vector.shape_cast %get3A_1380 : vector<1x16xf32> to vector<16xf32>
      %mul3A_1382 = arith.constant 8 : i32
      %mul3A_1383 = arith.muli %scan3A_82, %mul3A_1382 : i32
      %add3A_1384 = arith.constant 7 : i32
      %add3A_1385 = arith.addi %mul3A_1383, %add3A_1384 : i32
      %get3A_1386 = arith.index_cast %add3A_1385 : i32 to index
      %get3A_1387 = arith.constant 0 : index
      %get3A_1388 = tpu.vector_load %arg7[%get3A_1386, %get3A_1387] {strides = array<i32>} : memref<200x128xf32, #tpu.memory_space<vmem>>, vector<1x16xf32>,
      %get3A_1389 = vector.shape_cast %get3A_1388 : vector<1x16xf32> to vector<16xf32>
      %gt3A_1390 = arith.constant 0.000000e+00 : f32
      %gt3A_1391 = vector.broadcast %gt3A_1390 : f32 to vector<16xf32>
      %gt3A_1392 = arith.cmpf ogt, %get3A_1389, %gt3A_1391 : vector<16xf32>
      %jit3A_1393 = arith.constant 0xFF800000 : f32
      %broadcast_in_dim3A_1394 = vector.broadcast %jit3A_1393 : f32 to vector<16xf32>
      %select_n3A_1395 = arith.select %gt3A_1392, %get3A_1381, %broadcast_in_dim3A_1394 : vector<16xi1>, vector<16xf32>
      %max3A_1396 = arith.maximumf %max3A_1212, %select_n3A_1395 : vector<16xf32>
      %mul3A_1397 = arith.constant 8 : i32
      %mul3A_1398 = arith.muli %scan3A_82, %mul3A_1397 : i32
      %add3A_1399 = arith.constant 7 : i32
      %add3A_1400 = arith.addi %mul3A_1398, %add3A_1399 : i32
      %get3A_1401 = arith.index_cast %add3A_1400 : i32 to index
      %get3A_1402 = arith.constant 16 : index
      %get3A_1403 = tpu.vector_load %arg5[%get3A_1401, %get3A_1402] {strides = array<i32>} : memref<200x128xf32, #tpu.memory_space<vmem>>, vector<1x16xf32>,
      %get3A_1404 = vector.shape_cast %get3A_1403 : vector<1x16xf32> to vector<16xf32>
      %mul3A_1405 = arith.constant 8 : i32
      %mul3A_1406 = arith.muli %scan3A_82, %mul3A_1405 : i32
      %add3A_1407 = arith.constant 7 : i32
      %add3A_1408 = arith.addi %mul3A_1406, %add3A_1407 : i32
      %get3A_1409 = arith.index_cast %add3A_1408 : i32 to index
      %get3A_1410 = arith.constant 16 : index
      %get3A_1411 = tpu.vector_load %arg7[%get3A_1409, %get3A_1410] {strides = array<i32>} : memref<200x128xf32, #tpu.memory_space<vmem>>, vector<1x16xf32>,
      %get3A_1412 = vector.shape_cast %get3A_1411 : vector<1x16xf32> to vector<16xf32>
      %gt3A_1413 = arith.constant 0.000000e+00 : f32
      %gt3A_1414 = vector.broadcast %gt3A_1413 : f32 to vector<16xf32>
      %gt3A_1415 = arith.cmpf ogt, %get3A_1412, %gt3A_1414 : vector<16xf32>
      %jit3A_1416 = arith.constant 0xFF800000 : f32
      %broadcast_in_dim3A_1417 = vector.broadcast %jit3A_1416 : f32 to vector<16xf32>
      %select_n3A_1418 = arith.select %gt3A_1415, %get3A_1404, %broadcast_in_dim3A_1417 : vector<16xi1>, vector<16xf32>
      %max3A_1419 = arith.maximumf %max3A_1235, %select_n3A_1418 : vector<16xf32>
      %mul3A_1420 = arith.constant 8 : i32
      %mul3A_1421 = arith.muli %scan3A_82, %mul3A_1420 : i32
      %add3A_1422 = arith.constant 7 : i32
      %add3A_1423 = arith.addi %mul3A_1421, %add3A_1422 : i32
      %get3A_1424 = arith.index_cast %add3A_1423 : i32 to index
      %get3A_1425 = arith.constant 32 : index
      %get3A_1426 = tpu.vector_load %arg5[%get3A_1424, %get3A_1425] {strides = array<i32>} : memref<200x128xf32, #tpu.memory_space<vmem>>, vector<1x16xf32>,
      %get3A_1427 = vector.shape_cast %get3A_1426 : vector<1x16xf32> to vector<16xf32>
      %mul3A_1428 = arith.constant 8 : i32
      %mul3A_1429 = arith.muli %scan3A_82, %mul3A_1428 : i32
      %add3A_1430 = arith.constant 7 : i32
      %add3A_1431 = arith.addi %mul3A_1429, %add3A_1430 : i32
      %get3A_1432 = arith.index_cast %add3A_1431 : i32 to index
      %get3A_1433 = arith.constant 32 : index
      %get3A_1434 = tpu.vector_load %arg7[%get3A_1432, %get3A_1433] {strides = array<i32>} : memref<200x128xf32, #tpu.memory_space<vmem>>, vector<1x16xf32>,
      %get3A_1435 = vector.shape_cast %get3A_1434 : vector<1x16xf32> to vector<16xf32>
      %gt3A_1436 = arith.constant 0.000000e+00 : f32
      %gt3A_1437 = vector.broadcast %gt3A_1436 : f32 to vector<16xf32>
      %gt3A_1438 = arith.cmpf ogt, %get3A_1435, %gt3A_1437 : vector<16xf32>
      %jit3A_1439 = arith.constant 0xFF800000 : f32
      %broadcast_in_dim3A_1440 = vector.broadcast %jit3A_1439 : f32 to vector<16xf32>
      %select_n3A_1441 = arith.select %gt3A_1438, %get3A_1427, %broadcast_in_dim3A_1440 : vector<16xi1>, vector<16xf32>
      %max3A_1442 = arith.maximumf %max3A_1258, %select_n3A_1441 : vector<16xf32>
      %mul3A_1443 = arith.constant 8 : i32
      %mul3A_1444 = arith.muli %scan3A_82, %mul3A_1443 : i32
      %add3A_1445 = arith.constant 7 : i32
      %add3A_1446 = arith.addi %mul3A_1444, %add3A_1445 : i32
      %get3A_1447 = arith.index_cast %add3A_1446 : i32 to index
      %get3A_1448 = arith.constant 48 : index
      %get3A_1449 = tpu.vector_load %arg5[%get3A_1447, %get3A_1448] {strides = array<i32>} : memref<200x128xf32, #tpu.memory_space<vmem>>, vector<1x16xf32>,
      %get3A_1450 = vector.shape_cast %get3A_1449 : vector<1x16xf32> to vector<16xf32>
      %mul3A_1451 = arith.constant 8 : i32
      %mul3A_1452 = arith.muli %scan3A_82, %mul3A_1451 : i32
      %add3A_1453 = arith.constant 7 : i32
      %add3A_1454 = arith.addi %mul3A_1452, %add3A_1453 : i32
      %get3A_1455 = arith.index_cast %add3A_1454 : i32 to index
      %get3A_1456 = arith.constant 48 : index
      %get3A_1457 = tpu.vector_load %arg7[%get3A_1455, %get3A_1456] {strides = array<i32>} : memref<200x128xf32, #tpu.memory_space<vmem>>, vector<1x16xf32>,
      %get3A_1458 = vector.shape_cast %get3A_1457 : vector<1x16xf32> to vector<16xf32>
      %gt3A_1459 = arith.constant 0.000000e+00 : f32
      %gt3A_1460 = vector.broadcast %gt3A_1459 : f32 to vector<16xf32>
      %gt3A_1461 = arith.cmpf ogt, %get3A_1458, %gt3A_1460 : vector<16xf32>
      %jit3A_1462 = arith.constant 0xFF800000 : f32
      %broadcast_in_dim3A_1463 = vector.broadcast %jit3A_1462 : f32 to vector<16xf32>
      %select_n3A_1464 = arith.select %gt3A_1461, %get3A_1450, %broadcast_in_dim3A_1463 : vector<16xi1>, vector<16xf32>
      %max3A_1465 = arith.maximumf %max3A_1281, %select_n3A_1464 : vector<16xf32>
      %mul3A_1466 = arith.constant 8 : i32
      %mul3A_1467 = arith.muli %scan3A_82, %mul3A_1466 : i32
      %add3A_1468 = arith.constant 7 : i32
      %add3A_1469 = arith.addi %mul3A_1467, %add3A_1468 : i32
      %get3A_1470 = arith.index_cast %add3A_1469 : i32 to index
      %get3A_1471 = arith.constant 64 : index
      %get3A_1472 = tpu.vector_load %arg5[%get3A_1470, %get3A_1471] {strides = array<i32>} : memref<200x128xf32, #tpu.memory_space<vmem>>, vector<1x16xf32>,
      %get3A_1473 = vector.shape_cast %get3A_1472 : vector<1x16xf32> to vector<16xf32>
      %mul3A_1474 = arith.constant 8 : i32
      %mul3A_1475 = arith.muli %scan3A_82, %mul3A_1474 : i32
      %add3A_1476 = arith.constant 7 : i32
      %add3A_1477 = arith.addi %mul3A_1475, %add3A_1476 : i32
      %get3A_1478 = arith.index_cast %add3A_1477 : i32 to index
      %get3A_1479 = arith.constant 64 : index
      %get3A_1480 = tpu.vector_load %arg7[%get3A_1478, %get3A_1479] {strides = array<i32>} : memref<200x128xf32, #tpu.memory_space<vmem>>, vector<1x16xf32>,
      %get3A_1481 = vector.shape_cast %get3A_1480 : vector<1x16xf32> to vector<16xf32>
      %gt3A_1482 = arith.constant 0.000000e+00 : f32
      %gt3A_1483 = vector.broadcast %gt3A_1482 : f32 to vector<16xf32>
      %gt3A_1484 = arith.cmpf ogt, %get3A_1481, %gt3A_1483 : vector<16xf32>
      %jit3A_1485 = arith.constant 0xFF800000 : f32
      %broadcast_in_dim3A_1486 = vector.broadcast %jit3A_1485 : f32 to vector<16xf32>
      %select_n3A_1487 = arith.select %gt3A_1484, %get3A_1473, %broadcast_in_dim3A_1486 : vector<16xi1>, vector<16xf32>
      %max3A_1488 = arith.maximumf %max3A_1304, %select_n3A_1487 : vector<16xf32>
      %mul3A_1489 = arith.constant 8 : i32
      %mul3A_1490 = arith.muli %scan3A_82, %mul3A_1489 : i32
      %add3A_1491 = arith.constant 7 : i32
      %add3A_1492 = arith.addi %mul3A_1490, %add3A_1491 : i32
      %get3A_1493 = arith.index_cast %add3A_1492 : i32 to index
      %get3A_1494 = arith.constant 80 : index
      %get3A_1495 = tpu.vector_load %arg5[%get3A_1493, %get3A_1494] {strides = array<i32>} : memref<200x128xf32, #tpu.memory_space<vmem>>, vector<1x16xf32>,
      %get3A_1496 = vector.shape_cast %get3A_1495 : vector<1x16xf32> to vector<16xf32>
      %mul3A_1497 = arith.constant 8 : i32
      %mul3A_1498 = arith.muli %scan3A_82, %mul3A_1497 : i32
      %add3A_1499 = arith.constant 7 : i32
      %add3A_1500 = arith.addi %mul3A_1498, %add3A_1499 : i32
      %get3A_1501 = arith.index_cast %add3A_1500 : i32 to index
      %get3A_1502 = arith.constant 80 : index
      %get3A_1503 = tpu.vector_load %arg7[%get3A_1501, %get3A_1502] {strides = array<i32>} : memref<200x128xf32, #tpu.memory_space<vmem>>, vector<1x16xf32>,
      %get3A_1504 = vector.shape_cast %get3A_1503 : vector<1x16xf32> to vector<16xf32>
      %gt3A_1505 = arith.constant 0.000000e+00 : f32
      %gt3A_1506 = vector.broadcast %gt3A_1505 : f32 to vector<16xf32>
      %gt3A_1507 = arith.cmpf ogt, %get3A_1504, %gt3A_1506 : vector<16xf32>
      %jit3A_1508 = arith.constant 0xFF800000 : f32
      %broadcast_in_dim3A_1509 = vector.broadcast %jit3A_1508 : f32 to vector<16xf32>
      %select_n3A_1510 = arith.select %gt3A_1507, %get3A_1496, %broadcast_in_dim3A_1509 : vector<16xi1>, vector<16xf32>
      %max3A_1511 = arith.maximumf %max3A_1327, %select_n3A_1510 : vector<16xf32>
      %mul3A_1512 = arith.constant 8 : i32
      %mul3A_1513 = arith.muli %scan3A_82, %mul3A_1512 : i32
      %add3A_1514 = arith.constant 7 : i32
      %add3A_1515 = arith.addi %mul3A_1513, %add3A_1514 : i32
      %get3A_1516 = arith.index_cast %add3A_1515 : i32 to index
      %get3A_1517 = arith.constant 96 : index
      %get3A_1518 = tpu.vector_load %arg5[%get3A_1516, %get3A_1517] {strides = array<i32>} : memref<200x128xf32, #tpu.memory_space<vmem>>, vector<1x16xf32>,
      %get3A_1519 = vector.shape_cast %get3A_1518 : vector<1x16xf32> to vector<16xf32>
      %mul3A_1520 = arith.constant 8 : i32
      %mul3A_1521 = arith.muli %scan3A_82, %mul3A_1520 : i32
      %add3A_1522 = arith.constant 7 : i32
      %add3A_1523 = arith.addi %mul3A_1521, %add3A_1522 : i32
      %get3A_1524 = arith.index_cast %add3A_1523 : i32 to index
      %get3A_1525 = arith.constant 96 : index
      %get3A_1526 = tpu.vector_load %arg7[%get3A_1524, %get3A_1525] {strides = array<i32>} : memref<200x128xf32, #tpu.memory_space<vmem>>, vector<1x16xf32>,
      %get3A_1527 = vector.shape_cast %get3A_1526 : vector<1x16xf32> to vector<16xf32>
      %gt3A_1528 = arith.constant 0.000000e+00 : f32
      %gt3A_1529 = vector.broadcast %gt3A_1528 : f32 to vector<16xf32>
      %gt3A_1530 = arith.cmpf ogt, %get3A_1527, %gt3A_1529 : vector<16xf32>
      %jit3A_1531 = arith.constant 0xFF800000 : f32
      %broadcast_in_dim3A_1532 = vector.broadcast %jit3A_1531 : f32 to vector<16xf32>
      %select_n3A_1533 = arith.select %gt3A_1530, %get3A_1519, %broadcast_in_dim3A_1532 : vector<16xi1>, vector<16xf32>
      %max3A_1534 = arith.maximumf %max3A_1350, %select_n3A_1533 : vector<16xf32>
      %mul3A_1535 = arith.constant 8 : i32
      %mul3A_1536 = arith.muli %scan3A_82, %mul3A_1535 : i32
      %add3A_1537 = arith.constant 7 : i32
      %add3A_1538 = arith.addi %mul3A_1536, %add3A_1537 : i32
      %get3A_1539 = arith.index_cast %add3A_1538 : i32 to index
      %get3A_1540 = arith.constant 112 : index
      %get3A_1541 = tpu.vector_load %arg5[%get3A_1539, %get3A_1540] {strides = array<i32>} : memref<200x128xf32, #tpu.memory_space<vmem>>, vector<1x16xf32>,
      %get3A_1542 = vector.shape_cast %get3A_1541 : vector<1x16xf32> to vector<16xf32>
      %mul3A_1543 = arith.constant 8 : i32
      %mul3A_1544 = arith.muli %scan3A_82, %mul3A_1543 : i32
      %add3A_1545 = arith.constant 7 : i32
      %add3A_1546 = arith.addi %mul3A_1544, %add3A_1545 : i32
      %get3A_1547 = arith.index_cast %add3A_1546 : i32 to index
      %get3A_1548 = arith.constant 112 : index
      %get3A_1549 = tpu.vector_load %arg7[%get3A_1547, %get3A_1548] {strides = array<i32>} : memref<200x128xf32, #tpu.memory_space<vmem>>, vector<1x16xf32>,
      %get3A_1550 = vector.shape_cast %get3A_1549 : vector<1x16xf32> to vector<16xf32>
      %gt3A_1551 = arith.constant 0.000000e+00 : f32
      %gt3A_1552 = vector.broadcast %gt3A_1551 : f32 to vector<16xf32>
      %gt3A_1553 = arith.cmpf ogt, %get3A_1550, %gt3A_1552 : vector<16xf32>
      %jit3A_1554 = arith.constant 0xFF800000 : f32
      %broadcast_in_dim3A_1555 = vector.broadcast %jit3A_1554 : f32 to vector<16xf32>
      %select_n3A_1556 = arith.select %gt3A_1553, %get3A_1542, %broadcast_in_dim3A_1555 : vector<16xi1>, vector<16xf32>
      %max3A_1557 = arith.maximumf %max3A_1373, %select_n3A_1556 : vector<16xf32>
      scf.yield %max3A_1396, %max3A_1419, %max3A_1442, %max3A_1465, %max3A_1488, %max3A_1511, %max3A_1534, %max3A_1557 : vector<16xf32>, vector<16xf32>, vector<16xf32>, vector<16xf32>, vector<16xf32>, vector<16xf32>, vector<16xf32>, vector<16xf32>
    }
    %scan3A_50 = arith.constant 25 : i32
    %swap3A = arith.constant 0 : index
    %swap3A_51 = tpu.vector_load %arg9[%swap3A] {strides = array<i32>} : memref<128xf32, #tpu.memory_space<vmem>>, vector<16xf32>,
    %swap3A_52 = vector.shape_cast %swap3A_51 : vector<16xf32> to vector<16xf32>
    %swap3A_53 = vector.shape_cast %scan3A_49#0 : vector<16xf32> to vector<16xf32>
    tpu.vector_store %arg9[%swap3A], %swap3A_53 {strides = array<i32>} : memref<128xf32, #tpu.memory_space<vmem>>, vector<16xf32>,
    %swap3A_54 = arith.constant 16 : index
    %swap3A_55 = tpu.vector_load %arg9[%swap3A_54] {strides = array<i32>} : memref<128xf32, #tpu.memory_space<vmem>>, vector<16xf32>,
    %swap3A_56 = vector.shape_cast %swap3A_55 : vector<16xf32> to vector<16xf32>
    %swap3A_57 = vector.shape_cast %scan3A_49#1 : vector<16xf32> to vector<16xf32>
    tpu.vector_store %arg9[%swap3A_54], %swap3A_57 {strides = array<i32>} : memref<128xf32, #tpu.memory_space<vmem>>, vector<16xf32>,
    %swap3A_58 = arith.constant 32 : index
    %swap3A_59 = tpu.vector_load %arg9[%swap3A_58] {strides = array<i32>} : memref<128xf32, #tpu.memory_space<vmem>>, vector<16xf32>,
    %swap3A_60 = vector.shape_cast %swap3A_59 : vector<16xf32> to vector<16xf32>
    %swap3A_61 = vector.shape_cast %scan3A_49#2 : vector<16xf32> to vector<16xf32>
    tpu.vector_store %arg9[%swap3A_58], %swap3A_61 {strides = array<i32>} : memref<128xf32, #tpu.memory_space<vmem>>, vector<16xf32>,
    %swap3A_62 = arith.constant 48 : index
    %swap3A_63 = tpu.vector_load %arg9[%swap3A_62] {strides = array<i32>} : memref<128xf32, #tpu.memory_space<vmem>>, vector<16xf32>,
    %swap3A_64 = vector.shape_cast %swap3A_63 : vector<16xf32> to vector<16xf32>
    %swap3A_65 = vector.shape_cast %scan3A_49#3 : vector<16xf32> to vector<16xf32>
    tpu.vector_store %arg9[%swap3A_62], %swap3A_65 {strides = array<i32>} : memref<128xf32, #tpu.memory_space<vmem>>, vector<16xf32>,
    %swap3A_66 = arith.constant 64 : index
    %swap3A_67 = tpu.vector_load %arg9[%swap3A_66] {strides = array<i32>} : memref<128xf32, #tpu.memory_space<vmem>>, vector<16xf32>,
    %swap3A_68 = vector.shape_cast %swap3A_67 : vector<16xf32> to vector<16xf32>
    %swap3A_69 = vector.shape_cast %scan3A_49#4 : vector<16xf32> to vector<16xf32>
    tpu.vector_store %arg9[%swap3A_66], %swap3A_69 {strides = array<i32>} : memref<128xf32, #tpu.memory_space<vmem>>, vector<16xf32>,
    %swap3A_70 = arith.constant 80 : index
    %swap3A_71 = tpu.vector_load %arg9[%swap3A_70] {strides = array<i32>} : memref<128xf32, #tpu.memory_space<vmem>>, vector<16xf32>,
    %swap3A_72 = vector.shape_cast %swap3A_71 : vector<16xf32> to vector<16xf32>
    %swap3A_73 = vector.shape_cast %scan3A_49#5 : vector<16xf32> to vector<16xf32>
    tpu.vector_store %arg9[%swap3A_70], %swap3A_73 {strides = array<i32>} : memref<128xf32, #tpu.memory_space<vmem>>, vector<16xf32>,
    %swap3A_74 = arith.constant 96 : index
    %swap3A_75 = tpu.vector_load %arg9[%swap3A_74] {strides = array<i32>} : memref<128xf32, #tpu.memory_space<vmem>>, vector<16xf32>,
    %swap3A_76 = vector.shape_cast %swap3A_75 : vector<16xf32> to vector<16xf32>
    %swap3A_77 = vector.shape_cast %scan3A_49#6 : vector<16xf32> to vector<16xf32>
    tpu.vector_store %arg9[%swap3A_74], %swap3A_77 {strides = array<i32>} : memref<128xf32, #tpu.memory_space<vmem>>, vector<16xf32>,
    %swap3A_78 = arith.constant 112 : index
    %swap3A_79 = tpu.vector_load %arg9[%swap3A_78] {strides = array<i32>} : memref<128xf32, #tpu.memory_space<vmem>>, vector<16xf32>,
    %swap3A_80 = vector.shape_cast %swap3A_79 : vector<16xf32> to vector<16xf32>
    %swap3A_81 = vector.shape_cast %scan3A_49#7 : vector<16xf32> to vector<16xf32>
    tpu.vector_store %arg9[%swap3A_78], %swap3A_81 {strides = array<i32>} : memref<128xf32, #tpu.memory_space<vmem>>, vector<16xf32>,
    "tpu.region"() ({
      %run_scoped3A = tpu.sem_alloc : memref<!tpu.dma_semaphore, #tpu.memory_space<semaphore_mem>>
      %dma_start3A_82 = tpu.memref_slice %arg4[%mul3A_2] : memref<4096xf32, #tpu.memory_space<hbm>> -> memref<128xf32, #tpu.memory_space<hbm>>
      %dma_start3A_83 = tpu.memref_slice %arg4[%mul3A_2] : memref<4096xf32, #tpu.memory_space<hbm>> -> memref<128xf32, #tpu.memory_space<hbm>>
      tpu.enqueue_dma source(%arg9 : memref<128xf32, #tpu.memory_space<vmem>>) target(%dma_start3A_83 : memref<128xf32, #tpu.memory_space<hbm>>) target_semaphore(%run_scoped3A : memref<!tpu.dma_semaphore, #tpu.memory_space<semaphore_mem>>)
      %dma_wait3A_84 = tpu.memref_slice %arg4[%mul3A_2] : memref<4096xf32, #tpu.memory_space<hbm>> -> memref<128xf32, #tpu.memory_space<hbm>>
      %dma_wait3A_85 = tpu.memref_slice %arg4[%mul3A_2] : memref<4096xf32, #tpu.memory_space<hbm>> -> memref<128xf32, #tpu.memory_space<hbm>>
      tpu.wait_dma2 semaphore(%run_scoped3A : memref<!tpu.dma_semaphore, #tpu.memory_space<semaphore_mem>>) src(%arg9 : memref<128xf32, #tpu.memory_space<vmem>>) dst(%dma_wait3A_85 : memref<128xf32, #tpu.memory_space<hbm>>)
      tpu.yield
    }) : () -> ()
    return
  }
}

module attributes {stable_mosaic.version = 14 : i64} {
  func.func @_tc_body(%arg0: i32, %arg1: memref<1000x1024xf32, #tpu.memory_space<vmem>>, %arg2: memref<1000x1024xf32, #tpu.memory_space<vmem>>, %arg3: memref<1x1xf32, #tpu.memory_space<vmem>>) attributes {dimension_semantics = [#tpu.dimension_semantics<arbitrary>], iteration_bounds = array<i64: 12>, scalar_prefetch = 0 : i64, scratch_operands = 0 : i64, tpu.core_type = #tpu.core_type<tc>, window_params = [{transform_indices = @transform_0, window_bounds = array<i64: 1000, 1024>}, {transform_indices = @transform_1, window_bounds = array<i64: 1000, 1024>}, {pipeline_mode = #tpu.pipeline_mode<synchronous>, transform_indices = @transform_2, window_bounds = array<i64: 1, 1>}]} {
    %get3A = arith.constant 0 : index
    %get3A_0 = arith.constant 0 : index
    %get3A_1 = vector.load %arg1[%get3A, %get3A_0] : memref<1000x1024xf32, #tpu.memory_space<vmem>>, vector<1000x1024xf32>
    %get3A_2 = arith.constant 0 : index
    %get3A_3 = arith.constant 0 : index
    %get3A_4 = vector.load %arg2[%get3A_2, %get3A_3] : memref<1000x1024xf32, #tpu.memory_space<vmem>>, vector<1000x1024xf32>
    %gt3A = arith.constant 0.000000e+00 : f32
    %gt3A_5 = vector.broadcast %gt3A : f32 to vector<1000x1024xf32>
    %gt3A_6 = arith.cmpf ogt, %get3A_4, %gt3A_5 : vector<1000x1024xf32>
    %jit3A = arith.constant 0xFF800000 : f32
    %broadcast_in_dim3A = vector.broadcast %jit3A : f32 to vector<1000x1024xf32>
    %select_n3A = arith.select %gt3A_6, %get3A_1, %broadcast_in_dim3A : vector<1000x1024xi1>, vector<1000x1024xf32>
    %reduce_max3A = arith.constant dense<0xFF800000> : vector<1024xf32>
    %reduce_max3A_7 = vector.multi_reduction <maximumf>, %select_n3A, %reduce_max3A [0] : vector<1000x1024xf32> to vector<1024xf32>
    %broadcast_in_dim3A_8 = vector.shape_cast %reduce_max3A_7 : vector<1024xf32> to vector<1x1024xf32>
    %reduce_max3A_9 = arith.constant dense<0xFF800000> : vector<1024xf32>
    %reduce_max3A_10 = vector.multi_reduction <maximumf>, %get3A_4, %reduce_max3A_9 [0] : vector<1000x1024xf32> to vector<1024xf32>
    %broadcast_in_dim3A_11 = vector.shape_cast %reduce_max3A_10 : vector<1024xf32> to vector<1x1024xf32>
    %gt3A_12 = arith.constant 0.000000e+00 : f32
    %gt3A_13 = vector.broadcast %gt3A_12 : f32 to vector<1x1024xf32>
    %gt3A_14 = arith.cmpf ogt, %broadcast_in_dim3A_11, %gt3A_13 : vector<1x1024xf32>
    %logistic3A = arith.negf %broadcast_in_dim3A_8 : vector<1x1024xf32>
    %logistic3A_15 = math.exp %logistic3A : vector<1x1024xf32>
    %logistic3A_16 = arith.constant 1.000000e+00 : f32
    %logistic3A_17 = vector.broadcast %logistic3A_16 : f32 to vector<1x1024xf32>
    %logistic3A_18 = arith.addf %logistic3A_17, %logistic3A_15 : vector<1x1024xf32>
    %logistic3A_19 = arith.divf %logistic3A_17, %logistic3A_18 : vector<1x1024xf32>
    %jit3A_20 = arith.constant 9.99999997E-7 : f32
    %jit3A_21 = arith.constant 0.999998986 : f32
    %max3A = vector.broadcast %jit3A_20 : f32 to vector<1x1024xf32>
    %max3A_22 = arith.maximumf %max3A, %logistic3A_19 : vector<1x1024xf32>
    %min3A = vector.broadcast %jit3A_21 : f32 to vector<1x1024xf32>
    %min3A_23 = arith.minimumf %min3A, %max3A_22 : vector<1x1024xf32>
    %log3A = math.log %min3A_23 : vector<1x1024xf32>
    %neg3A = arith.constant 0.000000e+00 : f32
    %neg3A_24 = vector.broadcast %neg3A : f32 to vector<1x1024xf32>
    %neg3A_25 = arith.subf %neg3A_24, %log3A : vector<1x1024xf32>
    %jit3A_26 = arith.constant 0.000000e+00 : f32
    %broadcast_in_dim3A_27 = vector.broadcast %jit3A_26 : f32 to vector<1x1024xf32>
    %select_n3A_28 = arith.select %gt3A_14, %neg3A_25, %broadcast_in_dim3A_27 : vector<1x1024xi1>, vector<1x1024xf32>
    %reduce_sum3A = vector.shape_cast %select_n3A_28 : vector<1x1024xf32> to vector<1x1x1024xf32>
    %reduce_sum3A_29 = arith.constant dense<0.000000e+00> : vector<1xf32>
    %reduce_sum3A_30 = vector.multi_reduction <add>, %reduce_sum3A, %reduce_sum3A_29 [1, 2] : vector<1x1x1024xf32> to vector<1xf32>
    %reduce_sum3A_31 = vector.shape_cast %reduce_sum3A_30 : vector<1xf32> to vector<1x1x1xf32>
    %reduce_sum3A_32 = vector.extract %reduce_sum3A_31[0, 0, 0] : f32 from vector<1x1x1xf32>
    %broadcast_in_dim3A_33 = vector.broadcast %reduce_sum3A_32 : f32 to vector<1x1xf32>
    %eq3A = arith.constant 0 : i32
    %eq3A_34 = arith.cmpi eq, %arg0, %eq3A : i32
    %convert_element_type3A = arith.extui %eq3A_34 : i1 to i32
    %cond3A = arith.constant 0 : i32
    %cond3A_35 = arith.cmpi ne, %convert_element_type3A, %cond3A : i32
    scf.if %cond3A_35 {
      %broadcast_in_dim3A_41 = arith.constant 0.000000e+00 : f32
      %broadcast_in_dim3A_42 = vector.broadcast %broadcast_in_dim3A_41 : f32 to vector<1x1xf32>
      %swap3A_43 = arith.constant 0 : index
      %swap3A_44 = arith.constant 0 : index
      %swap3A_45 = vector.load %arg3[%swap3A_43, %swap3A_44] : memref<1x1xf32, #tpu.memory_space<vmem>>, vector<1x1xf32>
      tpu.vector_store %arg3[%swap3A_43, %swap3A_44], %broadcast_in_dim3A_42 {strides = array<i32>} : memref<1x1xf32, #tpu.memory_space<vmem>>, vector<1x1xf32>,
    } else {
    }
    %get3A_36 = arith.constant 0 : index
    %get3A_37 = arith.constant 0 : index
    %get3A_38 = vector.load %arg3[%get3A_36, %get3A_37] : memref<1x1xf32, #tpu.memory_space<vmem>>, vector<1x1xf32>
    %add3A = arith.addf %get3A_38, %broadcast_in_dim3A_33 : vector<1x1xf32>
    %swap3A = arith.constant 0 : index
    %swap3A_39 = arith.constant 0 : index
    %swap3A_40 = vector.load %arg3[%swap3A, %swap3A_39] : memref<1x1xf32, #tpu.memory_space<vmem>>, vector<1x1xf32>
    tpu.vector_store %arg3[%swap3A, %swap3A_39], %add3A {strides = array<i32>} : memref<1x1xf32, #tpu.memory_space<vmem>>, vector<1x1xf32>,
    return
  }
  func.func @transform_0(%arg0: i32) -> (i32, i32) {
    %add3A = arith.constant 4 : i32
    %add3A_0 = arith.addi %arg0, %add3A : i32
    %c0_i32 = arith.constant 0 : i32
    %c0_i32_1 = arith.constant 0 : i32
    return %c0_i32, %add3A_0 : i32, i32
  }
  func.func @transform_1(%arg0: i32) -> (i32, i32) {
    %add3A = arith.constant 4 : i32
    %add3A_0 = arith.addi %arg0, %add3A : i32
    %c0_i32 = arith.constant 0 : i32
    %c0_i32_1 = arith.constant 0 : i32
    return %c0_i32, %add3A_0 : i32, i32
  }
  func.func @transform_2(%arg0: i32) -> (i32, i32) {
    %c0_i32 = arith.constant 0 : i32
    %c0_i32_0 = arith.constant 0 : i32
    %c0_i32_1 = arith.constant 0 : i32
    return %c0_i32, %c0_i32_0 : i32, i32
  }
}

</mosaic_0001>

<sc_bundles>
// kernel: kernel.4.cloned.1.call-start
scs
__scs_entry_jumppad:
0x0: {  	(pc) =	sbr.rel $0x88, $3  }
0x1: {  	(tag) =	ssettag $0x0;
	lr =	simm.s32 $0x1  }
0x2: {  	[smem:$0x3F9F] =	sst lr;
	_ =	strace $0xD0000000  }
0x3: {  	_ = 	snop  }
0x4: {  	_ = 	snop  }
0x5: {  	_ = 	snop  }
0x6: {  	_ = 	snop  }
0x7: {  	_ = 	snop  }
__scs_overlays_trampoline_lowered:
0x8: {  	[smem:$0x3FAE] =	sst s0  }
0x9: {  	[smem:$0x3FAF] =	sst s1  }
0xa: {  	[smem:$0x3FB0] =	sst s2  }
0xb: {  	[smem:$0x3FB1] =	sst s3  }
0xc: {  	[smem:$0x3FB2] =	sst s4  }
0xd: {  	[smem:$0x3FB3] =	sst s5  }
0xe: {  	[smem:$0x3FB4] =	sst s6  }
0xf: {  	[smem:$0x3FB5] =	sst s7  }
0x10: {  	[smem:$0x3FB6] =	sst s8  }
0x11: {  	[smem:$0x3FB7] =	sst s9;
	s0 =	simm.s32 @!p0 $0x0  }
0x12: {  	s1 =	sld [smem:$0x3F9D];
	s0 =	simm.s32 @p0 $0x1  }
0x13: {  	[smem:$0x3FB8] =	sst s0;
	s0 =	simm.s32 @!p1 $0x0  }
0x14: {  	s2 =	sld [smem:$0x3F9C];
	s0 =	simm.s32 @p1 $0x1  }
0x15: {  	[smem:$0x3FB9] =	sst s0;
	s0 =	simm.s32 @!p2 $0x0  }
0x16: {  	s3 =	sld [smem:$0x3FDB];
	s0 =	simm.s32 @p2 $0x1  }
0x17: {  	s4 =	simm.s32 $0x1BF5;
	[smem:$0x3FBB] =	sst s0  }
0x18: {  	s0 =	sld [smem:$0x3F9E];
	_ =	swait.ge [sflag:s4], $0x0  }
0x19: {  	s7 =	sld [smem:$0x3F9F]  }
0x1a: {  	s8 =	sadd.s32 $0xFFFFE003, lr  }
0x1b: {  	s9 =	sadd.s32 $0xFFFFFEF7, lr;
	s5 =	simm.s32 $0xFFFFFFFF;
	p2 =	slt.u32 s8, $0xFFFFF086  }
0x1c: {  	p1 =	slt.u32 s9, $0xF7A;
	s5 =	simm.s32 @!p2 $0x0  }
0x1d: {  	s5 =	simm.s32 @p1 $0x1;
	p0 =	seq.s32 s7, s2  }
0x1e: {  	s7 =	smul.u32 @!p0 $0xF7A, s2;
	p2 =	seq.s32 @!p0 s5, $0x0  }
0x1f: {  	s9 =	smul.u32 $0xF7A, s1;
	s8 =	simm.s32 @!p0 $0x1BF5;
	p2 =	por !p2, p0  }
0x20: {  	[sflag:s8] =	ssyncset.s32 @!p0 $0xFFFFF086;
	s6 =	sadd.s32 @!p0 s3, s7;
	s7 =	simm.s32 @!p0 $0x108  }
0x21: {  	s3 =	sadd.s32 s3, s9;
	s6 =	sadd.s32 @!p0 $0x88, s6;
	s7 =	simm.s32 @p2 $0x1082  }
0x22: {  	[simem:s7], [sflag:s8] =	dma.local @!p0 [hbm:s6], $0xF7A  }
0x23: {  	s9 =	sor.u32 $0xD0000000, s2;
	s6 =	simm.s32 $0x108;
	_ =	swait.ge @!p0 [sflag:s8], $0x0  }
0x24: {  	s3 =	sadd.s32 $0x88, s3;
	s6 =	simm.s32 @!p1 $0x1082;
	[sflag:s4] =	ssyncset.s32 $0xFFFFF086  }
0x25: {  	[simem:s6], [sflag:s4] =	dma.local [hbm:s3], $0xF7A  }
0x26: {  	[smem:$0x3F9F] =	sst s1;
	(tag) =	ssettag s2;
	_ =	strace s9  }
0x27: {  	s1 =	sld [smem:$0x3FAF]  }
0x28: {  	s2 =	sld [smem:$0x3FB0]  }
0x29: {  	s4 =	sld [smem:$0x3FB2]  }
0x2a: {  	p0 =	seq.s32 s5, $0x0;
	s5 =	sld [smem:$0x3FB3]  }
0x2b: {  	s6 =	sld [smem:$0x3FB4]  }
0x2c: {  	s7 =	sld [smem:$0x3FB5]  }
0x2d: {  	s3 =	simm.s32 $0x108;
	s8 =	sld [smem:$0x3FB6]  }
0x2e: {  	s3 =	simm.s32 @!p0 $0x1082;
	s9 =	sld [smem:$0x3FB7]  }
0x2f: {  	lr =	sadd.s32 s0, s3;
	s0 =	sld [smem:$0x3FAE]  }
0x30: {  	s3 =	sld [smem:$0x3FB1]  }
0x31: {  	[smem:$0x3FBA] =	sst s10  }
0x32: {  	s10 =	sld [smem:$0x3FB8];
	_ =	sdelay $0x3  }
0x33: {  	p0 =	seq.s32 s10, $0x1;
	s10 =	sld [smem:$0x3FBA];
	_ =	sdelay $0x3  }
0x34: {  	[smem:$0x3FBA] =	sst s10  }
0x35: {  	s10 =	sld [smem:$0x3FB9];
	_ =	sdelay $0x3  }
0x36: {  	p1 =	seq.s32 s10, $0x1;
	s10 =	sld [smem:$0x3FBA];
	_ =	sdelay $0x3  }
0x37: {  	[smem:$0x3FBA] =	sst s10  }
0x38: {  	s10 =	sld [smem:$0x3FBB]  }
0x39: {  	_ = 	snop;
	(pc) =	sbr.ind lr, $3  }
0x3a: {  	_ = 	snop  }
0x3b: {  	_ = 	snop  }
0x3c: {  	p2 =	seq.s32 s10, $0x1;
	s10 =	sld [smem:$0x3FBA]  }
0x3d: {  	_ =	shalt  }
0x3e: {  	_ =	shalt  }
0x3f: {  	_ =	shalt  }
0x40: {  	_ =	shalt  }
0x41: {  	_ =	shalt  }
0x42: {  	_ =	shalt  }
0x43: {  	_ =	shalt  }
0x44: {  	_ =	shalt  }
0x45: {  	_ =	shalt  }
0x46: {  	_ =	shalt  }
0x47: {  	_ =	shalt  }
0x48: {  	_ =	shalt  }
0x49: {  	_ =	shalt  }
0x4a: {  	_ =	shalt  }
0x4b: {  	_ =	shalt  }
0x4c: {  	_ =	shalt  }
0x4d: {  	_ =	shalt  }
0x4e: {  	_ =	shalt  }
0x4f: {  	_ =	shalt  }
0x50: {  	_ =	shalt  }
0x51: {  	_ =	shalt  }
0x52: {  	_ =	shalt  }
0x53: {  	_ =	shalt  }
0x54: {  	_ =	shalt  }
0x55: {  	_ =	shalt  }
0x56: {  	_ =	shalt  }
0x57: {  	_ =	shalt  }
0x58: {  	_ =	shalt  }
0x59: {  	_ =	shalt  }
0x5a: {  	_ =	shalt  }
0x5b: {  	_ =	shalt  }
0x5c: {  	_ =	shalt  }
0x5d: {  	_ =	shalt  }
0x5e: {  	_ =	shalt  }
0x5f: {  	_ =	shalt  }
0x60: {  	_ =	shalt  }
0x61: {  	_ =	shalt  }
0x62: {  	_ =	shalt  }
0x63: {  	_ =	shalt  }
0x64: {  	_ =	shalt  }
0x65: {  	_ =	shalt  }
0x66: {  	_ =	shalt  }
0x67: {  	_ =	shalt  }
0x68: {  	_ =	shalt  }
0x69: {  	_ =	shalt  }
0x6a: {  	_ =	shalt  }
0x6b: {  	_ =	shalt  }
0x6c: {  	_ =	shalt  }
0x6d: {  	_ =	shalt  }
0x6e: {  	_ =	shalt  }
0x6f: {  	_ =	shalt  }
0x70: {  	_ =	shalt  }
0x71: {  	_ =	shalt  }
0x72: {  	_ =	shalt  }
0x73: {  	_ =	shalt  }
0x74: {  	_ =	shalt  }
0x75: {  	_ =	shalt  }
0x76: {  	_ =	shalt  }
0x77: {  	_ =	shalt  }
0x78: {  	_ =	shalt  }
0x79: {  	_ =	shalt  }
0x7a: {  	_ =	shalt  }
0x7b: {  	_ =	shalt  }
0x7c: {  	_ =	shalt  }
0x7d: {  	_ =	shalt  }
0x7e: {  	_ =	shalt  }
0x7f: {  	_ =	shalt  }
0x80: {  	_ =	shalt  }
0x81: {  	_ =	shalt  }
0x82: {  	_ =	shalt  }
0x83: {  	_ =	shalt  }
0x84: {  	_ =	shalt  }
0x85: {  	_ =	shalt  }
0x86: {  	_ =	shalt  }
0x87: {  	_ =	shalt  }
.Lfunc_end0:
.L_simem_size_0:
called_computation_lowered:
.L_overlay_start_0:
0x88: {  	s2 =	sld [smem:$0x3FD9]  }
0x89: {  	s3 =	sld [smem:$0x3FFE];
	_ =	sdelay $0x1  }
0x8a: {  	s1 =	srdreg.scid  }
0x8b: {  	s0 =	sand.u32 $0x1, s1  }
0x8c: {  	s17 =	sshll.u32 s0, $0xA;
	s2 =	sadd.s32 s3, s2  }
0x8d: {  	s2 =	sadd.s32 s2, s17  }
0x8e: {  	[smem:$0x3FC6] =	sst s2  }
0x8f: {  	_ = 	snop  }
0x90: {  	s2 =	sld [smem:$0x3FC9]  }
0x91: {  	s18 =	sld [smem:$0x3FC8];
	(tm) =	ssettm $0x1  }
0x92: {  	s4 =	sld [smem:$0x3FFB];
	_ =	sdelay $0x3  }
0x93: {  	_ =	strace s4  }
0x94: {  	s4 =	sld [smem:$0x3FFC];
	_ =	sdelay $0x3  }
0x95: {  	_ =	strace s4  }
0x96: {  	s4 =	sld [smem:$0x3FFD];
	_ =	sdelay $0x3  }
0x97: {  	_ =	strace s4  }
0x98: {  	_ =	strace $0x8FFFFFFF  }
0x99: {  	s19 =	sld [smem:$0x3FDB];
	_ =	sdelay $0x1  }
0x9a: {  	s5 =	simm.s32 $_scs_section_size  }
0x9b: {  	s6 =	simm.s32 $_size__tile_overlayer_lowered;
	s7 =	simm.s32 $_tile_overlayer_lowered  }
0x9c: {  	s22 =	simm.s32 $0x1BFF;
	s21 =	sshll.u32 s7, $0x1;
	s4 =	sadd.s32 s5, s19  }
0x9d: {  	s8 =	simm.s32 $0x0;
	s20 =	sshll.u32 s6, $0x1;
	s6 =	sadd.s32 s21, s4  }
0x9e: {  	[timem:s8], [sflag:s22] =	dma.local [hbm:s6], s20  }
0x9f: {  	_ =	swait.ge [sflag:s22], s20  }
0xa0: {  	s5 =	ssub.s32 $0x0, s20;
	[sflag:s22] =	ssyncset.done $0x0  }
0xa1: {  	[sflag:s22] =	ssyncadd.s32 s5;
	_ =	sdelay $0x1  }
0xa2: {  	s23 =	simm.s32 $0x1B8B  }
0xa3: {  	_ =	swait.ge [sflag:s23], $0x1  }
0xa4: {  	[sflag:s23] =	ssyncset.done $0x0  }
0xa5: {  	s25 =	simm.s32 $0x1B8E;
	s24 =	sld [smem:$0x3FFE];
	[sflag:s23] =	ssyncadd.s32 $0xFFFFFFFF  }
0xa6: {  	s26 =	simm.s32 $execute0_lowered;
	[smem:$0x3FD2] =	sst s25  }
0xa7: {  	s6 =	sshll.u32 s26, $0x1;
	_ =	strace $0x80000046;
	[dreg:$0x1] =	wrdreg $0xFFFFFFFF  }
0xa8: {  	s28 =	simm.s32 $_size_execute0_lowered;
	s4 =	sadd.s32 s4, s6;
	[dreg:$0x0] =	wrdreg $0x0  }
0xa9: {  	s6 =	sshll.u32 s28, $0x1;
	[dreg:$0x2] =	wrdreg s4  }
0xaa: {  	[dreg:$0x3] =	wrdreg s6  }
0xab: {  	[dreg:$0x4] =	wrdreg $0xC0  }
0xac: {  	_ =	task [dreg:s8], $0x5FFFF  }
0xad: {  	[dreg:$0x1] =	wrdreg $0xFFFFFFFF  }
0xae: {  	[dreg:$0x0] =	wrdreg $0x60  }
0xaf: {  	[dreg:$0x2] =	wrdreg s2  }
0xb0: {  	[dreg:$0x3] =	wrdreg s18  }
0xb1: {  	[dreg:$0x4] =	wrdreg s24  }
0xb2: {  	[dreg:$0x5] =	wrdreg $0x9  }
0xb3: {  	_ =	task.clear_ibuf [dreg:s8], $0x6FFFF;
	_ =	strace $0x90000046  }
0xb4: {  	s29 =	simm.s32 $0x9;
	_ =	strace $0x80000048  }
0xb5: {  	_ =	swait.ge [sflag:s29], $0x1  }
0xb6: {  	[sflag:s29] =	ssyncadd.s32 $0xFFFFFFFF  }
0xb7: {  	_ =	strace $0x90000048  }
0xb8: {  	_ =	sfence  }
0xb9: {  	s30 =	sld [smem:$0x0];
	_ =	sdelay $0x2  }
0xba: {  	s31 =	sshll.u32 s1, $0xD;
	s1 =	sshrl.u32 s1, $0x2  }
0xbb: {  	s3 =	sand.u32 $0x4000, s31;
	s1 =	sadd.s32 s1, s30  }
0xbc: {  	s0 =	sor.u32 s3, s0;
	s1 =	sshll.u32 s1, $0x11  }
0xbd: {  	s0 =	sor.u32 s1, s0  }
0xbe: {  	s0 =	sadd.s32 $0x8F2B, s0  }
0xbf: {  	[sflag:s0] =	ssyncadd.remote.s32 $0x1  }
0xc0: {  	_ =	sfence.sel $0xFFFF  }
0xc1: {  	[dreg:$0x0] =	wrdreg $0xFFFFFFFF;
	(pc) =	sbr.abs _section_cstart, $3  }
0xc2: {  	[dreg:$0x1] =	wrdreg $0xFFFFFFFF  }
0xc3: {  	_ =	task.clear_ibuf [dreg:s8], $0x2FFFF;
	_ =	strace $0x9FFFFFFF  }
0xc4: {  	(tm) =	ssettm $0x7FFFFFFF  }
0xc5: {  	_ =	shalt  }
tec
execute0_lowered:
.L_overlay_start_1:
0x0: {  	(tag) =	ssettag $0x1  }
0x1: {  	s1 =	rddreg [dreg:$0x0]  }
0x2: {  	s3 =	rddreg [dreg:$0x1]  }
0x3: {  	s12 =	rddreg [dreg:$0x2];
	s4 =	srdreg.scid  }
0x4: {  	s0 =	rddreg [dreg:$0x3];
	s2 =	stileid.u32;
	s16 =	simm.s32 $0xC800  }
0x5: {  	s17 =	simm.s32 $0x6400;
	s18 =	simm.s32 $0x12C00;
	s19 =	simm.s32 $0x1  }
0x6: {  	s20 =	simm.s32 $0x3;
	s21 =	simm.s32 $0x2;
	s22 =	simm.s32 $0x4  }
0x7: {  	s23 =	simm.s32 $0x19000;
	s24 =	simm.s32 $0x5;
	s25 =	simm.s32 $0x0  }
0x8: {  	s5 =	sand.u32 $0x1, s4;
	s4 =	simm.s32 $0x0;
	s7 =	sshll.u32 s2, $0x1  }
0x9: {  	s6 =	ssub.s32 $0x2, s5;
	[smem:$0x7FF] =	sst s4;
	s11 =	sor.u32 s5, s7  }
0xa: {  	s8 =	sshrl.u32 s6, $0x1;
	_ =	strace $0x80000047;
	s9 =	sshll.u32 s11, $0x7  }
0xb: {  	s15 =	sshll.u32 s11, $0x4;
	s13 =	ssub.s32 s6, s8;
	s5 =	sadd.s32 s1, s9  }
0xc: {  	s6 =	sadd.s32 s3, s9;
	s31 =	sor.u32 $0x64000, s9;
	s14 =	sor.u32 $0x12C000, s9  }
0xd: {  	s9 =	sor.u32 $0xC8000, s9;
	s12 =	sadd.s32 s12, s15;
	s15 =	simm.s32 $0x20000  }
0xe: {  	s7 =	sadd.s32 s1, s31;
	s8 =	sadd.s32 s3, s31;
	s10 =	sadd.s32 s1, s14  }
0xf: {  	s11 =	sadd.s32 s3, s14;
	s13 =	smax.u32 s13, $0x1;
	s14 =	simm.s32 $0x400  }
.LBB2_1:
0x10: {  	[tilespmem:s4], [sflag:$0x1] =	stream.strided.gather [hbm4b:s5+s14], $0x6400, s15, s14, $0x38;
	[tilespmem:$0x19080] =	vst v63  }
0x11: {  	_ = 	snop  }
0x12: {  	v23 =	vimm.f32 $-Inf;
	v3 =	vimm.f32 $-Inf;
	[tilespmem:s16], [sflag:$0x3] =	stream.strided.gather [hbm4b:s6+s14], $0x6400, s15, s14, $0x38;
	[tilespmem:$0x19080] =	vst v63  }
0x13: {  	v7 =	vimm.f32 $-Inf;
	v15 =	vimm.f32 $-Inf;
	v16 =	vimm.f32 $-Inf;
	p0 =	por $0x1, $0x1;
	s28 =	smov.u32 s8;
	s26 =	simm.s32 $0x0  }
0x14: {  	v18 =	vimm.f32 $-Inf;
	v1 =	vimm.f32 $-Inf;
	v5 =	vimm.f32 $-Inf;
	[tilespmem:s17], [sflag:$0x2] =	stream.strided.gather [hbm4b:s7+s14], $0x6400, s15, s14, $0x38;
	[tilespmem:$0x19080] =	vst v63  }
.LBB2_2:
0x15: {  	[tilespmem:s18], [sflag:$0x4] =	stream.strided.gather [hbm4b:s28+s14], $0x6400, s15, s14, $0x38;
	[tilespmem:$0x19080] =	vst v63  }
0x16: {  	_ =	swait.ge [sflag:s19], $0x6400  }
0x17: {  	[sflag:s19] =	ssyncset.done $0x0  }
0x18: {  	[sflag:s19] =	ssyncadd.s32 $0xFFFF9C00  }
0x19: {  	_ =	swait.ge [sflag:s20], $0x6400  }
0x1a: {  	[sflag:s20] =	ssyncset.done $0x0  }
0x1b: {  	s28 =	simm.s32 $0x0;
	[sflag:s20] =	ssyncadd.s32 $0xFFFF9C00  }
0x1c: {  	v34 =	vld [tilespmem:s28+$0x380]  }
0x1d: {  	v39 =	vld [tilespmem:s28+$0xCB80]  }
0x1e: {  	v21 =	vld [tilespmem:s28+$0x390]  }
0x1f: {  	v40 =	vld [tilespmem:s28+$0xCB90]  }
0x20: {  	v12 =	vld [tilespmem:s28+$0x3A0]  }
0x21: {  	v41 =	vld [tilespmem:s28+$0xCBA0]  }
0x22: {  	v0 =	vld [tilespmem:s28+$0x3B0]  }
0x23: {  	v42 =	vld [tilespmem:s28+$0xCBB0]  }
0x24: {  	v9 =	vld [tilespmem:s28+$0x3C0]  }
0x25: {  	v43 =	vld [tilespmem:s28+$0xCBC0]  }
0x26: {  	v10 =	vld [tilespmem:s28+$0x3D0]  }
0x27: {  	v44 =	vld [tilespmem:s28+$0xCBD0]  }
0x28: {  	v45 =	vld [tilespmem:s28+$0xCBE0]  }
0x29: {  	v46 =	vld [tilespmem:s28+$0xCBF0]  }
0x2a: {  	v47 =	vld [tilespmem:s28+$0x300]  }
0x2b: {  	v48 =	vld [tilespmem:s28+$0xCB00]  }
0x2c: {  	v49 =	vld [tilespmem:s28+$0x310]  }
0x2d: {  	v50 =	vld [tilespmem:s28+$0xCB10]  }
0x2e: {  	v11 =	vld [tilespmem:s28+$0x320]  }
0x2f: {  	v51 =	vld [tilespmem:s28+$0xCB20]  }
0x30: {  	v17 =	vld [tilespmem:s28+$0x330]  }
0x31: {  	v52 =	vld [tilespmem:s28+$0xCB30]  }
0x32: {  	v19 =	vld [tilespmem:s28+$0x340]  }
0x33: {  	v53 =	vld [tilespmem:s28+$0xCB40]  }
0x34: {  	v32 =	vld [tilespmem:s28+$0x350]  }
0x35: {  	v54 =	vld [tilespmem:s28+$0xCB50]  }
0x36: {  	v55 =	vld [tilespmem:s28+$0xCB60]  }
0x37: {  	v56 =	vld [tilespmem:s28+$0xCB70]  }
0x38: {  	v57 =	vld [tilespmem:s28+$0x280]  }
0x39: {  	v58 =	vld [tilespmem:s28+$0xCA80]  }
0x3a: {  	v59 =	vld [tilespmem:s28+$0x290]  }
0x3b: {  	v60 =	vld [tilespmem:s28+$0xCA90]  }
0x3c: {  	v61 =	vld [tilespmem:s28+$0xCAA0]  }
0x3d: {  	v62 =	vld [tilespmem:s28+$0xCAB0]  }
0x3e: {  	v33 =	vld [tilespmem:s28+$0xCAC0]  }
0x3f: {  	v35 =	vld [tilespmem:s28+$0xCAD0]  }
0x40: {  	v36 =	vld [tilespmem:s28+$0xCAE0]  }
0x41: {  	v37 =	vld [tilespmem:s28+$0xCAF0]  }
0x42: {  	v63 =	vld [tilespmem:s28+$0x200]  }
0x43: {  	v4 =	vld [tilespmem:s28+$0xCA00]  }
0x44: {  	v8 =	vld [tilespmem:s28+$0x210]  }
0x45: {  	v13 =	vld [tilespmem:s28+$0xCA10]  }
0x46: {  	v22 =	vld [tilespmem:s28+$0x220]  }
0x47: {  	v2 =	vld [tilespmem:s28+$0xCA30]  }
0x48: {  	v24 =	vld [tilespmem:s28+$0xCA40]  }
0x49: {  	v38 =	vld [tilespmem:s28+$0xCA50]  }
0x4a: {  	v6 =	vld [tilespmem:s28+$0xCA60]  }
0x4b: {  	v20 =	vld [tilespmem:s28+$0xC980]  }
0x4c: {  	v26 =	vld [tilespmem:s28+$0x190]  }
0x4d: {  	v27 =	vld [tilespmem:s28+$0xC990]  }
0x4e: {  	v25 =	vld [tilespmem:s28+$0xC9D0]  }
0x4f: {  	v28 =	vld [tilespmem:s28+$0x100]  }
0x50: {  	v29 =	vld [tilespmem:s28+$0xC900]  }
0x51: {  	v30 =	vld [tilespmem:s28+$0x110]  }
0x52: {  	v31 =	vld [tilespmem:s28+$0x80]  }
0x53: {  	v14 =	vld [tilespmem:s28+$0xC880]  }
0x54: {  	[tilespmem:$0x1FDD0] =	vst v9;
	v9 =	vld [tilespmem:s28+$0x2A0]  }
0x55: {  	[tilespmem:$0x1FDE0] =	vst v10;
	v10 =	vld [tilespmem:s28+$0x2B0]  }
0x56: {  	[tilespmem:$0x1FE00] =	vst v17;
	v17 =	vld [tilespmem:s28+$0x2C0]  }
0x57: {  	[tilespmem:$0x1FDF0] =	vst v11;
	v11 =	vld [tilespmem:s28+$0xCA20]  }
0x58: {  	[tilespmem:$0x1FE10] =	vst v19;
	v19 =	vld [tilespmem:s28+$0xCA70]  }
0x59: {  	[tilespmem:$0x1FEF0] =	vst v36;
	v36 =	vld [tilespmem:s28+$0x1A0]  }
0x5a: {  	[tilespmem:$0x1FF20] =	vst v38;
	v38 =	vld [tilespmem:s28+$0xC9A0]  }
0x5b: {  	[tilespmem:$0x1FF00] =	vst v37;
	v37 =	vld [tilespmem:s28+$0xC9B0]  }
0x5c: {  	[tilespmem:$0x1FE20] =	vst v32;
	v32 =	vld [tilespmem:s28+$0xC9E0]  }
0x5d: {  	[tilespmem:$0x1FEC0] =	vst v33;
	v33 =	vld [tilespmem:s28+$0xC9F0]  }
0x5e: {  	[tilespmem:$0x1FEE0] =	vst v35;
	v35 =	vld [tilespmem:s28+$0xC9C0]  }
0x5f: {  	[tilespmem:$0x1FF40] =	vst v6;
	vm1 =	vgt.f32 v39, $0.0e+00;
	vm0 =	vgt.f32 v40, $0.0e+00;
	vm10 =	vgt.f32 v41, $0.0e+00;
	v6 =	vld [tilespmem:s28+$0xC810]  }
0x60: {  	[tilespmem:$0x1FDC0] =	vst v0;
	vm2 =	vgt.f32 v42, $0.0e+00;
	v42 =	vimm.s32 $0x0;
	vm6 =	vgt.f32 v44, $0.0e+00;
	v40 =	vld [tilespmem:s28+$0x10]  }
0x61: {  	vm3 =	vgt.f32 v48, $0.0e+00;
	vm8 =	vgt.f32 v46, $0.0e+00;
	vm4 =	vgt.f32 v51, $0.0e+00;
	[tilespmem:$0x1FF90] =	vst v32;
	v32 =	vld [tilespmem:s28+$0x0]  }
0x62: {  	v0 =	vsel vm2, $0xFFFFFFFF, v42;
	vm2 =	vgt.f32 v43, $0.0e+00;
	v43 =	vimm.s32 $0x0;
	[tilespmem:$0x1FFB0] =	vst v33;
	v33 =	vld [tilespmem:s28+$0xC800]  }
0x63: {  	v46 =	vld [tilespmem:s28+$0x90];
	v48 =	vimm.s32 $0x0;
	[tilespmem:$0x1FE30] =	vst v0;
	v0 =	vsel vm2, $0xFFFFFFFF, v43;
	vm2 =	vgt.f32 v50, $0.0e+00  }
0x64: {  	v51 =	vld [tilespmem:s28+$0xC890];
	v50 =	vimm.s32 $0x0;
	[tilespmem:$0x1FE40] =	vst v0;
	v0 =	vsel vm4, $0xFFFFFFFF, v48;
	vm4 =	vgt.f32 v52, $0.0e+00  }
0x65: {  	v52 =	vimm.s32 $0x0;
	v48 =	vld [tilespmem:s28+$0x20];
	[tilespmem:$0x1FE50] =	vst v0;
	v0 =	vsel vm4, $0xFFFFFFFF, v50;
	vm4 =	vgt.f32 v53, $0.0e+00  }
0x66: {  	vm7 =	vgt.f32 v45, $0.0e+00;
	v53 =	vld [tilespmem:s28+$0xC910];
	[tilespmem:$0x1FE60] =	vst v0;
	v0 =	vsel vm4, $0xFFFFFFFF, v52;
	vm5 =	vgt.f32 v6, $0.0e+00  }
0x67: {  	v50 =	vld [tilespmem:s28+$0xC830];
	v43 =	vmax.f32 v1, v40;
	vm4 =	vgt.f32 v33, $0.0e+00;
	v32 =	vmax.f32 v5, v32  }
0x68: {  	vm9 =	vgt.f32 v54, $0.0e+00;
	[tilespmem:$0x1FF60] =	vst v19;
	v19 =	vld [tilespmem:s28+$0x180];
	v44 =	vsel vm5, v43, v1;
	v6 =	vsel vm4, v32, v5  }
0x69: {  	vm5 =	vgt.f32 v29, $0.0e+00;
	v29 =	vld [tilespmem:s28+$0xC930];
	vm4 =	vgt.f32 v14, $0.0e+00;
	v31 =	vmax.f32 v6, v31  }
0x6a: {  	v1 =	vld [tilespmem:s28+$0xC950];
	v39 =	vmax.f32 v44, v46;
	v6 =	vsel vm4, v31, v6;
	vm4 =	vgt.f32 v51, $0.0e+00  }
0x6b: {  	v52 =	vimm.s32 $0x0;
	v43 =	vld [tilespmem:$0x1FEE0];
	v28 =	vmax.f32 v6, v28;
	v5 =	vsel vm4, v39, v44  }
0x6c: {  	v46 =	vld [tilespmem:s28+$0xC8A0];
	v6 =	vsel vm5, v28, v6;
	vm5 =	vgt.f32 v53, $0.0e+00;
	v30 =	vmax.f32 v5, v30  }
0x6d: {  	v32 =	vld [tilespmem:s28+$0x120];
	vm4 =	vgt.f32 v20, $0.0e+00;
	v19 =	vmax.f32 v6, v19;
	v5 =	vsel vm5, v30, v5  }
0x6e: {  	v14 =	vld [tilespmem:s28+$0xC920];
	v45 =	vsel vm4, v19, v6;
	vm4 =	vgt.f32 v27, $0.0e+00;
	v26 =	vmax.f32 v5, v26  }
0x6f: {  	v31 =	vld [tilespmem:s28+$0xC940];
	vm5 =	vgt.f32 v4, $0.0e+00;
	v27 =	vmax.f32 v45, v63;
	v5 =	vsel vm4, v26, v5  }
0x70: {  	v44 =	vld [tilespmem:$0x1FEF0];
	v4 =	vsel vm5, v27, v45;
	vm5 =	vgt.f32 v13, $0.0e+00;
	v8 =	vmax.f32 v5, v8  }
0x71: {  	v28 =	vld [tilespmem:s28+$0xA0];
	vm4 =	vgt.f32 v58, $0.0e+00;
	v27 =	vmax.f32 v4, v57;
	v5 =	vsel vm5, v8, v5  }
0x72: {  	v13 =	vld [tilespmem:s28+$0x30];
	vm5 =	vgt.f32 v55, $0.0e+00;
	v55 =	vimm.s32 $0x0;
	v57 =	vmax.f32 v18, v48  }
0x73: {  	v53 =	vld [tilespmem:s28+$0xC8B0];
	v4 =	vsel vm4, v27, v4;
	vm4 =	vgt.f32 v60, $0.0e+00;
	v30 =	vmax.f32 v5, v59  }
0x74: {  	v26 =	vld [tilespmem:s28+$0xC820];
	v48 =	vimm.s32 $0x0;
	v51 =	vmax.f32 v4, v47;
	v5 =	vsel vm4, v30, v5  }
0x75: {  	v6 =	vld [tilespmem:$0x1FEC0];
	vm4 =	vgt.f32 v56, $0.0e+00;
	v4 =	vsel vm3, v51, v4;
	vm3 =	vgt.f32 v61, $0.0e+00  }
0x76: {  	v27 =	vld [tilespmem:s28+$0xC840];
	v54 =	vmax.f32 v5, v49;
	v19 =	vsel vm3, $0xFFFFFFFF, v52;
	v34 =	vmax.f32 v4, v34  }
0x77: {  	v30 =	vld [tilespmem:s28+$0x40];
	v39 =	vsel vm2, v54, v5;
	vm2 =	vgt.f32 v62, $0.0e+00;
	v13 =	vmax.f32 v16, v13  }
0x78: {  	v63 =	vld [tilespmem:s28+$0x1C0];
	vm3 =	vgt.f32 v44, $0.0e+00;
	v52 =	vimm.s32 $0x0;
	v5 =	vsel vm2, $0xFFFFFFFF, v55  }
0x79: {  	v60 =	vld [tilespmem:s28+$0xC0];
	v4 =	vsel vm1, v34, v4;
	vm1 =	vgt.f32 v26, $0.0e+00;
	v21 =	vmax.f32 v39, v21  }
0x7a: {  	v56 =	vld [tilespmem:s28+$0xB0];
	vm2 =	vgt.f32 v43, $0.0e+00;
	v55 =	vimm.s32 $0x0;
	v58 =	vsel vm0, v21, v39  }
0x7b: {  	v26 =	vld [tilespmem:s28+$0xC8C0];
	vm0 =	vgt.f32 v50, $0.0e+00;
	v59 =	vsel vm1, v57, v18;
	vm1 =	vgt.f32 v27, $0.0e+00  }
0x7c: {  	v45 =	vld [tilespmem:$0x1FF00];
	v27 =	vmax.f32 v15, v30;
	v13 =	vsel vm0, v13, v16;
	vm0 =	vgt.f32 v46, $0.0e+00  }
0x7d: {  	v21 =	vld [tilespmem:s28+$0x130];
	v28 =	vmax.f32 v59, v28;
	v16 =	vimm.s32 $0x0;
	v46 =	vimm.s32 $0x0  }
0x7e: {  	v47 =	vld [tilespmem:$0x1FF20];
	[tilespmem:$0x1FEB0] =	vst v58;
	v58 =	vimm.s32 $0x0;
	v61 =	vsel vm1, v27, v15;
	vm1 =	vgt.f32 v53, $0.0e+00  }
0x7f: {  	[tilespmem:$0x1FEA0] =	vst v4;
	v27 =	vld [tilespmem:s28+$0x140];
	v4 =	vmax.f32 v13, v56;
	v8 =	vsel vm0, v28, v59;
	vm0 =	vgt.f32 v14, $0.0e+00  }
0x80: {  	v4 =	vsel vm1, v4, v13;
	v13 =	vld [tilespmem:s28+$0x1B0];
	v18 =	vmax.f32 v61, v60;
	vm1 =	vgt.f32 v26, $0.0e+00  }
0x81: {  	v49 =	vld [tilespmem:$0x1FF40];
	v56 =	vimm.s32 $0x0;
	v26 =	vmax.f32 v8, v32;
	v18 =	vsel vm1, v18, v61  }
0x82: {  	v62 =	vld [tilespmem:s28+$0xC960];
	vm1 =	vgt.f32 v29, $0.0e+00;
	v8 =	vsel vm0, v26, v8;
	v21 =	vmax.f32 v4, v21  }
0x83: {  	v26 =	vld [tilespmem:s28+$0x230];
	v4 =	vsel vm1, v21, v4;
	vm1 =	vgt.f32 v38, $0.0e+00;
	v28 =	vmax.f32 v8, v36  }
0x84: {  	v54 =	vld [tilespmem:$0x1FF60];
	vm0 =	vgt.f32 v31, $0.0e+00;
	v27 =	vmax.f32 v18, v27;
	v8 =	vsel vm1, v28, v8  }
0x85: {  	[tilespmem:$0x1FE80] =	vst v19;
	v19 =	vld [tilespmem:s28+$0xC870];
	v18 =	vsel vm0, v27, v18;
	vm0 =	vgt.f32 v37, $0.0e+00;
	v13 =	vmax.f32 v4, v13  }
0x86: {  	v43 =	vld [tilespmem:s28+$0xD0];
	vm1 =	vgt.f32 v11, $0.0e+00;
	v22 =	vmax.f32 v8, v22;
	v4 =	vsel vm0, v13, v4  }
0x87: {  	[tilespmem:$0x1FE70] =	vst v0;
	v57 =	vld [tilespmem:$0x1FF90];
	vm0 =	vgt.f32 v35, $0.0e+00;
	v0 =	vmax.f32 v18, v63;
	v30 =	vsel vm1, v22, v8  }
0x88: {  	v14 =	vld [tilespmem:s28+$0xC970];
	v18 =	vsel vm0, v0, v18;
	vm0 =	vgt.f32 v2, $0.0e+00;
	v22 =	vmax.f32 v4, v26  }
0x89: {  	v60 =	vimm.s32 $0x0;
	v21 =	vld [tilespmem:s28+$0x240];
	v50 =	vsel vm0, v22, v4;
	vm0 =	vgt.f32 v6, $0.0e+00  }
0x8a: {  	[tilespmem:$0x1FE90] =	vst v5;
	v59 =	vld [tilespmem:$0x1FFB0];
	v61 =	vimm.s32 $0x0;
	v2 =	vsel vm0, $0xFFFFFFFF, v16;
	vm0 =	vgt.f32 v45, $0.0e+00  }
0x8b: {  	v31 =	vld [tilespmem:s28+$0x1D0];
	vm1 =	vgt.f32 v24, $0.0e+00;
	[tilespmem:$0x1FED0] =	vst v2;
	v2 =	vsel vm0, $0xFFFFFFFF, v46;
	vm0 =	vgt.f32 v47, $0.0e+00  }
0x8c: {  	v11 =	vld [tilespmem:s28+$0xC8E0];
	v63 =	vimm.s32 $0x0;
	[tilespmem:$0x1FF10] =	vst v2;
	v2 =	vsel vm0, $0xFFFFFFFF, v48;
	vm0 =	vgt.f32 v49, $0.0e+00  }
0x8d: {  	v27 =	vld [tilespmem:s28+$0xC8D0];
	v53 =	vmax.f32 v30, v9;
	[tilespmem:$0x1FF30] =	vst v2;
	v2 =	vsel vm0, $0xFFFFFFFF, v52;
	vm0 =	vgt.f32 v54, $0.0e+00  }
0x8e: {  	v13 =	vld [tilespmem:s28+$0xC8F0];
	v21 =	vmax.f32 v18, v21;
	[tilespmem:$0x1FF50] =	vst v2;
	v2 =	vsel vm0, $0xFFFFFFFF, v55;
	vm0 =	vgt.f32 v25, $0.0e+00  }
0x8f: {  	v8 =	vld [tilespmem:s28+$0xC850];
	v51 =	vsel vm1, v21, v18;
	[tilespmem:$0x1FF70] =	vst v2;
	v2 =	vsel vm0, $0xFFFFFFFF, v56;
	vm0 =	vgt.f32 v57, $0.0e+00  }
0x90: {  	v0 =	vld [tilespmem:s28+$0xC860];
	v33 =	vmax.f32 v50, v10;
	[tilespmem:$0x1FF80] =	vst v2;
	v2 =	vsel vm0, $0xFFFFFFFF, v58;
	vm0 =	vgt.f32 v59, $0.0e+00  }
0x91: {  	v38 =	vld [tilespmem:s28+$0x150];
	vm12 =	vgt.f32 v11, $0.0e+00;
	[tilespmem:$0x1FFA0] =	vst v2;
	v2 =	vsel vm0, $0xFFFFFFFF, v60;
	vm0 =	vgt.f32 v1, $0.0e+00  }
0x92: {  	v22 =	vld [tilespmem:s28+$0x250];
	[tilespmem:$0x1FFC0] =	vst v2;
	v1 =	vsel vm0, $0xFFFFFFFF, v61;
	vm0 =	vgt.f32 v62, $0.0e+00;
	v62 =	vimm.s32 $0x0  }
0x93: {  	v21 =	vld [tilespmem:s28+$0x2D0];
	v34 =	vmax.f32 v51, v17;
	[tilespmem:$0x1FFD0] =	vst v1;
	v1 =	vsel vm0, $0xFFFFFFFF, v62;
	vm0 =	vgt.f32 v14, $0.0e+00  }
0x94: {  	vm11 =	vgt.f32 v27, $0.0e+00;
	v48 =	vld [tilespmem:s28+$0x50];
	vm13 =	vgt.f32 v13, $0.0e+00;
	[tilespmem:$0x1FFE0] =	vst v1;
	v1 =	vsel vm0, $0xFFFFFFFF, v63  }
0x95: {  	s29 =	simm.s32 $0x1000;
	v24 =	vmovc v3;
	vm14 =	vgt.f32 v8, $0.0e+00;
	vm15 =	vgt.f32 v0, $0.0e+00;
	v25 =	vmovc v7;
	v59 =	vld [tilespmem:s28+$0x60];
	vm0 =	vgt.f32 v19, $0.0e+00;
	[tilespmem:$0x1FFF0] =	vst v1  }
.LBB2_3:
0x96: {  	v13 =	vld [tilespmem:s28+$0x70]  }
0x97: {  	v0 =	vld [tilespmem:$0x1FE80]  }
0x98: {  	v62 =	vld [tilespmem:$0x1FE90]  }
0x99: {  	v63 =	vld [tilespmem:$0x1FED0]  }
0x9a: {  	v14 =	vld [tilespmem:s28+$0xE0]  }
0x9b: {  	v5 =	vld [tilespmem:$0x1FDF0]  }
0x9c: {  	v6 =	vld [tilespmem:$0x1FE00]  }
0x9d: {  	v7 =	vld [tilespmem:$0x1FE10]  }
0x9e: {  	v18 =	vld [tilespmem:s28+$0xF0]  }
0x9f: {  	v9 =	vld [tilespmem:$0x1FE50]  }
0xa0: {  	v10 =	vld [tilespmem:$0x1FE60]  }
0xa1: {  	v19 =	vld [tilespmem:$0x1FDC0]  }
0xa2: {  	v32 =	vld [tilespmem:$0x1FDD0]  }
0xa3: {  	v35 =	vld [tilespmem:$0x1FE30]  }
0xa4: {  	v36 =	vld [tilespmem:$0x1FE40]  }
0xa5: {  	v41 =	vld [tilespmem:s28+$0x1F0]  }
0xa6: {  	v44 =	vld [tilespmem:s28+$0x270]  }
0xa7: {  	v45 =	vld [tilespmem:s28+$0x2E0]  }
0xa8: {  	v3 =	vld [tilespmem:$0x1FFD0]  }
0xa9: {  	v46 =	vld [tilespmem:$0x1FFE0]  }
0xaa: {  	v47 =	vld [tilespmem:$0x1FFF0];
	vm1 =	vnez.u8 v0  }
0xab: {  	v49 =	vld [tilespmem:$0x1FFA0];
	v4 =	vsel vm1, v53, v30;
	vm1 =	vnez.u8 v62  }
0xac: {  	v52 =	vld [tilespmem:s28+$0x3E0];
	v8 =	vsel vm1, v33, v50;
	vm1 =	vnez.u8 v63  }
0xad: {  	v54 =	vld [tilespmem:$0x1FF50];
	v15 =	vmax.f32 v4, v5;
	v11 =	vsel vm1, v34, v51;
	vm1 =	vnez.u8 v9  }
0xae: {  	v55 =	vld [tilespmem:$0x1FF70];
	v16 =	vmax.f32 v8, v6;
	v4 =	vsel vm1, v15, v4;
	vm1 =	vnez.u8 v10  }
0xaf: {  	v8 =	vsel vm1, v16, v8;
	v16 =	vld [tilespmem:$0x1FE70]  }
0xb0: {  	v56 =	vld [tilespmem:s28+$0x3F0]  }
0xb1: {  	v58 =	vld [tilespmem:$0x1FF10];
	v37 =	vmax.f32 v25, v48  }
0xb2: {  	v60 =	vld [tilespmem:$0x1FE20];
	v2 =	vsel vm14, v37, v25  }
0xb3: {  	v48 =	vld [tilespmem:$0x1FF80];
	v42 =	vmax.f32 v2, v43  }
0xb4: {  	v43 =	vld [tilespmem:s28+$0x260];
	v17 =	vmax.f32 v11, v7;
	v9 =	vmax.f32 v4, v12;
	vm1 =	vnez.u8 v16  }
0xb5: {  	v53 =	vld [tilespmem:$0x1FF30];
	v10 =	vmax.f32 v8, v19;
	v11 =	vsel vm1, v17, v11;
	vm1 =	vnez.u8 v35  }
0xb6: {  	v15 =	vld [tilespmem:s28+$0x160];
	v12 =	vmax.f32 v11, v32;
	v8 =	vsel vm1, v10, v8;
	vm1 =	vnez.u8 v36  }
0xb7: {  	v39 =	vmax.f32 v24, v59;
	v33 =	vld [tilespmem:s28+$0x170];
	v0 =	vsel vm1, v12, v11;
	v12 =	vmax.f32 v23, v13  }
0xb8: {  	v1 =	vsel vm15, v39, v24;
	v62 =	vld [tilespmem:$0x1FDE0];
	v2 =	vsel vm11, v42, v2;
	v40 =	vsel vm0, v12, v23  }
0xb9: {  	v50 =	vld [tilespmem:$0x1FFC0];
	v12 =	vmax.f32 v1, v14;
	vm0 =	vnez.u8 v3;
	v14 =	vmax.f32 v40, v18  }
0xba: {  	v51 =	vld [tilespmem:s28+$0x370];
	[tilespmem:$0x1FCB0] =	vst v0;
	v1 =	vsel vm12, v12, v1;
	v12 =	vmax.f32 v2, v38;
	v0 =	vsel vm13, v14, v40  }
0xbb: {  	v13 =	vld [tilespmem:s28+$0x1E0];
	v14 =	vmax.f32 v1, v15;
	v2 =	vsel vm0, v12, v2;
	vm0 =	vnez.u8 v46  }
0xbc: {  	v12 =	vld [tilespmem:s28+$0x2F0];
	v15 =	vmax.f32 v0, v33;
	v1 =	vsel vm0, v14, v1;
	vm0 =	vnez.u8 v47  }
0xbd: {  	v0 =	vsel vm0, v15, v0;
	v15 =	vld [tilespmem:s28+$0x360];
	s28 =	sshra.s32 s29, $0x2  }
0xbe: {  	v57 =	vld [tilespmem:s28+$0x380]  }
0xbf: {  	v30 =	vld [tilespmem:s28+$0xCB80]  }
0xc0: {  	v59 =	vld [tilespmem:s28+$0x390]  }
0xc1: {  	v33 =	vld [tilespmem:s28+$0xCB90]  }
0xc2: {  	v34 =	vsel vm10, v9, v4;
	v61 =	vld [tilespmem:s28+$0x3A0]  }
0xc3: {  	[tilespmem:$0x1FCA0] =	vst v34;
	v34 =	vld [tilespmem:s28+$0xCBA0]  }
0xc4: {  	v35 =	vld [tilespmem:s28+$0xCBB0]  }
0xc5: {  	v36 =	vld [tilespmem:s28+$0xCBC0]  }
0xc6: {  	v11 =	vld [tilespmem:s28+$0x3D0]  }
0xc7: {  	v37 =	vld [tilespmem:s28+$0xCBD0]  }
0xc8: {  	v38 =	vld [tilespmem:s28+$0xCBE0]  }
0xc9: {  	v39 =	vld [tilespmem:s28+$0xCBF0]  }
0xca: {  	v40 =	vld [tilespmem:s28+$0xCB00]  }
0xcb: {  	v9 =	vmax.f32 v0, v41;
	v41 =	vld [tilespmem:s28+$0xCB10]  }
0xcc: {  	v42 =	vld [tilespmem:s28+$0xCB20]  }
0xcd: {  	v17 =	vld [tilespmem:s28+$0x330]  }
0xce: {  	v18 =	vld [tilespmem:s28+$0x340]  }
0xcf: {  	v19 =	vld [tilespmem:s28+$0x350]  }
0xd0: {  	v46 =	vld [tilespmem:s28+$0xCB60]  }
0xd1: {  	v47 =	vld [tilespmem:s28+$0xCB70]  }
0xd2: {  	v4 =	vld [tilespmem:s28+$0x280]  }
0xd3: {  	vm0 =	vnez.u8 v48;
	v48 =	vld [tilespmem:s28+$0xCA80]  }
0xd4: {  	v14 =	vmax.f32 v2, v31;
	v26 =	vld [tilespmem:s28+$0x290]  }
0xd5: {  	v2 =	vsel vm0, v14, v2;
	vm0 =	vnez.u8 v49;
	v49 =	vld [tilespmem:s28+$0xCA90]  }
0xd6: {  	v32 =	vld [tilespmem:s28+$0x2A0]  }
0xd7: {  	v28 =	vld [tilespmem:s28+$0x200]  }
0xd8: {  	v29 =	vld [tilespmem:s28+$0x210]  }
0xd9: {  	v31 =	vld [tilespmem:s28+$0x180]  }
0xda: {  	v5 =	vld [tilespmem:s28+$0xC910]  }
0xdb: {  	v27 =	vld [tilespmem:s28+$0x120]  }
0xdc: {  	v6 =	vld [tilespmem:s28+$0xC920]  }
0xdd: {  	v13 =	vmax.f32 v1, v13;
	v20 =	vld [tilespmem:s28+$0xC940]  }
0xde: {  	v1 =	vsel vm0, v13, v1;
	v13 =	vmax.f32 v2, v22;
	v22 =	vld [tilespmem:s28+$0x310]  }
0xdf: {  	vm0 =	vnez.u8 v50;
	v50 =	vld [tilespmem:s28+$0xCAA0]  }
0xe0: {  	v14 =	vmax.f32 v1, v43;
	v43 =	vld [tilespmem:s28+$0xCB30]  }
0xe1: {  	v0 =	vsel vm0, v9, v0;
	vm0 =	vnez.u8 v53;
	v53 =	vld [tilespmem:s28+$0xCAD0]  }
0xe2: {  	v10 =	vmax.f32 v0, v44;
	v44 =	vld [tilespmem:s28+$0xCB40]  }
0xe3: {  	v2 =	vsel vm0, v13, v2;
	vm0 =	vnez.u8 v54;
	v54 =	vld [tilespmem:s28+$0xCAE0]  }
0xe4: {  	v13 =	vld [tilespmem:s28+$0x220]  }
0xe5: {  	v1 =	vsel vm0, v14, v1;
	v14 =	vmax.f32 v2, v21;
	v21 =	vld [tilespmem:s28+$0x300]  }
0xe6: {  	vm0 =	vnez.u8 v55;
	v55 =	vld [tilespmem:s28+$0xCAF0]  }
0xe7: {  	v16 =	vmax.f32 v1, v45;
	v45 =	vld [tilespmem:s28+$0xCB50]  }
0xe8: {  	[tilespmem:$0x1FE10] =	vst v18;
	v18 =	vld [tilespmem:s28+$0x2B0]  }
0xe9: {  	v2 =	vsel vm2, v14, v2;
	v14 =	vld [tilespmem:s28+$0x2C0]  }
0xea: {  	[tilespmem:$0x1FC50] =	vst v57;
	v57 =	vld [tilespmem:s28+$0xCA10]  }
0xeb: {  	v0 =	vsel vm0, v10, v0;
	vm0 =	vnez.u8 v58;
	v58 =	vld [tilespmem:s28+$0xCA20]  }
0xec: {  	[tilespmem:$0x1FC60] =	vst v59;
	v59 =	vld [tilespmem:s28+$0xCA30]  }
0xed: {  	[tilespmem:$0x1FC90] =	vst v61;
	v61 =	vld [tilespmem:s28+$0xCA50]  }
0xee: {  	[tilespmem:$0x1FDB0] =	vst v32;
	v32 =	vld [tilespmem:s28+$0x190]  }
0xef: {  	[tilespmem:$0x1FDE0] =	vst v11;
	v11 =	vld [tilespmem:s28+$0x1A0]  }
0xf0: {  	[tilespmem:$0x1FE00] =	vst v17;
	v17 =	vld [tilespmem:s28+$0x110]  }
0xf1: {  	[tilespmem:$0x1FE20] =	vst v19;
	v19 =	vld [tilespmem:s28+$0xC930]  }
0xf2: {  	v1 =	vsel vm3, v16, v1;
	v16 =	vld [tilespmem:s28+$0x320]  }
0xf3: {  	v7 =	vmax.f32 v2, v60;
	v60 =	vld [tilespmem:s28+$0xCA40]  }
0xf4: {  	v12 =	vmax.f32 v0, v12;
	v2 =	vsel vm9, v7, v2;
	v7 =	vld [tilespmem:s28+$0xC9C0]  }
0xf5: {  	v0 =	vsel vm0, v12, v0;
	v12 =	vmax.f32 v1, v15;
	v15 =	vld [tilespmem:s28+$0x100]  }
0xf6: {  	v9 =	vmax.f32 v0, v51;
	v51 =	vld [tilespmem:s28+$0xCAB0]  }
0xf7: {  	v3 =	vmax.f32 v2, v62;
	v62 =	vld [tilespmem:s28+$0xCA60]  }
0xf8: {  	vm1 =	vgt.f32 v38, $0.0e+00;
	v38 =	vimm.s32 $0x0;
	v1 =	vsel vm5, v12, v1;
	v12 =	vld [tilespmem:s28+$0xC9F0]  }
0xf9: {  	vm15 =	vgt.f32 v41, $0.0e+00;
	vm14 =	vgt.f32 v48, $0.0e+00;
	v0 =	vsel vm4, v9, v0;
	v9 =	vld [tilespmem:s28+$0x3B0]  }
0xfa: {  	vm0 =	vgt.f32 v30, $0.0e+00;
	v30 =	vimm.s32 $0x0;
	v63 =	vmax.f32 v1, v52;
	v52 =	vld [tilespmem:s28+$0xCAC0]  }
0xfb: {  	v48 =	vimm.s32 $0x0;
	v30 =	vsel vm0, $0xFFFFFFFF, v30;
	v25 =	vsel vm6, v3, v2;
	v2 =	vld [tilespmem:s28+$0xC9A0]  }
0xfc: {  	vm2 =	vgt.f32 v6, $0.0e+00;
	vm0 =	vgt.f32 v33, $0.0e+00;
	v3 =	vld [tilespmem:s28+$0xC9B0];
	[tilespmem:$0x1FC70] =	vst v30;
	v30 =	vimm.s32 $0x0  }
0xfd: {  	v10 =	vmax.f32 v0, v56;
	v24 =	vsel vm7, v63, v1;
	v56 =	vld [tilespmem:s28+$0xCA00];
	v30 =	vsel vm0, $0xFFFFFFFF, v30;
	[tilespmem:$0x1FDF0] =	vst v16  }
0xfe: {  	v63 =	vld [tilespmem:s28+$0xCA70];
	vm0 =	vgt.f32 v34, $0.0e+00;
	v34 =	vsel vm1, $0xFFFFFFFF, v38;
	[tilespmem:$0x1FC80] =	vst v30;
	v30 =	vimm.s32 $0x0  }
0xff: {  	v33 =	vimm.s32 $0x0;
	v23 =	vsel vm8, v10, v0;
	v10 =	vld [tilespmem:s28+$0x3C0];
	[tilespmem:$0x1FD70] =	vst v34;
	v30 =	vsel vm0, $0xFFFFFFFF, v30  }
0x100: {  	vm5 =	vgt.f32 v49, $0.0e+00;
	v49 =	vimm.s32 $0x0;
	v1 =	vld [tilespmem:s28+$0xC990];
	vm0 =	vgt.f32 v35, $0.0e+00;
	[tilespmem:$0x1FCF0] =	vst v30  }
0x101: {  	v0 =	vld [tilespmem:s28+$0xC980];
	v33 =	vsel vm0, $0xFFFFFFFF, v33;
	vm0 =	vgt.f32 v36, $0.0e+00;
	v36 =	vimm.s32 $0x0;
	[tilespmem:$0x1FDC0] =	vst v9  }
0x102: {  	v16 =	vld [tilespmem:s28+$0xC900];
	[tilespmem:$0x1FE30] =	vst v33;
	v33 =	vsel vm0, $0xFFFFFFFF, v36;
	vm0 =	vgt.f32 v37, $0.0e+00;
	v37 =	vimm.s32 $0x0  }
0x103: {  	vm1 =	vgt.f32 v39, $0.0e+00;
	vm3 =	vgt.f32 v19, $0.0e+00;
	v30 =	vld [tilespmem:s28+$0xC950];
	[tilespmem:$0x1FE40] =	vst v33;
	v33 =	vsel vm0, $0xFFFFFFFF, v37  }
0x104: {  	v9 =	vld [tilespmem:s28+$0xC9D0];
	vm0 =	vgt.f32 v40, $0.0e+00;
	v40 =	vimm.s32 $0x0;
	vm8 =	vgt.f32 v56, $0.0e+00;
	[tilespmem:$0x1FDD0] =	vst v10  }
0x105: {  	v56 =	vld [tilespmem:s28+$0xC8C0];
	[tilespmem:$0x1FD00] =	vst v33;
	v34 =	vsel vm1, $0xFFFFFFFF, v40;
	vm1 =	vgt.f32 v42, $0.0e+00;
	v42 =	vimm.s32 $0x0  }
0x106: {  	v10 =	vld [tilespmem:s28+$0xC9E0];
	[tilespmem:$0x1FCC0] =	vst v34;
	v35 =	vsel vm1, $0xFFFFFFFF, v42;
	vm1 =	vgt.f32 v43, $0.0e+00;
	v43 =	vimm.s32 $0x0  }
0x107: {  	v33 =	vld [tilespmem:s28+$0xC960];
	[tilespmem:$0x1FE50] =	vst v35;
	v35 =	vsel vm1, $0xFFFFFFFF, v43;
	vm1 =	vgt.f32 v44, $0.0e+00;
	v44 =	vimm.s32 $0x0  }
0x108: {  	v34 =	vld [tilespmem:s28+$0xC970];
	[tilespmem:$0x1FE60] =	vst v35;
	v36 =	vsel vm1, $0xFFFFFFFF, v44;
	vm1 =	vgt.f32 v45, $0.0e+00;
	v45 =	vimm.s32 $0x0  }
0x109: {  	v19 =	vld [tilespmem:$0x1FCC0];
	[tilespmem:$0x1FE70] =	vst v36;
	v36 =	vsel vm1, $0xFFFFFFFF, v45;
	vm1 =	vgt.f32 v46, $0.0e+00;
	v46 =	vimm.s32 $0x0  }
0x10a: {  	vm9 =	vgt.f32 v57, $0.0e+00;
	v35 =	vld [tilespmem:s28+$0x80];
	[tilespmem:$0x1FCD0] =	vst v36;
	v36 =	vsel vm1, $0xFFFFFFFF, v46;
	vm1 =	vgt.f32 v47, $0.0e+00  }
0x10b: {  	v44 =	vld [tilespmem:s28+$0x10];
	[tilespmem:$0x1FCE0] =	vst v36;
	v37 =	vsel vm1, $0xFFFFFFFF, v49;
	vm1 =	vgt.f32 v50, $0.0e+00;
	v50 =	vimm.s32 $0x0  }
0x10c: {  	v47 =	vld [tilespmem:s28+$0xC810];
	[tilespmem:$0x1FD30] =	vst v37;
	v38 =	vsel vm1, $0xFFFFFFFF, v50;
	vm1 =	vgt.f32 v51, $0.0e+00;
	v51 =	vimm.s32 $0x0  }
0x10d: {  	v36 =	vld [tilespmem:s28+$0xC880];
	[tilespmem:$0x1FE80] =	vst v38;
	v38 =	vsel vm1, $0xFFFFFFFF, v51;
	vm1 =	vgt.f32 v52, $0.0e+00;
	v52 =	vimm.s32 $0x0  }
0x10e: {  	v37 =	vld [tilespmem:s28+$0x90];
	[tilespmem:$0x1FE90] =	vst v38;
	v38 =	vsel vm1, $0xFFFFFFFF, v52;
	vm1 =	vgt.f32 v53, $0.0e+00;
	v53 =	vimm.s32 $0x0  }
0x10f: {  	[tilespmem:$0x1FED0] =	vst v38;
	v38 =	vld [tilespmem:s28+$0xC890];
	v39 =	vsel vm1, $0xFFFFFFFF, v53;
	vm1 =	vgt.f32 v54, $0.0e+00;
	v54 =	vimm.s32 $0x0  }
0x110: {  	v53 =	vld [tilespmem:s28+$0xC8A0];
	[tilespmem:$0x1FD10] =	vst v39;
	v39 =	vsel vm1, $0xFFFFFFFF, v54;
	vm1 =	vgt.f32 v55, $0.0e+00;
	v55 =	vimm.s32 $0x0  }
0x111: {  	v57 =	vimm.s32 $0x0;
	[tilespmem:$0x1FD20] =	vst v39;
	v39 =	vsel vm1, $0xFFFFFFFF, v55;
	vm1 =	vgt.f32 v58, $0.0e+00;
	v58 =	vld [tilespmem:s28+$0xC800]  }
0x112: {  	vm13 =	vgt.f32 v1, $0.0e+00;
	vm12 =	vgt.f32 v0, $0.0e+00;
	vm10 =	vgt.f32 v30, $0.0e+00;
	v55 =	vld [tilespmem:s28+$0xC8B0]  }
0x113: {  	[tilespmem:$0x1FF10] =	vst v39;
	v39 =	vld [tilespmem:s28+$0x0];
	v40 =	vsel vm1, $0xFFFFFFFF, v57;
	vm1 =	vgt.f32 v59, $0.0e+00;
	v59 =	vimm.s32 $0x0  }
0x114: {  	v57 =	vimm.s32 $0x0;
	v41 =	vsel vm1, $0xFFFFFFFF, v59;
	vm1 =	vgt.f32 v60, $0.0e+00;
	v59 =	vld [tilespmem:$0x1FEA0]  }
0x115: {  	v60 =	vimm.s32 $0x0;
	v6 =	vsel vm10, $0xFFFFFFFF, v57;
	vm10 =	vgt.f32 v33, $0.0e+00;
	v33 =	vld [tilespmem:s28+$0xC8E0]  }
0x116: {  	v57 =	vld [tilespmem:$0x1FC60];
	[tilespmem:$0x1FD90] =	vst v41;
	v41 =	vsel vm1, $0xFFFFFFFF, v60;
	vm1 =	vgt.f32 v61, $0.0e+00;
	v61 =	vimm.s32 $0x0  }
0x117: {  	v45 =	vimm.s32 $0x0;
	[tilespmem:$0x1FDA0] =	vst v41;
	v41 =	vsel vm1, $0xFFFFFFFF, v61;
	vm1 =	vgt.f32 v62, $0.0e+00;
	v61 =	vld [tilespmem:$0x1FEB0]  }
0x118: {  	v46 =	vimm.s32 $0x0;
	[tilespmem:$0x1FF30] =	vst v41;
	v0 =	vsel vm1, $0xFFFFFFFF, v45;
	vm1 =	vgt.f32 v63, $0.0e+00;
	v63 =	vld [tilespmem:s28+$0xC8D0]  }
0x119: {  	v49 =	vimm.s32 $0x0;
	v41 =	vld [tilespmem:s28+$0xC830];
	[tilespmem:$0x1FF50] =	vst v0;
	v0 =	vsel vm1, $0xFFFFFFFF, v46;
	vm1 =	vgt.f32 v2, $0.0e+00  }
0x11a: {  	v1 =	vsel vm1, $0xFFFFFFFF, v48;
	vm1 =	vgt.f32 v3, $0.0e+00;
	v60 =	vmax.f32 v59, v39;
	v39 =	vld [tilespmem:s28+$0xC820]  }
0x11b: {  	v48 =	vld [tilespmem:s28+$0xC870];
	[tilespmem:$0x1FD40] =	vst v1;
	v1 =	vsel vm1, $0xFFFFFFFF, v49  }
0x11c: {  	v50 =	vimm.s32 $0x0;
	v51 =	vimm.s32 $0x0;
	vm1 =	vgt.f32 v7, $0.0e+00;
	[tilespmem:$0x1FD50] =	vst v1;
	v1 =	vld [tilespmem:s28+$0xA0]  }
0x11d: {  	v2 =	vsel vm1, $0xFFFFFFFF, v50;
	vm1 =	vgt.f32 v9, $0.0e+00;
	v62 =	vmax.f32 v61, v44;
	v44 =	vld [tilespmem:s28+$0xC850]  }
0x11e: {  	v52 =	vimm.s32 $0x0;
	[tilespmem:$0x1FD60] =	vst v2;
	v2 =	vsel vm1, $0xFFFFFFFF, v51;
	vm1 =	vgt.f32 v10, $0.0e+00;
	v51 =	vld [tilespmem:s28+$0x40]  }
0x11f: {  	v54 =	vimm.s32 $0x0;
	[tilespmem:$0x1FF80] =	vst v2;
	v2 =	vsel vm1, $0xFFFFFFFF, v52;
	vm1 =	vgt.f32 v12, $0.0e+00;
	v52 =	vld [tilespmem:s28+$0xB0]  }
0x120: {  	v3 =	vsel vm1, $0xFFFFFFFF, v54;
	vm1 =	vgt.f32 v58, $0.0e+00;
	v58 =	vimm.s32 $0x0;
	v54 =	vld [tilespmem:s28+$0xC0]  }
0x121: {  	[tilespmem:$0x1FFD0] =	vst v6;
	v6 =	vsel vm10, $0xFFFFFFFF, v58;
	vm10 =	vgt.f32 v47, $0.0e+00;
	v47 =	vld [tilespmem:s28+$0xC860]  }
0x122: {  	v58 =	vld [tilespmem:s28+$0x140]  }
0x123: {  	[tilespmem:$0x1FFE0] =	vst v6;
	v6 =	vsel vm1, v60, v59;
	vm1 =	vgt.f32 v36, $0.0e+00;
	v36 =	vld [tilespmem:s28+$0xC8F0]  }
0x124: {  	v59 =	vld [tilespmem:$0x1FC70]  }
0x125: {  	v60 =	vld [tilespmem:$0x1FC80]  }
0x126: {  	[tilespmem:$0x1FF70] =	vst v0;
	v0 =	vsel vm10, v62, v61;
	v61 =	vld [tilespmem:$0x1FCA0]  }
0x127: {  	v35 =	vmax.f32 v6, v35;
	v12 =	vmax.f32 v0, v37;
	v37 =	vld [tilespmem:s28+$0x20]  }
0x128: {  	v6 =	vsel vm1, v35, v6;
	vm1 =	vgt.f32 v34, $0.0e+00;
	v34 =	vld [tilespmem:s28+$0x1C0]  }
0x129: {  	vm11 =	vgt.f32 v5, $0.0e+00;
	vm4 =	vgt.f32 v20, $0.0e+00;
	vm6 =	vgt.f32 v16, $0.0e+00;
	v35 =	vld [tilespmem:s28+$0x230]  }
0x12a: {  	[tilespmem:$0x1FD80] =	vst v40;
	vm10 =	vgt.f32 v38, $0.0e+00;
	v38 =	vimm.s32 $0x0;
	v40 =	vmax.f32 v6, v15;
	v15 =	vld [tilespmem:s28+$0x30]  }
0x12b: {  	v0 =	vsel vm10, v12, v0;
	v10 =	vsel vm1, $0xFFFFFFFF, v38;
	vm1 =	vgt.f32 v55, $0.0e+00;
	v55 =	vld [tilespmem:s28+$0x130]  }
0x12c: {  	[tilespmem:$0x1FFA0] =	vst v2;
	vm10 =	vgt.f32 v53, $0.0e+00;
	v12 =	vmax.f32 v0, v17;
	v17 =	vld [tilespmem:s28+$0x1B0];
	v2 =	vsel vm6, v40, v6  }
0x12d: {  	v38 =	vld [tilespmem:s28+$0x150];
	v0 =	vsel vm11, v12, v0;
	vm6 =	vgt.f32 v56, $0.0e+00;
	vm11 =	vgt.f32 v63, $0.0e+00  }
0x12e: {  	v12 =	vld [tilespmem:s28+$0xC840];
	v42 =	vmax.f32 v2, v31;
	v43 =	vmax.f32 v0, v32;
	vm7 =	vnez.u8 v59  }
0x12f: {  	v56 =	vld [tilespmem:$0x1FC50];
	v2 =	vsel vm12, v42, v2;
	v0 =	vsel vm13, v43, v0;
	vm12 =	vgt.f32 v33, $0.0e+00  }
0x130: {  	v32 =	vld [tilespmem:$0x1FCD0];
	vm13 =	vgt.f32 v36, $0.0e+00;
	v45 =	vmax.f32 v2, v28;
	v46 =	vmax.f32 v0, v29  }
0x131: {  	v31 =	vld [tilespmem:s28+$0x1D0];
	v62 =	vmax.f32 v61, v37;
	v2 =	vsel vm8, v45, v2;
	v0 =	vsel vm9, v46, v0  }
0x132: {  	vm8 =	vgt.f32 v39, $0.0e+00;
	v63 =	vmax.f32 v8, v15;
	v15 =	vld [tilespmem:$0x1FCB0];
	v49 =	vmax.f32 v2, v4  }
0x133: {  	v33 =	vld [tilespmem:$0x1FCE0];
	vm9 =	vgt.f32 v41, $0.0e+00;
	v50 =	vmax.f32 v0, v26;
	v2 =	vsel vm14, v49, v2  }
0x134: {  	v43 =	vld [tilespmem:$0x1FCF0];
	v0 =	vsel vm5, v50, v0;
	vm5 =	vgt.f32 v12, $0.0e+00;
	v53 =	vmax.f32 v2, v21  }
0x135: {  	v46 =	vld [tilespmem:$0x1FD00];
	vm14 =	vgt.f32 v44, $0.0e+00;
	v12 =	vmax.f32 v0, v22;
	v2 =	vsel vm0, v53, v2  }
0x136: {  	[tilespmem:$0x1FFC0] =	vst v3;
	v49 =	vld [tilespmem:$0x1FD10];
	v0 =	vsel vm15, v12, v0;
	vm15 =	vgt.f32 v47, $0.0e+00;
	vm0 =	vgt.f32 v48, $0.0e+00  }
0x137: {  	[tilespmem:$0x1FFF0] =	vst v10;
	v50 =	vld [tilespmem:$0x1FD20];
	v10 =	vmax.f32 v2, v56;
	v12 =	vmax.f32 v0, v57;
	v3 =	vmax.f32 v15, v51  }
0x138: {  	v21 =	vld [tilespmem:s28+$0x2D0];
	v2 =	vsel vm7, v10, v2;
	vm7 =	vnez.u8 v60;
	v3 =	vsel vm5, v3, v15  }
0x139: {  	v47 =	vld [tilespmem:s28+$0x240];
	vm5 =	vnez.u8 v33;
	[tilespmem:$0x1FEA0] =	vst v2;
	v0 =	vsel vm7, v12, v0;
	v2 =	vsel vm9, v63, v8  }
0x13a: {  	v51 =	vld [tilespmem:$0x1FD30];
	vm9 =	vnez.u8 v32;
	v5 =	vmax.f32 v3, v54;
	v7 =	vmax.f32 v2, v52  }
0x13b: {  	v54 =	vld [tilespmem:$0x1FD40];
	[tilespmem:$0x1FEB0] =	vst v0;
	v0 =	vsel vm8, v62, v61;
	vm8 =	vnez.u8 v19;
	v44 =	vsel vm1, v7, v2  }
0x13c: {  	v45 =	vsel vm6, v5, v3;
	v1 =	vmax.f32 v0, v1;
	v7 =	vmax.f32 v44, v55;
	v55 =	vld [tilespmem:$0x1FD50]  }
0x13d: {  	v56 =	vld [tilespmem:$0x1FD60];
	vm6 =	vnez.u8 v46;
	v6 =	vmax.f32 v45, v58;
	v0 =	vsel vm10, v1, v0  }
0x13e: {  	v60 =	vld [tilespmem:$0x1FD80];
	vm10 =	vnez.u8 v43;
	v2 =	vsel vm4, v6, v45;
	v48 =	vmax.f32 v0, v27  }
0x13f: {  	v61 =	vld [tilespmem:$0x1FD90];
	vm4 =	vnez.u8 v51;
	v1 =	vsel vm3, v7, v44;
	v0 =	vsel vm2, v48, v0  }
0x140: {  	v62 =	vld [tilespmem:$0x1FDA0];
	vm3 =	vnez.u8 v50;
	vm1 =	vnez.u8 v54;
	v52 =	vmax.f32 v0, v11  }
0x141: {  	v57 =	vld [tilespmem:$0x1FD70];
	v53 =	vmax.f32 v1, v17;
	v0 =	vsel vm1, v52, v0;
	vm1 =	vnez.u8 v55  }
0x142: {  	p1 =	sne.s32 s29, $0x18000;
	v63 =	vld [tilespmem:$0x1FDB0];
	v4 =	vmax.f32 v2, v34;
	v1 =	vsel vm1, v53, v1;
	vm1 =	vnez.u8 v56  }
.Ltmp0:
0x143: {  	v22 =	vld [tilespmem:s28+$0x250];
	v58 =	vmax.f32 v0, v13;
	v2 =	vsel vm1, v4, v2;
	vm1 =	vnez.u8 v60;
	(pc) =	sbr.rel @p1 .LBB2_3-.Ltmp0, $4  }
0x144: {  	v12 =	vld [tilespmem:$0x1FC90];
	v59 =	vmax.f32 v1, v35;
	v30 =	vsel vm1, v58, v0;
	vm1 =	vnez.u8 v61  }
0x145: {  	v43 =	vld [tilespmem:s28+$0xD0];
	v3 =	vmax.f32 v2, v47;
	v50 =	vsel vm1, v59, v1;
	vm1 =	vnez.u8 v62  }
0x146: {  	vm7 =	vnez.u8 v57;
	vm2 =	vnez.u8 v49;
	v48 =	vld [tilespmem:s28+$0x50];
	v51 =	vsel vm1, v3, v2  }
0x147: {  	s29 =	sadd.s32 $0x1000, s29;
	v59 =	vld [tilespmem:s28+$0x60];
	v53 =	vmax.f32 v30, v63;
	v33 =	vmax.f32 v50, v18;
	v34 =	vmax.f32 v51, v14  }
0x148: {  	v5 =	vld [tilespmem:s28+$0x70]  }
0x149: {  	v7 =	vld [tilespmem:s28+$0xE0]  }
0x14a: {  	v6 =	vld [tilespmem:s28+$0xF0]  }
0x14b: {  	v10 =	vld [tilespmem:s28+$0x160]  }
0x14c: {  	v9 =	vld [tilespmem:s28+$0x170]  }
0x14d: {  	v15 =	vld [tilespmem:s28+$0x1E0]  }
0x14e: {  	v17 =	vld [tilespmem:s28+$0x1F0]  }
0x14f: {  	v19 =	vld [tilespmem:s28+$0x260]  }
0x150: {  	v20 =	vld [tilespmem:s28+$0x270]  }
0x151: {  	v35 =	vld [tilespmem:s28+$0x2E0]  }
0x152: {  	v36 =	vld [tilespmem:s28+$0x2F0]  }
0x153: {  	v61 =	vld [tilespmem:s28+$0x360]  }
0x154: {  	v62 =	vld [tilespmem:s28+$0x370]  }
0x155: {  	v57 =	vld [tilespmem:s28+$0x3E0];
	s26 =	sadd.s32 s9, s26  }
0x156: {  	v58 =	vld [tilespmem:s28+$0x3F0];
	s29 =	simm.s32 $0x0;
	s28 =	sadd.s32 s1, s26  }
0x157: {  	[tilespmem:s29], [sflag:$0x1] =	stream.strided.gather [hbm4b:s28+s14], $0x6400, s15, s14, $0x38;
	[tilespmem:$0x19080] =	vst v63  }
0x158: {  	s26 =	sadd.s32 s3, s26  }
0x159: {  	[tilespmem:s16], [sflag:$0x3] =	stream.strided.gather [hbm4b:s26+s14], $0x6400, s15, s14, $0x38;
	[tilespmem:$0x19080] =	vst v63  }
0x15a: {  	_ =	swait.ge [sflag:s21], $0x6400  }
0x15b: {  	[sflag:s21] =	ssyncset.done $0x0  }
0x15c: {  	[sflag:s21] =	ssyncadd.s32 $0xFFFF9C00  }
0x15d: {  	_ =	swait.ge [sflag:s22], $0x6400  }
0x15e: {  	[sflag:s22] =	ssyncset.done $0x0  }
0x15f: {  	s26 =	simm.s32 $0x0;
	[sflag:s22] =	ssyncadd.s32 $0xFFFF9C00  }
0x160: {  	v0 =	vld [tilespmem:s26+$0x6780];
	_ =	sdelay $0x4  }
0x161: {  	[tilespmem:$0x1FAE0] =	vst v0;
	v0 =	vld [tilespmem:s26+$0x6790];
	_ =	sdelay $0x4  }
0x162: {  	[tilespmem:$0x1FB10] =	vst v0;
	v0 =	vld [tilespmem:s26+$0x67C0];
	_ =	sdelay $0x4  }
0x163: {  	[tilespmem:$0x1F9C0] =	vst v0;
	v0 =	vld [tilespmem:s26+$0x6700];
	_ =	sdelay $0x4  }
0x164: {  	[tilespmem:$0x1FA90] =	vst v0;
	v0 =	vld [tilespmem:s26+$0x6710];
	_ =	sdelay $0x4  }
0x165: {  	[tilespmem:$0x1FAD0] =	vst v0;
	v0 =	vld [tilespmem:s26+$0x6730];
	_ =	sdelay $0x4  }
0x166: {  	[tilespmem:$0x1F9D0] =	vst v0;
	v0 =	vld [tilespmem:s26+$0x6740];
	_ =	sdelay $0x4  }
0x167: {  	[tilespmem:$0x1F9E0] =	vst v0;
	v0 =	vld [tilespmem:s26+$0x12F70];
	_ =	sdelay $0x4  }
0x168: {  	[tilespmem:$0x1FAA0] =	vst v0;
	v0 =	vld [tilespmem:s26+$0x6690];
	_ =	sdelay $0x4  }
0x169: {  	[tilespmem:$0x1FA80] =	vst v0;
	v0 =	vld [tilespmem:s26+$0x66A0];
	_ =	sdelay $0x4  }
0x16a: {  	[tilespmem:$0x1FB80] =	vst v0;
	v0 =	vld [tilespmem:s26+$0x12EA0];
	_ =	sdelay $0x4  }
0x16b: {  	[tilespmem:$0x1FAB0] =	vst v0;
	v0 =	vld [tilespmem:s26+$0x66B0];
	_ =	sdelay $0x4  }
0x16c: {  	[tilespmem:$0x1FB90] =	vst v0;
	v0 =	vld [tilespmem:s26+$0x12EB0];
	_ =	sdelay $0x4  }
0x16d: {  	[tilespmem:$0x1FAF0] =	vst v0;
	v0 =	vld [tilespmem:s26+$0x66C0];
	_ =	sdelay $0x4  }
0x16e: {  	[tilespmem:$0x1FBA0] =	vst v0;
	v0 =	vld [tilespmem:s26+$0x12EC0];
	_ =	sdelay $0x4  }
0x16f: {  	[tilespmem:$0x1FB60] =	vst v0;
	v0 =	vld [tilespmem:s26+$0x12ED0];
	_ =	sdelay $0x4  }
0x170: {  	[tilespmem:$0x1FB70] =	vst v0;
	v0 =	vld [tilespmem:s26+$0x12EE0];
	_ =	sdelay $0x4  }
0x171: {  	[tilespmem:$0x1FBB0] =	vst v0;
	v0 =	vld [tilespmem:s26+$0x12EF0];
	_ =	sdelay $0x4  }
0x172: {  	[tilespmem:$0x1FBD0] =	vst v0;
	v0 =	vld [tilespmem:s26+$0x6620];
	_ =	sdelay $0x4  }
0x173: {  	[tilespmem:$0x1FB30] =	vst v0;
	v0 =	vld [tilespmem:s26+$0x12E20];
	_ =	sdelay $0x4  }
0x174: {  	[tilespmem:$0x1FB20] =	vst v0;
	v0 =	vld [tilespmem:s26+$0x12E30];
	_ =	sdelay $0x4  }
0x175: {  	[tilespmem:$0x1FB40] =	vst v0;
	v0 =	vld [tilespmem:s26+$0x12E40];
	_ =	sdelay $0x4  }
0x176: {  	[tilespmem:$0x1FB50] =	vst v0;
	v0 =	vld [tilespmem:$0x1FE80];
	_ =	sdelay $0x4  }
0x177: {  	vm1 =	vnez.u8 v0;
	v0 =	vld [tilespmem:$0x1FE90];
	_ =	sdelay $0x4  }
0x178: {  	v53 =	vsel vm1, v53, v30;
	vm1 =	vnez.u8 v0;
	v0 =	vld [tilespmem:$0x1FED0]  }
0x179: {  	v2 =	vld [tilespmem:$0x1FE50];
	_ =	sdelay $0x3  }
0x17a: {  	v50 =	vsel vm1, v33, v50;
	vm1 =	vnez.u8 v0;
	v0 =	vld [tilespmem:$0x1FDF0]  }
0x17b: {  	v34 =	vsel vm1, v34, v51;
	vm1 =	vnez.u8 v2;
	v2 =	vld [tilespmem:$0x1FE60];
	_ =	sdelay $0x3  }
0x17c: {  	v51 =	vmax.f32 v53, v0;
	v0 =	vld [tilespmem:$0x1FE00]  }
0x17d: {  	v51 =	vsel vm1, v51, v53;
	vm1 =	vnez.u8 v2;
	v2 =	vld [tilespmem:$0x1FE70];
	_ =	sdelay $0x2  }
0x17e: {  	v1 =	vld [tilespmem:$0x1FE10]  }
0x17f: {  	v11 =	vld [tilespmem:$0x1FE30];
	v0 =	vmax.f32 v50, v0  }
0x180: {  	v0 =	vsel vm1, v0, v50;
	vm1 =	vnez.u8 v2;
	v2 =	vld [tilespmem:$0x1FDC0];
	_ =	sdelay $0x3  }
0x181: {  	v1 =	vmax.f32 v34, v1;
	v53 =	vmax.f32 v51, v12  }
0x182: {  	v1 =	vsel vm1, v1, v34;
	vm1 =	vnez.u8 v11;
	v2 =	vmax.f32 v0, v2  }
0x183: {  	v53 =	vsel vm10, v53, v51;
	v51 =	vsel vm1, v2, v0;
	v0 =	vld [tilespmem:$0x1FE40];
	_ =	sdelay $0x3  }
0x184: {  	v11 =	vld [tilespmem:$0x1FFD0]  }
0x185: {  	vm1 =	vnez.u8 v0;
	v0 =	vmax.f32 v25, v48  }
0x186: {  	v2 =	vmax.f32 v23, v5;
	v0 =	vsel vm14, v0, v25  }
0x187: {  	v2 =	vsel vm0, v2, v23;
	v43 =	vmax.f32 v0, v43  }
0x188: {  	v6 =	vmax.f32 v2, v6;
	v0 =	vsel vm11, v43, v0  }
0x189: {  	v3 =	vld [tilespmem:$0x1FDD0];
	vm0 =	vnez.u8 v11;
	v2 =	vsel vm13, v6, v2;
	v6 =	vmax.f32 v0, v38  }
0x18a: {  	v0 =	vsel vm0, v6, v0;
	v6 =	vld [tilespmem:$0x1FFE0];
	_ =	sdelay $0x3  }
0x18b: {  	v3 =	vmax.f32 v1, v3  }
0x18c: {  	v50 =	vsel vm1, v3, v1;
	v1 =	vmax.f32 v24, v59;
	vm0 =	vnez.u8 v6;
	v6 =	vld [tilespmem:$0x1FFF0]  }
0x18d: {  	v11 =	vld [tilespmem:$0x1FF80];
	v1 =	vsel vm15, v1, v24  }
0x18e: {  	v48 =	vmax.f32 v1, v7  }
0x18f: {  	v1 =	vsel vm12, v48, v1  }
0x190: {  	v10 =	vmax.f32 v1, v10  }
0x191: {  	v9 =	vmax.f32 v2, v9;
	v1 =	vsel vm0, v10, v1;
	vm0 =	vnez.u8 v6  }
0x192: {  	v6 =	vmax.f32 v0, v31;
	v2 =	vsel vm0, v9, v2;
	vm0 =	vnez.u8 v11  }
0x193: {  	v0 =	vsel vm0, v6, v0;
	v6 =	vld [tilespmem:$0x1FFA0];
	_ =	sdelay $0x4  }
0x194: {  	vm0 =	vnez.u8 v6;
	v6 =	vld [tilespmem:$0x1FFC0]  }
0x195: {  	v11 =	vld [tilespmem:$0x1FF30];
	_ =	sdelay $0x2  }
0x196: {  	v10 =	vmax.f32 v1, v15  }
0x197: {  	v15 =	vmax.f32 v2, v17;
	v1 =	vsel vm0, v10, v1;
	vm0 =	vnez.u8 v6  }
0x198: {  	v6 =	vmax.f32 v0, v22;
	v2 =	vsel vm0, v15, v2;
	vm0 =	vnez.u8 v11  }
0x199: {  	v0 =	vsel vm0, v6, v0;
	v6 =	vld [tilespmem:$0x1FF50];
	_ =	sdelay $0x4  }
0x19a: {  	vm0 =	vnez.u8 v6;
	v6 =	vld [tilespmem:$0x1FF70]  }
0x19b: {  	v11 =	vld [tilespmem:$0x1FF10];
	_ =	sdelay $0x2  }
0x19c: {  	v15 =	vmax.f32 v1, v19  }
0x19d: {  	v19 =	vmax.f32 v2, v20;
	v1 =	vsel vm0, v15, v1;
	vm0 =	vnez.u8 v6  }
0x19e: {  	v2 =	vsel vm0, v19, v2;
	vm0 =	vnez.u8 v11;
	v11 =	vld [tilespmem:$0x1FE20];
	_ =	sdelay $0x2  }
0x19f: {  	v42 =	vld [tilespmem:s26+$0x12FA0];
	v15 =	vmax.f32 v0, v21  }
0x1a0: {  	v0 =	vsel vm2, v15, v0;
	v19 =	vmax.f32 v1, v35  }
0x1a1: {  	v1 =	vsel vm3, v19, v1;
	v19 =	vmax.f32 v0, v11;
	v11 =	vld [tilespmem:$0x1FDE0];
	_ =	sdelay $0x1  }
0x1a2: {  	v20 =	vmax.f32 v2, v36  }
0x1a3: {  	v44 =	vld [tilespmem:s26+$0x12FB0];
	vm2 =	vgt.f32 v42, $0.0e+00;
	v2 =	vsel vm0, v20, v2  }
0x1a4: {  	v20 =	vmax.f32 v1, v61;
	v22 =	vmax.f32 v2, v62;
	v0 =	vsel vm9, v19, v0  }
0x1a5: {  	v32 =	vld [tilespmem:s26+$0x12FC0];
	v1 =	vsel vm5, v20, v1;
	v2 =	vsel vm4, v22, v2;
	v20 =	vmax.f32 v0, v11  }
0x1a6: {  	v22 =	vmax.f32 v1, v57;
	v57 =	vsel vm6, v20, v0;
	v0 =	vimm.s32 $0x0  }
0x1a7: {  	v29 =	vld [tilespmem:s26+$0x12FD0];
	v0 =	vsel vm2, $0xFFFFFFFF, v0  }
0x1a8: {  	vm2 =	vgt.f32 v44, $0.0e+00;
	[tilespmem:$0x1F9F0] =	vst v0;
	v0 =	vimm.s32 $0x0  }
0x1a9: {  	v41 =	vld [tilespmem:s26+$0x12FF0];
	v0 =	vsel vm2, $0xFFFFFFFF, v0  }
0x1aa: {  	v16 =	vld [tilespmem:s26+$0x12F00];
	vm2 =	vgt.f32 v32, $0.0e+00;
	[tilespmem:$0x1FA00] =	vst v0;
	v0 =	vimm.s32 $0x0  }
0x1ab: {  	v26 =	vld [tilespmem:s26+$0x12F20];
	v0 =	vsel vm2, $0xFFFFFFFF, v0  }
0x1ac: {  	v4 =	vld [tilespmem:s26+$0x12F30];
	vm2 =	vgt.f32 v29, $0.0e+00;
	[tilespmem:$0x1FA10] =	vst v0;
	v0 =	vimm.s32 $0x0  }
0x1ad: {  	v8 =	vld [tilespmem:s26+$0x12F40];
	v0 =	vsel vm2, $0xFFFFFFFF, v0  }
0x1ae: {  	v28 =	vld [tilespmem:s26+$0x12F50];
	vm2 =	vgt.f32 v41, $0.0e+00;
	[tilespmem:$0x1FA20] =	vst v0;
	v0 =	vimm.s32 $0x0  }
0x1af: {  	v56 =	vld [tilespmem:s26+$0x6600];
	v0 =	vsel vm2, $0xFFFFFFFF, v0  }
0x1b0: {  	v60 =	vld [tilespmem:s26+$0x12E00];
	vm4 =	vgt.f32 v26, $0.0e+00;
	[tilespmem:$0x1FA30] =	vst v0;
	v0 =	vimm.s32 $0x0  }
0x1b1: {  	v12 =	vld [tilespmem:s26+$0x6580];
	v0 =	vsel vm4, $0xFFFFFFFF, v0  }
0x1b2: {  	v3 =	vld [tilespmem:s26+$0x12D80];
	vm4 =	vgt.f32 v4, $0.0e+00;
	[tilespmem:$0x1FA40] =	vst v0;
	v0 =	vimm.s32 $0x0  }
0x1b3: {  	v25 =	vld [tilespmem:s26+$0x12D10];
	v0 =	vsel vm4, $0xFFFFFFFF, v0  }
0x1b4: {  	v36 =	vld [tilespmem:s26+$0x6400];
	vm4 =	vgt.f32 v8, $0.0e+00;
	[tilespmem:$0x1FA50] =	vst v0;
	v0 =	vimm.s32 $0x0  }
0x1b5: {  	v20 =	vld [tilespmem:s26+$0x12C00];
	v0 =	vsel vm4, $0xFFFFFFFF, v0  }
0x1b6: {  	[tilespmem:$0x1FA60] =	vst v0;
	v0 =	vld [tilespmem:$0x1FEA0]  }
0x1b7: {  	v24 =	vld [tilespmem:s26+$0x12C90]  }
0x1b8: {  	v31 =	vld [tilespmem:s26+$0x6480]  }
0x1b9: {  	v62 =	vmax.f32 v2, v58;
	v58 =	vsel vm7, v22, v1;
	v22 =	vld [tilespmem:s26+$0x12C10]  }
0x1ba: {  	v19 =	vld [tilespmem:s26+$0x12C80]  }
0x1bb: {  	v29 =	vld [tilespmem:s26+$0x6410];
	vm4 =	vgt.f32 v20, $0.0e+00;
	v20 =	vmax.f32 v0, v36  }
0x1bc: {  	v20 =	vsel vm4, v20, v0;
	v0 =	vld [tilespmem:$0x1FEB0]  }
0x1bd: {  	v6 =	vld [tilespmem:s26+$0x6500]  }
0x1be: {  	vm3 =	vgt.f32 v16, $0.0e+00;
	v16 =	vld [tilespmem:s26+$0x6490]  }
0x1bf: {  	v21 =	vld [tilespmem:s26+$0x12D00];
	vm5 =	vgt.f32 v28, $0.0e+00;
	v1 =	vimm.s32 $0x0  }
0x1c0: {  	v15 =	vld [tilespmem:s26+$0x6510];
	v1 =	vsel vm5, $0xFFFFFFFF, v1;
	vm5 =	vgt.f32 v22, $0.0e+00  }
0x1c1: {  	v5 =	vld [tilespmem:s26+$0x6590];
	vm4 =	vgt.f32 v19, $0.0e+00;
	v23 =	vmax.f32 v20, v31;
	v19 =	vmax.f32 v0, v29  }
0x1c2: {  	v59 =	vld [tilespmem:s26+$0x12D90];
	v20 =	vsel vm4, v23, v20;
	v19 =	vsel vm5, v19, v0  }
0x1c3: {  	v54 =	vld [tilespmem:s26+$0x6610];
	vm4 =	vgt.f32 v24, $0.0e+00;
	v6 =	vmax.f32 v20, v6;
	v16 =	vmax.f32 v19, v16  }
0x1c4: {  	v55 =	vld [tilespmem:s26+$0x12E10];
	vm5 =	vgt.f32 v21, $0.0e+00;
	v16 =	vsel vm4, v16, v19;
	vm4 =	vgt.f32 v3, $0.0e+00  }
0x1c5: {  	v3 =	vsel vm5, v6, v20;
	vm5 =	vgt.f32 v25, $0.0e+00;
	v6 =	vmax.f32 v16, v15  }
0x1c6: {  	v0 =	vld [tilespmem:$0x1FA80];
	v12 =	vmax.f32 v3, v12;
	v6 =	vsel vm5, v6, v16  }
0x1c7: {  	v3 =	vsel vm4, v12, v3;
	vm4 =	vgt.f32 v59, $0.0e+00;
	v5 =	vmax.f32 v6, v5  }
0x1c8: {  	v49 =	vld [tilespmem:s26+$0x6680];
	vm5 =	vgt.f32 v60, $0.0e+00;
	v16 =	vmax.f32 v3, v56;
	v5 =	vsel vm4, v5, v6  }
0x1c9: {  	v52 =	vld [tilespmem:s26+$0x12E80];
	v3 =	vsel vm5, v16, v3;
	vm5 =	vgt.f32 v55, $0.0e+00;
	v6 =	vmax.f32 v5, v54  }
0x1ca: {  	v5 =	vsel vm5, v6, v5  }
0x1cb: {  	v6 =	vmax.f32 v5, v0;
	v0 =	vld [tilespmem:$0x1FA90];
	_ =	sdelay $0x2  }
0x1cc: {  	vm4 =	vgt.f32 v52, $0.0e+00;
	v25 =	vmax.f32 v3, v49  }
0x1cd: {  	v47 =	vld [tilespmem:s26+$0x12E90];
	v3 =	vsel vm4, v25, v3  }
0x1ce: {  	v28 =	vmax.f32 v3, v0;
	v0 =	vld [tilespmem:$0x1FAA0];
	_ =	sdelay $0x3  }
0x1cf: {  	vm4 =	vgt.f32 v47, $0.0e+00  }
0x1d0: {  	v5 =	vsel vm4, v6, v5;
	vm4 =	vgt.f32 v0, $0.0e+00;
	v0 =	vld [tilespmem:$0x1FAB0];
	_ =	sdelay $0x4  }
0x1d1: {  	v3 =	vsel vm3, v28, v3;
	vm3 =	vgt.f32 v0, $0.0e+00;
	v0 =	vimm.s32 $0x0  }
0x1d2: {  	v63 =	vld [tilespmem:s26+$0x12F80];
	v0 =	vsel vm3, $0xFFFFFFFF, v0  }
0x1d3: {  	[tilespmem:$0x1FAC0] =	vst v0;
	v0 =	vld [tilespmem:$0x1FAD0]  }
0x1d4: {  	v45 =	vld [tilespmem:s26+$0x12F90]  }
0x1d5: {  	v40 =	vld [tilespmem:s26+$0x12FE0]  }
0x1d6: {  	v27 =	vld [tilespmem:s26+$0x12F10]  }
0x1d7: {  	v7 =	vld [tilespmem:s26+$0x65A0]  }
0x1d8: {  	v6 =	vmax.f32 v5, v0;
	v0 =	vld [tilespmem:$0x1FAE0]  }
0x1d9: {  	v26 =	vld [tilespmem:s26+$0x12D20]  }
0x1da: {  	v22 =	vld [tilespmem:s26+$0x6520]  }
0x1db: {  	vm2 =	vgt.f32 v27, $0.0e+00;
	v27 =	vld [tilespmem:s26+$0x12C40]  }
0x1dc: {  	v23 =	vld [tilespmem:s26+$0x12D40]  }
0x1dd: {  	v31 =	vmax.f32 v3, v0;
	v0 =	vld [tilespmem:$0x1FAF0]  }
0x1de: {  	v24 =	vld [tilespmem:s26+$0x6430]  }
0x1df: {  	v29 =	vld [tilespmem:s26+$0x12CB0]  }
0x1e0: {  	v21 =	vld [tilespmem:s26+$0x12D30]  }
0x1e1: {  	v15 =	vld [tilespmem:s26+$0x6420]  }
0x1e2: {  	v16 =	vld [tilespmem:s26+$0x12C20];
	v5 =	vsel vm2, v6, v5;
	vm2 =	vgt.f32 v0, $0.0e+00;
	v0 =	vimm.s32 $0x0  }
0x1e3: {  	v28 =	vld [tilespmem:s26+$0x6440];
	v0 =	vsel vm2, $0xFFFFFFFF, v0  }
0x1e4: {  	[tilespmem:$0x1FB00] =	vst v0;
	v0 =	vld [tilespmem:$0x1FB10]  }
0x1e5: {  	v25 =	vld [tilespmem:s26+$0x12C30]  }
0x1e6: {  	v20 =	vld [tilespmem:s26+$0x64A0]  }
0x1e7: {  	vm1 =	vgt.f32 v63, $0.0e+00;
	vm0 =	vgt.f32 v45, $0.0e+00;
	vm7 =	vgt.f32 v40, $0.0e+00;
	v12 =	vld [tilespmem:s26+$0x12CA0]  }
0x1e8: {  	v24 =	vmax.f32 v51, v24;
	v15 =	vmax.f32 v53, v15;
	v40 =	vsel vm1, v31, v3;
	v3 =	vld [tilespmem:s26+$0x64B0]  }
0x1e9: {  	v28 =	vmax.f32 v50, v28;
	vm1 =	vgt.f32 v16, $0.0e+00;
	v16 =	vld [tilespmem:s26+$0x12CC0];
	v31 =	vmax.f32 v5, v0  }
0x1ea: {  	v15 =	vsel vm1, v15, v53;
	v41 =	vsel vm0, v31, v5;
	vm0 =	vgt.f32 v25, $0.0e+00;
	v25 =	vld [tilespmem:s26+$0x64C0]  }
0x1eb: {  	vm1 =	vgt.f32 v27, $0.0e+00;
	v27 =	vld [tilespmem:s26+$0x6530];
	v20 =	vmax.f32 v15, v20;
	v24 =	vsel vm0, v24, v51  }
0x1ec: {  	v43 =	vld [tilespmem:s26+$0x12DA0];
	vm0 =	vgt.f32 v12, $0.0e+00;
	v12 =	vsel vm1, v28, v50;
	vm1 =	vgt.f32 v29, $0.0e+00  }
0x1ed: {  	v0 =	vld [tilespmem:$0x1FB20];
	v3 =	vmax.f32 v24, v3;
	v15 =	vsel vm0, v20, v15;
	vm0 =	vgt.f32 v26, $0.0e+00  }
0x1ee: {  	v48 =	vld [tilespmem:s26+$0x12DB0];
	v3 =	vsel vm1, v3, v24;
	vm1 =	vgt.f32 v16, $0.0e+00;
	v22 =	vmax.f32 v15, v22  }
0x1ef: {  	v28 =	vld [tilespmem:s26+$0x6540];
	v15 =	vsel vm0, v22, v15;
	vm0 =	vgt.f32 v23, $0.0e+00;
	v24 =	vmax.f32 v12, v25  }
0x1f0: {  	v20 =	vld [tilespmem:s26+$0x65B0];
	v23 =	vmax.f32 v3, v27;
	v12 =	vsel vm1, v24, v12;
	vm1 =	vgt.f32 v21, $0.0e+00  }
0x1f1: {  	v7 =	vmax.f32 v15, v7;
	v21 =	vld [tilespmem:s26+$0x65C0];
	v3 =	vsel vm1, v23, v3;
	vm1 =	vgt.f32 v43, $0.0e+00  }
0x1f2: {  	v7 =	vsel vm1, v7, v15;
	vm1 =	vgt.f32 v0, $0.0e+00;
	v0 =	vld [tilespmem:$0x1FB30];
	_ =	sdelay $0x2  }
0x1f3: {  	v24 =	vmax.f32 v12, v28  }
0x1f4: {  	v38 =	vld [tilespmem:s26+$0x12DC0];
	v12 =	vsel vm0, v24, v12;
	vm0 =	vgt.f32 v48, $0.0e+00;
	v20 =	vmax.f32 v3, v20  }
0x1f5: {  	v15 =	vsel vm0, v20, v3;
	v3 =	vmax.f32 v12, v21;
	v21 =	vmax.f32 v7, v0;
	v0 =	vld [tilespmem:$0x1FB40];
	_ =	sdelay $0x3  }
0x1f6: {  	vm0 =	vgt.f32 v38, $0.0e+00  }
0x1f7: {  	v12 =	vsel vm0, v3, v12;
	vm0 =	vgt.f32 v0, $0.0e+00;
	v0 =	vld [tilespmem:$0x1FB50];
	_ =	sdelay $0x4  }
0x1f8: {  	v3 =	vsel vm1, v21, v7;
	vm1 =	vgt.f32 v0, $0.0e+00;
	v0 =	vld [tilespmem:$0x1FB60];
	_ =	sdelay $0x4  }
0x1f9: {  	vm10 =	vgt.f32 v0, $0.0e+00;
	v0 =	vld [tilespmem:$0x1FB70];
	_ =	sdelay $0x4  }
0x1fa: {  	vm3 =	vgt.f32 v0, $0.0e+00;
	v0 =	vld [tilespmem:$0x1FB80];
	_ =	sdelay $0x2  }
0x1fb: {  	v22 =	vld [tilespmem:s26+$0x6630];
	_ =	sdelay $0x1  }
0x1fc: {  	v27 =	vmax.f32 v3, v0;
	v0 =	vld [tilespmem:$0x1FB90];
	_ =	sdelay $0x2  }
0x1fd: {  	v23 =	vld [tilespmem:s26+$0x6640];
	v7 =	vmax.f32 v15, v22  }
0x1fe: {  	v7 =	vsel vm0, v7, v15  }
0x1ff: {  	v28 =	vmax.f32 v7, v0;
	v0 =	vld [tilespmem:$0x1FBA0];
	_ =	sdelay $0x1  }
0x200: {  	v13 =	vld [tilespmem:s26+$0x67A0]  }
0x201: {  	v14 =	vld [tilespmem:s26+$0x67B0];
	v21 =	vmax.f32 v12, v23  }
0x202: {  	v37 =	vld [tilespmem:s26+$0x67D0];
	v26 =	vsel vm1, v21, v12  }
0x203: {  	v29 =	vmax.f32 v26, v0;
	v0 =	vld [tilespmem:$0x1FBB0]  }
0x204: {  	v18 =	vld [tilespmem:s26+$0x6720]  }
0x205: {  	v39 =	vld [tilespmem:s26+$0x6750]  }
0x206: {  	v46 =	vld [tilespmem:s26+$0x12F60]  }
0x207: {  	v30 =	vld [tilespmem:s26+$0x12E50]  }
0x208: {  	v33 =	vld [tilespmem:s26+$0x12E60];
	vm0 =	vgt.f32 v0, $0.0e+00;
	v0 =	vimm.s32 $0x0  }
0x209: {  	v34 =	vld [tilespmem:s26+$0x12E70];
	v0 =	vsel vm0, $0xFFFFFFFF, v0  }
0x20a: {  	[tilespmem:$0x1FBC0] =	vst v0;
	v0 =	vld [tilespmem:$0x1FBD0]  }
0x20b: {  	v63 =	vld [tilespmem:s26+$0x12C60]  }
0x20c: {  	v9 =	vld [tilespmem:s26+$0x12DD0]  }
0x20d: {  	v17 =	vld [tilespmem:s26+$0x12DF0]  }
0x20e: {  	v10 =	vld [tilespmem:s26+$0x12DE0]  }
0x20f: {  	v61 =	vsel vm8, v62, v2;
	v62 =	vld [tilespmem:s26+$0x12C50];
	vm0 =	vgt.f32 v0, $0.0e+00;
	v0 =	vimm.s32 $0x0  }
0x210: {  	v19 =	vld [tilespmem:s26+$0x12D50];
	v0 =	vsel vm0, $0xFFFFFFFF, v0  }
0x211: {  	v60 =	vld [tilespmem:s26+$0x12CF0];
	vm0 =	vgt.f32 v30, $0.0e+00;
	[tilespmem:$0x1FBE0] =	vst v0;
	v0 =	vimm.s32 $0x0  }
0x212: {  	v25 =	vld [tilespmem:s26+$0x12CD0];
	v0 =	vsel vm0, $0xFFFFFFFF, v0  }
0x213: {  	v31 =	vld [tilespmem:s26+$0x12D60];
	vm0 =	vgt.f32 v33, $0.0e+00;
	[tilespmem:$0x1FBF0] =	vst v0;
	v0 =	vimm.s32 $0x0  }
0x214: {  	v16 =	vld [tilespmem:s26+$0x12D70];
	v0 =	vsel vm0, $0xFFFFFFFF, v0  }
0x215: {  	v24 =	vld [tilespmem:s26+$0x6550];
	vm0 =	vgt.f32 v34, $0.0e+00;
	[tilespmem:$0x1FC00] =	vst v0;
	v0 =	vimm.s32 $0x0  }
0x216: {  	v20 =	vld [tilespmem:s26+$0x12CE0];
	v0 =	vsel vm0, $0xFFFFFFFF, v0  }
0x217: {  	vm11 =	vgt.f32 v25, $0.0e+00;
	v25 =	vld [tilespmem:s26+$0x6460];
	vm0 =	vgt.f32 v9, $0.0e+00;
	[tilespmem:$0x1FC10] =	vst v0;
	v0 =	vimm.s32 $0x0  }
0x218: {  	v15 =	vld [tilespmem:s26+$0x12C70];
	v0 =	vsel vm0, $0xFFFFFFFF, v0  }
0x219: {  	vm14 =	vgt.f32 v62, $0.0e+00;
	v23 =	vld [tilespmem:s26+$0x65D0];
	vm0 =	vgt.f32 v10, $0.0e+00;
	[tilespmem:$0x1FC20] =	vst v0;
	v0 =	vimm.s32 $0x0  }
0x21a: {  	vm6 =	vgt.f32 v63, $0.0e+00;
	vm15 =	vgt.f32 v19, $0.0e+00;
	v22 =	vld [tilespmem:s26+$0x6450];
	v0 =	vsel vm0, $0xFFFFFFFF, v0  }
0x21b: {  	vm5 =	vgt.f32 v46, $0.0e+00;
	v12 =	vld [tilespmem:s26+$0x66D0];
	vm0 =	vgt.f32 v17, $0.0e+00;
	[tilespmem:$0x1FC30] =	vst v0;
	v0 =	vimm.s32 $0x0  }
0x21c: {  	[tilespmem:$0x1FA70] =	vst v1;
	vm13 =	vgt.f32 v60, $0.0e+00;
	vm8 =	vgt.f32 v31, $0.0e+00;
	v21 =	vld [tilespmem:s26+$0x6650];
	v0 =	vsel vm0, $0xFFFFFFFF, v0  }
0x21d: {  	s28 =	simm.s32 $0x1000;
	vm9 =	vgt.f32 v16, $0.0e+00;
	vm12 =	vgt.f32 v20, $0.0e+00;
	vm1 =	vgt.f32 v15, $0.0e+00;
	v10 =	vld [tilespmem:s26+$0x64D0];
	[tilespmem:$0x1FC40] =	vst v0  }
.LBB2_5:
0x21e: {  	v0 =	vld [tilespmem:$0x1FAC0];
	_ =	sdelay $0x4  }
0x21f: {  	vm2 =	vnez.u8 v0;
	v0 =	vld [tilespmem:$0x1FB00];
	_ =	sdelay $0x4  }
0x220: {  	v3 =	vsel vm2, v27, v3;
	vm2 =	vnez.u8 v0;
	v0 =	vld [tilespmem:$0x1F9D0];
	_ =	sdelay $0x3  }
0x221: {  	v7 =	vsel vm2, v28, v7  }
0x222: {  	v17 =	vmax.f32 v3, v18;
	v18 =	vmax.f32 v7, v0;
	v0 =	vld [tilespmem:$0x1F9E0];
	_ =	sdelay $0x3  }
0x223: {  	v9 =	vsel vm10, v29, v26  }
0x224: {  	v19 =	vmax.f32 v9, v0;
	v0 =	vld [tilespmem:$0x1FA40];
	_ =	sdelay $0x4  }
0x225: {  	vm2 =	vnez.u8 v0;
	v0 =	vld [tilespmem:$0x1FA50];
	_ =	sdelay $0x4  }
0x226: {  	v3 =	vsel vm2, v17, v3;
	vm2 =	vnez.u8 v0;
	v0 =	vld [tilespmem:$0x1FA60];
	_ =	sdelay $0x4  }
0x227: {  	v7 =	vsel vm2, v18, v7;
	vm2 =	vnez.u8 v0;
	v0 =	vld [tilespmem:$0x1F9C0];
	_ =	sdelay $0x3  }
0x228: {  	v9 =	vsel vm2, v19, v9  }
0x229: {  	v11 =	vmax.f32 v3, v13;
	v13 =	vmax.f32 v7, v14;
	v14 =	vmax.f32 v9, v0;
	v0 =	vld [tilespmem:$0x1F9F0];
	_ =	sdelay $0x4  }
0x22a: {  	vm2 =	vnez.u8 v0  }
0x22b: {  	v0 =	vsel vm2, v11, v3  }
0x22c: {  	[tilespmem:$0x1F870] =	vst v0;
	v0 =	vld [tilespmem:$0x1FA00];
	_ =	sdelay $0x4  }
0x22d: {  	vm2 =	vnez.u8 v0  }
0x22e: {  	v0 =	vsel vm2, v13, v7  }
0x22f: {  	[tilespmem:$0x1F880] =	vst v0;
	v0 =	vld [tilespmem:$0x1FA10];
	_ =	sdelay $0x1  }
0x230: {  	v3 =	vld [tilespmem:$0x1FC20]  }
0x231: {  	v15 =	vld [tilespmem:s26+$0x6470]  }
0x232: {  	v16 =	vld [tilespmem:s26+$0x64E0]  }
0x233: {  	v20 =	vld [tilespmem:s26+$0x64F0];
	vm2 =	vnez.u8 v0  }
0x234: {  	v17 =	vld [tilespmem:s26+$0x6560];
	v11 =	vmax.f32 v57, v22;
	v0 =	vsel vm2, v14, v9  }
0x235: {  	vm0 =	vnez.u8 v3;
	v13 =	vmax.f32 v58, v25;
	[tilespmem:$0x1F890] =	vst v0;
	v0 =	vsel vm14, v11, v57  }
0x236: {  	v3 =	vld [tilespmem:$0x1FC30];
	v1 =	vsel vm6, v13, v58;
	v14 =	vmax.f32 v61, v15;
	v10 =	vmax.f32 v0, v10  }
0x237: {  	v13 =	vmax.f32 v1, v16;
	v2 =	vsel vm1, v14, v61;
	v0 =	vsel vm11, v10, v0  }
0x238: {  	v1 =	vsel vm12, v13, v1;
	v14 =	vmax.f32 v2, v20;
	v13 =	vmax.f32 v0, v24  }
0x239: {  	v2 =	vsel vm13, v14, v2;
	v14 =	vmax.f32 v1, v17;
	v0 =	vsel vm15, v13, v0  }
0x23a: {  	v15 =	vld [tilespmem:s26+$0x65E0];
	v1 =	vsel vm8, v14, v1;
	v14 =	vmax.f32 v0, v23  }
0x23b: {  	v0 =	vsel vm0, v14, v0;
	vm0 =	vnez.u8 v3;
	v3 =	vld [tilespmem:$0x1FC40];
	_ =	sdelay $0x1  }
0x23c: {  	v18 =	vld [tilespmem:s26+$0x6570];
	_ =	sdelay $0x1  }
0x23d: {  	v11 =	vld [tilespmem:s26+$0x65F0];
	v15 =	vmax.f32 v1, v15  }
0x23e: {  	v1 =	vsel vm0, v15, v1;
	vm0 =	vnez.u8 v3;
	v3 =	vld [tilespmem:$0x1FBF0];
	_ =	sdelay $0x1  }
0x23f: {  	v17 =	vmax.f32 v2, v18  }
0x240: {  	v2 =	vsel vm9, v17, v2  }
0x241: {  	v11 =	vmax.f32 v2, v11  }
0x242: {  	v2 =	vsel vm0, v11, v2;
	vm0 =	vnez.u8 v3;
	v3 =	vld [tilespmem:$0x1FC00]  }
0x243: {  	v16 =	vld [tilespmem:s26+$0x6660]  }
0x244: {  	v10 =	vld [tilespmem:s26+$0x6670]  }
0x245: {  	v18 =	vld [tilespmem:s26+$0x66E0]  }
0x246: {  	v13 =	vld [tilespmem:s26+$0x66F0];
	v14 =	vmax.f32 v0, v21  }
0x247: {  	v0 =	vsel vm0, v14, v0;
	vm0 =	vnez.u8 v3;
	v3 =	vld [tilespmem:$0x1FC10]  }
0x248: {  	v17 =	vld [tilespmem:s26+$0x6760]  }
0x249: {  	v15 =	vmax.f32 v1, v16;
	v16 =	vld [tilespmem:s26+$0x67E0]  }
0x24a: {  	v11 =	vld [tilespmem:s26+$0x6770]  }
0x24b: {  	v14 =	vld [tilespmem:s26+$0x67F0];
	s26 =	sshra.s32 s28, $0x2  }
0x24c: {  	v1 =	vsel vm0, v15, v1;
	vm0 =	vnez.u8 v3;
	v3 =	vld [tilespmem:s26+$0x6780];
	_ =	sdelay $0x4  }
0x24d: {  	[tilespmem:$0x1F820] =	vst v3;
	v3 =	vld [tilespmem:$0x1FBC0];
	_ =	sdelay $0x3  }
0x24e: {  	v10 =	vmax.f32 v2, v10  }
0x24f: {  	v2 =	vsel vm0, v10, v2;
	vm0 =	vnez.u8 v3;
	v3 =	vld [tilespmem:$0x1FBE0];
	_ =	sdelay $0x3  }
0x250: {  	v15 =	vmax.f32 v1, v18  }
0x251: {  	v1 =	vsel vm0, v15, v1;
	vm0 =	vnez.u8 v3;
	v3 =	vld [tilespmem:s26+$0x6790];
	_ =	sdelay $0x4  }
0x252: {  	[tilespmem:$0x1F830] =	vst v3;
	v3 =	vld [tilespmem:$0x1FA70];
	_ =	sdelay $0x1  }
0x253: {  	v30 =	vld [tilespmem:s26+$0x12F80]  }
0x254: {  	v33 =	vld [tilespmem:s26+$0x12F90]  }
0x255: {  	v34 =	vld [tilespmem:s26+$0x12FA0];
	v13 =	vmax.f32 v2, v13  }
0x256: {  	v2 =	vsel vm0, v13, v2;
	vm0 =	vnez.u8 v3;
	v3 =	vld [tilespmem:s26+$0x67A0]  }
0x257: {  	v35 =	vld [tilespmem:s26+$0x12FB0]  }
0x258: {  	v36 =	vld [tilespmem:s26+$0x12FC0]  }
0x259: {  	v19 =	vld [tilespmem:s26+$0x12FD0]  }
0x25a: {  	v20 =	vld [tilespmem:s26+$0x12FE0]  }
0x25b: {  	[tilespmem:$0x1F810] =	vst v3;
	v3 =	vld [tilespmem:$0x1FA20]  }
0x25c: {  	v12 =	vmax.f32 v0, v12;
	v38 =	vld [tilespmem:s26+$0x12FF0]  }
0x25d: {  	v9 =	vmov v41;
	v41 =	vld [tilespmem:s26+$0x12F10];
	v0 =	vsel vm3, v12, v0  }
0x25e: {  	v42 =	vld [tilespmem:s26+$0x12F20];
	v8 =	vmax.f32 v0, v39  }
0x25f: {  	v43 =	vld [tilespmem:s26+$0x12F30];
	v0 =	vsel vm0, v8, v0  }
0x260: {  	v44 =	vld [tilespmem:s26+$0x12F40];
	v4 =	vmax.f32 v0, v37;
	vm0 =	vnez.u8 v3  }
0x261: {  	v15 =	vsel vm0, v4, v0;
	v0 =	vld [tilespmem:$0x1FA30]  }
0x262: {  	v45 =	vld [tilespmem:s26+$0x12F50]  }
0x263: {  	v46 =	vld [tilespmem:s26+$0x12F60]  }
0x264: {  	v47 =	vld [tilespmem:s26+$0x12F70]  }
0x265: {  	v48 =	vld [tilespmem:s26+$0x12E80]  }
0x266: {  	vm0 =	vnez.u8 v0;
	v0 =	vld [tilespmem:s26+$0x67C0]  }
0x267: {  	v26 =	vld [tilespmem:s26+$0x6690]  }
0x268: {  	v49 =	vld [tilespmem:s26+$0x12E90]  }
0x269: {  	v50 =	vld [tilespmem:s26+$0x12EA0]  }
0x26a: {  	v51 =	vld [tilespmem:s26+$0x12EB0];
	v11 =	vmax.f32 v2, v11  }
0x26b: {  	v13 =	vmax.f32 v1, v17;
	v2 =	vsel vm4, v11, v2;
	[tilespmem:$0x1F9C0] =	vst v0;
	v0 =	vld [tilespmem:s26+$0x6700]  }
0x26c: {  	v52 =	vld [tilespmem:s26+$0x12EC0];
	v1 =	vsel vm5, v13, v1;
	v13 =	vmax.f32 v2, v14  }
0x26d: {  	v53 =	vld [tilespmem:s26+$0x12ED0];
	v17 =	vsel vm0, v13, v2;
	vm0 =	vgt.f32 v30, $0.0e+00;
	v30 =	vimm.s32 $0x0  }
0x26e: {  	v54 =	vld [tilespmem:s26+$0x12EE0];
	v30 =	vsel vm0, $0xFFFFFFFF, v30  }
0x26f: {  	v55 =	vld [tilespmem:s26+$0x12EF0];
	vm0 =	vgt.f32 v33, $0.0e+00;
	[tilespmem:$0x1F840] =	vst v30;
	v30 =	vimm.s32 $0x0  }
0x270: {  	vm14 =	vgt.f32 v48, $0.0e+00;
	vm1 =	vgt.f32 v49, $0.0e+00;
	v30 =	vsel vm0, $0xFFFFFFFF, v30;
	[tilespmem:$0x1F7D0] =	vst v0;
	v0 =	vld [tilespmem:s26+$0x6710]  }
0x271: {  	vm2 =	vgt.f32 v50, $0.0e+00;
	v10 =	vmovc v40;
	v40 =	vld [tilespmem:s26+$0x12F00];
	vm0 =	vgt.f32 v34, $0.0e+00;
	[tilespmem:$0x1F860] =	vst v30;
	v30 =	vimm.s32 $0x0  }
0x272: {  	v56 =	vld [tilespmem:s26+$0x12E00];
	v33 =	vimm.s32 $0x0;
	v30 =	vsel vm0, $0xFFFFFFFF, v30;
	vm0 =	vgt.f32 v35, $0.0e+00  }
0x273: {  	v57 =	vld [tilespmem:s26+$0x12E10];
	v48 =	vimm.s32 $0x0;
	v49 =	vimm.s32 $0x0;
	v33 =	vsel vm0, $0xFFFFFFFF, v33  }
0x274: {  	v58 =	vld [tilespmem:s26+$0x12E20];
	v50 =	vimm.s32 $0x0;
	vm0 =	vgt.f32 v36, $0.0e+00;
	v36 =	vimm.s32 $0x0;
	[tilespmem:$0x1FA00] =	vst v33  }
0x275: {  	v33 =	vsel vm0, $0xFFFFFFFF, v36;
	vm0 =	vgt.f32 v19, $0.0e+00;
	v19 =	vimm.s32 $0x0;
	[tilespmem:$0x1F7E0] =	vst v0;
	v0 =	vld [tilespmem:s26+$0x6730]  }
0x276: {  	v59 =	vld [tilespmem:s26+$0x12E30];
	v36 =	vimm.s32 $0x0;
	v19 =	vsel vm0, $0xFFFFFFFF, v19;
	vm0 =	vgt.f32 v40, $0.0e+00  }
0x277: {  	v60 =	vld [tilespmem:s26+$0x12E40];
	[tilespmem:$0x1FA10] =	vst v33;
	v33 =	vsel vm0, $0xFFFFFFFF, v36;
	vm0 =	vgt.f32 v20, $0.0e+00;
	v20 =	vimm.s32 $0x0  }
0x278: {  	v61 =	vld [tilespmem:s26+$0x12E50];
	vm5 =	vgt.f32 v57, $0.0e+00;
	v8 =	vmax.f32 v1, v16;
	v20 =	vsel vm0, $0xFFFFFFFF, v20  }
0x279: {  	v62 =	vld [tilespmem:s26+$0x12E60];
	vm4 =	vgt.f32 v56, $0.0e+00;
	v16 =	vsel vm7, v8, v1;
	v40 =	vimm.s32 $0x0;
	[tilespmem:$0x1F8E0] =	vst v20  }
0x27a: {  	v36 =	vsel vm2, $0xFFFFFFFF, v48;
	vm0 =	vgt.f32 v38, $0.0e+00;
	v20 =	vimm.s32 $0x0;
	[tilespmem:$0x1F9D0] =	vst v0;
	v0 =	vld [tilespmem:s26+$0x6740]  }
0x27b: {  	v63 =	vld [tilespmem:s26+$0x12E70];
	v38 =	vimm.s32 $0x0;
	v20 =	vsel vm0, $0xFFFFFFFF, v20;
	vm0 =	vgt.f32 v41, $0.0e+00  }
0x27c: {  	v31 =	vld [tilespmem:s26+$0x6580];
	vm2 =	vgt.f32 v51, $0.0e+00;
	[tilespmem:$0x1F7F0] =	vst v33;
	v33 =	vsel vm0, $0xFFFFFFFF, v38;
	vm0 =	vgt.f32 v42, $0.0e+00  }
0x27d: {  	v32 =	vld [tilespmem:s26+$0x6590];
	v41 =	vimm.s32 $0x0;
	[tilespmem:$0x1F800] =	vst v33;
	v33 =	vsel vm0, $0xFFFFFFFF, v40;
	vm0 =	vgt.f32 v43, $0.0e+00  }
0x27e: {  	v6 =	vld [tilespmem:s26+$0x12D00];
	v42 =	vimm.s32 $0x0;
	[tilespmem:$0x1FA40] =	vst v33;
	v33 =	vsel vm0, $0xFFFFFFFF, v41;
	vm0 =	vgt.f32 v44, $0.0e+00  }
0x27f: {  	v43 =	vimm.s32 $0x0;
	v34 =	vsel vm0, $0xFFFFFFFF, v42;
	vm0 =	vgt.f32 v45, $0.0e+00;
	[tilespmem:$0x1F9E0] =	vst v0;
	v0 =	vld [tilespmem:s26+$0x66A0]  }
0x280: {  	v39 =	vld [tilespmem:s26+$0x12DF0];
	v44 =	vimm.s32 $0x0;
	[tilespmem:$0x1FA60] =	vst v34;
	v34 =	vsel vm0, $0xFFFFFFFF, v43;
	vm0 =	vgt.f32 v46, $0.0e+00  }
0x281: {  	v18 =	vld [tilespmem:s26+$0x12DD0];
	v46 =	vimm.s32 $0x0;
	[tilespmem:$0x1FA70] =	vst v34;
	v34 =	vsel vm0, $0xFFFFFFFF, v44;
	vm0 =	vgt.f32 v47, $0.0e+00  }
0x282: {  	v11 =	vld [tilespmem:s26+$0x12DA0];
	[tilespmem:$0x1FAC0] =	vst v36;
	v36 =	vsel vm2, $0xFFFFFFFF, v49;
	v35 =	vsel vm0, $0xFFFFFFFF, v46;
	vm0 =	vgt.f32 v52, $0.0e+00  }
0x283: {  	v8 =	vld [tilespmem:s26+$0x12D90];
	[tilespmem:$0x1FB00] =	vst v36;
	v52 =	vimm.s32 $0x0;
	v36 =	vsel vm0, $0xFFFFFFFF, v50;
	vm0 =	vgt.f32 v53, $0.0e+00  }
0x284: {  	vm2 =	vgt.f32 v54, $0.0e+00;
	v53 =	vimm.s32 $0x0;
	v38 =	vsel vm0, $0xFFFFFFFF, v52;
	[tilespmem:$0x1F990] =	vst v0;
	v0 =	vld [tilespmem:s26+$0x66B0]  }
0x285: {  	v4 =	vld [tilespmem:s26+$0x12D80];
	v54 =	vimm.s32 $0x0;
	[tilespmem:$0x1F8C0] =	vst v38;
	v38 =	vsel vm2, $0xFFFFFFFF, v53;
	vm2 =	vgt.f32 v55, $0.0e+00  }
0x286: {  	v56 =	vld [tilespmem:s26+$0x12C00];
	v57 =	vmovc v15;
	v15 =	vimm.s32 $0x0;
	[tilespmem:$0x1FBC0] =	vst v38;
	v38 =	vsel vm2, $0xFFFFFFFF, v54;
	vm2 =	vgt.f32 v58, $0.0e+00  }
0x287: {  	v14 =	vld [tilespmem:s26+$0x12DC0];
	v15 =	vsel vm2, $0xFFFFFFFF, v15  }
0x288: {  	vm8 =	vgt.f32 v8, $0.0e+00;
	v13 =	vld [tilespmem:s26+$0x12DB0];
	[tilespmem:$0x1F960] =	vst v15  }
0x289: {  	v8 =	vimm.s32 $0x0;
	vm2 =	vgt.f32 v59, $0.0e+00;
	v15 =	vimm.s32 $0x0;
	[tilespmem:$0x1F9A0] =	vst v0;
	v0 =	vld [tilespmem:s26+$0x66C0]  }
0x28a: {  	v37 =	vld [tilespmem:s26+$0x12DE0];
	vm3 =	vgt.f32 v4, $0.0e+00;
	vm0 =	vgt.f32 v11, $0.0e+00;
	v15 =	vsel vm2, $0xFFFFFFFF, v15  }
0x28b: {  	v1 =	vld [tilespmem:s26+$0x12D30];
	v8 =	vsel vm0, $0xFFFFFFFF, v8;
	vm2 =	vgt.f32 v60, $0.0e+00;
	[tilespmem:$0x1F970] =	vst v15;
	v15 =	vimm.s32 $0x0  }
0x28c: {  	v3 =	vld [tilespmem:s26+$0x12D10];
	v4 =	vimm.s32 $0x0;
	v11 =	vimm.s32 $0x0;
	[tilespmem:$0x1F920] =	vst v8;
	v15 =	vsel vm2, $0xFFFFFFFF, v15  }
0x28d: {  	v2 =	vld [tilespmem:s26+$0x12D20];
	vm0 =	vgt.f32 v13, $0.0e+00;
	vm2 =	vgt.f32 v61, $0.0e+00;
	[tilespmem:$0x1F980] =	vst v15;
	v15 =	vimm.s32 $0x0  }
0x28e: {  	v8 =	vimm.s32 $0x0;
	v15 =	vsel vm2, $0xFFFFFFFF, v15;
	vm2 =	vgt.f32 v62, $0.0e+00;
	[tilespmem:$0x1F9B0] =	vst v0;
	v0 =	vld [tilespmem:s26+$0x6620]  }
0x28f: {  	v51 =	vld [tilespmem:s26+$0x12C90];
	v8 =	vsel vm0, $0xFFFFFFFF, v8;
	vm0 =	vgt.f32 v14, $0.0e+00;
	v4 =	vsel vm2, $0xFFFFFFFF, v4  }
0x290: {  	v55 =	vld [tilespmem:s26+$0x6400];
	v11 =	vsel vm0, $0xFFFFFFFF, v11;
	vm2 =	vgt.f32 v63, $0.0e+00;
	[tilespmem:$0x1FC00] =	vst v4;
	v4 =	vimm.s32 $0x0  }
0x291: {  	v60 =	vld [tilespmem:s26+$0x6410];
	[tilespmem:$0x1F940] =	vst v11;
	v4 =	vsel vm2, $0xFFFFFFFF, v4  }
0x292: {  	vm11 =	vgt.f32 v3, $0.0e+00;
	v3 =	vimm.s32 $0x0;
	vm0 =	vgt.f32 v2, $0.0e+00;
	[tilespmem:$0x1FC10] =	vst v4;
	v4 =	vld [tilespmem:s26+$0x12C10]  }
0x293: {  	v2 =	vimm.s32 $0x0;
	v11 =	vimm.s32 $0x0;
	vm2 =	vgt.f32 v18, $0.0e+00;
	[tilespmem:$0x1F950] =	vst v0;
	v0 =	vld [tilespmem:s26+$0x12D40]  }
0x294: {  	[tilespmem:$0x1FA50] =	vst v33;
	v33 =	vld [tilespmem:s26+$0x6480];
	v2 =	vsel vm0, $0xFFFFFFFF, v2;
	vm0 =	vgt.f32 v1, $0.0e+00;
	v11 =	vsel vm2, $0xFFFFFFFF, v11  }
0x295: {  	v47 =	vld [tilespmem:s26+$0x6490];
	v1 =	vimm.s32 $0x0;
	vm2 =	vgt.f32 v37, $0.0e+00;
	[tilespmem:$0x1FC20] =	vst v11;
	v11 =	vimm.s32 $0x0  }
0x296: {  	v45 =	vld [tilespmem:s26+$0x12C80];
	[tilespmem:$0x1F8F0] =	vst v2;
	v1 =	vsel vm0, $0xFFFFFFFF, v1;
	v11 =	vsel vm2, $0xFFFFFFFF, v11;
	vm2 =	vgt.f32 v39, $0.0e+00  }
0x297: {  	v5 =	vld [tilespmem:s26+$0x6510];
	[tilespmem:$0x1F900] =	vst v1;
	v1 =	vmax.f32 v10, v55;
	v2 =	vmax.f32 v9, v60;
	v3 =	vsel vm2, $0xFFFFFFFF, v3  }
0x298: {  	v7 =	vld [tilespmem:s26+$0x6500];
	vm6 =	vgt.f32 v4, $0.0e+00;
	vm0 =	vgt.f32 v0, $0.0e+00;
	v0 =	vimm.s32 $0x0  }
0x299: {  	[tilespmem:$0x1FC30] =	vst v11;
	v11 =	vld [tilespmem:s26+$0x12CA0];
	vm2 =	vgt.f32 v56, $0.0e+00;
	v2 =	vsel vm6, v2, v9;
	v0 =	vsel vm0, $0xFFFFFFFF, v0  }
0x29a: {  	v1 =	vsel vm2, v1, v10;
	vm6 =	vgt.f32 v51, $0.0e+00;
	v9 =	vmax.f32 v2, v47;
	[tilespmem:$0x1F910] =	vst v0;
	v0 =	vld [tilespmem:s26+$0x12CC0]  }
0x29b: {  	v28 =	vld [tilespmem:s26+$0x6600];
	vm2 =	vgt.f32 v45, $0.0e+00;
	v13 =	vmax.f32 v1, v33;
	v2 =	vsel vm6, v9, v2  }
0x29c: {  	v29 =	vld [tilespmem:s26+$0x6610];
	vm7 =	vgt.f32 v6, $0.0e+00;
	v1 =	vsel vm2, v13, v1;
	v5 =	vmax.f32 v2, v5  }
0x29d: {  	v4 =	vld [tilespmem:s26+$0x12CD0];
	v7 =	vmax.f32 v1, v7;
	v9 =	vimm.s32 $0x0;
	v2 =	vsel vm11, v5, v2  }
0x29e: {  	v13 =	vld [tilespmem:s26+$0x12C20];
	v1 =	vsel vm7, v7, v1;
	v5 =	vmax.f32 v2, v32;
	vm0 =	vgt.f32 v11, $0.0e+00  }
0x29f: {  	v7 =	vld [tilespmem:s26+$0x12C40];
	v9 =	vsel vm0, $0xFFFFFFFF, v9;
	vm7 =	vgt.f32 v0, $0.0e+00;
	v0 =	vmax.f32 v1, v31  }
0x2a0: {  	[tilespmem:$0x1F8D0] =	vst v9;
	v9 =	vld [tilespmem:$0x1F7E0];
	v0 =	vsel vm3, v0, v1;
	v1 =	vsel vm8, v5, v2  }
0x2a1: {  	v5 =	vmax.f32 v1, v29  }
0x2a2: {  	vm0 =	vgt.f32 v4, $0.0e+00;
	v4 =	vmax.f32 v0, v28;
	v1 =	vsel vm5, v5, v1  }
0x2a3: {  	v25 =	vld [tilespmem:s26+$0x6680];
	v0 =	vsel vm4, v4, v0;
	vm4 =	vgt.f32 v13, $0.0e+00;
	v13 =	vmax.f32 v1, v26  }
0x2a4: {  	vm3 =	vgt.f32 v7, $0.0e+00;
	v7 =	vld [tilespmem:$0x1F7D0];
	v1 =	vsel vm1, v13, v1  }
0x2a5: {  	v13 =	vmax.f32 v1, v9;
	v9 =	vld [tilespmem:$0x1F7F0];
	_ =	sdelay $0x2  }
0x2a6: {  	v5 =	vmax.f32 v0, v25  }
0x2a7: {  	v0 =	vsel vm14, v5, v0  }
0x2a8: {  	v7 =	vmax.f32 v0, v7;
	vm1 =	vnez.u8 v9  }
0x2a9: {  	v0 =	vsel vm1, v7, v0;
	v7 =	vld [tilespmem:$0x1F800];
	_ =	sdelay $0x1  }
0x2aa: {  	v9 =	vld [tilespmem:$0x1F830];
	_ =	sdelay $0x2  }
0x2ab: {  	vm1 =	vnez.u8 v7  }
0x2ac: {  	v7 =	vld [tilespmem:$0x1F820];
	v1 =	vsel vm1, v13, v1  }
0x2ad: {  	v10 =	vmax.f32 v1, v9;
	v9 =	vld [tilespmem:$0x1F840];
	_ =	sdelay $0x2  }
0x2ae: {  	[tilespmem:$0x1F9F0] =	vst v30  }
0x2af: {  	v30 =	vld [tilespmem:s26+$0x12D50];
	[tilespmem:$0x1FA20] =	vst v19  }
0x2b0: {  	v19 =	vld [tilespmem:s26+$0x12D60];
	[tilespmem:$0x1F850] =	vst v36;
	v7 =	vmax.f32 v0, v7;
	vm8 =	vnez.u8 v9  }
0x2b1: {  	v40 =	vsel vm8, v7, v0;
	v0 =	vld [tilespmem:$0x1F850];
	_ =	sdelay $0x3  }
0x2b2: {  	vm10 =	vgt.f32 v30, $0.0e+00;
	vm15 =	vgt.f32 v19, $0.0e+00;
	[tilespmem:$0x1FC40] =	vst v3;
	v3 =	vld [tilespmem:s26+$0x12CB0]  }
0x2b3: {  	vm8 =	vmmov vm15;
	vm15 =	vmmov vm10;
	vm10 =	vnez.u8 v0;
	v0 =	vld [tilespmem:$0x1F860];
	_ =	sdelay $0x3  }
0x2b4: {  	vm2 =	vgt.f32 v3, $0.0e+00;
	v3 =	vld [tilespmem:s26+$0x12C30]  }
0x2b5: {  	v11 =	vld [tilespmem:s26+$0x6430];
	vm11 =	vnez.u8 v0  }
0x2b6: {  	v41 =	vsel vm11, v10, v1;
	v10 =	vld [tilespmem:$0x1F880];
	_ =	sdelay $0x1  }
0x2b7: {  	v6 =	vld [tilespmem:s26+$0x12CE0]  }
0x2b8: {  	v19 =	vld [tilespmem:s26+$0x6420]  }
0x2b9: {  	v9 =	vld [tilespmem:$0x1F870]  }
0x2ba: {  	[tilespmem:$0x1F930] =	vst v8;
	v8 =	vld [tilespmem:s26+$0x64A0];
	vm5 =	vgt.f32 v3, $0.0e+00;
	v1 =	vmax.f32 v10, v11  }
0x2bb: {  	v1 =	vsel vm5, v1, v10;
	v10 =	vld [tilespmem:$0x1F8D0];
	_ =	sdelay $0x2  }
0x2bc: {  	v27 =	vld [tilespmem:s26+$0x6520];
	v0 =	vmax.f32 v9, v19  }
0x2bd: {  	vm12 =	vgt.f32 v6, $0.0e+00;
	v6 =	vld [tilespmem:s26+$0x12C60];
	v0 =	vsel vm4, v0, v9  }
0x2be: {  	v5 =	vld [tilespmem:s26+$0x64B0];
	vm11 =	vmmov vm0;
	v8 =	vmax.f32 v0, v8;
	vm0 =	vnez.u8 v10  }
0x2bf: {  	v0 =	vsel vm0, v8, v0;
	v8 =	vld [tilespmem:$0x1F8F0];
	_ =	sdelay $0x2  }
0x2c0: {  	vm6 =	vgt.f32 v6, $0.0e+00;
	v6 =	vld [tilespmem:s26+$0x6530]  }
0x2c1: {  	v2 =	vld [tilespmem:s26+$0x12C50];
	v5 =	vmax.f32 v1, v5  }
0x2c2: {  	v4 =	vld [tilespmem:s26+$0x12C70];
	v1 =	vsel vm2, v5, v1;
	v5 =	vmax.f32 v0, v27;
	vm0 =	vnez.u8 v8  }
0x2c3: {  	v0 =	vsel vm0, v5, v0;
	v5 =	vld [tilespmem:$0x1F900]  }
0x2c4: {  	v3 =	vld [tilespmem:s26+$0x6440]  }
0x2c5: {  	[tilespmem:$0x1F8A0] =	vst v35;
	v7 =	vld [tilespmem:s26+$0x65B0]  }
0x2c6: {  	v9 =	vld [tilespmem:$0x1F8A0]  }
0x2c7: {  	v11 =	vld [tilespmem:$0x1F890]  }
0x2c8: {  	vm0 =	vnez.u8 v5;
	v5 =	vld [tilespmem:$0x1F910]  }
0x2c9: {  	v24 =	vld [tilespmem:s26+$0x65A0]  }
0x2ca: {  	vm14 =	vgt.f32 v2, $0.0e+00;
	v2 =	vld [tilespmem:s26+$0x64C0]  }
0x2cb: {  	[tilespmem:$0x1F8B0] =	vst v34;
	vm1 =	vgt.f32 v4, $0.0e+00;
	v4 =	vld [tilespmem:s26+$0x6540];
	v6 =	vmax.f32 v1, v6  }
0x2cc: {  	vm4 =	vnez.u8 v9;
	v9 =	vld [tilespmem:$0x1F8B0];
	v1 =	vsel vm0, v6, v1  }
0x2cd: {  	v3 =	vmax.f32 v11, v3;
	vm0 =	vnez.u8 v5;
	v5 =	vmax.f32 v1, v7;
	v7 =	vld [tilespmem:$0x1F920]  }
0x2ce: {  	v3 =	vsel vm3, v3, v11  }
0x2cf: {  	v2 =	vmax.f32 v3, v2  }
0x2d0: {  	v2 =	vsel vm7, v2, v3  }
0x2d1: {  	vm5 =	vnez.u8 v9;
	v4 =	vmax.f32 v2, v4  }
0x2d2: {  	v9 =	vld [tilespmem:$0x1F8C0];
	v2 =	vsel vm0, v4, v2;
	v4 =	vmax.f32 v0, v24;
	vm0 =	vnez.u8 v7  }
0x2d3: {  	v0 =	vsel vm0, v4, v0;
	v4 =	vld [tilespmem:$0x1F930];
	_ =	sdelay $0x1  }
0x2d4: {  	v3 =	vld [tilespmem:$0x1F8E0];
	_ =	sdelay $0x1  }
0x2d5: {  	vm3 =	vnez.u8 v9;
	v9 =	vld [tilespmem:s26+$0x65C0]  }
0x2d6: {  	vm0 =	vnez.u8 v4;
	v4 =	vld [tilespmem:$0x1F940];
	_ =	sdelay $0x1  }
0x2d7: {  	vm7 =	vnez.u8 v3;
	v3 =	vld [tilespmem:s26+$0x6640];
	_ =	sdelay $0x2  }
0x2d8: {  	v6 =	vmax.f32 v2, v9;
	v1 =	vsel vm0, v5, v1;
	vm0 =	vnez.u8 v4  }
0x2d9: {  	v4 =	vld [tilespmem:$0x1F950];
	v2 =	vsel vm0, v6, v2  }
0x2da: {  	v6 =	vmax.f32 v2, v3;
	v3 =	vld [tilespmem:$0x1F960];
	_ =	sdelay $0x4  }
0x2db: {  	v4 =	vmax.f32 v0, v4;
	vm2 =	vnez.u8 v3  }
0x2dc: {  	v3 =	vsel vm2, v4, v0;
	v0 =	vld [tilespmem:$0x1F970];
	_ =	sdelay $0x3  }
0x2dd: {  	v11 =	vld [tilespmem:s26+$0x6630]  }
0x2de: {  	vm2 =	vnez.u8 v0;
	v0 =	vld [tilespmem:$0x1F980];
	_ =	sdelay $0x3  }
0x2df: {  	v22 =	vld [tilespmem:s26+$0x67B0];
	v5 =	vmax.f32 v1, v11  }
0x2e0: {  	v7 =	vsel vm2, v5, v1;
	vm2 =	vnez.u8 v0;
	v0 =	vld [tilespmem:$0x1F990]  }
0x2e1: {  	v21 =	vld [tilespmem:s26+$0x67D0]  }
0x2e2: {  	v23 =	vld [tilespmem:s26+$0x6720]  }
0x2e3: {  	v12 =	vld [tilespmem:s26+$0x6750]  }
0x2e4: {  	[tilespmem:$0x1FA30] =	vst v20;
	v20 =	vld [tilespmem:s26+$0x12D70]  }
0x2e5: {  	v27 =	vmax.f32 v3, v0;
	v0 =	vld [tilespmem:$0x1F9A0]  }
0x2e6: {  	v18 =	vld [tilespmem:s26+$0x12CF0]  }
0x2e7: {  	v14 =	vmov v22;
	v22 =	vld [tilespmem:s26+$0x6450]  }
0x2e8: {  	v37 =	vmov v21;
	v21 =	vld [tilespmem:s26+$0x6650]  }
0x2e9: {  	v39 =	vmov v12;
	v12 =	vld [tilespmem:s26+$0x66D0]  }
0x2ea: {  	p1 =	sne.s32 s28, $0x18000;
	v28 =	vmax.f32 v7, v0;
	v0 =	vld [tilespmem:$0x1F9B0]  }
.Ltmp1:
0x2eb: {  	vm13 =	vgt.f32 v18, $0.0e+00;
	v18 =	vmov v23;
	v23 =	vld [tilespmem:s26+$0x65D0];
	(pc) =	sbr.rel @p1 .LBB2_5-.Ltmp1, $4  }
0x2ec: {  	v25 =	vld [tilespmem:s26+$0x6460]  }
0x2ed: {  	v13 =	vld [tilespmem:$0x1F810]  }
0x2ee: {  	[tilespmem:$0x1FBE0] =	vst v38;
	v10 =	vld [tilespmem:s26+$0x64D0];
	v26 =	vsel vm2, v6, v2  }
0x2ef: {  	s28 =	sadd.s32 $0x1000, s28;
	vm9 =	vgt.f32 v20, $0.0e+00;
	v58 =	vmovc v16;
	v61 =	vmov v17;
	[tilespmem:$0x1FBF0] =	vst v15;
	v24 =	vld [tilespmem:s26+$0x6550];
	v29 =	vmax.f32 v26, v0  }
0x2f0: {  	v0 =	vld [tilespmem:$0x1FAC0];
	_ =	sdelay $0x1  }
0x2f1: {  	v8 =	vld [tilespmem:$0x1FA40];
	_ =	sdelay $0x1  }
0x2f2: {  	v1 =	vld [tilespmem:$0x1FB00]  }
0x2f3: {  	v6 =	vld [tilespmem:$0x1F9D0];
	vm2 =	vnez.u8 v0  }
0x2f4: {  	v38 =	vld [tilespmem:$0x1F9E0];
	v0 =	vsel vm2, v27, v3  }
0x2f5: {  	v19 =	vmovc v40;
	v2 =	vsel vm10, v29, v26;
	v40 =	vld [tilespmem:$0x1FA50];
	vm10 =	vnez.u8 v8;
	v5 =	vmax.f32 v0, v18  }
0x2f6: {  	v11 =	vmov v41;
	v41 =	vld [tilespmem:$0x1FA60];
	v0 =	vsel vm10, v5, v0  }
0x2f7: {  	v44 =	vmax.f32 v0, v13;
	v13 =	vld [tilespmem:$0x1F9F0]  }
0x2f8: {  	vm2 =	vnez.u8 v1  }
0x2f9: {  	v1 =	vsel vm2, v28, v7  }
0x2fa: {  	v6 =	vmax.f32 v1, v6;
	vm10 =	vnez.u8 v40  }
0x2fb: {  	v4 =	vld [tilespmem:s26+$0x64E0];
	v7 =	vmax.f32 v2, v38;
	v1 =	vsel vm10, v6, v1;
	vm10 =	vnez.u8 v41  }
0x2fc: {  	v42 =	vld [tilespmem:s26+$0x64F0];
	v2 =	vsel vm10, v7, v2;
	vm10 =	vnez.u8 v13  }
0x2fd: {  	v18 =	vsel vm10, v44, v0;
	v0 =	vld [tilespmem:$0x1FA00]  }
0x2fe: {  	v43 =	vld [tilespmem:s26+$0x6560]  }
0x2ff: {  	v9 =	vld [tilespmem:$0x1F9C0]  }
0x300: {  	v45 =	vld [tilespmem:s26+$0x65E0]  }
0x301: {  	v46 =	vld [tilespmem:s26+$0x6670]  }
0x302: {  	vm10 =	vnez.u8 v0;
	v0 =	vld [tilespmem:$0x1FA10]  }
0x303: {  	v49 =	vld [tilespmem:$0x1FC30]  }
0x304: {  	v3 =	vld [tilespmem:s26+$0x6470]  }
0x305: {  	v50 =	vld [tilespmem:$0x1FC40]  }
0x306: {  	v51 =	vld [tilespmem:s26+$0x6770];
	v8 =	vmax.f32 v1, v14  }
0x307: {  	v54 =	vld [tilespmem:$0x1FC00];
	v9 =	vmax.f32 v2, v9;
	v16 =	vsel vm10, v8, v1;
	vm10 =	vnez.u8 v0  }
0x308: {  	v1 =	vmax.f32 v57, v22;
	v0 =	vld [tilespmem:s26+$0x6570];
	v15 =	vsel vm10, v9, v2;
	v2 =	vmax.f32 v58, v25  }
0x309: {  	v3 =	vmax.f32 v61, v3;
	v13 =	vld [tilespmem:$0x1FC20];
	v1 =	vsel vm14, v1, v57;
	v2 =	vsel vm6, v2, v58  }
0x30a: {  	v3 =	vsel vm1, v3, v61;
	v8 =	vld [tilespmem:s26+$0x65F0];
	v9 =	vmax.f32 v1, v10;
	v4 =	vmax.f32 v2, v4  }
0x30b: {  	v5 =	vmax.f32 v3, v42;
	v10 =	vld [tilespmem:s26+$0x6660];
	v1 =	vsel vm11, v9, v1;
	v2 =	vsel vm12, v4, v2  }
0x30c: {  	v3 =	vsel vm13, v5, v3;
	v9 =	vld [tilespmem:s26+$0x66E0];
	v47 =	vmax.f32 v1, v24;
	v6 =	vmax.f32 v2, v43  }
0x30d: {  	v58 =	vld [tilespmem:$0x1FBC0];
	v1 =	vsel vm15, v47, v1;
	v0 =	vmax.f32 v3, v0;
	v2 =	vsel vm8, v6, v2  }
0x30e: {  	v55 =	vld [tilespmem:$0x1FC10];
	vm15 =	vnez.u8 v49;
	v0 =	vsel vm9, v0, v3;
	v6 =	vmax.f32 v2, v45  }
0x30f: {  	v48 =	vmax.f32 v0, v8;
	v8 =	vld [tilespmem:s26+$0x6760];
	v2 =	vsel vm15, v6, v2  }
0x310: {  	vm0 =	vnez.u8 v13;
	v13 =	vld [tilespmem:$0x1FBF0];
	vm9 =	vnez.u8 v54;
	v53 =	vmax.f32 v2, v10  }
0x311: {  	v10 =	vld [tilespmem:s26+$0x67E0];
	v2 =	vsel vm9, v53, v2  }
0x312: {  	v59 =	vld [tilespmem:$0x1FBE0];
	vm11 =	vnez.u8 v58;
	v7 =	vmax.f32 v2, v9  }
0x313: {  	vm10 =	vnez.u8 v55;
	v5 =	vmax.f32 v1, v23;
	v3 =	vld [tilespmem:s26+$0x66F0];
	v2 =	vsel vm11, v7, v2  }
0x314: {  	v56 =	vld [tilespmem:s26+$0x67F0];
	vm6 =	vnez.u8 v50;
	v1 =	vsel vm0, v5, v1;
	v60 =	vmax.f32 v2, v8  }
0x315: {  	v61 =	vld [tilespmem:$0x1FA70];
	vm8 =	vnez.u8 v13;
	v0 =	vsel vm6, v48, v0;
	v2 =	vsel vm5, v60, v2  }
0x316: {  	v63 =	vld [tilespmem:$0x1FA20];
	v52 =	vmax.f32 v1, v21;
	v4 =	vmax.f32 v0, v46;
	v62 =	vmax.f32 v2, v10  }
0x317: {  	v1 =	vsel vm8, v52, v1;
	v0 =	vsel vm10, v4, v0;
	v26 =	vsel vm7, v62, v2;
	v2 =	vld [tilespmem:$0x1FA30]  }
0x318: {  	vm12 =	vnez.u8 v59;
	v57 =	vmax.f32 v1, v12;
	v3 =	vmax.f32 v0, v3  }
.Ltmp2:
0x319: {  	v1 =	vsel vm3, v57, v1;
	v0 =	vsel vm12, v3, v0;
	(pc) =	sbr.rel @!p0 .LBB2_8-.Ltmp2, $4  }
0x31a: {  	vm13 =	vnez.u8 v61;
	v3 =	vmax.f32 v1, v39;
	v5 =	vmax.f32 v0, v51  }
0x31b: {  	vm14 =	vnez.u8 v63;
	v1 =	vsel vm13, v3, v1;
	v0 =	vsel vm4, v5, v0  }
0x31c: {  	v3 =	vmax.f32 v1, v37;
	v4 =	vmax.f32 v0, v56;
	vm15 =	vnez.u8 v2  }
0x31d: {  	v1 =	vsel vm14, v3, v1;
	v20 =	vsel vm15, v4, v0  }
.Ltmp3:
0x31e: {  	(pc) =	sbr.rel .LBB2_2-.Ltmp3, $3  }
0x31f: {  	_ =	sdelay $0x1  }
0x320: {  	[tilespmem:s17], [sflag:$0x2] =	stream.strided.gather [hbm4b:s10+s14], $0x6400, s15, s14, $0x38;
	[tilespmem:$0x19080] =	vst v63  }
0x321: {  	v7 =	vmovc v1;
	v3 =	vmovc v26;
	v23 =	vmov v20;
	s26 =	simm.s32 $0xC8000;
	p0 =	por $0x0, $0x0;
	s28 =	smov.u32 s11;
	v1 =	vmov v11;
	v5 =	vmov v19  }
.LBB2_8:
0x322: {  	_ =	swait.ge [sflag:s19], $0x6400  }
0x323: {  	[sflag:s19] =	ssyncset.done $0x0  }
0x324: {  	[sflag:s19] =	ssyncadd.s32 $0xFFFF9C00  }
0x325: {  	_ =	swait.ge [sflag:s20], $0x6400  }
0x326: {  	[sflag:s20] =	ssyncset.done $0x0  }
0x327: {  	s26 =	simm.s32 $0x0;
	[sflag:s20] =	ssyncadd.s32 $0xFFFF9C00  }
0x328: {  	v34 =	vld [tilespmem:s26+$0x380]  }
0x329: {  	v4 =	vld [tilespmem:s26+$0xCB80]  }
0x32a: {  	v21 =	vld [tilespmem:s26+$0x390]  }
0x32b: {  	v3 =	vld [tilespmem:s26+$0xCB90]  }
0x32c: {  	v17 =	vld [tilespmem:s26+$0xCBA0]  }
0x32d: {  	v22 =	vmov v16;
	v16 =	vld [tilespmem:s26+$0xCBB0]  }
0x32e: {  	v0 =	vld [tilespmem:s26+$0x3C0]  }
0x32f: {  	v7 =	vmov v15;
	v15 =	vld [tilespmem:s26+$0xCBC0]  }
0x330: {  	v56 =	vld [tilespmem:s26+$0x3D0]  }
0x331: {  	v32 =	vld [tilespmem:s26+$0xCBE0]  }
0x332: {  	v33 =	vld [tilespmem:s26+$0xCBF0]  }
0x333: {  	v40 =	vld [tilespmem:s26+$0x300]  }
0x334: {  	v41 =	vld [tilespmem:s26+$0xCB00]  }
0x335: {  	v42 =	vld [tilespmem:s26+$0x310]  }
0x336: {  	v43 =	vld [tilespmem:s26+$0xCB10]  }
0x337: {  	v44 =	vld [tilespmem:s26+$0xCB20]  }
0x338: {  	v45 =	vld [tilespmem:s26+$0xCB30]  }
0x339: {  	v57 =	vld [tilespmem:s26+$0x340]  }
0x33a: {  	v46 =	vld [tilespmem:s26+$0xCB40]  }
0x33b: {  	v58 =	vld [tilespmem:s26+$0x350]  }
0x33c: {  	v47 =	vld [tilespmem:s26+$0xCB50]  }
0x33d: {  	v48 =	vld [tilespmem:s26+$0xCB60]  }
0x33e: {  	v50 =	vld [tilespmem:s26+$0x280]  }
0x33f: {  	v51 =	vld [tilespmem:s26+$0xCA80]  }
0x340: {  	v52 =	vld [tilespmem:s26+$0x290]  }
0x341: {  	v53 =	vld [tilespmem:s26+$0xCA90]  }
0x342: {  	v59 =	vld [tilespmem:s26+$0x2A0]  }
0x343: {  	v54 =	vld [tilespmem:s26+$0xCAA0]  }
0x344: {  	v60 =	vld [tilespmem:s26+$0x2B0]  }
0x345: {  	v55 =	vld [tilespmem:s26+$0xCAB0]  }
0x346: {  	v61 =	vld [tilespmem:s26+$0x2C0]  }
0x347: {  	v62 =	vld [tilespmem:s26+$0xCAD0]  }
0x348: {  	v63 =	vld [tilespmem:s26+$0xCAE0]  }
0x349: {  	v35 =	vld [tilespmem:s26+$0xCAF0]  }
0x34a: {  	v23 =	vld [tilespmem:s26+$0x220]  }
0x34b: {  	v30 =	vld [tilespmem:s26+$0xCA20]  }
0x34c: {  	v29 =	vld [tilespmem:s26+$0xCA30]  }
0x34d: {  	v28 =	vld [tilespmem:s26+$0xCA40]  }
0x34e: {  	v36 =	vld [tilespmem:s26+$0xCA50]  }
0x34f: {  	v37 =	vld [tilespmem:s26+$0xCA60]  }
0x350: {  	v38 =	vld [tilespmem:s26+$0xCA70]  }
0x351: {  	v13 =	vld [tilespmem:s26+$0x100]  }
0x352: {  	v6 =	vld [tilespmem:s26+$0xC900]  }
0x353: {  	v14 =	vld [tilespmem:s26+$0x110]  }
0x354: {  	[tilespmem:$0x1F610] =	vst v1;
	v5 =	vld [tilespmem:s26+$0x80]  }
0x355: {  	v2 =	vld [tilespmem:s26+$0xC880];
	[tilespmem:$0x1F5D0] =	vst v0  }
0x356: {  	v1 =	vld [tilespmem:s26+$0x0];
	[tilespmem:$0x1F5E0] =	vst v56  }
0x357: {  	[tilespmem:$0x1F5F0] =	vst v57;
	v56 =	vld [tilespmem:s26+$0x200]  }
0x358: {  	[tilespmem:$0x1F600] =	vst v58;
	v57 =	vld [tilespmem:s26+$0xCA00]  }
0x359: {  	[tilespmem:$0x1F6D0] =	vst v59;
	v58 =	vld [tilespmem:s26+$0x210]  }
0x35a: {  	[tilespmem:$0x1F6E0] =	vst v60;
	v59 =	vld [tilespmem:s26+$0xCA10]  }
0x35b: {  	[tilespmem:$0x1F6F0] =	vst v61;
	v60 =	vld [tilespmem:s26+$0x180];
	vm0 =	vgt.f32 v3, $0.0e+00;
	vm2 =	vgt.f32 v17, $0.0e+00;
	v3 =	vimm.s32 $0x0  }
0x35c: {  	[tilespmem:$0x1F6C0] =	vst v62;
	v61 =	vld [tilespmem:s26+$0xC980];
	v3 =	vsel vm2, $0xFFFFFFFF, v3  }
0x35d: {  	v62 =	vld [tilespmem:s26+$0x190];
	vm1 =	vgt.f32 v4, $0.0e+00;
	vm2 =	vgt.f32 v16, $0.0e+00;
	[tilespmem:$0x1F620] =	vst v3;
	v3 =	vimm.s32 $0x0  }
0x35e: {  	[tilespmem:$0x1F700] =	vst v63;
	v63 =	vld [tilespmem:s26+$0xC990];
	vm3 =	vgt.f32 v41, $0.0e+00;
	v41 =	vimm.s32 $0x0;
	v3 =	vsel vm2, $0xFFFFFFFF, v3  }
0x35f: {  	v0 =	vld [tilespmem:s26+$0xC800];
	vm7 =	vgt.f32 v33, $0.0e+00;
	vm2 =	vgt.f32 v15, $0.0e+00;
	[tilespmem:$0x1F630] =	vst v3;
	v3 =	vimm.s32 $0x0  }
0x360: {  	[tilespmem:$0x1F740] =	vst v36;
	vm4 =	vgt.f32 v44, $0.0e+00;
	v15 =	vld [tilespmem:s26+$0x10];
	v3 =	vsel vm2, $0xFFFFFFFF, v3;
	vm2 =	vgt.f32 v32, $0.0e+00  }
0x361: {  	v17 =	vld [tilespmem:s26+$0xC810];
	v33 =	vimm.s32 $0x0;
	v32 =	vimm.s32 $0x0;
	[tilespmem:$0x1F640] =	vst v3;
	v3 =	vsel vm2, $0xFFFFFFFF, v41  }
0x362: {  	v36 =	vld [tilespmem:s26+$0x1A0];
	v4 =	vimm.s32 $0x0;
	[tilespmem:$0x1F650] =	vst v3;
	v3 =	vsel vm4, $0xFFFFFFFF, v32;
	vm4 =	vgt.f32 v45, $0.0e+00  }
0x363: {  	vm5 =	vgt.f32 v47, $0.0e+00;
	v41 =	vld [tilespmem:s26+$0xC890];
	[tilespmem:$0x1F660] =	vst v3;
	v3 =	vsel vm4, $0xFFFFFFFF, v33;
	vm4 =	vgt.f32 v46, $0.0e+00  }
0x364: {  	[tilespmem:$0x1F780] =	vst v38;
	v16 =	vld [tilespmem:s26+$0x90];
	vm2 =	vgt.f32 v43, $0.0e+00;
	v43 =	vmax.f32 v19, v1;
	v4 =	vsel vm4, $0xFFFFFFFF, v4  }
0x365: {  	v38 =	vld [tilespmem:s26+$0xC9A0];
	v15 =	vmax.f32 v11, v15;
	vm4 =	vgt.f32 v0, $0.0e+00;
	[tilespmem:$0x1F680] =	vst v4;
	v4 =	vimm.s32 $0x0  }
0x366: {  	v44 =	vld [tilespmem:s26+$0xC910];
	v0 =	vsel vm4, v43, v19;
	v4 =	vsel vm5, $0xFFFFFFFF, v4;
	vm5 =	vgt.f32 v17, $0.0e+00  }
0x367: {  	v47 =	vld [tilespmem:s26+$0xC840];
	vm4 =	vgt.f32 v2, $0.0e+00;
	v5 =	vmax.f32 v0, v5;
	v15 =	vsel vm5, v15, v11  }
0x368: {  	v45 =	vld [tilespmem:s26+$0xA0];
	vm5 =	vgt.f32 v6, $0.0e+00;
	v0 =	vsel vm4, v5, v0;
	vm4 =	vgt.f32 v41, $0.0e+00  }
0x369: {  	[tilespmem:$0x1F670] =	vst v3;
	v3 =	vld [tilespmem:s26+$0xC940];
	v11 =	vimm.s32 $0x0;
	v5 =	vmax.f32 v15, v16;
	v6 =	vmax.f32 v0, v13  }
0x36a: {  	v2 =	vld [tilespmem:s26+$0xC920];
	v5 =	vsel vm4, v5, v15;
	vm4 =	vgt.f32 v61, $0.0e+00;
	v0 =	vsel vm5, v6, v0  }
0x36b: {  	v17 =	vld [tilespmem:s26+$0x120];
	vm5 =	vgt.f32 v44, $0.0e+00;
	v6 =	vmax.f32 v5, v14;
	v13 =	vmax.f32 v0, v60  }
0x36c: {  	[tilespmem:$0x1F690] =	vst v4;
	v4 =	vld [tilespmem:s26+$0xC930];
	v5 =	vsel vm5, v6, v5;
	vm5 =	vgt.f32 v57, $0.0e+00;
	v0 =	vsel vm4, v13, v0  }
0x36d: {  	v13 =	vld [tilespmem:s26+$0xC8A0];
	vm4 =	vgt.f32 v63, $0.0e+00;
	v14 =	vmax.f32 v5, v62;
	v15 =	vmax.f32 v0, v56  }
0x36e: {  	v6 =	vld [tilespmem:s26+$0x20];
	v5 =	vsel vm4, v14, v5;
	vm4 =	vgt.f32 v51, $0.0e+00;
	v0 =	vsel vm5, v15, v0  }
0x36f: {  	vm5 =	vgt.f32 v59, $0.0e+00;
	v15 =	vld [tilespmem:s26+$0x30];
	v16 =	vmax.f32 v5, v58;
	v46 =	vmax.f32 v0, v50  }
0x370: {  	v14 =	vld [tilespmem:s26+$0xC820];
	v5 =	vsel vm5, v16, v5;
	vm5 =	vgt.f32 v48, $0.0e+00;
	v0 =	vsel vm4, v46, v0  }
0x371: {  	v50 =	vld [tilespmem:s26+$0x40];
	vm4 =	vgt.f32 v53, $0.0e+00;
	v48 =	vmax.f32 v5, v52;
	v40 =	vmax.f32 v0, v40  }
0x372: {  	v16 =	vld [tilespmem:s26+$0xC830];
	v5 =	vsel vm4, v48, v5;
	v0 =	vsel vm3, v40, v0;
	vm3 =	vgt.f32 v54, $0.0e+00  }
0x373: {  	v56 =	vld [tilespmem:s26+$0x140];
	v54 =	vmax.f32 v18, v6;
	v11 =	vsel vm3, $0xFFFFFFFF, v11;
	v52 =	vmax.f32 v5, v42  }
0x374: {  	v51 =	vld [tilespmem:s26+$0xC8B0];
	v34 =	vmax.f32 v0, v34;
	v15 =	vmax.f32 v22, v15;
	v41 =	vsel vm2, v52, v5  }
0x375: {  	v53 =	vld [tilespmem:s26+$0xB0];
	vm2 =	vgt.f32 v55, $0.0e+00;
	v5 =	vimm.s32 $0x0;
	v42 =	vsel vm1, v34, v0  }
0x376: {  	vm1 =	vgt.f32 v14, $0.0e+00;
	v14 =	vld [tilespmem:s26+$0xC8C0];
	v55 =	vmax.f32 v7, v50;
	v21 =	vmax.f32 v41, v21  }
0x377: {  	v6 =	vsel vm0, v21, v41;
	vm0 =	vgt.f32 v16, $0.0e+00;
	v16 =	vsel vm1, v54, v18;
	v18 =	vld [tilespmem:s26+$0xC0]  }
0x378: {  	v5 =	vsel vm2, $0xFFFFFFFF, v5;
	vm1 =	vgt.f32 v47, $0.0e+00;
	v21 =	vld [tilespmem:s26+$0x130];
	v15 =	vsel vm0, v15, v22  }
0x379: {  	[tilespmem:$0x1F6B0] =	vst v5;
	v5 =	vld [tilespmem:$0x1F6C0];
	vm0 =	vgt.f32 v13, $0.0e+00;
	v13 =	vsel vm1, v55, v7;
	v1 =	vmax.f32 v16, v45  }
0x37a: {  	[tilespmem:$0x1F760] =	vst v37;
	v37 =	vld [tilespmem:s26+$0xC9B0];
	vm1 =	vgt.f32 v51, $0.0e+00;
	v0 =	vmax.f32 v15, v53;
	v1 =	vsel vm0, v1, v16  }
0x37b: {  	v58 =	vld [tilespmem:s26+$0x1B0];
	vm0 =	vgt.f32 v2, $0.0e+00;
	v0 =	vsel vm1, v0, v15;
	v15 =	vmax.f32 v1, v17  }
0x37c: {  	[tilespmem:$0x1F720] =	vst v35;
	v35 =	vld [tilespmem:s26+$0xC9C0];
	vm1 =	vgt.f32 v14, $0.0e+00;
	v1 =	vsel vm0, v15, v1;
	v14 =	vmax.f32 v13, v18  }
0x37d: {  	vm0 =	vgt.f32 v3, $0.0e+00;
	v16 =	vmax.f32 v0, v21;
	v13 =	vsel vm1, v14, v13;
	v14 =	vld [tilespmem:s26+$0x1C0]  }
0x37e: {  	v15 =	vld [tilespmem:s26+$0x230];
	vm3 =	vgt.f32 v5, $0.0e+00;
	vm1 =	vgt.f32 v4, $0.0e+00;
	v17 =	vmax.f32 v13, v56  }
0x37f: {  	v0 =	vsel vm1, v16, v0;
	vm1 =	vgt.f32 v38, $0.0e+00;
	v16 =	vld [tilespmem:s26+$0x240];
	v13 =	vsel vm0, v17, v13  }
0x380: {  	v5 =	vld [tilespmem:$0x1F6D0];
	vm0 =	vgt.f32 v37, $0.0e+00;
	v17 =	vmax.f32 v1, v36;
	v2 =	vmax.f32 v0, v58  }
0x381: {  	v1 =	vsel vm1, v17, v1;
	vm1 =	vgt.f32 v30, $0.0e+00;
	v0 =	vsel vm0, v2, v0  }
0x382: {  	vm0 =	vgt.f32 v35, $0.0e+00;
	v17 =	vmax.f32 v1, v23;
	v14 =	vmax.f32 v13, v14  }
0x383: {  	v18 =	vsel vm0, v14, v13;
	v13 =	vsel vm1, v17, v1  }
0x384: {  	vm1 =	vgt.f32 v28, $0.0e+00;
	v14 =	vmax.f32 v0, v15;
	v15 =	vmax.f32 v18, v16  }
0x385: {  	vm0 =	vgt.f32 v29, $0.0e+00;
	v29 =	vsel vm1, v15, v18;
	v18 =	vmax.f32 v13, v5;
	v5 =	vld [tilespmem:$0x1F6E0];
	_ =	sdelay $0x3  }
0x386: {  	v14 =	vsel vm0, v14, v0  }
0x387: {  	v30 =	vmax.f32 v14, v5;
	v5 =	vld [tilespmem:$0x1F6F0];
	_ =	sdelay $0x4  }
0x388: {  	v15 =	vmax.f32 v29, v5;
	v5 =	vld [tilespmem:$0x1F700];
	_ =	sdelay $0x4  }
0x389: {  	vm0 =	vgt.f32 v5, $0.0e+00;
	v5 =	vimm.s32 $0x0  }
0x38a: {  	v5 =	vsel vm0, $0xFFFFFFFF, v5  }
0x38b: {  	[tilespmem:$0x1F710] =	vst v5;
	v5 =	vld [tilespmem:$0x1F720];
	_ =	sdelay $0x4  }
0x38c: {  	vm0 =	vgt.f32 v5, $0.0e+00;
	v5 =	vimm.s32 $0x0  }
0x38d: {  	v8 =	vld [tilespmem:s26+$0x3A0];
	v5 =	vsel vm0, $0xFFFFFFFF, v5  }
0x38e: {  	[tilespmem:$0x1F730] =	vst v5;
	v5 =	vld [tilespmem:$0x1F740]  }
0x38f: {  	v9 =	vld [tilespmem:s26+$0x3B0]  }
0x390: {  	v31 =	vld [tilespmem:s26+$0xCBD0]  }
0x391: {  	v10 =	vld [tilespmem:s26+$0x320]  }
0x392: {  	v12 =	vld [tilespmem:s26+$0x330]  }
0x393: {  	v49 =	vld [tilespmem:s26+$0xCB70];
	vm0 =	vgt.f32 v5, $0.0e+00;
	v5 =	vimm.s32 $0x0  }
0x394: {  	v39 =	vld [tilespmem:s26+$0xCAC0];
	v5 =	vsel vm0, $0xFFFFFFFF, v5  }
0x395: {  	[tilespmem:$0x1F750] =	vst v5;
	v5 =	vld [tilespmem:$0x1F760]  }
0x396: {  	v24 =	vld [tilespmem:s26+$0xC9D0]  }
0x397: {  	v25 =	vld [tilespmem:s26+$0xC9E0]  }
0x398: {  	v27 =	vld [tilespmem:s26+$0xC9F0]  }
0x399: {  	vm15 =	vgt.f32 v31, $0.0e+00;
	v31 =	vld [tilespmem:s26+$0xC950]  }
0x39a: {  	v61 =	vld [tilespmem:s26+$0xC8E0];
	vm0 =	vgt.f32 v5, $0.0e+00;
	v5 =	vimm.s32 $0x0  }
0x39b: {  	v60 =	vld [tilespmem:s26+$0xC8D0];
	v5 =	vsel vm0, $0xFFFFFFFF, v5  }
0x39c: {  	[tilespmem:$0x1F770] =	vst v5;
	v5 =	vld [tilespmem:$0x1F780]  }
0x39d: {  	v57 =	vld [tilespmem:s26+$0xC960]  }
0x39e: {  	v63 =	vld [tilespmem:s26+$0xC870]  }
0x39f: {  	v62 =	vld [tilespmem:s26+$0xC850]  }
0x3a0: {  	v59 =	vld [tilespmem:s26+$0xC970]  }
0x3a1: {  	v22 =	vld [tilespmem:s26+$0x50];
	vm0 =	vgt.f32 v5, $0.0e+00;
	v5 =	vimm.s32 $0x0  }
0x3a2: {  	v21 =	vld [tilespmem:s26+$0x1D0];
	v5 =	vsel vm0, $0xFFFFFFFF, v5  }
0x3a3: {  	v4 =	vld [tilespmem:s26+$0xC8F0];
	vm0 =	vgt.f32 v24, $0.0e+00;
	[tilespmem:$0x1F790] =	vst v5;
	v5 =	vimm.s32 $0x0  }
0x3a4: {  	vm10 =	vgt.f32 v39, $0.0e+00;
	vm8 =	vgt.f32 v31, $0.0e+00;
	v28 =	vld [tilespmem:s26+$0xC860];
	v5 =	vsel vm0, $0xFFFFFFFF, v5  }
0x3a5: {  	vm12 =	vgt.f32 v61, $0.0e+00;
	v23 =	vld [tilespmem:s26+$0x150];
	vm0 =	vgt.f32 v25, $0.0e+00;
	[tilespmem:$0x1F7A0] =	vst v5;
	v5 =	vimm.s32 $0x0  }
0x3a6: {  	vm11 =	vgt.f32 v60, $0.0e+00;
	vm14 =	vgt.f32 v57, $0.0e+00;
	v17 =	vld [tilespmem:s26+$0x2D0];
	v5 =	vsel vm0, $0xFFFFFFFF, v5  }
0x3a7: {  	vm4 =	vgt.f32 v49, $0.0e+00;
	v16 =	vld [tilespmem:s26+$0x250];
	vm0 =	vgt.f32 v27, $0.0e+00;
	[tilespmem:$0x1F7B0] =	vst v5;
	v5 =	vimm.s32 $0x0  }
0x3a8: {  	vm6 =	vgt.f32 v62, $0.0e+00;
	vm9 =	vgt.f32 v59, $0.0e+00;
	[tilespmem:$0x1F6A0] =	vst v11;
	v24 =	vld [tilespmem:s26+$0xD0];
	v5 =	vsel vm0, $0xFFFFFFFF, v5  }
0x3a9: {  	s28 =	simm.s32 $0x1000;
	vm13 =	vgt.f32 v4, $0.0e+00;
	vm1 =	vgt.f32 v63, $0.0e+00;
	v25 =	vld [tilespmem:s26+$0x60];
	vm0 =	vgt.f32 v28, $0.0e+00;
	[tilespmem:$0x1F7C0] =	vst v5  }
.LBB2_9:
0x3aa: {  	v0 =	vld [tilespmem:s26+$0x70]  }
0x3ab: {  	v1 =	vld [tilespmem:$0x1F6A0]  }
0x3ac: {  	v2 =	vld [tilespmem:$0x1F6B0]  }
0x3ad: {  	v3 =	vld [tilespmem:$0x1F5F0]  }
0x3ae: {  	v19 =	vld [tilespmem:s26+$0xF0]  }
0x3af: {  	v63 =	vld [tilespmem:$0x1F660]  }
0x3b0: {  	v32 =	vld [tilespmem:$0x1F670]  }
0x3b1: {  	v33 =	vld [tilespmem:$0x1F680]  }
0x3b2: {  	v34 =	vld [tilespmem:$0x1F5D0]  }
0x3b3: {  	v35 =	vld [tilespmem:$0x1F620]  }
0x3b4: {  	v36 =	vld [tilespmem:$0x1F630]  }
0x3b5: {  	v37 =	vld [tilespmem:$0x1F640]  }
0x3b6: {  	v38 =	vld [tilespmem:$0x1F610]  }
0x3b7: {  	v41 =	vld [tilespmem:$0x1F7A0]  }
0x3b8: {  	v43 =	vld [tilespmem:$0x1F7B0]  }
0x3b9: {  	v44 =	vld [tilespmem:$0x1F7C0]  }
0x3ba: {  	v45 =	vld [tilespmem:$0x1F750]  }
0x3bb: {  	v46 =	vld [tilespmem:$0x1F770]  }
0x3bc: {  	v47 =	vld [tilespmem:$0x1F790];
	vm2 =	vnez.u8 v1  }
0x3bd: {  	v49 =	vld [tilespmem:$0x1F710];
	v1 =	vsel vm2, v18, v13;
	vm2 =	vnez.u8 v2;
	v13 =	vsel vm10, v15, v29  }
0x3be: {  	v50 =	vld [tilespmem:$0x1F730];
	v2 =	vsel vm2, v30, v14;
	v10 =	vmax.f32 v1, v10;
	vm2 =	vnez.u8 v63  }
0x3bf: {  	v52 =	vld [tilespmem:$0x1F600];
	v11 =	vmax.f32 v2, v12;
	v1 =	vsel vm2, v10, v1;
	vm2 =	vnez.u8 v32  }
0x3c0: {  	v53 =	vld [tilespmem:$0x1F690];
	v12 =	vmax.f32 v13, v3;
	v2 =	vsel vm2, v11, v2;
	vm2 =	vnez.u8 v33  }
0x3c1: {  	v55 =	vld [tilespmem:$0x1F5E0];
	v7 =	vmax.f32 v1, v8;
	v10 =	vsel vm2, v12, v13;
	vm2 =	vnez.u8 v35  }
0x3c2: {  	v18 =	vld [tilespmem:s26+$0xE0];
	v8 =	vmax.f32 v2, v9;
	v1 =	vsel vm2, v7, v1;
	vm2 =	vnez.u8 v36  }
0x3c3: {  	v11 =	vld [tilespmem:s26+$0x160];
	v9 =	vmax.f32 v10, v34;
	[tilespmem:$0x1F460] =	vst v1;
	v1 =	vsel vm2, v8, v2;
	vm2 =	vnez.u8 v37  }
0x3c4: {  	v39 =	vmax.f32 v38, v22;
	v0 =	vmax.f32 v20, v0;
	v12 =	vld [tilespmem:s26+$0x170];
	[tilespmem:$0x1F470] =	vst v1;
	v1 =	vsel vm2, v9, v10  }
0x3c5: {  	v56 =	vld [tilespmem:$0x1F650];
	v40 =	vmax.f32 v26, v25;
	v0 =	vsel vm1, v0, v20;
	[tilespmem:$0x1F480] =	vst v1;
	v1 =	vsel vm6, v39, v38  }
0x3c6: {  	v7 =	vld [tilespmem:s26+$0x1E0];
	v2 =	vsel vm0, v40, v26;
	vm0 =	vnez.u8 v41;
	v9 =	vmax.f32 v1, v24  }
0x3c7: {  	v8 =	vld [tilespmem:s26+$0x1F0];
	v10 =	vmax.f32 v2, v18;
	v18 =	vmax.f32 v0, v19;
	v1 =	vsel vm11, v9, v1  }
0x3c8: {  	v19 =	vld [tilespmem:s26+$0x260];
	v2 =	vsel vm12, v10, v2;
	v0 =	vsel vm13, v18, v0;
	v10 =	vmax.f32 v1, v23  }
0x3c9: {  	v18 =	vld [tilespmem:s26+$0x2E0];
	v11 =	vmax.f32 v2, v11;
	v12 =	vmax.f32 v0, v12;
	v1 =	vsel vm8, v10, v1  }
0x3ca: {  	v9 =	vld [tilespmem:s26+$0x270];
	v2 =	vsel vm14, v11, v2;
	v0 =	vsel vm9, v12, v0;
	v11 =	vmax.f32 v1, v21  }
0x3cb: {  	v12 =	vld [tilespmem:s26+$0x360];
	v7 =	vmax.f32 v2, v7;
	v1 =	vsel vm0, v11, v1;
	vm0 =	vnez.u8 v43  }
0x3cc: {  	v8 =	vmax.f32 v0, v8;
	v10 =	vld [tilespmem:s26+$0x2F0];
	v2 =	vsel vm0, v7, v2;
	vm0 =	vnez.u8 v44  }
0x3cd: {  	v7 =	vld [tilespmem:s26+$0x370];
	v0 =	vsel vm0, v8, v0  }
0x3ce: {  	v8 =	vmax.f32 v1, v16;
	v11 =	vmax.f32 v2, v19;
	v19 =	vld [tilespmem:s26+$0x3E0];
	vm0 =	vnez.u8 v45  }
0x3cf: {  	v1 =	vsel vm0, v8, v1;
	v8 =	vld [tilespmem:s26+$0x3F0];
	s26 =	sshra.s32 s28, $0x2  }
0x3d0: {  	v48 =	vld [tilespmem:s26+$0x380]  }
0x3d1: {  	v30 =	vld [tilespmem:s26+$0xCB80]  }
0x3d2: {  	v51 =	vld [tilespmem:s26+$0x390]  }
0x3d3: {  	v33 =	vld [tilespmem:s26+$0xCB90]  }
0x3d4: {  	v54 =	vld [tilespmem:s26+$0x3A0]  }
0x3d5: {  	v34 =	vld [tilespmem:s26+$0xCBA0]  }
0x3d6: {  	v57 =	vld [tilespmem:s26+$0x3B0]  }
0x3d7: {  	v35 =	vld [tilespmem:s26+$0xCBB0]  }
0x3d8: {  	v58 =	vld [tilespmem:s26+$0x3C0]  }
0x3d9: {  	v36 =	vld [tilespmem:s26+$0xCBC0]  }
0x3da: {  	v59 =	vld [tilespmem:s26+$0x3D0]  }
0x3db: {  	v21 =	vld [tilespmem:s26+$0x300]  }
0x3dc: {  	v37 =	vld [tilespmem:s26+$0xCB00]  }
0x3dd: {  	v23 =	vld [tilespmem:s26+$0x310]  }
0x3de: {  	v38 =	vld [tilespmem:s26+$0xCB10]  }
0x3df: {  	v60 =	vld [tilespmem:s26+$0x320]  }
0x3e0: {  	v39 =	vld [tilespmem:s26+$0xCB20]  }
0x3e1: {  	v16 =	vld [tilespmem:s26+$0x330]  }
0x3e2: {  	v40 =	vld [tilespmem:s26+$0xCB30]  }
0x3e3: {  	v61 =	vld [tilespmem:s26+$0x340]  }
0x3e4: {  	v41 =	vld [tilespmem:s26+$0xCB40]  }
0x3e5: {  	vm0 =	vnez.u8 v46;
	v62 =	vld [tilespmem:s26+$0x350]  }
0x3e6: {  	v9 =	vmax.f32 v0, v9;
	v2 =	vsel vm0, v11, v2;
	vm0 =	vnez.u8 v47;
	v43 =	vld [tilespmem:s26+$0xCB60]  }
0x3e7: {  	v44 =	vld [tilespmem:s26+$0xCB70];
	v0 =	vsel vm0, v9, v0;
	v9 =	vmax.f32 v1, v17  }
0x3e8: {  	v25 =	vld [tilespmem:s26+$0x280];
	v11 =	vmax.f32 v2, v18;
	vm0 =	vnez.u8 v49;
	v10 =	vmax.f32 v0, v10  }
0x3e9: {  	v45 =	vld [tilespmem:s26+$0xCA80];
	v1 =	vsel vm3, v9, v1;
	v2 =	vsel vm0, v11, v2;
	vm0 =	vnez.u8 v50  }
0x3ea: {  	v15 =	vld [tilespmem:s26+$0x290];
	v0 =	vsel vm0, v10, v0;
	v4 =	vmax.f32 v1, v52  }
0x3eb: {  	v46 =	vld [tilespmem:s26+$0xCA90];
	v9 =	vmax.f32 v2, v12;
	vm0 =	vnez.u8 v53;
	v7 =	vmax.f32 v0, v7  }
0x3ec: {  	v47 =	vld [tilespmem:s26+$0xCAA0];
	v1 =	vsel vm0, v4, v1;
	v2 =	vsel vm5, v9, v2;
	vm0 =	vnez.u8 v56  }
0x3ed: {  	v63 =	vld [tilespmem:s26+$0x2B0];
	v0 =	vsel vm4, v7, v0;
	v3 =	vmax.f32 v1, v55;
	v4 =	vmax.f32 v2, v19  }
0x3ee: {  	v32 =	vld [tilespmem:s26+$0x2C0];
	v14 =	vsel vm0, v4, v2;
	vm0 =	vgt.f32 v30, $0.0e+00;
	v30 =	vimm.s32 $0x0  }
0x3ef: {  	v28 =	vld [tilespmem:s26+$0x200];
	v8 =	vmax.f32 v0, v8;
	v1 =	vsel vm15, v3, v1;
	v30 =	vsel vm0, $0xFFFFFFFF, v30  }
0x3f0: {  	v17 =	vsel vm7, v8, v0;
	v0 =	vld [tilespmem:s26+$0xCBD0];
	vm0 =	vgt.f32 v33, $0.0e+00;
	[tilespmem:$0x1F430] =	vst v30;
	v30 =	vimm.s32 $0x0  }
0x3f1: {  	v29 =	vld [tilespmem:s26+$0x210];
	[tilespmem:$0x1F610] =	vst v1;
	v30 =	vsel vm0, $0xFFFFFFFF, v30  }
0x3f2: {  	v1 =	vld [tilespmem:s26+$0xCBE0];
	vm0 =	vgt.f32 v34, $0.0e+00;
	[tilespmem:$0x1F450] =	vst v30;
	v30 =	vimm.s32 $0x0  }
0x3f3: {  	v2 =	vld [tilespmem:s26+$0xCBF0];
	v33 =	vimm.s32 $0x0;
	v30 =	vsel vm0, $0xFFFFFFFF, v30;
	vm0 =	vgt.f32 v35, $0.0e+00  }
0x3f4: {  	v22 =	vld [tilespmem:s26+$0x220];
	v33 =	vsel vm0, $0xFFFFFFFF, v33;
	vm0 =	vgt.f32 v36, $0.0e+00;
	v36 =	vimm.s32 $0x0  }
0x3f5: {  	v31 =	vld [tilespmem:s26+$0x180];
	[tilespmem:$0x1F630] =	vst v33;
	v33 =	vsel vm0, $0xFFFFFFFF, v36;
	vm0 =	vgt.f32 v0, $0.0e+00;
	v36 =	vimm.s32 $0x0  }
0x3f6: {  	v24 =	vld [tilespmem:s26+$0x1A0];
	v0 =	vsel vm0, $0xFFFFFFFF, v36;
	vm0 =	vgt.f32 v37, $0.0e+00;
	v37 =	vimm.s32 $0x0  }
0x3f7: {  	v10 =	vld [tilespmem:s26+$0xCB50];
	[tilespmem:$0x1F640] =	vst v33;
	v36 =	vimm.s32 $0x0;
	v33 =	vsel vm0, $0xFFFFFFFF, v37;
	vm0 =	vgt.f32 v1, $0.0e+00  }
0x3f8: {  	v13 =	vld [tilespmem:s26+$0x100];
	v37 =	vimm.s32 $0x0;
	v1 =	vsel vm0, $0xFFFFFFFF, v36;
	vm0 =	vgt.f32 v2, $0.0e+00  }
0x3f9: {  	v20 =	vld [tilespmem:s26+$0x110];
	[tilespmem:$0x1F650] =	vst v1;
	v1 =	vsel vm0, $0xFFFFFFFF, v37;
	vm0 =	vgt.f32 v39, $0.0e+00;
	v39 =	vimm.s32 $0x0  }
0x3fa: {  	v27 =	vld [tilespmem:s26+$0x120];
	v2 =	vsel vm0, $0xFFFFFFFF, v39;
	vm0 =	vgt.f32 v40, $0.0e+00;
	v40 =	vimm.s32 $0x0  }
0x3fb: {  	v5 =	vld [tilespmem:s26+$0xC930];
	[tilespmem:$0x1F660] =	vst v2;
	v2 =	vsel vm0, $0xFFFFFFFF, v40;
	vm0 =	vgt.f32 v41, $0.0e+00;
	v41 =	vimm.s32 $0x0  }
0x3fc: {  	v26 =	vld [tilespmem:s26+$0xC940];
	[tilespmem:$0x1F400] =	vst v33;
	v33 =	vsel vm0, $0xFFFFFFFF, v41;
	vm0 =	vgt.f32 v10, $0.0e+00;
	v10 =	vimm.s32 $0x0  }
0x3fd: {  	v18 =	vld [tilespmem:s26+$0x2A0];
	[tilespmem:$0x1F410] =	vst v48;
	v10 =	vsel vm0, $0xFFFFFFFF, v10  }
0x3fe: {  	v49 =	vld [tilespmem:s26+$0xCAC0];
	vm0 =	vgt.f32 v43, $0.0e+00;
	[tilespmem:$0x1F690] =	vst v10;
	v10 =	vimm.s32 $0x0  }
0x3ff: {  	[tilespmem:$0x1F420] =	vst v51;
	v48 =	vld [tilespmem:s26+$0xCAB0];
	v10 =	vsel vm0, $0xFFFFFFFF, v10  }
0x400: {  	v50 =	vld [tilespmem:s26+$0xCAD0];
	vm2 =	vgt.f32 v44, $0.0e+00;
	[tilespmem:$0x1F4A0] =	vst v10;
	v10 =	vimm.s32 $0x0  }
0x401: {  	v11 =	vld [tilespmem:s26+$0xC910];
	[tilespmem:$0x1F4F0] =	vst v54;
	v10 =	vsel vm2, $0xFFFFFFFF, v10  }
0x402: {  	v52 =	vld [tilespmem:s26+$0xCAF0];
	vm2 =	vgt.f32 v47, $0.0e+00;
	[tilespmem:$0x1F490] =	vst v10;
	v10 =	vimm.s32 $0x0  }
0x403: {  	v53 =	vld [tilespmem:s26+$0xCA00];
	[tilespmem:$0x1F530] =	vst v57;
	v10 =	vsel vm2, $0xFFFFFFFF, v10  }
0x404: {  	v12 =	vld [tilespmem:s26+$0xC920];
	vm2 =	vgt.f32 v48, $0.0e+00;
	[tilespmem:$0x1F6A0] =	vst v10;
	v10 =	vimm.s32 $0x0  }
0x405: {  	[tilespmem:$0x1F5D0] =	vst v58;
	v51 =	vld [tilespmem:s26+$0xCAE0];
	v10 =	vsel vm2, $0xFFFFFFFF, v10  }
0x406: {  	v56 =	vld [tilespmem:s26+$0xCA30];
	vm2 =	vgt.f32 v49, $0.0e+00;
	[tilespmem:$0x1F6B0] =	vst v10;
	v10 =	vimm.s32 $0x0  }
0x407: {  	v9 =	vld [tilespmem:s26+$0xC9F0];
	[tilespmem:$0x1F5E0] =	vst v59;
	v10 =	vsel vm2, $0xFFFFFFFF, v10  }
0x408: {  	v54 =	vld [tilespmem:s26+$0xCA10];
	vm2 =	vgt.f32 v50, $0.0e+00;
	[tilespmem:$0x1F440] =	vst v10;
	v10 =	vimm.s32 $0x0  }
0x409: {  	[tilespmem:$0x1F540] =	vst v60;
	v55 =	vld [tilespmem:s26+$0xCA20];
	v10 =	vsel vm2, $0xFFFFFFFF, v10  }
0x40a: {  	v57 =	vld [tilespmem:s26+$0xCA40];
	vm2 =	vgt.f32 v51, $0.0e+00;
	[tilespmem:$0x1F4B0] =	vst v10;
	v10 =	vimm.s32 $0x0  }
0x40b: {  	[tilespmem:$0x1F5F0] =	vst v61;
	v58 =	vld [tilespmem:s26+$0xCA50];
	v10 =	vsel vm2, $0xFFFFFFFF, v10  }
0x40c: {  	v59 =	vld [tilespmem:s26+$0xCA60];
	vm2 =	vgt.f32 v52, $0.0e+00;
	[tilespmem:$0x1F710] =	vst v10;
	v10 =	vimm.s32 $0x0  }
0x40d: {  	[tilespmem:$0x1F600] =	vst v62;
	v60 =	vld [tilespmem:s26+$0xCA70];
	v10 =	vsel vm2, $0xFFFFFFFF, v10  }
0x40e: {  	v61 =	vld [tilespmem:s26+$0xC980];
	vm2 =	vgt.f32 v55, $0.0e+00;
	[tilespmem:$0x1F730] =	vst v10;
	v10 =	vimm.s32 $0x0  }
0x40f: {  	[tilespmem:$0x1F5C0] =	vst v32;
	v32 =	vld [tilespmem:s26+$0x190];
	v10 =	vsel vm2, $0xFFFFFFFF, v10  }
0x410: {  	v62 =	vld [tilespmem:s26+$0xC990];
	vm2 =	vgt.f32 v56, $0.0e+00;
	[tilespmem:$0x1F580] =	vst v10;
	v10 =	vimm.s32 $0x0  }
0x411: {  	[tilespmem:$0x1F5B0] =	vst v63;
	v63 =	vld [tilespmem:s26+$0xC9A0];
	v10 =	vsel vm2, $0xFFFFFFFF, v10  }
0x412: {  	v7 =	vld [tilespmem:s26+$0xC9D0];
	vm2 =	vgt.f32 v57, $0.0e+00;
	[tilespmem:$0x1F590] =	vst v10;
	v10 =	vimm.s32 $0x0  }
0x413: {  	v19 =	vld [tilespmem:s26+$0xC900];
	v10 =	vsel vm2, $0xFFFFFFFF, v10  }
0x414: {  	v3 =	vld [tilespmem:s26+$0xC9B0];
	vm2 =	vgt.f32 v58, $0.0e+00;
	[tilespmem:$0x1F5A0] =	vst v10;
	v10 =	vimm.s32 $0x0  }
0x415: {  	v4 =	vld [tilespmem:s26+$0xC9C0];
	v10 =	vsel vm2, $0xFFFFFFFF, v10  }
0x416: {  	v8 =	vld [tilespmem:s26+$0xC9E0];
	vm2 =	vgt.f32 v59, $0.0e+00;
	[tilespmem:$0x1F750] =	vst v10;
	v10 =	vimm.s32 $0x0  }
0x417: {  	vm3 =	vgt.f32 v61, $0.0e+00;
	v61 =	vld [tilespmem:s26+$0xC810];
	[tilespmem:$0x1F620] =	vst v30;
	v10 =	vsel vm2, $0xFFFFFFFF, v10  }
0x418: {  	vm7 =	vgt.f32 v19, $0.0e+00;
	v19 =	vld [tilespmem:s26+$0x20];
	vm2 =	vgt.f32 v60, $0.0e+00;
	[tilespmem:$0x1F770] =	vst v10;
	v10 =	vimm.s32 $0x0  }
0x419: {  	vm5 =	vgt.f32 v54, $0.0e+00;
	v30 =	vld [tilespmem:s26+$0xC950];
	[tilespmem:$0x1F4D0] =	vst v0;
	v10 =	vsel vm2, $0xFFFFFFFF, v10  }
0x41a: {  	vm12 =	vgt.f32 v62, $0.0e+00;
	v0 =	vld [tilespmem:s26+$0xC960];
	vm2 =	vgt.f32 v63, $0.0e+00;
	[tilespmem:$0x1F790] =	vst v10;
	v10 =	vimm.s32 $0x0  }
0x41b: {  	v62 =	vimm.s32 $0x0;
	v54 =	vld [tilespmem:$0x1F4D0];
	v10 =	vsel vm2, $0xFFFFFFFF, v10;
	vm2 =	vgt.f32 v3, $0.0e+00  }
0x41c: {  	[tilespmem:$0x1F4E0] =	vst v1;
	v1 =	vld [tilespmem:s26+$0xC970];
	v3 =	vsel vm2, $0xFFFFFFFF, v62;
	vm2 =	vgt.f32 v4, $0.0e+00;
	v4 =	vimm.s32 $0x0  }
0x41d: {  	[tilespmem:$0x1F670] =	vst v2;
	v2 =	vld [tilespmem:s26+$0x80];
	v4 =	vsel vm2, $0xFFFFFFFF, v4  }
0x41e: {  	v43 =	vld [tilespmem:s26+$0xC880];
	vm2 =	vgt.f32 v7, $0.0e+00;
	[tilespmem:$0x1F570] =	vst v4;
	v4 =	vimm.s32 $0x0  }
0x41f: {  	vm0 =	vgt.f32 v46, $0.0e+00;
	v46 =	vld [tilespmem:s26+$0x90];
	v4 =	vsel vm2, $0xFFFFFFFF, v4  }
0x420: {  	v52 =	vld [tilespmem:s26+$0x0];
	vm2 =	vgt.f32 v8, $0.0e+00;
	[tilespmem:$0x1F7A0] =	vst v4;
	v4 =	vimm.s32 $0x0  }
0x421: {  	v55 =	vld [tilespmem:s26+$0xC800];
	v7 =	vimm.s32 $0x0;
	v4 =	vsel vm2, $0xFFFFFFFF, v4;
	vm2 =	vgt.f32 v9, $0.0e+00  }
0x422: {  	v58 =	vld [tilespmem:s26+$0x10];
	v8 =	vimm.s32 $0x0;
	v7 =	vsel vm2, $0xFFFFFFFF, v7;
	vm2 =	vgt.f32 v12, $0.0e+00  }
0x423: {  	v47 =	vld [tilespmem:s26+$0xC820];
	v8 =	vsel vm2, $0xFFFFFFFF, v8;
	vm2 =	vgt.f32 v5, $0.0e+00;
	v5 =	vimm.s32 $0x0  }
0x424: {  	vm14 =	vgt.f32 v45, $0.0e+00;
	vm11 =	vgt.f32 v11, $0.0e+00;
	[tilespmem:$0x1F7B0] =	vst v4;
	v4 =	vld [tilespmem:s26+$0xC8A0];
	v5 =	vsel vm2, $0xFFFFFFFF, v5  }
0x425: {  	vm6 =	vgt.f32 v61, $0.0e+00;
	v49 =	vld [tilespmem:s26+$0xC890];
	vm2 =	vgt.f32 v26, $0.0e+00;
	[tilespmem:$0x1F510] =	vst v5;
	v5 =	vimm.s32 $0x0  }
0x426: {  	v48 =	vld [tilespmem:s26+$0xC870];
	v45 =	vmax.f32 v42, v52;
	v5 =	vsel vm2, $0xFFFFFFFF, v5;
	vm2 =	vgt.f32 v55, $0.0e+00  }
0x427: {  	vm8 =	vgt.f32 v0, $0.0e+00;
	v50 =	vld [tilespmem:$0x1F440];
	[tilespmem:$0x1F500] =	vst v8;
	v8 =	vmax.f32 v6, v58;
	v0 =	vsel vm2, v45, v42  }
0x428: {  	v6 =	vsel vm6, v8, v6;
	[tilespmem:$0x1F520] =	vst v5;
	v5 =	vld [tilespmem:s26+$0xC8C0];
	vm2 =	vgt.f32 v43, $0.0e+00;
	v2 =	vmax.f32 v0, v2  }
0x429: {  	v51 =	vld [tilespmem:$0x1F450];
	v0 =	vsel vm2, v2, v0;
	vm2 =	vgt.f32 v4, $0.0e+00;
	v4 =	vimm.s32 $0x0  }
0x42a: {  	v9 =	vld [tilespmem:s26+$0xC8D0];
	vm6 =	vgt.f32 v49, $0.0e+00;
	v11 =	vmax.f32 v6, v46;
	v4 =	vsel vm2, $0xFFFFFFFF, v4  }
0x42b: {  	v8 =	vld [tilespmem:s26+$0xC8E0];
	v46 =	vsel vm6, v11, v6;
	[tilespmem:$0x1F4C0] =	vst v4;
	v4 =	vmax.f32 v0, v13  }
0x42c: {  	v61 =	vld [tilespmem:$0x1F5A0];
	v6 =	vmax.f32 v46, v20;
	v0 =	vsel vm7, v4, v0  }
0x42d: {  	[tilespmem:$0x1F550] =	vst v10;
	v10 =	vld [tilespmem:s26+$0x30];
	v2 =	vsel vm11, v6, v46;
	vm7 =	vgt.f32 v5, $0.0e+00;
	v5 =	vmax.f32 v0, v31  }
0x42e: {  	vm4 =	vgt.f32 v53, $0.0e+00;
	v11 =	vld [tilespmem:$0x1F400];
	v6 =	vmax.f32 v2, v32;
	v0 =	vsel vm3, v5, v0  }
0x42f: {  	[tilespmem:$0x1F7C0] =	vst v7;
	v7 =	vld [tilespmem:s26+$0xC8B0];
	vm15 =	vgt.f32 v9, $0.0e+00;
	v2 =	vsel vm12, v6, v2;
	v6 =	vmax.f32 v0, v28  }
0x430: {  	v9 =	vld [tilespmem:s26+$0xC860];
	vm12 =	vgt.f32 v8, $0.0e+00;
	v8 =	vmax.f32 v2, v29;
	v0 =	vsel vm4, v6, v0  }
0x431: {  	v13 =	vld [tilespmem:$0x1F470];
	v2 =	vsel vm5, v8, v2;
	v6 =	vmax.f32 v0, v25  }
0x432: {  	v4 =	vld [tilespmem:s26+$0xC830];
	v8 =	vmax.f32 v2, v15;
	v0 =	vsel vm14, v6, v0  }
0x433: {  	v2 =	vsel vm0, v8, v2;
	vm0 =	vnez.u8 v11;
	v11 =	vld [tilespmem:$0x1F430];
	v6 =	vmax.f32 v0, v21  }
0x434: {  	v0 =	vsel vm0, v6, v0;
	v6 =	vld [tilespmem:$0x1F410]  }
0x435: {  	vm0 =	vgt.f32 v9, $0.0e+00;
	v9 =	vld [tilespmem:$0x1F420]  }
0x436: {  	v60 =	vld [tilespmem:$0x1F590]  }
0x437: {  	vm2 =	vgt.f32 v7, $0.0e+00;
	v7 =	vld [tilespmem:s26+$0xC840]  }
0x438: {  	vm1 =	vgt.f32 v38, $0.0e+00;
	vm11 =	vnez.u8 v51;
	v5 =	vld [tilespmem:s26+$0xC850];
	v8 =	vmax.f32 v2, v23  }
0x439: {  	v53 =	vmax.f32 v13, v10;
	v10 =	vld [tilespmem:$0x1F480];
	vm5 =	vgt.f32 v4, $0.0e+00;
	v2 =	vsel vm1, v8, v2  }
0x43a: {  	v4 =	vld [tilespmem:s26+$0x40];
	vm14 =	vnez.u8 v11;
	v6 =	vmax.f32 v0, v6;
	v9 =	vmax.f32 v2, v9  }
0x43b: {  	v42 =	vsel vm14, v6, v0;
	v6 =	vsel vm11, v9, v2;
	v2 =	vsel vm5, v53, v13;
	v13 =	vld [tilespmem:$0x1F4C0]  }
0x43c: {  	v11 =	vld [tilespmem:$0x1F460]  }
0x43d: {  	v63 =	vld [tilespmem:s26+$0xA0]  }
0x43e: {  	vm6 =	vgt.f32 v5, $0.0e+00;
	v5 =	vld [tilespmem:s26+$0xC0]  }
0x43f: {  	vm3 =	vgt.f32 v7, $0.0e+00;
	v7 =	vld [tilespmem:s26+$0xB0]  }
0x440: {  	vm11 =	vmmov vm15;
	vm15 =	vnez.u8 v13;
	v13 =	vld [tilespmem:$0x1F500]  }
0x441: {  	v62 =	vld [tilespmem:$0x1F5B0];
	vm4 =	vgt.f32 v47, $0.0e+00;
	v4 =	vmax.f32 v10, v4;
	v52 =	vmax.f32 v11, v19  }
0x442: {  	[tilespmem:$0x1F560] =	vst v3;
	v12 =	vld [tilespmem:s26+$0xC8F0];
	v4 =	vsel vm3, v4, v10;
	v0 =	vsel vm4, v52, v11  }
0x443: {  	v57 =	vld [tilespmem:$0x1F560];
	v5 =	vmax.f32 v4, v5;
	v3 =	vmax.f32 v0, v63  }
0x444: {  	v58 =	vld [tilespmem:$0x1F570];
	v55 =	vsel vm7, v5, v4;
	v7 =	vmax.f32 v2, v7;
	v0 =	vsel vm15, v3, v0  }
0x445: {  	v49 =	vld [tilespmem:s26+$0x140];
	v2 =	vsel vm2, v7, v2;
	v5 =	vmax.f32 v0, v27;
	vm2 =	vnez.u8 v13  }
0x446: {  	v0 =	vsel vm2, v5, v0;
	v5 =	vld [tilespmem:$0x1F510]  }
0x447: {  	vm13 =	vgt.f32 v12, $0.0e+00;
	v12 =	vmov v16;
	v16 =	vld [tilespmem:s26+$0x250]  }
0x448: {  	v8 =	vld [tilespmem:s26+$0x130]  }
0x449: {  	v10 =	vld [tilespmem:$0x1F4B0]  }
0x44a: {  	v11 =	vld [tilespmem:$0x1F490]  }
0x44b: {  	vm2 =	vnez.u8 v5;
	v5 =	vld [tilespmem:$0x1F520]  }
0x44c: {  	v13 =	vld [tilespmem:$0x1F550]  }
0x44d: {  	v9 =	vld [tilespmem:s26+$0x1B0]  }
0x44e: {  	vm3 =	vnez.u8 v10;
	v10 =	vld [tilespmem:s26+$0x1C0]  }
0x44f: {  	vm9 =	vgt.f32 v1, $0.0e+00;
	v20 =	vmovc v17;
	v17 =	vld [tilespmem:s26+$0x2D0];
	v1 =	vmax.f32 v55, v49;
	v7 =	vmax.f32 v2, v8  }
0x450: {  	vm4 =	vnez.u8 v11;
	v11 =	vld [tilespmem:$0x1F4A0];
	v2 =	vsel vm2, v7, v2;
	vm2 =	vnez.u8 v5  }
0x451: {  	v4 =	vld [tilespmem:$0x1F4E0];
	v56 =	vmax.f32 v0, v24;
	v1 =	vsel vm2, v1, v55;
	vm2 =	vnez.u8 v13  }
0x452: {  	v23 =	vld [tilespmem:s26+$0x150];
	v5 =	vmax.f32 v2, v9;
	v0 =	vsel vm2, v56, v0;
	vm2 =	vnez.u8 v57  }
0x453: {  	v25 =	vld [tilespmem:s26+$0x60];
	v7 =	vmax.f32 v1, v10;
	v2 =	vsel vm2, v5, v2;
	vm2 =	vnez.u8 v58  }
0x454: {  	v1 =	vsel vm2, v7, v1;
	v7 =	vld [tilespmem:$0x1F580]  }
0x455: {  	vm5 =	vnez.u8 v11;
	v11 =	vld [tilespmem:s26+$0x230]  }
0x456: {  	vm7 =	vnez.u8 v4;
	v4 =	vld [tilespmem:s26+$0x240]  }
0x457: {  	v21 =	vld [tilespmem:s26+$0x1D0]  }
0x458: {  	p0 =	sne.s32 s28, $0x18000;
	vm10 =	vgt.f32 v30, $0.0e+00;
	vm1 =	vgt.f32 v48, $0.0e+00;
	vm14 =	vmmov vm8;
	v63 =	vld [tilespmem:$0x1F5C0]  }
.Ltmp4:
0x459: {  	vm8 =	vmmov vm10;
	v8 =	vld [tilespmem:$0x1F4F0];
	v59 =	vmax.f32 v0, v22;
	vm2 =	vnez.u8 v7;
	(pc) =	sbr.rel @p0 .LBB2_9-.Ltmp4, $4  }
0x45a: {  	v24 =	vld [tilespmem:s26+$0xD0];
	v5 =	vmax.f32 v2, v11;
	v13 =	vsel vm2, v59, v0;
	vm2 =	vnez.u8 v60  }
0x45b: {  	v26 =	vmovc v14;
	v9 =	vld [tilespmem:$0x1F530];
	v4 =	vmax.f32 v1, v4;
	v14 =	vsel vm2, v5, v2;
	vm2 =	vnez.u8 v61  }
0x45c: {  	vm10 =	vnez.u8 v50;
	vm15 =	vnez.u8 v54;
	v10 =	vld [tilespmem:$0x1F540];
	v29 =	vsel vm2, v4, v1  }
0x45d: {  	s28 =	sadd.s32 $0x1000, s28;
	[tilespmem:$0x1F680] =	vst v33;
	v22 =	vld [tilespmem:s26+$0x50];
	v18 =	vmax.f32 v13, v18;
	v30 =	vmax.f32 v14, v62;
	v15 =	vmax.f32 v29, v63  }
0x45e: {  	v0 =	vld [tilespmem:$0x1F6A0]  }
0x45f: {  	v1 =	vld [tilespmem:$0x1F6B0]  }
0x460: {  	v2 =	vld [tilespmem:s26+$0x70]  }
0x461: {  	v5 =	vld [tilespmem:$0x1F660]  }
0x462: {  	v50 =	vld [tilespmem:s26+$0xE0]  }
0x463: {  	v7 =	vld [tilespmem:$0x1F670]  }
0x464: {  	v52 =	vld [tilespmem:$0x1F5F0]  }
0x465: {  	v53 =	vld [tilespmem:s26+$0xF0]  }
0x466: {  	v54 =	vld [tilespmem:$0x1F680]  }
0x467: {  	v55 =	vld [tilespmem:$0x1F620]  }
0x468: {  	v56 =	vld [tilespmem:s26+$0x160]  }
0x469: {  	v58 =	vld [tilespmem:$0x1F630]  }
0x46a: {  	v11 =	vld [tilespmem:$0x1F610]  }
0x46b: {  	v59 =	vld [tilespmem:$0x1F5D0]  }
0x46c: {  	v60 =	vld [tilespmem:s26+$0x170]  }
0x46d: {  	v35 =	vld [tilespmem:$0x1F7B0]  }
0x46e: {  	v4 =	vsel vm10, v15, v29;
	v62 =	vld [tilespmem:$0x1F640];
	vm2 =	vnez.u8 v0  }
0x46f: {  	v19 =	vld [tilespmem:s26+$0x1E0];
	vm10 =	vnez.u8 v5;
	v5 =	vmax.f32 v4, v52;
	v61 =	vmax.f32 v11, v22  }
0x470: {  	v29 =	vld [tilespmem:s26+$0x2E0];
	v2 =	vmax.f32 v20, v2;
	v0 =	vsel vm2, v18, v13;
	vm2 =	vnez.u8 v1  }
0x471: {  	v31 =	vld [tilespmem:s26+$0x2F0];
	v63 =	vsel vm6, v61, v11;
	v18 =	vmax.f32 v26, v25;
	v2 =	vsel vm1, v2, v20  }
0x472: {  	v32 =	vld [tilespmem:$0x1F7A0];
	vm6 =	vnez.u8 v35;
	v1 =	vsel vm2, v30, v14;
	v3 =	vmax.f32 v0, v10  }
0x473: {  	v34 =	vld [tilespmem:s26+$0x360];
	v10 =	vsel vm0, v18, v26;
	v24 =	vmax.f32 v63, v24;
	v0 =	vsel vm10, v3, v0  }
0x474: {  	v39 =	vld [tilespmem:$0x1F7C0];
	v51 =	vmax.f32 v1, v12;
	vm10 =	vnez.u8 v7;
	v3 =	vmax.f32 v10, v50  }
0x475: {  	v40 =	vld [tilespmem:$0x1F750];
	v7 =	vmax.f32 v2, v53;
	v1 =	vsel vm10, v51, v1;
	v8 =	vmax.f32 v0, v8  }
0x476: {  	v44 =	vld [tilespmem:$0x1F770];
	vm10 =	vnez.u8 v54;
	v3 =	vsel vm12, v3, v10;
	v2 =	vsel vm13, v7, v2  }
0x477: {  	v22 =	vld [tilespmem:s26+$0x1F0];
	v4 =	vsel vm10, v5, v4;
	vm10 =	vnez.u8 v55;
	v57 =	vmax.f32 v1, v9  }
0x478: {  	v48 =	vld [tilespmem:$0x1F790];
	v5 =	vmax.f32 v3, v56;
	v30 =	vmax.f32 v2, v60;
	v0 =	vsel vm10, v8, v0  }
0x479: {  	v26 =	vld [tilespmem:s26+$0x270];
	vm10 =	vnez.u8 v58;
	v8 =	vmax.f32 v4, v59;
	v3 =	vsel vm14, v5, v3  }
0x47a: {  	v50 =	vld [tilespmem:$0x1F710];
	v2 =	vsel vm9, v30, v2;
	vm14 =	vnez.u8 v32;
	vm9 =	vnez.u8 v40  }
0x47b: {  	v53 =	vld [tilespmem:$0x1F730];
	v1 =	vsel vm10, v57, v1;
	vm10 =	vnez.u8 v62;
	v33 =	vmax.f32 v3, v19  }
0x47c: {  	v25 =	vld [tilespmem:s26+$0x260];
	v36 =	vmax.f32 v2, v22;
	v4 =	vsel vm10, v8, v4;
	v8 =	vsel vm11, v24, v63  }
0x47d: {  	v37 =	vld [tilespmem:s26+$0x370];
	v3 =	vsel vm6, v33, v3;
	vm10 =	vnez.u8 v44;
	v27 =	vmax.f32 v8, v23  }
0x47e: {  	v43 =	vld [tilespmem:s26+$0x3E0];
	vm11 =	vnez.u8 v48;
	v28 =	vsel vm8, v27, v8;
	vm8 =	vnez.u8 v39  }
0x47f: {  	v52 =	vld [tilespmem:$0x1F600];
	vm12 =	vnez.u8 v50;
	v14 =	vmax.f32 v28, v21;
	v2 =	vsel vm8, v36, v2  }
0x480: {  	v54 =	vld [tilespmem:$0x1F690];
	vm13 =	vnez.u8 v53;
	v5 =	vsel vm14, v14, v28;
	v45 =	vmax.f32 v2, v26  }
0x481: {  	v46 =	vld [tilespmem:s26+$0x3F0];
	v41 =	vmax.f32 v3, v25;
	v38 =	vmax.f32 v5, v16;
	v2 =	vsel vm11, v45, v2  }
0x482: {  	v58 =	vld [tilespmem:$0x1F5E0];
	v3 =	vsel vm10, v41, v3;
	v5 =	vsel vm9, v38, v5;
	v51 =	vmax.f32 v2, v31  }
0x483: {  	[tilespmem:$0x19000] =	vst v42;
	v62 =	vld [tilespmem:$0x1F650];
	v49 =	vmax.f32 v3, v29;
	v47 =	vmax.f32 v5, v17;
	v2 =	vsel vm13, v51, v2  }
0x484: {  	[tilespmem:$0x19010] =	vst v6;
	v3 =	vsel vm12, v49, v3;
	v5 =	vsel vm3, v47, v5;
	v57 =	vmax.f32 v2, v37  }
0x485: {  	[tilespmem:$0x19020] =	vst v0;
	vm14 =	vnez.u8 v54;
	v8 =	vmax.f32 v5, v52;
	v59 =	vsel vm4, v57, v2  }
0x486: {  	[tilespmem:$0x19030] =	vst v1;
	v55 =	vmax.f32 v3, v34;
	v5 =	vsel vm14, v8, v5;
	v63 =	vmax.f32 v59, v46  }
0x487: {  	[tilespmem:$0x19040] =	vst v4;
	v56 =	vsel vm5, v55, v3;
	v6 =	vmax.f32 v5, v58;
	v1 =	vsel vm7, v63, v59  }
0x488: {  	s25 =	sadd.s32 $0x1, s25;
	v61 =	vmax.f32 v56, v43;
	v60 =	vsel vm15, v6, v5;
	vm15 =	vnez.u8 v62;
	[tilespmem:$0x19070] =	vst v1  }
0x489: {  	p0 =	sne.s32 s25, s13;
	v0 =	vsel vm15, v61, v56;
	[tilespmem:$0x19050] =	vst v60  }
.Ltmp5:
0x48a: {  	[tilespmem:$0x19060] =	vst v0;
	(pc) =	sbr.rel @p0 .LBB2_1-.Ltmp5, $4  }
0x48b: {  	[hbm4b:s12+s4] =	stream.linear.scatter [tilespmem:s23], [sflag:$0x5], $0x80, $0x38;
	[tilespmem:$0x19080] =	vst v63  }
0x48c: {  	_ =	swait.ge [sflag:s24], $0x80  }
0x48d: {  	[sflag:s24] =	ssyncset.done $0x0  }
0x48e: {  	[sflag:s24] =	ssyncadd.s32 $0xFFFFFF80  }
0x48f: {  	_ =	sfence.sel $0x180000  }
0x490: {  	[bflag:$0x0] =	sbarrier.arrive $0xFFFF  }
0x491: {  	p0 =	sne.s32 s2, $0x0;
	_ =	strace $0x90000047  }
0x492: {  	s0 =	sadd.s32 @!p0 $0x100000, s0;
	[bflag:$0x2] =	sbarrier.arrive $0xFFFF  }
0x493: {  	[sflag:s0] =	ssyncadd.tile.s32 @!p0 $0x1;
	_ =	shalt  }
.Lfunc_end2:
_tile_overlayer_lowered:
.L_overlay_start_2:
0x494: {  	(tag) =	ssettag $0x2  }
0x495: {  	s0 =	rddreg [dreg:$0x0];
	s2 =	stileid.u32  }
0x496: {  	s1 =	rddreg [dreg:$0x1];
	p0 =	sne.s32 s2, $0x0  }
0x497: {  	s3 =	rddreg [dreg:$0x2];
	[bflag:$0x3] =	sbarrier.arrive $0xFFFF;
	s2 =	simm.s32 @!p0 $0x1C05  }
0x498: {  	[timem:s3], [sflag:s2] =	dma.local @!p0 [hbm:s0], s1  }
0x499: {  	s0 =	simm.s32 @!p0 $0x5  }
0x49a: {  	_ =	swait.ge @!p0 [sflag:s0], s1  }
0x49b: {  	s1 =	ssub.s32 @!p0 $0x0, s1;
	[sflag:s0] =	ssyncset.done @!p0 $0x0  }
0x49c: {  	[sflag:s0] =	ssyncadd.s32 @!p0 s1  }
0x49d: {  	[bflag:$0x3] =	sbarrier.arrive $0xFFFF  }
0x49e: {  	_ =	shalt  }

</sc_bundles>
